<compile_context>
chip_gen: v7x
topology: tpu7x:2x2x1
jax: 0.10.2.dev20260603
libtpu: 0.0.44.dev20260713+nightly
codegen_flags: <defaults>
</compile_context>

<pallas_src>
import functools

import jax
import jax.numpy as jnp
from jax import lax
from jax.experimental import pallas as pl
from jax.experimental.pallas import tpu as pltpu
from jax.experimental.pallas import tpu_sc as plsc

DIM = 32
WORDS = DIM // 4
NC, NS, L = 2, 16, 16
NW = NC * NS
BROWS = 8
NBUF = 4
OBUF = 2
PCH = 1250

_SC_PARAMS = pltpu.CompilerParams(
    use_tc_tiling_on_sc=False, needs_layout_passes=False)


def _sc_prep(wq_flat, num_emb):
    rows_per_w = num_emb // NW
    n_chunks = rows_per_w // PCH
    n_iter = PCH // 2
    pch2 = PCH // 2

    mesh = plsc.VectorSubcoreMesh(core_axis_name="c", subcore_axis_name="s")

    scratch = [pltpu.VMEM((PCH * DIM,), jnp.int8) for _ in range(2)]
    scratch += [pltpu.VMEM((PCH, WORDS), jnp.int32) for _ in range(2)]
    scratch += [pltpu.SemaphoreType.DMA for _ in range(4)]

    @functools.partial(
        pl.kernel,
        mesh=mesh,
        compiler_params=_SC_PARAMS,
        out_type=jax.ShapeDtypeStruct((num_emb, WORDS), jnp.int32),
        scratch_types=scratch,
    )
    def k(wq_hbm, out_hbm, ib0, ib1, ob0, ob1, is0, is1, os0, os1):
        ib = (ib0, ib1)
        ob = (ob0, ob1)
        isem = (is0, is1)
        osem = (os0, os1)
        wid = lax.axis_index("s") * NC + lax.axis_index("c")
        byte0 = wid * rows_per_w * DIM
        row0 = wid * rows_per_w

        liota = lax.iota(jnp.int32, L)
        dstat = jnp.right_shift(liota, 3)
        mstat = jnp.bitwise_and(liota, 7)

        def issue_in(c, p):
            pltpu.async_copy(
                wq_hbm.at[pl.ds(byte0 + c * PCH * DIM, PCH * DIM)],
                ib[p], isem[p])

        def wait_in(p):
            pltpu.make_async_copy(
                wq_hbm.at[pl.ds(byte0, PCH * DIM)], ib[p], isem[p]).wait()

        def issue_out(c, p):
            pltpu.async_copy(
                ob[p], out_hbm.at[pl.ds(row0 + c * PCH, PCH)], osem[p])

        def wait_out(p):
            pltpu.make_async_copy(
                ob[p], out_hbm.at[pl.ds(row0, PCH)], osem[p]).wait()

        def convert(p):
            ib_p, ob_p = ib[p], ob[p]

            def step(t, carry):
                v = ib_p[pl.ds(t * 64, 64)]
                w = plsc.bitcast(v, jnp.int32)
                plsc.store_scatter(ob_p, [dstat + t * 2, mstat], w)
                return carry
            lax.fori_loop(0, n_iter, step, 0)

        issue_in(0, 0)
        issue_in(1, 1)

        def body(i, carry):
            for p in range(2):
                c = i * 2 + p
                wait_in(p)

                @pl.when(i > 0)
                def _wo():
                    wait_out(p)

                convert(p)
                issue_out(c, p)

                @pl.when(c + 2 < n_chunks)
                def _pi():
                    issue_in(c + 2, p)

            return carry

        lax.fori_loop(0, n_chunks // 2, body, 0)
        if n_chunks % 2:
            c_last = n_chunks - 1
            wait_in(0)
            wait_out(0)
            convert(0)
            issue_out(c_last, 0)
        wait_out(0)
        wait_out(1)

    return k(wq_flat)


def _sc_lookup(x3d, table, scales, batch, hist):
    nw, n_chunks, cr = x3d.shape
    rows_per_w = batch // NW
    n_outer = n_chunks // NBUF
    n_grp = cr // L

    mesh = plsc.VectorSubcoreMesh(core_axis_name="c", subcore_axis_name="s")

    scratch = [pltpu.VMEM((n_chunks, cr), jnp.int32)]
    scratch += [pltpu.VMEM((cr, WORDS), jnp.int32)
                for _ in range(NBUF)]
    scratch += [pltpu.VMEM((cr,), jnp.float32)
                for _ in range(NBUF)]
    scratch += [pltpu.VMEM((BROWS, hist, DIM), jnp.float32)
                for _ in range(OBUF)]
    scratch += [pltpu.SemaphoreType.DMA for _ in range(2 * NBUF)]
    scratch += [pltpu.SemaphoreType.DMA for _ in range(OBUF)]

    @functools.partial(
        pl.kernel,
        mesh=mesh,
        compiler_params=_SC_PARAMS,
        out_type=jax.ShapeDtypeStruct((batch, hist, DIM), jnp.float32),
        scratch_types=scratch,
    )
    def k(x_hbm, tab_hbm, scl_hbm, out_hbm, idx_v, *bufs):
        rows = bufs[0:NBUF]
        scl = bufs[NBUF:2 * NBUF]
        ob = bufs[2 * NBUF:2 * NBUF + OBUF]
        gsem = bufs[2 * NBUF + OBUF:3 * NBUF + OBUF]
        ssem = bufs[3 * NBUF + OBUF:4 * NBUF + OBUF]
        osem = bufs[4 * NBUF + OBUF:4 * NBUF + 2 * OBUF]

        wid = lax.axis_index("s") * NC + lax.axis_index("c")
        row0 = wid * rows_per_w

        pltpu.sync_copy(x_hbm.at[wid], idx_v)

        def issue_gather(c, b):
            pltpu.async_copy(tab_hbm.at[idx_v.at[c]], rows[b], gsem[b])
            pltpu.async_copy(scl_hbm.at[idx_v.at[c]], scl[b], ssem[b])

        def wait_gather(c, b):
            pltpu.make_async_copy(tab_hbm.at[idx_v.at[c]], rows[b], gsem[b]).wait()
            pltpu.make_async_copy(scl_hbm.at[idx_v.at[c]], scl[b], ssem[b]).wait()

        def issue_out(c, o):
            pltpu.async_copy(
                ob[o], out_hbm.at[pl.ds(row0 + c * BROWS, BROWS)], osem[o])

        def wait_out(o):
            pltpu.make_async_copy(
                ob[o], out_hbm.at[pl.ds(row0, BROWS)], osem[o]).wait()

        riota = lax.iota(jnp.int32, L)
        hist_i = jnp.int32(hist)

        def compute(b, o):
            rows_b, scl_b, ob_o = rows[b], scl[b], ob[o]

            def grp(g, carry):
                rb = g * L
                r = riota + rb
                d = r // hist_i
                m = r - d * hist_i
                s = plsc.load_gather(scl_b, [r])
                for j in range(WORDS):
                    jv = jnp.full((L,), j, jnp.int32)
                    w = plsc.load_gather(rows_b, [r, jv])
                    for kk in range(4):
                        col = 4 * j + kk
                        if kk < 3:
                            v = jnp.right_shift(jnp.left_shift(w, 24 - 8 * kk), 24)
                        else:
                            v = jnp.right_shift(w, 24)
                        f = v.astype(jnp.float32) * s
                        cv = jnp.full((L,), col, jnp.int32)
                        plsc.store_scatter(ob_o, [d, m, cv], f)
                return carry
            lax.fori_loop(0, n_grp, grp, 0)

        for b in range(NBUF):
            issue_gather(b, b)

        def body(i, carry):
            for b in range(NBUF):
                c = i * NBUF + b
                o = b % OBUF
                wait_gather(c, b)

                if b >= OBUF:
                    wait_out(o)
                else:
                    @pl.when(i > 0)
                    def _wo():
                        wait_out(o)

                compute(b, o)
                issue_out(c, o)

                @pl.when(i < n_outer - 1)
                def _pg():
                    issue_gather(c + NBUF, b)

            return carry

        lax.fori_loop(0, n_outer, body, 0)
        for o in range(OBUF):
            wait_out(o)

    return k(x3d, table, scales)


def kernel(x, weight_q, scales):
    batch, hist = x.shape
    num_emb = weight_q.shape[0]
    cr = BROWS * hist
    x3d = x.reshape(NW, -1, cr)
    table = _sc_prep(weight_q.reshape(-1), num_emb)
    return _sc_lookup(x3d, table, scales, batch, hist)

# --- scband reference (transcript-rebuilt; emitter-appended) ---
"""Pipeline reference for scband-quantized-embedding-6717328851395 (READ-ONLY COPY).

The authoritative reference and input builder live on the scoring server;
editing this copy changes nothing except your own understanding.
"""

import jax, jax.numpy as jnp
import numpy as np

NUM_EMBEDDINGS = 1000000
EMBEDDING_DIM = 32
BATCH = 4096
HIST_LEN = 50


def setup_inputs(seed: int = 0) -> dict:
    key = jax.random.key(seed)
    k1, k2, k3 = jax.random.split(key, 3)
    x = jax.random.randint(k1, (BATCH, HIST_LEN), 0, NUM_EMBEDDINGS, dtype=jnp.int32)
    weight_q = jax.random.randint(k2, (NUM_EMBEDDINGS, EMBEDDING_DIM), -128, 128, dtype=jnp.int32).astype(jnp.int8)
    scales = jax.random.uniform(k3, (NUM_EMBEDDINGS,), minval=1e-4, maxval=0.05, dtype=jnp.float32)
    return {"x": x, "weight_q": weight_q, "scales": scales}


def reference(x, weight_q, scales):
    # Dequantize row-wise INT8 table to float32, then embedding lookup.
    w = weight_q.astype(jnp.float32) * scales[:, None]
    out = jnp.take(w, x, axis=0)
    return out

if __name__ == "__main__":
    import jax
    _d = setup_inputs()
    print(jax.jit(kernel)(*tuple(_d.values())))

</pallas_src>

<mosaic_0001>
#map = affine_map<(d0, d1) -> (0)>
#map1 = affine_map<(d0, d1) -> (0, 0)>
module attributes {stable_mosaic.version = 14 : i64} {
  func.func @k(%arg0: i32, %arg1: i32, %arg2: memref<32000000xi8, #tpu.memory_space<hbm>>, %arg3: memref<1000000x8xi32, #tpu.memory_space<hbm>>, %arg4: memref<40000xi8, #tpu.memory_space<vmem>>, %arg5: memref<40000xi8, #tpu.memory_space<vmem>>, %arg6: memref<1250x8xi32, #tpu.memory_space<vmem>>, %arg7: memref<1250x8xi32, #tpu.memory_space<vmem>>, %arg8: memref<!tpu.dma_semaphore, #tpu.memory_space<semaphore_mem>>, %arg9: memref<!tpu.dma_semaphore, #tpu.memory_space<semaphore_mem>>, %arg10: memref<!tpu.dma_semaphore, #tpu.memory_space<semaphore_mem>>, %arg11: memref<!tpu.dma_semaphore, #tpu.memory_space<semaphore_mem>>) attributes {dimension_semantics = [#tpu.dimension_semantics<core_parallel>, #tpu.dimension_semantics<subcore_parallel>], iteration_bounds = array<i64: 2, 16>, scalar_prefetch = 0 : i64, scratch_operands = 8 : i64, tpu.core_type = #tpu.core_type<sc_vector_subcore>, window_params = [{transform_indices = #map}, {transform_indices = #map1}]} {
    %mul3A = arith.constant 2 : i32
    %mul3A_0 = arith.muli %arg1, %mul3A : i32
    %add3A = arith.addi %mul3A_0, %arg0 : i32
    %mul3A_1 = arith.constant 31250 : i32
    %mul3A_2 = arith.muli %add3A, %mul3A_1 : i32
    %mul3A_3 = arith.constant 32 : i32
    %mul3A_4 = arith.muli %mul3A_2, %mul3A_3 : i32
    %mul3A_5 = arith.constant 31250 : i32
    %mul3A_6 = arith.muli %add3A, %mul3A_5 : i32
    %iota3A = tpu.iota {dimensions = array<i32: 0>} : vector<16xi32>
    %shift_right_arithmetic3A = arith.constant 3 : i32
    %shift_right_arithmetic3A_7 = vector.broadcast %shift_right_arithmetic3A : i32 to vector<16xi32>
    %shift_right_arithmetic3A_8 = arith.shrsi %iota3A, %shift_right_arithmetic3A_7 : vector<16xi32>
    %and3A = arith.constant 7 : i32
    %and3A_9 = vector.broadcast %and3A : i32 to vector<16xi32>
    %and3A_10 = arith.andi %iota3A, %and3A_9 : vector<16xi32>
    %add3A_11 = arith.constant 0 : i32
    %add3A_12 = arith.addi %mul3A_4, %add3A_11 : i32
    %dma_start3A = tpu.memref_slice %arg2[%add3A_12] : memref<32000000xi8, #tpu.memory_space<hbm>> -> memref<40000xi8, #tpu.memory_space<hbm>>
    %dma_start3A_13 = tpu.memref_slice %arg2[%add3A_12] : memref<32000000xi8, #tpu.memory_space<hbm>> -> memref<40000xi8, #tpu.memory_space<hbm>>
    tpu.enqueue_dma source(%dma_start3A_13 : memref<40000xi8, #tpu.memory_space<hbm>>) target(%arg4 : memref<40000xi8, #tpu.memory_space<vmem>>) target_semaphore(%arg8 : memref<!tpu.dma_semaphore, #tpu.memory_space<semaphore_mem>>)
    %add3A_14 = arith.constant 40000 : i32
    %add3A_15 = arith.addi %mul3A_4, %add3A_14 : i32
    %dma_start3A_16 = tpu.memref_slice %arg2[%add3A_15] : memref<32000000xi8, #tpu.memory_space<hbm>> -> memref<40000xi8, #tpu.memory_space<hbm>>
    %dma_start3A_17 = tpu.memref_slice %arg2[%add3A_15] : memref<32000000xi8, #tpu.memory_space<hbm>> -> memref<40000xi8, #tpu.memory_space<hbm>>
    tpu.enqueue_dma source(%dma_start3A_17 : memref<40000xi8, #tpu.memory_space<hbm>>) target(%arg5 : memref<40000xi8, #tpu.memory_space<vmem>>) target_semaphore(%arg9 : memref<!tpu.dma_semaphore, #tpu.memory_space<semaphore_mem>>)
    %scan3A = arith.constant 0 : i32
    %scan3A_18 = arith.constant 0 : i32
    %scan3A_19 = arith.constant 12 : i32
    %scan3A_20 = arith.addi %scan3A_18, %scan3A_19 : i32
    %scan3A_21 = arith.constant 1 : i32
    scf.for %scan3A_48 = %scan3A_18 to %scan3A_20 step %scan3A_21  : i32 {
      %mul3A_49 = arith.constant 2 : i32
      %mul3A_50 = arith.muli %scan3A_48, %mul3A_49 : i32
      %add3A_51 = arith.constant 0 : i32
      %add3A_52 = arith.addi %mul3A_50, %add3A_51 : i32
      %dma_wait3A_53 = tpu.memref_slice %arg2[%mul3A_4] : memref<32000000xi8, #tpu.memory_space<hbm>> -> memref<40000xi8, #tpu.memory_space<hbm>>
      %dma_wait3A_54 = tpu.memref_slice %arg2[%mul3A_4] : memref<32000000xi8, #tpu.memory_space<hbm>> -> memref<40000xi8, #tpu.memory_space<hbm>>
      tpu.wait_dma2 semaphore(%arg8 : memref<!tpu.dma_semaphore, #tpu.memory_space<semaphore_mem>>) src(%dma_wait3A_54 : memref<40000xi8, #tpu.memory_space<hbm>>) dst(%arg4 : memref<40000xi8, #tpu.memory_space<vmem>>)
      %gt3A = arith.constant 0 : i32
      %gt3A_55 = arith.cmpi sgt, %scan3A_48, %gt3A : i32
      %convert_element_type3A = arith.extui %gt3A_55 : i1 to i32
      %cond3A = arith.constant 0 : i32
      %cond3A_56 = arith.cmpi ne, %convert_element_type3A, %cond3A : i32
      scf.if %cond3A_56 {
        %dma_wait3A_107 = arith.constant 0 : i32
        %dma_wait3A_108 = tpu.memref_slice %arg3[%mul3A_6, %dma_wait3A_107] : memref<1000000x8xi32, #tpu.memory_space<hbm>> -> memref<1250x8xi32, #tpu.memory_space<hbm>>
        %dma_wait3A_109 = arith.constant 0 : i32
        %dma_wait3A_110 = tpu.memref_slice %arg3[%mul3A_6, %dma_wait3A_109] : memref<1000000x8xi32, #tpu.memory_space<hbm>> -> memref<1250x8xi32, #tpu.memory_space<hbm>>
        tpu.wait_dma2 semaphore(%arg10 : memref<!tpu.dma_semaphore, #tpu.memory_space<semaphore_mem>>) src(%arg6 : memref<1250x8xi32, #tpu.memory_space<vmem>>) dst(%dma_wait3A_110 : memref<1250x8xi32, #tpu.memory_space<hbm>>)
      } else {
      }
      %scan3A_57 = arith.constant 0 : i32
      %scan3A_58 = arith.constant 0 : i32
      %scan3A_59 = arith.constant 625 : i32
      %scan3A_60 = arith.addi %scan3A_58, %scan3A_59 : i32
      %scan3A_61 = arith.constant 1 : i32
      scf.for %scan3A_107 = %scan3A_58 to %scan3A_60 step %scan3A_61  : i32 {
        %mul3A_108 = arith.constant 64 : i32
        %mul3A_109 = arith.muli %scan3A_107, %mul3A_108 : i32
        %get3A = arith.index_cast %mul3A_109 : i32 to index
        %get3A_110 = tpu.vector_load %arg4[%get3A] {strides = array<i32>} : memref<40000xi8, #tpu.memory_space<vmem>>, vector<64xi8>,
        %bitcast3A = vector.bitcast %get3A_110 : vector<64xi8> to vector<16xi32>
        %mul3A_111 = arith.constant 2 : i32
        %mul3A_112 = arith.muli %scan3A_107, %mul3A_111 : i32
        %add3A_113 = vector.broadcast %mul3A_112 : i32 to vector<16xi32>
        %add3A_114 = arith.addi %shift_right_arithmetic3A_8, %add3A_113 : vector<16xi32>
        tpu.vector_store_idx %arg6[%add3A_114, %and3A_10], %bitcast3A : memref<1250x8xi32, #tpu.memory_space<vmem>>[vector<16xi32>, vector<16xi32>], vector<16xi32>,
      }
      %scan3A_62 = arith.constant 625 : i32
      %mul3A_63 = arith.constant 1250 : i32
      %mul3A_64 = arith.muli %add3A_52, %mul3A_63 : i32
      %add3A_65 = arith.addi %mul3A_6, %mul3A_64 : i32
      %dma_start3A_66 = arith.constant 0 : i32
      %dma_start3A_67 = tpu.memref_slice %arg3[%add3A_65, %dma_start3A_66] : memref<1000000x8xi32, #tpu.memory_space<hbm>> -> memref<1250x8xi32, #tpu.memory_space<hbm>>
      %dma_start3A_68 = arith.constant 0 : i32
      %dma_start3A_69 = tpu.memref_slice %arg3[%add3A_65, %dma_start3A_68] : memref<1000000x8xi32, #tpu.memory_space<hbm>> -> memref<1250x8xi32, #tpu.memory_space<hbm>>
      tpu.enqueue_dma source(%arg6 : memref<1250x8xi32, #tpu.memory_space<vmem>>) target(%dma_start3A_69 : memref<1250x8xi32, #tpu.memory_space<hbm>>) target_semaphore(%arg10 : memref<!tpu.dma_semaphore, #tpu.memory_space<semaphore_mem>>)
      %add3A_70 = arith.constant 2 : i32
      %add3A_71 = arith.addi %add3A_52, %add3A_70 : i32
      %lt3A = arith.constant 25 : i32
      %lt3A_72 = arith.cmpi slt, %add3A_71, %lt3A : i32
      %convert_element_type3A_73 = arith.extui %lt3A_72 : i1 to i32
      %cond3A_74 = arith.constant 0 : i32
      %cond3A_75 = arith.cmpi ne, %convert_element_type3A_73, %cond3A_74 : i32
      scf.if %cond3A_75 {
        %add3A_107 = arith.constant 2 : i32
        %add3A_108 = arith.addi %add3A_52, %add3A_107 : i32
        %mul3A_109 = arith.constant 1250 : i32
        %mul3A_110 = arith.muli %add3A_108, %mul3A_109 : i32
        %mul3A_111 = arith.constant 32 : i32
        %mul3A_112 = arith.muli %mul3A_110, %mul3A_111 : i32
        %add3A_113 = arith.addi %mul3A_4, %mul3A_112 : i32
        %dma_start3A_114 = tpu.memref_slice %arg2[%add3A_113] : memref<32000000xi8, #tpu.memory_space<hbm>> -> memref<40000xi8, #tpu.memory_space<hbm>>
        %dma_start3A_115 = tpu.memref_slice %arg2[%add3A_113] : memref<32000000xi8, #tpu.memory_space<hbm>> -> memref<40000xi8, #tpu.memory_space<hbm>>
        tpu.enqueue_dma source(%dma_start3A_115 : memref<40000xi8, #tpu.memory_space<hbm>>) target(%arg4 : memref<40000xi8, #tpu.memory_space<vmem>>) target_semaphore(%arg8 : memref<!tpu.dma_semaphore, #tpu.memory_space<semaphore_mem>>)
      } else {
      }
      %mul3A_76 = arith.constant 2 : i32
      %mul3A_77 = arith.muli %scan3A_48, %mul3A_76 : i32
      %add3A_78 = arith.constant 1 : i32
      %add3A_79 = arith.addi %mul3A_77, %add3A_78 : i32
      %dma_wait3A_80 = tpu.memref_slice %arg2[%mul3A_4] : memref<32000000xi8, #tpu.memory_space<hbm>> -> memref<40000xi8, #tpu.memory_space<hbm>>
      %dma_wait3A_81 = tpu.memref_slice %arg2[%mul3A_4] : memref<32000000xi8, #tpu.memory_space<hbm>> -> memref<40000xi8, #tpu.memory_space<hbm>>
      tpu.wait_dma2 semaphore(%arg9 : memref<!tpu.dma_semaphore, #tpu.memory_space<semaphore_mem>>) src(%dma_wait3A_81 : memref<40000xi8, #tpu.memory_space<hbm>>) dst(%arg5 : memref<40000xi8, #tpu.memory_space<vmem>>)
      %gt3A_82 = arith.constant 0 : i32
      %gt3A_83 = arith.cmpi sgt, %scan3A_48, %gt3A_82 : i32
      %convert_element_type3A_84 = arith.extui %gt3A_83 : i1 to i32
      %cond3A_85 = arith.constant 0 : i32
      %cond3A_86 = arith.cmpi ne, %convert_element_type3A_84, %cond3A_85 : i32
      scf.if %cond3A_86 {
        %dma_wait3A_107 = arith.constant 0 : i32
        %dma_wait3A_108 = tpu.memref_slice %arg3[%mul3A_6, %dma_wait3A_107] : memref<1000000x8xi32, #tpu.memory_space<hbm>> -> memref<1250x8xi32, #tpu.memory_space<hbm>>
        %dma_wait3A_109 = arith.constant 0 : i32
        %dma_wait3A_110 = tpu.memref_slice %arg3[%mul3A_6, %dma_wait3A_109] : memref<1000000x8xi32, #tpu.memory_space<hbm>> -> memref<1250x8xi32, #tpu.memory_space<hbm>>
        tpu.wait_dma2 semaphore(%arg11 : memref<!tpu.dma_semaphore, #tpu.memory_space<semaphore_mem>>) src(%arg7 : memref<1250x8xi32, #tpu.memory_space<vmem>>) dst(%dma_wait3A_110 : memref<1250x8xi32, #tpu.memory_space<hbm>>)
      } else {
      }
      %scan3A_87 = arith.constant 0 : i32
      %scan3A_88 = arith.constant 0 : i32
      %scan3A_89 = arith.constant 625 : i32
      %scan3A_90 = arith.addi %scan3A_88, %scan3A_89 : i32
      %scan3A_91 = arith.constant 1 : i32
      scf.for %scan3A_107 = %scan3A_88 to %scan3A_90 step %scan3A_91  : i32 {
        %mul3A_108 = arith.constant 64 : i32
        %mul3A_109 = arith.muli %scan3A_107, %mul3A_108 : i32
        %get3A = arith.index_cast %mul3A_109 : i32 to index
        %get3A_110 = tpu.vector_load %arg5[%get3A] {strides = array<i32>} : memref<40000xi8, #tpu.memory_space<vmem>>, vector<64xi8>,
        %bitcast3A = vector.bitcast %get3A_110 : vector<64xi8> to vector<16xi32>
        %mul3A_111 = arith.constant 2 : i32
        %mul3A_112 = arith.muli %scan3A_107, %mul3A_111 : i32
        %add3A_113 = vector.broadcast %mul3A_112 : i32 to vector<16xi32>
        %add3A_114 = arith.addi %shift_right_arithmetic3A_8, %add3A_113 : vector<16xi32>
        tpu.vector_store_idx %arg7[%add3A_114, %and3A_10], %bitcast3A : memref<1250x8xi32, #tpu.memory_space<vmem>>[vector<16xi32>, vector<16xi32>], vector<16xi32>,
      }
      %scan3A_92 = arith.constant 625 : i32
      %mul3A_93 = arith.constant 1250 : i32
      %mul3A_94 = arith.muli %add3A_79, %mul3A_93 : i32
      %add3A_95 = arith.addi %mul3A_6, %mul3A_94 : i32
      %dma_start3A_96 = arith.constant 0 : i32
      %dma_start3A_97 = tpu.memref_slice %arg3[%add3A_95, %dma_start3A_96] : memref<1000000x8xi32, #tpu.memory_space<hbm>> -> memref<1250x8xi32, #tpu.memory_space<hbm>>
      %dma_start3A_98 = arith.constant 0 : i32
      %dma_start3A_99 = tpu.memref_slice %arg3[%add3A_95, %dma_start3A_98] : memref<1000000x8xi32, #tpu.memory_space<hbm>> -> memref<1250x8xi32, #tpu.memory_space<hbm>>
      tpu.enqueue_dma source(%arg7 : memref<1250x8xi32, #tpu.memory_space<vmem>>) target(%dma_start3A_99 : memref<1250x8xi32, #tpu.memory_space<hbm>>) target_semaphore(%arg11 : memref<!tpu.dma_semaphore, #tpu.memory_space<semaphore_mem>>)
      %add3A_100 = arith.constant 2 : i32
      %add3A_101 = arith.addi %add3A_79, %add3A_100 : i32
      %lt3A_102 = arith.constant 25 : i32
      %lt3A_103 = arith.cmpi slt, %add3A_101, %lt3A_102 : i32
      %convert_element_type3A_104 = arith.extui %lt3A_103 : i1 to i32
      %cond3A_105 = arith.constant 0 : i32
      %cond3A_106 = arith.cmpi ne, %convert_element_type3A_104, %cond3A_105 : i32
      scf.if %cond3A_106 {
        %add3A_107 = arith.constant 2 : i32
        %add3A_108 = arith.addi %add3A_79, %add3A_107 : i32
        %mul3A_109 = arith.constant 1250 : i32
        %mul3A_110 = arith.muli %add3A_108, %mul3A_109 : i32
        %mul3A_111 = arith.constant 32 : i32
        %mul3A_112 = arith.muli %mul3A_110, %mul3A_111 : i32
        %add3A_113 = arith.addi %mul3A_4, %mul3A_112 : i32
        %dma_start3A_114 = tpu.memref_slice %arg2[%add3A_113] : memref<32000000xi8, #tpu.memory_space<hbm>> -> memref<40000xi8, #tpu.memory_space<hbm>>
        %dma_start3A_115 = tpu.memref_slice %arg2[%add3A_113] : memref<32000000xi8, #tpu.memory_space<hbm>> -> memref<40000xi8, #tpu.memory_space<hbm>>
        tpu.enqueue_dma source(%dma_start3A_115 : memref<40000xi8, #tpu.memory_space<hbm>>) target(%arg5 : memref<40000xi8, #tpu.memory_space<vmem>>) target_semaphore(%arg9 : memref<!tpu.dma_semaphore, #tpu.memory_space<semaphore_mem>>)
      } else {
      }
    }
    %scan3A_22 = arith.constant 12 : i32
    %dma_wait3A = tpu.memref_slice %arg2[%mul3A_4] : memref<32000000xi8, #tpu.memory_space<hbm>> -> memref<40000xi8, #tpu.memory_space<hbm>>
    %dma_wait3A_23 = tpu.memref_slice %arg2[%mul3A_4] : memref<32000000xi8, #tpu.memory_space<hbm>> -> memref<40000xi8, #tpu.memory_space<hbm>>
    tpu.wait_dma2 semaphore(%arg8 : memref<!tpu.dma_semaphore, #tpu.memory_space<semaphore_mem>>) src(%dma_wait3A_23 : memref<40000xi8, #tpu.memory_space<hbm>>) dst(%arg4 : memref<40000xi8, #tpu.memory_space<vmem>>)
    %dma_wait3A_24 = arith.constant 0 : i32
    %dma_wait3A_25 = tpu.memref_slice %arg3[%mul3A_6, %dma_wait3A_24] : memref<1000000x8xi32, #tpu.memory_space<hbm>> -> memref<1250x8xi32, #tpu.memory_space<hbm>>
    %dma_wait3A_26 = arith.constant 0 : i32
    %dma_wait3A_27 = tpu.memref_slice %arg3[%mul3A_6, %dma_wait3A_26] : memref<1000000x8xi32, #tpu.memory_space<hbm>> -> memref<1250x8xi32, #tpu.memory_space<hbm>>
    tpu.wait_dma2 semaphore(%arg10 : memref<!tpu.dma_semaphore, #tpu.memory_space<semaphore_mem>>) src(%arg6 : memref<1250x8xi32, #tpu.memory_space<vmem>>) dst(%dma_wait3A_27 : memref<1250x8xi32, #tpu.memory_space<hbm>>)
    %scan3A_28 = arith.constant 0 : i32
    %scan3A_29 = arith.constant 0 : i32
    %scan3A_30 = arith.constant 625 : i32
    %scan3A_31 = arith.addi %scan3A_29, %scan3A_30 : i32
    %scan3A_32 = arith.constant 1 : i32
    scf.for %scan3A_48 = %scan3A_29 to %scan3A_31 step %scan3A_32  : i32 {
      %mul3A_49 = arith.constant 64 : i32
      %mul3A_50 = arith.muli %scan3A_48, %mul3A_49 : i32
      %get3A = arith.index_cast %mul3A_50 : i32 to index
      %get3A_51 = tpu.vector_load %arg4[%get3A] {strides = array<i32>} : memref<40000xi8, #tpu.memory_space<vmem>>, vector<64xi8>,
      %bitcast3A = vector.bitcast %get3A_51 : vector<64xi8> to vector<16xi32>
      %mul3A_52 = arith.constant 2 : i32
      %mul3A_53 = arith.muli %scan3A_48, %mul3A_52 : i32
      %add3A_54 = vector.broadcast %mul3A_53 : i32 to vector<16xi32>
      %add3A_55 = arith.addi %shift_right_arithmetic3A_8, %add3A_54 : vector<16xi32>
      tpu.vector_store_idx %arg6[%add3A_55, %and3A_10], %bitcast3A : memref<1250x8xi32, #tpu.memory_space<vmem>>[vector<16xi32>, vector<16xi32>], vector<16xi32>,
    }
    %scan3A_33 = arith.constant 625 : i32
    %add3A_34 = arith.constant 30000 : i32
    %add3A_35 = arith.addi %mul3A_6, %add3A_34 : i32
    %dma_start3A_36 = arith.constant 0 : i32
    %dma_start3A_37 = tpu.memref_slice %arg3[%add3A_35, %dma_start3A_36] : memref<1000000x8xi32, #tpu.memory_space<hbm>> -> memref<1250x8xi32, #tpu.memory_space<hbm>>
    %dma_start3A_38 = arith.constant 0 : i32
    %dma_start3A_39 = tpu.memref_slice %arg3[%add3A_35, %dma_start3A_38] : memref<1000000x8xi32, #tpu.memory_space<hbm>> -> memref<1250x8xi32, #tpu.memory_space<hbm>>
    tpu.enqueue_dma source(%arg6 : memref<1250x8xi32, #tpu.memory_space<vmem>>) target(%dma_start3A_39 : memref<1250x8xi32, #tpu.memory_space<hbm>>) target_semaphore(%arg10 : memref<!tpu.dma_semaphore, #tpu.memory_space<semaphore_mem>>)
    %dma_wait3A_40 = arith.constant 0 : i32
    %dma_wait3A_41 = tpu.memref_slice %arg3[%mul3A_6, %dma_wait3A_40] : memref<1000000x8xi32, #tpu.memory_space<hbm>> -> memref<1250x8xi32, #tpu.memory_space<hbm>>
    %dma_wait3A_42 = arith.constant 0 : i32
    %dma_wait3A_43 = tpu.memref_slice %arg3[%mul3A_6, %dma_wait3A_42] : memref<1000000x8xi32, #tpu.memory_space<hbm>> -> memref<1250x8xi32, #tpu.memory_space<hbm>>
    tpu.wait_dma2 semaphore(%arg10 : memref<!tpu.dma_semaphore, #tpu.memory_space<semaphore_mem>>) src(%arg6 : memref<1250x8xi32, #tpu.memory_space<vmem>>) dst(%dma_wait3A_43 : memref<1250x8xi32, #tpu.memory_space<hbm>>)
    %dma_wait3A_44 = arith.constant 0 : i32
    %dma_wait3A_45 = tpu.memref_slice %arg3[%mul3A_6, %dma_wait3A_44] : memref<1000000x8xi32, #tpu.memory_space<hbm>> -> memref<1250x8xi32, #tpu.memory_space<hbm>>
    %dma_wait3A_46 = arith.constant 0 : i32
    %dma_wait3A_47 = tpu.memref_slice %arg3[%mul3A_6, %dma_wait3A_46] : memref<1000000x8xi32, #tpu.memory_space<hbm>> -> memref<1250x8xi32, #tpu.memory_space<hbm>>
    tpu.wait_dma2 semaphore(%arg11 : memref<!tpu.dma_semaphore, #tpu.memory_space<semaphore_mem>>) src(%arg7 : memref<1250x8xi32, #tpu.memory_space<vmem>>) dst(%dma_wait3A_47 : memref<1250x8xi32, #tpu.memory_space<hbm>>)
    return
  }
}

#map = affine_map<(d0, d1) -> (0, 0, 0)>
#map1 = affine_map<(d0, d1) -> (0, 0)>
#map2 = affine_map<(d0, d1) -> (0)>
module attributes {stable_mosaic.version = 14 : i64} {
  func.func @k(%arg0: i32, %arg1: i32, %arg2: memref<32x16x400xi32, #tpu.memory_space<hbm>>, %arg3: memref<1000000x8xi32, #tpu.memory_space<hbm>>, %arg4: memref<1000000xf32, #tpu.memory_space<hbm>>, %arg5: memref<4096x50x32xf32, #tpu.memory_space<hbm>>, %arg6: memref<16x400xi32, #tpu.memory_space<vmem>>, %arg7: memref<400x8xi32, #tpu.memory_space<vmem>>, %arg8: memref<400x8xi32, #tpu.memory_space<vmem>>, %arg9: memref<400x8xi32, #tpu.memory_space<vmem>>, %arg10: memref<400x8xi32, #tpu.memory_space<vmem>>, %arg11: memref<400xf32, #tpu.memory_space<vmem>>, %arg12: memref<400xf32, #tpu.memory_space<vmem>>, %arg13: memref<400xf32, #tpu.memory_space<vmem>>, %arg14: memref<400xf32, #tpu.memory_space<vmem>>, %arg15: memref<8x50x32xf32, #tpu.memory_space<vmem>>, %arg16: memref<8x50x32xf32, #tpu.memory_space<vmem>>, %arg17: memref<!tpu.dma_semaphore, #tpu.memory_space<semaphore_mem>>, %arg18: memref<!tpu.dma_semaphore, #tpu.memory_space<semaphore_mem>>, %arg19: memref<!tpu.dma_semaphore, #tpu.memory_space<semaphore_mem>>, %arg20: memref<!tpu.dma_semaphore, #tpu.memory_space<semaphore_mem>>, %arg21: memref<!tpu.dma_semaphore, #tpu.memory_space<semaphore_mem>>, %arg22: memref<!tpu.dma_semaphore, #tpu.memory_space<semaphore_mem>>, %arg23: memref<!tpu.dma_semaphore, #tpu.memory_space<semaphore_mem>>, %arg24: memref<!tpu.dma_semaphore, #tpu.memory_space<semaphore_mem>>, %arg25: memref<!tpu.dma_semaphore, #tpu.memory_space<semaphore_mem>>, %arg26: memref<!tpu.dma_semaphore, #tpu.memory_space<semaphore_mem>>) attributes {dimension_semantics = [#tpu.dimension_semantics<core_parallel>, #tpu.dimension_semantics<subcore_parallel>], iteration_bounds = array<i64: 2, 16>, scalar_prefetch = 0 : i64, scratch_operands = 21 : i64, tpu.core_type = #tpu.core_type<sc_vector_subcore>, window_params = [{transform_indices = #map}, {transform_indices = #map1}, {transform_indices = #map2}, {transform_indices = #map}]} {
    %mul3A = arith.constant 2 : i32
    %mul3A_0 = arith.muli %arg1, %mul3A : i32
    %add3A = arith.addi %mul3A_0, %arg0 : i32
    %mul3A_1 = arith.constant 128 : i32
    %mul3A_2 = arith.muli %add3A, %mul3A_1 : i32
    "tpu.region"() ({
      %run_scoped3A = tpu.sem_alloc : memref<!tpu.dma_semaphore, #tpu.memory_space<semaphore_mem>>
      %dma_start3A_71 = arith.constant 0 : i32
      %dma_start3A_72 = arith.constant 0 : i32
      %dma_start3A_73 = tpu.memref_slice %arg2[%add3A, %dma_start3A_71, %dma_start3A_72] : memref<32x16x400xi32, #tpu.memory_space<hbm>> -> memref<1x16x400xi32, #tpu.memory_space<hbm>>
      %dma_start3A_74 = tpu.memref_squeeze %dma_start3A_73 : memref<1x16x400xi32, #tpu.memory_space<hbm>> -> memref<16x400xi32, #tpu.memory_space<hbm>>
      %dma_start3A_75 = arith.constant 0 : i32
      %dma_start3A_76 = arith.constant 0 : i32
      %dma_start3A_77 = tpu.memref_slice %arg2[%add3A, %dma_start3A_75, %dma_start3A_76] : memref<32x16x400xi32, #tpu.memory_space<hbm>> -> memref<1x16x400xi32, #tpu.memory_space<hbm>>
      %dma_start3A_78 = tpu.memref_squeeze %dma_start3A_77 : memref<1x16x400xi32, #tpu.memory_space<hbm>> -> memref<16x400xi32, #tpu.memory_space<hbm>>
      tpu.enqueue_dma source(%dma_start3A_78 : memref<16x400xi32, #tpu.memory_space<hbm>>) target(%arg6 : memref<16x400xi32, #tpu.memory_space<vmem>>) target_semaphore(%run_scoped3A : memref<!tpu.dma_semaphore, #tpu.memory_space<semaphore_mem>>)
      %dma_wait3A_79 = arith.constant 0 : i32
      %dma_wait3A_80 = arith.constant 0 : i32
      %dma_wait3A_81 = tpu.memref_slice %arg2[%add3A, %dma_wait3A_79, %dma_wait3A_80] : memref<32x16x400xi32, #tpu.memory_space<hbm>> -> memref<1x16x400xi32, #tpu.memory_space<hbm>>
      %dma_wait3A_82 = tpu.memref_squeeze %dma_wait3A_81 : memref<1x16x400xi32, #tpu.memory_space<hbm>> -> memref<16x400xi32, #tpu.memory_space<hbm>>
      %dma_wait3A_83 = arith.constant 0 : i32
      %dma_wait3A_84 = arith.constant 0 : i32
      %dma_wait3A_85 = tpu.memref_slice %arg2[%add3A, %dma_wait3A_83, %dma_wait3A_84] : memref<32x16x400xi32, #tpu.memory_space<hbm>> -> memref<1x16x400xi32, #tpu.memory_space<hbm>>
      %dma_wait3A_86 = tpu.memref_squeeze %dma_wait3A_85 : memref<1x16x400xi32, #tpu.memory_space<hbm>> -> memref<16x400xi32, #tpu.memory_space<hbm>>
      tpu.wait_dma2 semaphore(%run_scoped3A : memref<!tpu.dma_semaphore, #tpu.memory_space<semaphore_mem>>) src(%dma_wait3A_86 : memref<16x400xi32, #tpu.memory_space<hbm>>) dst(%arg6 : memref<16x400xi32, #tpu.memory_space<vmem>>)
      tpu.yield
    }) : () -> ()
    %iota3A = tpu.iota {dimensions = array<i32: 0>} : vector<16xi32>
    %dma_start3A = arith.constant 0 : i32
    %dma_start3A_3 = arith.constant 0 : i32
    %dma_start3A_4 = tpu.memref_slice %arg6[%dma_start3A, %dma_start3A_3] : memref<16x400xi32, #tpu.memory_space<vmem>> -> memref<1x400xi32, #tpu.memory_space<vmem>>
    %dma_start3A_5 = tpu.memref_squeeze %dma_start3A_4 : memref<1x400xi32, #tpu.memory_space<vmem>> -> memref<400xi32, #tpu.memory_space<vmem>>
    %dma_start3A_6 = arith.constant 0 : i32
    %dma_start3A_7 = arith.constant 0 : i32
    %dma_start3A_8 = tpu.memref_slice %arg3[%dma_start3A_6, %dma_start3A_7] : memref<1000000x8xi32, #tpu.memory_space<hbm>> -> memref<1000000x8xi32, #tpu.memory_space<hbm>>
    tpu.enqueue_indirect_dma source(%dma_start3A_8 : memref<1000000x8xi32, #tpu.memory_space<hbm>>) target(%arg7 : memref<400x8xi32, #tpu.memory_space<vmem>>) offsets(%dma_start3A_5 : memref<400xi32, #tpu.memory_space<vmem>>) semaphore(%arg17 : memref<!tpu.dma_semaphore, #tpu.memory_space<semaphore_mem>>)
    %dma_start3A_9 = arith.constant 0 : i32
    %dma_start3A_10 = arith.constant 0 : i32
    %dma_start3A_11 = tpu.memref_slice %arg6[%dma_start3A_9, %dma_start3A_10] : memref<16x400xi32, #tpu.memory_space<vmem>> -> memref<1x400xi32, #tpu.memory_space<vmem>>
    %dma_start3A_12 = tpu.memref_squeeze %dma_start3A_11 : memref<1x400xi32, #tpu.memory_space<vmem>> -> memref<400xi32, #tpu.memory_space<vmem>>
    %dma_start3A_13 = arith.constant 0 : i32
    %dma_start3A_14 = tpu.memref_slice %arg4[%dma_start3A_13] : memref<1000000xf32, #tpu.memory_space<hbm>> -> memref<1000000xf32, #tpu.memory_space<hbm>>
    tpu.enqueue_indirect_dma source(%dma_start3A_14 : memref<1000000xf32, #tpu.memory_space<hbm>>) target(%arg11 : memref<400xf32, #tpu.memory_space<vmem>>) offsets(%dma_start3A_12 : memref<400xi32, #tpu.memory_space<vmem>>) semaphore(%arg21 : memref<!tpu.dma_semaphore, #tpu.memory_space<semaphore_mem>>)
    %dma_start3A_15 = arith.constant 1 : i32
    %dma_start3A_16 = arith.constant 0 : i32
    %dma_start3A_17 = tpu.memref_slice %arg6[%dma_start3A_15, %dma_start3A_16] : memref<16x400xi32, #tpu.memory_space<vmem>> -> memref<1x400xi32, #tpu.memory_space<vmem>>
    %dma_start3A_18 = tpu.memref_squeeze %dma_start3A_17 : memref<1x400xi32, #tpu.memory_space<vmem>> -> memref<400xi32, #tpu.memory_space<vmem>>
    %dma_start3A_19 = arith.constant 0 : i32
    %dma_start3A_20 = arith.constant 0 : i32
    %dma_start3A_21 = tpu.memref_slice %arg3[%dma_start3A_19, %dma_start3A_20] : memref<1000000x8xi32, #tpu.memory_space<hbm>> -> memref<1000000x8xi32, #tpu.memory_space<hbm>>
    tpu.enqueue_indirect_dma source(%dma_start3A_21 : memref<1000000x8xi32, #tpu.memory_space<hbm>>) target(%arg8 : memref<400x8xi32, #tpu.memory_space<vmem>>) offsets(%dma_start3A_18 : memref<400xi32, #tpu.memory_space<vmem>>) semaphore(%arg18 : memref<!tpu.dma_semaphore, #tpu.memory_space<semaphore_mem>>)
    %dma_start3A_22 = arith.constant 1 : i32
    %dma_start3A_23 = arith.constant 0 : i32
    %dma_start3A_24 = tpu.memref_slice %arg6[%dma_start3A_22, %dma_start3A_23] : memref<16x400xi32, #tpu.memory_space<vmem>> -> memref<1x400xi32, #tpu.memory_space<vmem>>
    %dma_start3A_25 = tpu.memref_squeeze %dma_start3A_24 : memref<1x400xi32, #tpu.memory_space<vmem>> -> memref<400xi32, #tpu.memory_space<vmem>>
    %dma_start3A_26 = arith.constant 0 : i32
    %dma_start3A_27 = tpu.memref_slice %arg4[%dma_start3A_26] : memref<1000000xf32, #tpu.memory_space<hbm>> -> memref<1000000xf32, #tpu.memory_space<hbm>>
    tpu.enqueue_indirect_dma source(%dma_start3A_27 : memref<1000000xf32, #tpu.memory_space<hbm>>) target(%arg12 : memref<400xf32, #tpu.memory_space<vmem>>) offsets(%dma_start3A_25 : memref<400xi32, #tpu.memory_space<vmem>>) semaphore(%arg22 : memref<!tpu.dma_semaphore, #tpu.memory_space<semaphore_mem>>)
    %dma_start3A_28 = arith.constant 2 : i32
    %dma_start3A_29 = arith.constant 0 : i32
    %dma_start3A_30 = tpu.memref_slice %arg6[%dma_start3A_28, %dma_start3A_29] : memref<16x400xi32, #tpu.memory_space<vmem>> -> memref<1x400xi32, #tpu.memory_space<vmem>>
    %dma_start3A_31 = tpu.memref_squeeze %dma_start3A_30 : memref<1x400xi32, #tpu.memory_space<vmem>> -> memref<400xi32, #tpu.memory_space<vmem>>
    %dma_start3A_32 = arith.constant 0 : i32
    %dma_start3A_33 = arith.constant 0 : i32
    %dma_start3A_34 = tpu.memref_slice %arg3[%dma_start3A_32, %dma_start3A_33] : memref<1000000x8xi32, #tpu.memory_space<hbm>> -> memref<1000000x8xi32, #tpu.memory_space<hbm>>
    tpu.enqueue_indirect_dma source(%dma_start3A_34 : memref<1000000x8xi32, #tpu.memory_space<hbm>>) target(%arg9 : memref<400x8xi32, #tpu.memory_space<vmem>>) offsets(%dma_start3A_31 : memref<400xi32, #tpu.memory_space<vmem>>) semaphore(%arg19 : memref<!tpu.dma_semaphore, #tpu.memory_space<semaphore_mem>>)
    %dma_start3A_35 = arith.constant 2 : i32
    %dma_start3A_36 = arith.constant 0 : i32
    %dma_start3A_37 = tpu.memref_slice %arg6[%dma_start3A_35, %dma_start3A_36] : memref<16x400xi32, #tpu.memory_space<vmem>> -> memref<1x400xi32, #tpu.memory_space<vmem>>
    %dma_start3A_38 = tpu.memref_squeeze %dma_start3A_37 : memref<1x400xi32, #tpu.memory_space<vmem>> -> memref<400xi32, #tpu.memory_space<vmem>>
    %dma_start3A_39 = arith.constant 0 : i32
    %dma_start3A_40 = tpu.memref_slice %arg4[%dma_start3A_39] : memref<1000000xf32, #tpu.memory_space<hbm>> -> memref<1000000xf32, #tpu.memory_space<hbm>>
    tpu.enqueue_indirect_dma source(%dma_start3A_40 : memref<1000000xf32, #tpu.memory_space<hbm>>) target(%arg13 : memref<400xf32, #tpu.memory_space<vmem>>) offsets(%dma_start3A_38 : memref<400xi32, #tpu.memory_space<vmem>>) semaphore(%arg23 : memref<!tpu.dma_semaphore, #tpu.memory_space<semaphore_mem>>)
    %dma_start3A_41 = arith.constant 3 : i32
    %dma_start3A_42 = arith.constant 0 : i32
    %dma_start3A_43 = tpu.memref_slice %arg6[%dma_start3A_41, %dma_start3A_42] : memref<16x400xi32, #tpu.memory_space<vmem>> -> memref<1x400xi32, #tpu.memory_space<vmem>>
    %dma_start3A_44 = tpu.memref_squeeze %dma_start3A_43 : memref<1x400xi32, #tpu.memory_space<vmem>> -> memref<400xi32, #tpu.memory_space<vmem>>
    %dma_start3A_45 = arith.constant 0 : i32
    %dma_start3A_46 = arith.constant 0 : i32
    %dma_start3A_47 = tpu.memref_slice %arg3[%dma_start3A_45, %dma_start3A_46] : memref<1000000x8xi32, #tpu.memory_space<hbm>> -> memref<1000000x8xi32, #tpu.memory_space<hbm>>
    tpu.enqueue_indirect_dma source(%dma_start3A_47 : memref<1000000x8xi32, #tpu.memory_space<hbm>>) target(%arg10 : memref<400x8xi32, #tpu.memory_space<vmem>>) offsets(%dma_start3A_44 : memref<400xi32, #tpu.memory_space<vmem>>) semaphore(%arg20 : memref<!tpu.dma_semaphore, #tpu.memory_space<semaphore_mem>>)
    %dma_start3A_48 = arith.constant 3 : i32
    %dma_start3A_49 = arith.constant 0 : i32
    %dma_start3A_50 = tpu.memref_slice %arg6[%dma_start3A_48, %dma_start3A_49] : memref<16x400xi32, #tpu.memory_space<vmem>> -> memref<1x400xi32, #tpu.memory_space<vmem>>
    %dma_start3A_51 = tpu.memref_squeeze %dma_start3A_50 : memref<1x400xi32, #tpu.memory_space<vmem>> -> memref<400xi32, #tpu.memory_space<vmem>>
    %dma_start3A_52 = arith.constant 0 : i32
    %dma_start3A_53 = tpu.memref_slice %arg4[%dma_start3A_52] : memref<1000000xf32, #tpu.memory_space<hbm>> -> memref<1000000xf32, #tpu.memory_space<hbm>>
    tpu.enqueue_indirect_dma source(%dma_start3A_53 : memref<1000000xf32, #tpu.memory_space<hbm>>) target(%arg14 : memref<400xf32, #tpu.memory_space<vmem>>) offsets(%dma_start3A_51 : memref<400xi32, #tpu.memory_space<vmem>>) semaphore(%arg24 : memref<!tpu.dma_semaphore, #tpu.memory_space<semaphore_mem>>)
    %scan3A = arith.constant 0 : i32
    %scan3A_54 = arith.constant 50 : i32
    %scan3A_55 = arith.constant 0 : i32
    %scan3A_56 = arith.constant 4 : i32
    %scan3A_57 = arith.addi %scan3A_55, %scan3A_56 : i32
    %scan3A_58 = arith.constant 1 : i32
    scf.for %scan3A_71 = %scan3A_55 to %scan3A_57 step %scan3A_58  : i32 {
      %mul3A_72 = arith.constant 4 : i32
      %mul3A_73 = arith.muli %scan3A_71, %mul3A_72 : i32
      %add3A_74 = arith.constant 0 : i32
      %add3A_75 = arith.addi %mul3A_73, %add3A_74 : i32
      %dma_wait3A_76 = arith.constant 0 : i32
      %dma_wait3A_77 = tpu.memref_slice %arg6[%add3A_75, %dma_wait3A_76] : memref<16x400xi32, #tpu.memory_space<vmem>> -> memref<1x400xi32, #tpu.memory_space<vmem>>
      %dma_wait3A_78 = tpu.memref_squeeze %dma_wait3A_77 : memref<1x400xi32, #tpu.memory_space<vmem>> -> memref<400xi32, #tpu.memory_space<vmem>>
      %dma_wait3A_79 = arith.constant 0 : i32
      %dma_wait3A_80 = arith.constant 0 : i32
      %dma_wait3A_81 = tpu.memref_slice %arg3[%dma_wait3A_79, %dma_wait3A_80] : memref<1000000x8xi32, #tpu.memory_space<hbm>> -> memref<1000000x8xi32, #tpu.memory_space<hbm>>
      tpu.wait_indirect_dma semaphore(%arg17 : memref<!tpu.dma_semaphore, #tpu.memory_space<semaphore_mem>>) src(%dma_wait3A_81 : memref<1000000x8xi32, #tpu.memory_space<hbm>>) dst(%arg7 : memref<400x8xi32, #tpu.memory_space<vmem>>)
      %dma_wait3A_82 = arith.constant 0 : i32
      %dma_wait3A_83 = tpu.memref_slice %arg6[%add3A_75, %dma_wait3A_82] : memref<16x400xi32, #tpu.memory_space<vmem>> -> memref<1x400xi32, #tpu.memory_space<vmem>>
      %dma_wait3A_84 = tpu.memref_squeeze %dma_wait3A_83 : memref<1x400xi32, #tpu.memory_space<vmem>> -> memref<400xi32, #tpu.memory_space<vmem>>
      %dma_wait3A_85 = arith.constant 0 : i32
      %dma_wait3A_86 = tpu.memref_slice %arg4[%dma_wait3A_85] : memref<1000000xf32, #tpu.memory_space<hbm>> -> memref<1000000xf32, #tpu.memory_space<hbm>>
      tpu.wait_indirect_dma semaphore(%arg21 : memref<!tpu.dma_semaphore, #tpu.memory_space<semaphore_mem>>) src(%dma_wait3A_86 : memref<1000000xf32, #tpu.memory_space<hbm>>) dst(%arg11 : memref<400xf32, #tpu.memory_space<vmem>>)
      %gt3A = arith.constant 0 : i32
      %gt3A_87 = arith.cmpi sgt, %scan3A_71, %gt3A : i32
      %convert_element_type3A = arith.extui %gt3A_87 : i1 to i32
      %cond3A = arith.constant 0 : i32
      %cond3A_88 = arith.cmpi ne, %convert_element_type3A, %cond3A : i32
      scf.if %cond3A_88 {
        %dma_wait3A_230 = arith.constant 0 : i32
        %dma_wait3A_231 = arith.constant 0 : i32
        %dma_wait3A_232 = tpu.memref_slice %arg5[%mul3A_2, %dma_wait3A_230, %dma_wait3A_231] : memref<4096x50x32xf32, #tpu.memory_space<hbm>> -> memref<8x50x32xf32, #tpu.memory_space<hbm>>
        %dma_wait3A_233 = arith.constant 0 : i32
        %dma_wait3A_234 = arith.constant 0 : i32
        %dma_wait3A_235 = tpu.memref_slice %arg5[%mul3A_2, %dma_wait3A_233, %dma_wait3A_234] : memref<4096x50x32xf32, #tpu.memory_space<hbm>> -> memref<8x50x32xf32, #tpu.memory_space<hbm>>
        tpu.wait_dma2 semaphore(%arg25 : memref<!tpu.dma_semaphore, #tpu.memory_space<semaphore_mem>>) src(%arg15 : memref<8x50x32xf32, #tpu.memory_space<vmem>>) dst(%dma_wait3A_235 : memref<8x50x32xf32, #tpu.memory_space<hbm>>)
      } else {
      }
      %scan3A_89 = arith.constant 0 : i32
      %scan3A_90 = arith.constant 0 : i32
      %scan3A_91 = arith.constant 25 : i32
      %scan3A_92 = arith.addi %scan3A_90, %scan3A_91 : i32
      %scan3A_93 = arith.constant 1 : i32
      scf.for %scan3A_230 = %scan3A_90 to %scan3A_92 step %scan3A_93  : i32 {
        %mul3A_231 = arith.constant 16 : i32
        %mul3A_232 = arith.muli %scan3A_230, %mul3A_231 : i32
        %add3A_233 = vector.broadcast %mul3A_232 : i32 to vector<16xi32>
        %add3A_234 = arith.addi %iota3A, %add3A_233 : vector<16xi32>
        %div3A = vector.broadcast %scan3A_54 : i32 to vector<16xi32>
        %div3A_235 = arith.divsi %add3A_234, %div3A : vector<16xi32>
        %sign3A = arith.constant 0 : i32
        %sign3A_236 = vector.broadcast %sign3A : i32 to vector<16xi32>
        %sign3A_237 = arith.cmpi sgt, %add3A_234, %sign3A_236 : vector<16xi32>
        %sign3A_238 = arith.extui %sign3A_237 : vector<16xi1> to vector<16xi32>
        %sign3A_239 = arith.constant 0 : i32
        %sign3A_240 = vector.broadcast %sign3A_239 : i32 to vector<16xi32>
        %sign3A_241 = arith.cmpi slt, %add3A_234, %sign3A_240 : vector<16xi32>
        %sign3A_242 = arith.extui %sign3A_241 : vector<16xi1> to vector<16xi32>
        %sign3A_243 = arith.subi %sign3A_238, %sign3A_242 : vector<16xi32>
        %sign3A_244 = arith.constant 0 : i32
        %sign3A_245 = arith.cmpi sgt, %scan3A_54, %sign3A_244 : i32
        %sign3A_246 = arith.extui %sign3A_245 : i1 to i32
        %sign3A_247 = arith.constant 0 : i32
        %sign3A_248 = arith.cmpi slt, %scan3A_54, %sign3A_247 : i32
        %sign3A_249 = arith.extui %sign3A_248 : i1 to i32
        %sign3A_250 = arith.subi %sign3A_246, %sign3A_249 : i32
        %ne3A = vector.broadcast %sign3A_250 : i32 to vector<16xi32>
        %ne3A_251 = arith.cmpi ne, %sign3A_243, %ne3A : vector<16xi32>
        %rem3A = vector.broadcast %scan3A_54 : i32 to vector<16xi32>
        %rem3A_252 = arith.remsi %add3A_234, %rem3A : vector<16xi32>
        %ne3A_253 = arith.constant 0 : i32
        %ne3A_254 = vector.broadcast %ne3A_253 : i32 to vector<16xi32>
        %ne3A_255 = arith.cmpi ne, %rem3A_252, %ne3A_254 : vector<16xi32>
        %and3A = arith.andi %ne3A_251, %ne3A_255 : vector<16xi1>
        %sub3A = arith.constant 1 : i32
        %sub3A_256 = vector.broadcast %sub3A : i32 to vector<16xi32>
        %sub3A_257 = arith.subi %div3A_235, %sub3A_256 : vector<16xi32>
        %select_n3A = arith.select %and3A, %sub3A_257, %div3A_235 : vector<16xi1>, vector<16xi32>
        %mul3A_258 = vector.broadcast %scan3A_54 : i32 to vector<16xi32>
        %mul3A_259 = arith.muli %select_n3A, %mul3A_258 : vector<16xi32>
        %sub3A_260 = arith.subi %add3A_234, %mul3A_259 : vector<16xi32>
        %gather3A = tpu.vector_load_idx %arg11[%add3A_234] : memref<400xf32, #tpu.memory_space<vmem>>[vector<16xi32>], vector<16xf32>,
        %broadcast_in_dim3A = arith.constant 0 : i32
        %broadcast_in_dim3A_261 = vector.broadcast %broadcast_in_dim3A : i32 to vector<16xi32>
        %gather3A_262 = tpu.vector_load_idx %arg7[%add3A_234, %broadcast_in_dim3A_261] : memref<400x8xi32, #tpu.memory_space<vmem>>[vector<16xi32>, vector<16xi32>], vector<16xi32>,
        %shift_left3A = arith.constant 24 : i32
        %shift_left3A_263 = vector.broadcast %shift_left3A : i32 to vector<16xi32>
        %shift_left3A_264 = arith.shli %gather3A_262, %shift_left3A_263 : vector<16xi32>
        %shift_right_arithmetic3A = arith.constant 24 : i32
        %shift_right_arithmetic3A_265 = vector.broadcast %shift_right_arithmetic3A : i32 to vector<16xi32>
        %shift_right_arithmetic3A_266 = arith.shrsi %shift_left3A_264, %shift_right_arithmetic3A_265 : vector<16xi32>
        %convert_element_type3A_267 = arith.sitofp %shift_right_arithmetic3A_266 : vector<16xi32> to vector<16xf32>
        %mul3A_268 = arith.mulf %convert_element_type3A_267, %gather3A : vector<16xf32>
        %broadcast_in_dim3A_269 = arith.constant 0 : i32
        %broadcast_in_dim3A_270 = vector.broadcast %broadcast_in_dim3A_269 : i32 to vector<16xi32>
        tpu.vector_store_idx %arg15[%select_n3A, %sub3A_260, %broadcast_in_dim3A_270], %mul3A_268 : memref<8x50x32xf32, #tpu.memory_space<vmem>>[vector<16xi32>, vector<16xi32>, vector<16xi32>], vector<16xf32>,
        %shift_left3A_271 = arith.constant 16 : i32
        %shift_left3A_272 = vector.broadcast %shift_left3A_271 : i32 to vector<16xi32>
        %shift_left3A_273 = arith.shli %gather3A_262, %shift_left3A_272 : vector<16xi32>
        %shift_right_arithmetic3A_274 = arith.constant 24 : i32
        %shift_right_arithmetic3A_275 = vector.broadcast %shift_right_arithmetic3A_274 : i32 to vector<16xi32>
        %shift_right_arithmetic3A_276 = arith.shrsi %shift_left3A_273, %shift_right_arithmetic3A_275 : vector<16xi32>
        %convert_element_type3A_277 = arith.sitofp %shift_right_arithmetic3A_276 : vector<16xi32> to vector<16xf32>
        %mul3A_278 = arith.mulf %convert_element_type3A_277, %gather3A : vector<16xf32>
        %broadcast_in_dim3A_279 = arith.constant 1 : i32
        %broadcast_in_dim3A_280 = vector.broadcast %broadcast_in_dim3A_279 : i32 to vector<16xi32>
        tpu.vector_store_idx %arg15[%select_n3A, %sub3A_260, %broadcast_in_dim3A_280], %mul3A_278 : memref<8x50x32xf32, #tpu.memory_space<vmem>>[vector<16xi32>, vector<16xi32>, vector<16xi32>], vector<16xf32>,
        %shift_left3A_281 = arith.constant 8 : i32
        %shift_left3A_282 = vector.broadcast %shift_left3A_281 : i32 to vector<16xi32>
        %shift_left3A_283 = arith.shli %gather3A_262, %shift_left3A_282 : vector<16xi32>
        %shift_right_arithmetic3A_284 = arith.constant 24 : i32
        %shift_right_arithmetic3A_285 = vector.broadcast %shift_right_arithmetic3A_284 : i32 to vector<16xi32>
        %shift_right_arithmetic3A_286 = arith.shrsi %shift_left3A_283, %shift_right_arithmetic3A_285 : vector<16xi32>
        %convert_element_type3A_287 = arith.sitofp %shift_right_arithmetic3A_286 : vector<16xi32> to vector<16xf32>
        %mul3A_288 = arith.mulf %convert_element_type3A_287, %gather3A : vector<16xf32>
        %broadcast_in_dim3A_289 = arith.constant 2 : i32
        %broadcast_in_dim3A_290 = vector.broadcast %broadcast_in_dim3A_289 : i32 to vector<16xi32>
        tpu.vector_store_idx %arg15[%select_n3A, %sub3A_260, %broadcast_in_dim3A_290], %mul3A_288 : memref<8x50x32xf32, #tpu.memory_space<vmem>>[vector<16xi32>, vector<16xi32>, vector<16xi32>], vector<16xf32>,
        %shift_right_arithmetic3A_291 = arith.constant 24 : i32
        %shift_right_arithmetic3A_292 = vector.broadcast %shift_right_arithmetic3A_291 : i32 to vector<16xi32>
        %shift_right_arithmetic3A_293 = arith.shrsi %gather3A_262, %shift_right_arithmetic3A_292 : vector<16xi32>
        %convert_element_type3A_294 = arith.sitofp %shift_right_arithmetic3A_293 : vector<16xi32> to vector<16xf32>
        %mul3A_295 = arith.mulf %convert_element_type3A_294, %gather3A : vector<16xf32>
        %broadcast_in_dim3A_296 = arith.constant 3 : i32
        %broadcast_in_dim3A_297 = vector.broadcast %broadcast_in_dim3A_296 : i32 to vector<16xi32>
        tpu.vector_store_idx %arg15[%select_n3A, %sub3A_260, %broadcast_in_dim3A_297], %mul3A_295 : memref<8x50x32xf32, #tpu.memory_space<vmem>>[vector<16xi32>, vector<16xi32>, vector<16xi32>], vector<16xf32>,
        %broadcast_in_dim3A_298 = arith.constant 1 : i32
        %broadcast_in_dim3A_299 = vector.broadcast %broadcast_in_dim3A_298 : i32 to vector<16xi32>
        %gather3A_300 = tpu.vector_load_idx %arg7[%add3A_234, %broadcast_in_dim3A_299] : memref<400x8xi32, #tpu.memory_space<vmem>>[vector<16xi32>, vector<16xi32>], vector<16xi32>,
        %shift_left3A_301 = arith.constant 24 : i32
        %shift_left3A_302 = vector.broadcast %shift_left3A_301 : i32 to vector<16xi32>
        %shift_left3A_303 = arith.shli %gather3A_300, %shift_left3A_302 : vector<16xi32>
        %shift_right_arithmetic3A_304 = arith.constant 24 : i32
        %shift_right_arithmetic3A_305 = vector.broadcast %shift_right_arithmetic3A_304 : i32 to vector<16xi32>
        %shift_right_arithmetic3A_306 = arith.shrsi %shift_left3A_303, %shift_right_arithmetic3A_305 : vector<16xi32>
        %convert_element_type3A_307 = arith.sitofp %shift_right_arithmetic3A_306 : vector<16xi32> to vector<16xf32>
        %mul3A_308 = arith.mulf %convert_element_type3A_307, %gather3A : vector<16xf32>
        %broadcast_in_dim3A_309 = arith.constant 4 : i32
        %broadcast_in_dim3A_310 = vector.broadcast %broadcast_in_dim3A_309 : i32 to vector<16xi32>
        tpu.vector_store_idx %arg15[%select_n3A, %sub3A_260, %broadcast_in_dim3A_310], %mul3A_308 : memref<8x50x32xf32, #tpu.memory_space<vmem>>[vector<16xi32>, vector<16xi32>, vector<16xi32>], vector<16xf32>,
        %shift_left3A_311 = arith.constant 16 : i32
        %shift_left3A_312 = vector.broadcast %shift_left3A_311 : i32 to vector<16xi32>
        %shift_left3A_313 = arith.shli %gather3A_300, %shift_left3A_312 : vector<16xi32>
        %shift_right_arithmetic3A_314 = arith.constant 24 : i32
        %shift_right_arithmetic3A_315 = vector.broadcast %shift_right_arithmetic3A_314 : i32 to vector<16xi32>
        %shift_right_arithmetic3A_316 = arith.shrsi %shift_left3A_313, %shift_right_arithmetic3A_315 : vector<16xi32>
        %convert_element_type3A_317 = arith.sitofp %shift_right_arithmetic3A_316 : vector<16xi32> to vector<16xf32>
        %mul3A_318 = arith.mulf %convert_element_type3A_317, %gather3A : vector<16xf32>
        %broadcast_in_dim3A_319 = arith.constant 5 : i32
        %broadcast_in_dim3A_320 = vector.broadcast %broadcast_in_dim3A_319 : i32 to vector<16xi32>
        tpu.vector_store_idx %arg15[%select_n3A, %sub3A_260, %broadcast_in_dim3A_320], %mul3A_318 : memref<8x50x32xf32, #tpu.memory_space<vmem>>[vector<16xi32>, vector<16xi32>, vector<16xi32>], vector<16xf32>,
        %shift_left3A_321 = arith.constant 8 : i32
        %shift_left3A_322 = vector.broadcast %shift_left3A_321 : i32 to vector<16xi32>
        %shift_left3A_323 = arith.shli %gather3A_300, %shift_left3A_322 : vector<16xi32>
        %shift_right_arithmetic3A_324 = arith.constant 24 : i32
        %shift_right_arithmetic3A_325 = vector.broadcast %shift_right_arithmetic3A_324 : i32 to vector<16xi32>
        %shift_right_arithmetic3A_326 = arith.shrsi %shift_left3A_323, %shift_right_arithmetic3A_325 : vector<16xi32>
        %convert_element_type3A_327 = arith.sitofp %shift_right_arithmetic3A_326 : vector<16xi32> to vector<16xf32>
        %mul3A_328 = arith.mulf %convert_element_type3A_327, %gather3A : vector<16xf32>
        %broadcast_in_dim3A_329 = arith.constant 6 : i32
        %broadcast_in_dim3A_330 = vector.broadcast %broadcast_in_dim3A_329 : i32 to vector<16xi32>
        tpu.vector_store_idx %arg15[%select_n3A, %sub3A_260, %broadcast_in_dim3A_330], %mul3A_328 : memref<8x50x32xf32, #tpu.memory_space<vmem>>[vector<16xi32>, vector<16xi32>, vector<16xi32>], vector<16xf32>,
        %shift_right_arithmetic3A_331 = arith.constant 24 : i32
        %shift_right_arithmetic3A_332 = vector.broadcast %shift_right_arithmetic3A_331 : i32 to vector<16xi32>
        %shift_right_arithmetic3A_333 = arith.shrsi %gather3A_300, %shift_right_arithmetic3A_332 : vector<16xi32>
        %convert_element_type3A_334 = arith.sitofp %shift_right_arithmetic3A_333 : vector<16xi32> to vector<16xf32>
        %mul3A_335 = arith.mulf %convert_element_type3A_334, %gather3A : vector<16xf32>
        %broadcast_in_dim3A_336 = arith.constant 7 : i32
        %broadcast_in_dim3A_337 = vector.broadcast %broadcast_in_dim3A_336 : i32 to vector<16xi32>
        tpu.vector_store_idx %arg15[%select_n3A, %sub3A_260, %broadcast_in_dim3A_337], %mul3A_335 : memref<8x50x32xf32, #tpu.memory_space<vmem>>[vector<16xi32>, vector<16xi32>, vector<16xi32>], vector<16xf32>,
        %broadcast_in_dim3A_338 = arith.constant 2 : i32
        %broadcast_in_dim3A_339 = vector.broadcast %broadcast_in_dim3A_338 : i32 to vector<16xi32>
        %gather3A_340 = tpu.vector_load_idx %arg7[%add3A_234, %broadcast_in_dim3A_339] : memref<400x8xi32, #tpu.memory_space<vmem>>[vector<16xi32>, vector<16xi32>], vector<16xi32>,
        %shift_left3A_341 = arith.constant 24 : i32
        %shift_left3A_342 = vector.broadcast %shift_left3A_341 : i32 to vector<16xi32>
        %shift_left3A_343 = arith.shli %gather3A_340, %shift_left3A_342 : vector<16xi32>
        %shift_right_arithmetic3A_344 = arith.constant 24 : i32
        %shift_right_arithmetic3A_345 = vector.broadcast %shift_right_arithmetic3A_344 : i32 to vector<16xi32>
        %shift_right_arithmetic3A_346 = arith.shrsi %shift_left3A_343, %shift_right_arithmetic3A_345 : vector<16xi32>
        %convert_element_type3A_347 = arith.sitofp %shift_right_arithmetic3A_346 : vector<16xi32> to vector<16xf32>
        %mul3A_348 = arith.mulf %convert_element_type3A_347, %gather3A : vector<16xf32>
        %broadcast_in_dim3A_349 = arith.constant 8 : i32
        %broadcast_in_dim3A_350 = vector.broadcast %broadcast_in_dim3A_349 : i32 to vector<16xi32>
        tpu.vector_store_idx %arg15[%select_n3A, %sub3A_260, %broadcast_in_dim3A_350], %mul3A_348 : memref<8x50x32xf32, #tpu.memory_space<vmem>>[vector<16xi32>, vector<16xi32>, vector<16xi32>], vector<16xf32>,
        %shift_left3A_351 = arith.constant 16 : i32
        %shift_left3A_352 = vector.broadcast %shift_left3A_351 : i32 to vector<16xi32>
        %shift_left3A_353 = arith.shli %gather3A_340, %shift_left3A_352 : vector<16xi32>
        %shift_right_arithmetic3A_354 = arith.constant 24 : i32
        %shift_right_arithmetic3A_355 = vector.broadcast %shift_right_arithmetic3A_354 : i32 to vector<16xi32>
        %shift_right_arithmetic3A_356 = arith.shrsi %shift_left3A_353, %shift_right_arithmetic3A_355 : vector<16xi32>
        %convert_element_type3A_357 = arith.sitofp %shift_right_arithmetic3A_356 : vector<16xi32> to vector<16xf32>
        %mul3A_358 = arith.mulf %convert_element_type3A_357, %gather3A : vector<16xf32>
        %broadcast_in_dim3A_359 = arith.constant 9 : i32
        %broadcast_in_dim3A_360 = vector.broadcast %broadcast_in_dim3A_359 : i32 to vector<16xi32>
        tpu.vector_store_idx %arg15[%select_n3A, %sub3A_260, %broadcast_in_dim3A_360], %mul3A_358 : memref<8x50x32xf32, #tpu.memory_space<vmem>>[vector<16xi32>, vector<16xi32>, vector<16xi32>], vector<16xf32>,
        %shift_left3A_361 = arith.constant 8 : i32
        %shift_left3A_362 = vector.broadcast %shift_left3A_361 : i32 to vector<16xi32>
        %shift_left3A_363 = arith.shli %gather3A_340, %shift_left3A_362 : vector<16xi32>
        %shift_right_arithmetic3A_364 = arith.constant 24 : i32
        %shift_right_arithmetic3A_365 = vector.broadcast %shift_right_arithmetic3A_364 : i32 to vector<16xi32>
        %shift_right_arithmetic3A_366 = arith.shrsi %shift_left3A_363, %shift_right_arithmetic3A_365 : vector<16xi32>
        %convert_element_type3A_367 = arith.sitofp %shift_right_arithmetic3A_366 : vector<16xi32> to vector<16xf32>
        %mul3A_368 = arith.mulf %convert_element_type3A_367, %gather3A : vector<16xf32>
        %broadcast_in_dim3A_369 = arith.constant 10 : i32
        %broadcast_in_dim3A_370 = vector.broadcast %broadcast_in_dim3A_369 : i32 to vector<16xi32>
        tpu.vector_store_idx %arg15[%select_n3A, %sub3A_260, %broadcast_in_dim3A_370], %mul3A_368 : memref<8x50x32xf32, #tpu.memory_space<vmem>>[vector<16xi32>, vector<16xi32>, vector<16xi32>], vector<16xf32>,
        %shift_right_arithmetic3A_371 = arith.constant 24 : i32
        %shift_right_arithmetic3A_372 = vector.broadcast %shift_right_arithmetic3A_371 : i32 to vector<16xi32>
        %shift_right_arithmetic3A_373 = arith.shrsi %gather3A_340, %shift_right_arithmetic3A_372 : vector<16xi32>
        %convert_element_type3A_374 = arith.sitofp %shift_right_arithmetic3A_373 : vector<16xi32> to vector<16xf32>
        %mul3A_375 = arith.mulf %convert_element_type3A_374, %gather3A : vector<16xf32>
        %broadcast_in_dim3A_376 = arith.constant 11 : i32
        %broadcast_in_dim3A_377 = vector.broadcast %broadcast_in_dim3A_376 : i32 to vector<16xi32>
        tpu.vector_store_idx %arg15[%select_n3A, %sub3A_260, %broadcast_in_dim3A_377], %mul3A_375 : memref<8x50x32xf32, #tpu.memory_space<vmem>>[vector<16xi32>, vector<16xi32>, vector<16xi32>], vector<16xf32>,
        %broadcast_in_dim3A_378 = arith.constant 3 : i32
        %broadcast_in_dim3A_379 = vector.broadcast %broadcast_in_dim3A_378 : i32 to vector<16xi32>
        %gather3A_380 = tpu.vector_load_idx %arg7[%add3A_234, %broadcast_in_dim3A_379] : memref<400x8xi32, #tpu.memory_space<vmem>>[vector<16xi32>, vector<16xi32>], vector<16xi32>,
        %shift_left3A_381 = arith.constant 24 : i32
        %shift_left3A_382 = vector.broadcast %shift_left3A_381 : i32 to vector<16xi32>
        %shift_left3A_383 = arith.shli %gather3A_380, %shift_left3A_382 : vector<16xi32>
        %shift_right_arithmetic3A_384 = arith.constant 24 : i32
        %shift_right_arithmetic3A_385 = vector.broadcast %shift_right_arithmetic3A_384 : i32 to vector<16xi32>
        %shift_right_arithmetic3A_386 = arith.shrsi %shift_left3A_383, %shift_right_arithmetic3A_385 : vector<16xi32>
        %convert_element_type3A_387 = arith.sitofp %shift_right_arithmetic3A_386 : vector<16xi32> to vector<16xf32>
        %mul3A_388 = arith.mulf %convert_element_type3A_387, %gather3A : vector<16xf32>
        %broadcast_in_dim3A_389 = arith.constant 12 : i32
        %broadcast_in_dim3A_390 = vector.broadcast %broadcast_in_dim3A_389 : i32 to vector<16xi32>
        tpu.vector_store_idx %arg15[%select_n3A, %sub3A_260, %broadcast_in_dim3A_390], %mul3A_388 : memref<8x50x32xf32, #tpu.memory_space<vmem>>[vector<16xi32>, vector<16xi32>, vector<16xi32>], vector<16xf32>,
        %shift_left3A_391 = arith.constant 16 : i32
        %shift_left3A_392 = vector.broadcast %shift_left3A_391 : i32 to vector<16xi32>
        %shift_left3A_393 = arith.shli %gather3A_380, %shift_left3A_392 : vector<16xi32>
        %shift_right_arithmetic3A_394 = arith.constant 24 : i32
        %shift_right_arithmetic3A_395 = vector.broadcast %shift_right_arithmetic3A_394 : i32 to vector<16xi32>
        %shift_right_arithmetic3A_396 = arith.shrsi %shift_left3A_393, %shift_right_arithmetic3A_395 : vector<16xi32>
        %convert_element_type3A_397 = arith.sitofp %shift_right_arithmetic3A_396 : vector<16xi32> to vector<16xf32>
        %mul3A_398 = arith.mulf %convert_element_type3A_397, %gather3A : vector<16xf32>
        %broadcast_in_dim3A_399 = arith.constant 13 : i32
        %broadcast_in_dim3A_400 = vector.broadcast %broadcast_in_dim3A_399 : i32 to vector<16xi32>
        tpu.vector_store_idx %arg15[%select_n3A, %sub3A_260, %broadcast_in_dim3A_400], %mul3A_398 : memref<8x50x32xf32, #tpu.memory_space<vmem>>[vector<16xi32>, vector<16xi32>, vector<16xi32>], vector<16xf32>,
        %shift_left3A_401 = arith.constant 8 : i32
        %shift_left3A_402 = vector.broadcast %shift_left3A_401 : i32 to vector<16xi32>
        %shift_left3A_403 = arith.shli %gather3A_380, %shift_left3A_402 : vector<16xi32>
        %shift_right_arithmetic3A_404 = arith.constant 24 : i32
        %shift_right_arithmetic3A_405 = vector.broadcast %shift_right_arithmetic3A_404 : i32 to vector<16xi32>
        %shift_right_arithmetic3A_406 = arith.shrsi %shift_left3A_403, %shift_right_arithmetic3A_405 : vector<16xi32>
        %convert_element_type3A_407 = arith.sitofp %shift_right_arithmetic3A_406 : vector<16xi32> to vector<16xf32>
        %mul3A_408 = arith.mulf %convert_element_type3A_407, %gather3A : vector<16xf32>
        %broadcast_in_dim3A_409 = arith.constant 14 : i32
        %broadcast_in_dim3A_410 = vector.broadcast %broadcast_in_dim3A_409 : i32 to vector<16xi32>
        tpu.vector_store_idx %arg15[%select_n3A, %sub3A_260, %broadcast_in_dim3A_410], %mul3A_408 : memref<8x50x32xf32, #tpu.memory_space<vmem>>[vector<16xi32>, vector<16xi32>, vector<16xi32>], vector<16xf32>,
        %shift_right_arithmetic3A_411 = arith.constant 24 : i32
        %shift_right_arithmetic3A_412 = vector.broadcast %shift_right_arithmetic3A_411 : i32 to vector<16xi32>
        %shift_right_arithmetic3A_413 = arith.shrsi %gather3A_380, %shift_right_arithmetic3A_412 : vector<16xi32>
        %convert_element_type3A_414 = arith.sitofp %shift_right_arithmetic3A_413 : vector<16xi32> to vector<16xf32>
        %mul3A_415 = arith.mulf %convert_element_type3A_414, %gather3A : vector<16xf32>
        %broadcast_in_dim3A_416 = arith.constant 15 : i32
        %broadcast_in_dim3A_417 = vector.broadcast %broadcast_in_dim3A_416 : i32 to vector<16xi32>
        tpu.vector_store_idx %arg15[%select_n3A, %sub3A_260, %broadcast_in_dim3A_417], %mul3A_415 : memref<8x50x32xf32, #tpu.memory_space<vmem>>[vector<16xi32>, vector<16xi32>, vector<16xi32>], vector<16xf32>,
        %broadcast_in_dim3A_418 = arith.constant 4 : i32
        %broadcast_in_dim3A_419 = vector.broadcast %broadcast_in_dim3A_418 : i32 to vector<16xi32>
        %gather3A_420 = tpu.vector_load_idx %arg7[%add3A_234, %broadcast_in_dim3A_419] : memref<400x8xi32, #tpu.memory_space<vmem>>[vector<16xi32>, vector<16xi32>], vector<16xi32>,
        %shift_left3A_421 = arith.constant 24 : i32
        %shift_left3A_422 = vector.broadcast %shift_left3A_421 : i32 to vector<16xi32>
        %shift_left3A_423 = arith.shli %gather3A_420, %shift_left3A_422 : vector<16xi32>
        %shift_right_arithmetic3A_424 = arith.constant 24 : i32
        %shift_right_arithmetic3A_425 = vector.broadcast %shift_right_arithmetic3A_424 : i32 to vector<16xi32>
        %shift_right_arithmetic3A_426 = arith.shrsi %shift_left3A_423, %shift_right_arithmetic3A_425 : vector<16xi32>
        %convert_element_type3A_427 = arith.sitofp %shift_right_arithmetic3A_426 : vector<16xi32> to vector<16xf32>
        %mul3A_428 = arith.mulf %convert_element_type3A_427, %gather3A : vector<16xf32>
        %broadcast_in_dim3A_429 = arith.constant 16 : i32
        %broadcast_in_dim3A_430 = vector.broadcast %broadcast_in_dim3A_429 : i32 to vector<16xi32>
        tpu.vector_store_idx %arg15[%select_n3A, %sub3A_260, %broadcast_in_dim3A_430], %mul3A_428 : memref<8x50x32xf32, #tpu.memory_space<vmem>>[vector<16xi32>, vector<16xi32>, vector<16xi32>], vector<16xf32>,
        %shift_left3A_431 = arith.constant 16 : i32
        %shift_left3A_432 = vector.broadcast %shift_left3A_431 : i32 to vector<16xi32>
        %shift_left3A_433 = arith.shli %gather3A_420, %shift_left3A_432 : vector<16xi32>
        %shift_right_arithmetic3A_434 = arith.constant 24 : i32
        %shift_right_arithmetic3A_435 = vector.broadcast %shift_right_arithmetic3A_434 : i32 to vector<16xi32>
        %shift_right_arithmetic3A_436 = arith.shrsi %shift_left3A_433, %shift_right_arithmetic3A_435 : vector<16xi32>
        %convert_element_type3A_437 = arith.sitofp %shift_right_arithmetic3A_436 : vector<16xi32> to vector<16xf32>
        %mul3A_438 = arith.mulf %convert_element_type3A_437, %gather3A : vector<16xf32>
        %broadcast_in_dim3A_439 = arith.constant 17 : i32
        %broadcast_in_dim3A_440 = vector.broadcast %broadcast_in_dim3A_439 : i32 to vector<16xi32>
        tpu.vector_store_idx %arg15[%select_n3A, %sub3A_260, %broadcast_in_dim3A_440], %mul3A_438 : memref<8x50x32xf32, #tpu.memory_space<vmem>>[vector<16xi32>, vector<16xi32>, vector<16xi32>], vector<16xf32>,
        %shift_left3A_441 = arith.constant 8 : i32
        %shift_left3A_442 = vector.broadcast %shift_left3A_441 : i32 to vector<16xi32>
        %shift_left3A_443 = arith.shli %gather3A_420, %shift_left3A_442 : vector<16xi32>
        %shift_right_arithmetic3A_444 = arith.constant 24 : i32
        %shift_right_arithmetic3A_445 = vector.broadcast %shift_right_arithmetic3A_444 : i32 to vector<16xi32>
        %shift_right_arithmetic3A_446 = arith.shrsi %shift_left3A_443, %shift_right_arithmetic3A_445 : vector<16xi32>
        %convert_element_type3A_447 = arith.sitofp %shift_right_arithmetic3A_446 : vector<16xi32> to vector<16xf32>
        %mul3A_448 = arith.mulf %convert_element_type3A_447, %gather3A : vector<16xf32>
        %broadcast_in_dim3A_449 = arith.constant 18 : i32
        %broadcast_in_dim3A_450 = vector.broadcast %broadcast_in_dim3A_449 : i32 to vector<16xi32>
        tpu.vector_store_idx %arg15[%select_n3A, %sub3A_260, %broadcast_in_dim3A_450], %mul3A_448 : memref<8x50x32xf32, #tpu.memory_space<vmem>>[vector<16xi32>, vector<16xi32>, vector<16xi32>], vector<16xf32>,
        %shift_right_arithmetic3A_451 = arith.constant 24 : i32
        %shift_right_arithmetic3A_452 = vector.broadcast %shift_right_arithmetic3A_451 : i32 to vector<16xi32>
        %shift_right_arithmetic3A_453 = arith.shrsi %gather3A_420, %shift_right_arithmetic3A_452 : vector<16xi32>
        %convert_element_type3A_454 = arith.sitofp %shift_right_arithmetic3A_453 : vector<16xi32> to vector<16xf32>
        %mul3A_455 = arith.mulf %convert_element_type3A_454, %gather3A : vector<16xf32>
        %broadcast_in_dim3A_456 = arith.constant 19 : i32
        %broadcast_in_dim3A_457 = vector.broadcast %broadcast_in_dim3A_456 : i32 to vector<16xi32>
        tpu.vector_store_idx %arg15[%select_n3A, %sub3A_260, %broadcast_in_dim3A_457], %mul3A_455 : memref<8x50x32xf32, #tpu.memory_space<vmem>>[vector<16xi32>, vector<16xi32>, vector<16xi32>], vector<16xf32>,
        %broadcast_in_dim3A_458 = arith.constant 5 : i32
        %broadcast_in_dim3A_459 = vector.broadcast %broadcast_in_dim3A_458 : i32 to vector<16xi32>
        %gather3A_460 = tpu.vector_load_idx %arg7[%add3A_234, %broadcast_in_dim3A_459] : memref<400x8xi32, #tpu.memory_space<vmem>>[vector<16xi32>, vector<16xi32>], vector<16xi32>,
        %shift_left3A_461 = arith.constant 24 : i32
        %shift_left3A_462 = vector.broadcast %shift_left3A_461 : i32 to vector<16xi32>
        %shift_left3A_463 = arith.shli %gather3A_460, %shift_left3A_462 : vector<16xi32>
        %shift_right_arithmetic3A_464 = arith.constant 24 : i32
        %shift_right_arithmetic3A_465 = vector.broadcast %shift_right_arithmetic3A_464 : i32 to vector<16xi32>
        %shift_right_arithmetic3A_466 = arith.shrsi %shift_left3A_463, %shift_right_arithmetic3A_465 : vector<16xi32>
        %convert_element_type3A_467 = arith.sitofp %shift_right_arithmetic3A_466 : vector<16xi32> to vector<16xf32>
        %mul3A_468 = arith.mulf %convert_element_type3A_467, %gather3A : vector<16xf32>
        %broadcast_in_dim3A_469 = arith.constant 20 : i32
        %broadcast_in_dim3A_470 = vector.broadcast %broadcast_in_dim3A_469 : i32 to vector<16xi32>
        tpu.vector_store_idx %arg15[%select_n3A, %sub3A_260, %broadcast_in_dim3A_470], %mul3A_468 : memref<8x50x32xf32, #tpu.memory_space<vmem>>[vector<16xi32>, vector<16xi32>, vector<16xi32>], vector<16xf32>,
        %shift_left3A_471 = arith.constant 16 : i32
        %shift_left3A_472 = vector.broadcast %shift_left3A_471 : i32 to vector<16xi32>
        %shift_left3A_473 = arith.shli %gather3A_460, %shift_left3A_472 : vector<16xi32>
        %shift_right_arithmetic3A_474 = arith.constant 24 : i32
        %shift_right_arithmetic3A_475 = vector.broadcast %shift_right_arithmetic3A_474 : i32 to vector<16xi32>
        %shift_right_arithmetic3A_476 = arith.shrsi %shift_left3A_473, %shift_right_arithmetic3A_475 : vector<16xi32>
        %convert_element_type3A_477 = arith.sitofp %shift_right_arithmetic3A_476 : vector<16xi32> to vector<16xf32>
        %mul3A_478 = arith.mulf %convert_element_type3A_477, %gather3A : vector<16xf32>
        %broadcast_in_dim3A_479 = arith.constant 21 : i32
        %broadcast_in_dim3A_480 = vector.broadcast %broadcast_in_dim3A_479 : i32 to vector<16xi32>
        tpu.vector_store_idx %arg15[%select_n3A, %sub3A_260, %broadcast_in_dim3A_480], %mul3A_478 : memref<8x50x32xf32, #tpu.memory_space<vmem>>[vector<16xi32>, vector<16xi32>, vector<16xi32>], vector<16xf32>,
        %shift_left3A_481 = arith.constant 8 : i32
        %shift_left3A_482 = vector.broadcast %shift_left3A_481 : i32 to vector<16xi32>
        %shift_left3A_483 = arith.shli %gather3A_460, %shift_left3A_482 : vector<16xi32>
        %shift_right_arithmetic3A_484 = arith.constant 24 : i32
        %shift_right_arithmetic3A_485 = vector.broadcast %shift_right_arithmetic3A_484 : i32 to vector<16xi32>
        %shift_right_arithmetic3A_486 = arith.shrsi %shift_left3A_483, %shift_right_arithmetic3A_485 : vector<16xi32>
        %convert_element_type3A_487 = arith.sitofp %shift_right_arithmetic3A_486 : vector<16xi32> to vector<16xf32>
        %mul3A_488 = arith.mulf %convert_element_type3A_487, %gather3A : vector<16xf32>
        %broadcast_in_dim3A_489 = arith.constant 22 : i32
        %broadcast_in_dim3A_490 = vector.broadcast %broadcast_in_dim3A_489 : i32 to vector<16xi32>
        tpu.vector_store_idx %arg15[%select_n3A, %sub3A_260, %broadcast_in_dim3A_490], %mul3A_488 : memref<8x50x32xf32, #tpu.memory_space<vmem>>[vector<16xi32>, vector<16xi32>, vector<16xi32>], vector<16xf32>,
        %shift_right_arithmetic3A_491 = arith.constant 24 : i32
        %shift_right_arithmetic3A_492 = vector.broadcast %shift_right_arithmetic3A_491 : i32 to vector<16xi32>
        %shift_right_arithmetic3A_493 = arith.shrsi %gather3A_460, %shift_right_arithmetic3A_492 : vector<16xi32>
        %convert_element_type3A_494 = arith.sitofp %shift_right_arithmetic3A_493 : vector<16xi32> to vector<16xf32>
        %mul3A_495 = arith.mulf %convert_element_type3A_494, %gather3A : vector<16xf32>
        %broadcast_in_dim3A_496 = arith.constant 23 : i32
        %broadcast_in_dim3A_497 = vector.broadcast %broadcast_in_dim3A_496 : i32 to vector<16xi32>
        tpu.vector_store_idx %arg15[%select_n3A, %sub3A_260, %broadcast_in_dim3A_497], %mul3A_495 : memref<8x50x32xf32, #tpu.memory_space<vmem>>[vector<16xi32>, vector<16xi32>, vector<16xi32>], vector<16xf32>,
        %broadcast_in_dim3A_498 = arith.constant 6 : i32
        %broadcast_in_dim3A_499 = vector.broadcast %broadcast_in_dim3A_498 : i32 to vector<16xi32>
        %gather3A_500 = tpu.vector_load_idx %arg7[%add3A_234, %broadcast_in_dim3A_499] : memref<400x8xi32, #tpu.memory_space<vmem>>[vector<16xi32>, vector<16xi32>], vector<16xi32>,
        %shift_left3A_501 = arith.constant 24 : i32
        %shift_left3A_502 = vector.broadcast %shift_left3A_501 : i32 to vector<16xi32>
        %shift_left3A_503 = arith.shli %gather3A_500, %shift_left3A_502 : vector<16xi32>
        %shift_right_arithmetic3A_504 = arith.constant 24 : i32
        %shift_right_arithmetic3A_505 = vector.broadcast %shift_right_arithmetic3A_504 : i32 to vector<16xi32>
        %shift_right_arithmetic3A_506 = arith.shrsi %shift_left3A_503, %shift_right_arithmetic3A_505 : vector<16xi32>
        %convert_element_type3A_507 = arith.sitofp %shift_right_arithmetic3A_506 : vector<16xi32> to vector<16xf32>
        %mul3A_508 = arith.mulf %convert_element_type3A_507, %gather3A : vector<16xf32>
        %broadcast_in_dim3A_509 = arith.constant 24 : i32
        %broadcast_in_dim3A_510 = vector.broadcast %broadcast_in_dim3A_509 : i32 to vector<16xi32>
        tpu.vector_store_idx %arg15[%select_n3A, %sub3A_260, %broadcast_in_dim3A_510], %mul3A_508 : memref<8x50x32xf32, #tpu.memory_space<vmem>>[vector<16xi32>, vector<16xi32>, vector<16xi32>], vector<16xf32>,
        %shift_left3A_511 = arith.constant 16 : i32
        %shift_left3A_512 = vector.broadcast %shift_left3A_511 : i32 to vector<16xi32>
        %shift_left3A_513 = arith.shli %gather3A_500, %shift_left3A_512 : vector<16xi32>
        %shift_right_arithmetic3A_514 = arith.constant 24 : i32
        %shift_right_arithmetic3A_515 = vector.broadcast %shift_right_arithmetic3A_514 : i32 to vector<16xi32>
        %shift_right_arithmetic3A_516 = arith.shrsi %shift_left3A_513, %shift_right_arithmetic3A_515 : vector<16xi32>
        %convert_element_type3A_517 = arith.sitofp %shift_right_arithmetic3A_516 : vector<16xi32> to vector<16xf32>
        %mul3A_518 = arith.mulf %convert_element_type3A_517, %gather3A : vector<16xf32>
        %broadcast_in_dim3A_519 = arith.constant 25 : i32
        %broadcast_in_dim3A_520 = vector.broadcast %broadcast_in_dim3A_519 : i32 to vector<16xi32>
        tpu.vector_store_idx %arg15[%select_n3A, %sub3A_260, %broadcast_in_dim3A_520], %mul3A_518 : memref<8x50x32xf32, #tpu.memory_space<vmem>>[vector<16xi32>, vector<16xi32>, vector<16xi32>], vector<16xf32>,
        %shift_left3A_521 = arith.constant 8 : i32
        %shift_left3A_522 = vector.broadcast %shift_left3A_521 : i32 to vector<16xi32>
        %shift_left3A_523 = arith.shli %gather3A_500, %shift_left3A_522 : vector<16xi32>
        %shift_right_arithmetic3A_524 = arith.constant 24 : i32
        %shift_right_arithmetic3A_525 = vector.broadcast %shift_right_arithmetic3A_524 : i32 to vector<16xi32>
        %shift_right_arithmetic3A_526 = arith.shrsi %shift_left3A_523, %shift_right_arithmetic3A_525 : vector<16xi32>
        %convert_element_type3A_527 = arith.sitofp %shift_right_arithmetic3A_526 : vector<16xi32> to vector<16xf32>
        %mul3A_528 = arith.mulf %convert_element_type3A_527, %gather3A : vector<16xf32>
        %broadcast_in_dim3A_529 = arith.constant 26 : i32
        %broadcast_in_dim3A_530 = vector.broadcast %broadcast_in_dim3A_529 : i32 to vector<16xi32>
        tpu.vector_store_idx %arg15[%select_n3A, %sub3A_260, %broadcast_in_dim3A_530], %mul3A_528 : memref<8x50x32xf32, #tpu.memory_space<vmem>>[vector<16xi32>, vector<16xi32>, vector<16xi32>], vector<16xf32>,
        %shift_right_arithmetic3A_531 = arith.constant 24 : i32
        %shift_right_arithmetic3A_532 = vector.broadcast %shift_right_arithmetic3A_531 : i32 to vector<16xi32>
        %shift_right_arithmetic3A_533 = arith.shrsi %gather3A_500, %shift_right_arithmetic3A_532 : vector<16xi32>
        %convert_element_type3A_534 = arith.sitofp %shift_right_arithmetic3A_533 : vector<16xi32> to vector<16xf32>
        %mul3A_535 = arith.mulf %convert_element_type3A_534, %gather3A : vector<16xf32>
        %broadcast_in_dim3A_536 = arith.constant 27 : i32
        %broadcast_in_dim3A_537 = vector.broadcast %broadcast_in_dim3A_536 : i32 to vector<16xi32>
        tpu.vector_store_idx %arg15[%select_n3A, %sub3A_260, %broadcast_in_dim3A_537], %mul3A_535 : memref<8x50x32xf32, #tpu.memory_space<vmem>>[vector<16xi32>, vector<16xi32>, vector<16xi32>], vector<16xf32>,
        %broadcast_in_dim3A_538 = arith.constant 7 : i32
        %broadcast_in_dim3A_539 = vector.broadcast %broadcast_in_dim3A_538 : i32 to vector<16xi32>
        %gather3A_540 = tpu.vector_load_idx %arg7[%add3A_234, %broadcast_in_dim3A_539] : memref<400x8xi32, #tpu.memory_space<vmem>>[vector<16xi32>, vector<16xi32>], vector<16xi32>,
        %shift_left3A_541 = arith.constant 24 : i32
        %shift_left3A_542 = vector.broadcast %shift_left3A_541 : i32 to vector<16xi32>
        %shift_left3A_543 = arith.shli %gather3A_540, %shift_left3A_542 : vector<16xi32>
        %shift_right_arithmetic3A_544 = arith.constant 24 : i32
        %shift_right_arithmetic3A_545 = vector.broadcast %shift_right_arithmetic3A_544 : i32 to vector<16xi32>
        %shift_right_arithmetic3A_546 = arith.shrsi %shift_left3A_543, %shift_right_arithmetic3A_545 : vector<16xi32>
        %convert_element_type3A_547 = arith.sitofp %shift_right_arithmetic3A_546 : vector<16xi32> to vector<16xf32>
        %mul3A_548 = arith.mulf %convert_element_type3A_547, %gather3A : vector<16xf32>
        %broadcast_in_dim3A_549 = arith.constant 28 : i32
        %broadcast_in_dim3A_550 = vector.broadcast %broadcast_in_dim3A_549 : i32 to vector<16xi32>
        tpu.vector_store_idx %arg15[%select_n3A, %sub3A_260, %broadcast_in_dim3A_550], %mul3A_548 : memref<8x50x32xf32, #tpu.memory_space<vmem>>[vector<16xi32>, vector<16xi32>, vector<16xi32>], vector<16xf32>,
        %shift_left3A_551 = arith.constant 16 : i32
        %shift_left3A_552 = vector.broadcast %shift_left3A_551 : i32 to vector<16xi32>
        %shift_left3A_553 = arith.shli %gather3A_540, %shift_left3A_552 : vector<16xi32>
        %shift_right_arithmetic3A_554 = arith.constant 24 : i32
        %shift_right_arithmetic3A_555 = vector.broadcast %shift_right_arithmetic3A_554 : i32 to vector<16xi32>
        %shift_right_arithmetic3A_556 = arith.shrsi %shift_left3A_553, %shift_right_arithmetic3A_555 : vector<16xi32>
        %convert_element_type3A_557 = arith.sitofp %shift_right_arithmetic3A_556 : vector<16xi32> to vector<16xf32>
        %mul3A_558 = arith.mulf %convert_element_type3A_557, %gather3A : vector<16xf32>
        %broadcast_in_dim3A_559 = arith.constant 29 : i32
        %broadcast_in_dim3A_560 = vector.broadcast %broadcast_in_dim3A_559 : i32 to vector<16xi32>
        tpu.vector_store_idx %arg15[%select_n3A, %sub3A_260, %broadcast_in_dim3A_560], %mul3A_558 : memref<8x50x32xf32, #tpu.memory_space<vmem>>[vector<16xi32>, vector<16xi32>, vector<16xi32>], vector<16xf32>,
        %shift_left3A_561 = arith.constant 8 : i32
        %shift_left3A_562 = vector.broadcast %shift_left3A_561 : i32 to vector<16xi32>
        %shift_left3A_563 = arith.shli %gather3A_540, %shift_left3A_562 : vector<16xi32>
        %shift_right_arithmetic3A_564 = arith.constant 24 : i32
        %shift_right_arithmetic3A_565 = vector.broadcast %shift_right_arithmetic3A_564 : i32 to vector<16xi32>
        %shift_right_arithmetic3A_566 = arith.shrsi %shift_left3A_563, %shift_right_arithmetic3A_565 : vector<16xi32>
        %convert_element_type3A_567 = arith.sitofp %shift_right_arithmetic3A_566 : vector<16xi32> to vector<16xf32>
        %mul3A_568 = arith.mulf %convert_element_type3A_567, %gather3A : vector<16xf32>
        %broadcast_in_dim3A_569 = arith.constant 30 : i32
        %broadcast_in_dim3A_570 = vector.broadcast %broadcast_in_dim3A_569 : i32 to vector<16xi32>
        tpu.vector_store_idx %arg15[%select_n3A, %sub3A_260, %broadcast_in_dim3A_570], %mul3A_568 : memref<8x50x32xf32, #tpu.memory_space<vmem>>[vector<16xi32>, vector<16xi32>, vector<16xi32>], vector<16xf32>,
        %shift_right_arithmetic3A_571 = arith.constant 24 : i32
        %shift_right_arithmetic3A_572 = vector.broadcast %shift_right_arithmetic3A_571 : i32 to vector<16xi32>
        %shift_right_arithmetic3A_573 = arith.shrsi %gather3A_540, %shift_right_arithmetic3A_572 : vector<16xi32>
        %convert_element_type3A_574 = arith.sitofp %shift_right_arithmetic3A_573 : vector<16xi32> to vector<16xf32>
        %mul3A_575 = arith.mulf %convert_element_type3A_574, %gather3A : vector<16xf32>
        %broadcast_in_dim3A_576 = arith.constant 31 : i32
        %broadcast_in_dim3A_577 = vector.broadcast %broadcast_in_dim3A_576 : i32 to vector<16xi32>
        tpu.vector_store_idx %arg15[%select_n3A, %sub3A_260, %broadcast_in_dim3A_577], %mul3A_575 : memref<8x50x32xf32, #tpu.memory_space<vmem>>[vector<16xi32>, vector<16xi32>, vector<16xi32>], vector<16xf32>,
      }
      %scan3A_94 = arith.constant 25 : i32
      %mul3A_95 = arith.constant 8 : i32
      %mul3A_96 = arith.muli %add3A_75, %mul3A_95 : i32
      %add3A_97 = arith.addi %mul3A_2, %mul3A_96 : i32
      %dma_start3A_98 = arith.constant 0 : i32
      %dma_start3A_99 = arith.constant 0 : i32
      %dma_start3A_100 = tpu.memref_slice %arg5[%add3A_97, %dma_start3A_98, %dma_start3A_99] : memref<4096x50x32xf32, #tpu.memory_space<hbm>> -> memref<8x50x32xf32, #tpu.memory_space<hbm>>
      %dma_start3A_101 = arith.constant 0 : i32
      %dma_start3A_102 = arith.constant 0 : i32
      %dma_start3A_103 = tpu.memref_slice %arg5[%add3A_97, %dma_start3A_101, %dma_start3A_102] : memref<4096x50x32xf32, #tpu.memory_space<hbm>> -> memref<8x50x32xf32, #tpu.memory_space<hbm>>
      tpu.enqueue_dma source(%arg15 : memref<8x50x32xf32, #tpu.memory_space<vmem>>) target(%dma_start3A_103 : memref<8x50x32xf32, #tpu.memory_space<hbm>>) target_semaphore(%arg25 : memref<!tpu.dma_semaphore, #tpu.memory_space<semaphore_mem>>)
      %lt3A = arith.constant 3 : i32
      %lt3A_104 = arith.cmpi slt, %scan3A_71, %lt3A : i32
      %convert_element_type3A_105 = arith.extui %lt3A_104 : i1 to i32
      %cond3A_106 = arith.constant 0 : i32
      %cond3A_107 = arith.cmpi ne, %convert_element_type3A_105, %cond3A_106 : i32
      scf.if %cond3A_107 {
        %add3A_230 = arith.constant 4 : i32
        %add3A_231 = arith.addi %add3A_75, %add3A_230 : i32
        %dma_start3A_232 = arith.constant 0 : i32
        %dma_start3A_233 = tpu.memref_slice %arg6[%add3A_231, %dma_start3A_232] : memref<16x400xi32, #tpu.memory_space<vmem>> -> memref<1x400xi32, #tpu.memory_space<vmem>>
        %dma_start3A_234 = tpu.memref_squeeze %dma_start3A_233 : memref<1x400xi32, #tpu.memory_space<vmem>> -> memref<400xi32, #tpu.memory_space<vmem>>
        %dma_start3A_235 = arith.constant 0 : i32
        %dma_start3A_236 = arith.constant 0 : i32
        %dma_start3A_237 = tpu.memref_slice %arg3[%dma_start3A_235, %dma_start3A_236] : memref<1000000x8xi32, #tpu.memory_space<hbm>> -> memref<1000000x8xi32, #tpu.memory_space<hbm>>
        tpu.enqueue_indirect_dma source(%dma_start3A_237 : memref<1000000x8xi32, #tpu.memory_space<hbm>>) target(%arg7 : memref<400x8xi32, #tpu.memory_space<vmem>>) offsets(%dma_start3A_234 : memref<400xi32, #tpu.memory_space<vmem>>) semaphore(%arg17 : memref<!tpu.dma_semaphore, #tpu.memory_space<semaphore_mem>>)
        %dma_start3A_238 = arith.constant 0 : i32
        %dma_start3A_239 = tpu.memref_slice %arg6[%add3A_231, %dma_start3A_238] : memref<16x400xi32, #tpu.memory_space<vmem>> -> memref<1x400xi32, #tpu.memory_space<vmem>>
        %dma_start3A_240 = tpu.memref_squeeze %dma_start3A_239 : memref<1x400xi32, #tpu.memory_space<vmem>> -> memref<400xi32, #tpu.memory_space<vmem>>
        %dma_start3A_241 = arith.constant 0 : i32
        %dma_start3A_242 = tpu.memref_slice %arg4[%dma_start3A_241] : memref<1000000xf32, #tpu.memory_space<hbm>> -> memref<1000000xf32, #tpu.memory_space<hbm>>
        tpu.enqueue_indirect_dma source(%dma_start3A_242 : memref<1000000xf32, #tpu.memory_space<hbm>>) target(%arg11 : memref<400xf32, #tpu.memory_space<vmem>>) offsets(%dma_start3A_240 : memref<400xi32, #tpu.memory_space<vmem>>) semaphore(%arg21 : memref<!tpu.dma_semaphore, #tpu.memory_space<semaphore_mem>>)
      } else {
      }
      %mul3A_108 = arith.constant 4 : i32
      %mul3A_109 = arith.muli %scan3A_71, %mul3A_108 : i32
      %add3A_110 = arith.constant 1 : i32
      %add3A_111 = arith.addi %mul3A_109, %add3A_110 : i32
      %dma_wait3A_112 = arith.constant 0 : i32
      %dma_wait3A_113 = tpu.memref_slice %arg6[%add3A_111, %dma_wait3A_112] : memref<16x400xi32, #tpu.memory_space<vmem>> -> memref<1x400xi32, #tpu.memory_space<vmem>>
      %dma_wait3A_114 = tpu.memref_squeeze %dma_wait3A_113 : memref<1x400xi32, #tpu.memory_space<vmem>> -> memref<400xi32, #tpu.memory_space<vmem>>
      %dma_wait3A_115 = arith.constant 0 : i32
      %dma_wait3A_116 = arith.constant 0 : i32
      %dma_wait3A_117 = tpu.memref_slice %arg3[%dma_wait3A_115, %dma_wait3A_116] : memref<1000000x8xi32, #tpu.memory_space<hbm>> -> memref<1000000x8xi32, #tpu.memory_space<hbm>>
      tpu.wait_indirect_dma semaphore(%arg18 : memref<!tpu.dma_semaphore, #tpu.memory_space<semaphore_mem>>) src(%dma_wait3A_117 : memref<1000000x8xi32, #tpu.memory_space<hbm>>) dst(%arg8 : memref<400x8xi32, #tpu.memory_space<vmem>>)
      %dma_wait3A_118 = arith.constant 0 : i32
      %dma_wait3A_119 = tpu.memref_slice %arg6[%add3A_111, %dma_wait3A_118] : memref<16x400xi32, #tpu.memory_space<vmem>> -> memref<1x400xi32, #tpu.memory_space<vmem>>
      %dma_wait3A_120 = tpu.memref_squeeze %dma_wait3A_119 : memref<1x400xi32, #tpu.memory_space<vmem>> -> memref<400xi32, #tpu.memory_space<vmem>>
      %dma_wait3A_121 = arith.constant 0 : i32
      %dma_wait3A_122 = tpu.memref_slice %arg4[%dma_wait3A_121] : memref<1000000xf32, #tpu.memory_space<hbm>> -> memref<1000000xf32, #tpu.memory_space<hbm>>
      tpu.wait_indirect_dma semaphore(%arg22 : memref<!tpu.dma_semaphore, #tpu.memory_space<semaphore_mem>>) src(%dma_wait3A_122 : memref<1000000xf32, #tpu.memory_space<hbm>>) dst(%arg12 : memref<400xf32, #tpu.memory_space<vmem>>)
      %gt3A_123 = arith.constant 0 : i32
      %gt3A_124 = arith.cmpi sgt, %scan3A_71, %gt3A_123 : i32
      %convert_element_type3A_125 = arith.extui %gt3A_124 : i1 to i32
      %cond3A_126 = arith.constant 0 : i32
      %cond3A_127 = arith.cmpi ne, %convert_element_type3A_125, %cond3A_126 : i32
      scf.if %cond3A_127 {
        %dma_wait3A_230 = arith.constant 0 : i32
        %dma_wait3A_231 = arith.constant 0 : i32
        %dma_wait3A_232 = tpu.memref_slice %arg5[%mul3A_2, %dma_wait3A_230, %dma_wait3A_231] : memref<4096x50x32xf32, #tpu.memory_space<hbm>> -> memref<8x50x32xf32, #tpu.memory_space<hbm>>
        %dma_wait3A_233 = arith.constant 0 : i32
        %dma_wait3A_234 = arith.constant 0 : i32
        %dma_wait3A_235 = tpu.memref_slice %arg5[%mul3A_2, %dma_wait3A_233, %dma_wait3A_234] : memref<4096x50x32xf32, #tpu.memory_space<hbm>> -> memref<8x50x32xf32, #tpu.memory_space<hbm>>
        tpu.wait_dma2 semaphore(%arg26 : memref<!tpu.dma_semaphore, #tpu.memory_space<semaphore_mem>>) src(%arg16 : memref<8x50x32xf32, #tpu.memory_space<vmem>>) dst(%dma_wait3A_235 : memref<8x50x32xf32, #tpu.memory_space<hbm>>)
      } else {
      }
      %scan3A_128 = arith.constant 0 : i32
      %scan3A_129 = arith.constant 0 : i32
      %scan3A_130 = arith.constant 25 : i32
      %scan3A_131 = arith.addi %scan3A_129, %scan3A_130 : i32
      %scan3A_132 = arith.constant 1 : i32
      scf.for %scan3A_230 = %scan3A_129 to %scan3A_131 step %scan3A_132  : i32 {
        %mul3A_231 = arith.constant 16 : i32
        %mul3A_232 = arith.muli %scan3A_230, %mul3A_231 : i32
        %add3A_233 = vector.broadcast %mul3A_232 : i32 to vector<16xi32>
        %add3A_234 = arith.addi %iota3A, %add3A_233 : vector<16xi32>
        %div3A = vector.broadcast %scan3A_54 : i32 to vector<16xi32>
        %div3A_235 = arith.divsi %add3A_234, %div3A : vector<16xi32>
        %sign3A = arith.constant 0 : i32
        %sign3A_236 = vector.broadcast %sign3A : i32 to vector<16xi32>
        %sign3A_237 = arith.cmpi sgt, %add3A_234, %sign3A_236 : vector<16xi32>
        %sign3A_238 = arith.extui %sign3A_237 : vector<16xi1> to vector<16xi32>
        %sign3A_239 = arith.constant 0 : i32
        %sign3A_240 = vector.broadcast %sign3A_239 : i32 to vector<16xi32>
        %sign3A_241 = arith.cmpi slt, %add3A_234, %sign3A_240 : vector<16xi32>
        %sign3A_242 = arith.extui %sign3A_241 : vector<16xi1> to vector<16xi32>
        %sign3A_243 = arith.subi %sign3A_238, %sign3A_242 : vector<16xi32>
        %sign3A_244 = arith.constant 0 : i32
        %sign3A_245 = arith.cmpi sgt, %scan3A_54, %sign3A_244 : i32
        %sign3A_246 = arith.extui %sign3A_245 : i1 to i32
        %sign3A_247 = arith.constant 0 : i32
        %sign3A_248 = arith.cmpi slt, %scan3A_54, %sign3A_247 : i32
        %sign3A_249 = arith.extui %sign3A_248 : i1 to i32
        %sign3A_250 = arith.subi %sign3A_246, %sign3A_249 : i32
        %ne3A = vector.broadcast %sign3A_250 : i32 to vector<16xi32>
        %ne3A_251 = arith.cmpi ne, %sign3A_243, %ne3A : vector<16xi32>
        %rem3A = vector.broadcast %scan3A_54 : i32 to vector<16xi32>
        %rem3A_252 = arith.remsi %add3A_234, %rem3A : vector<16xi32>
        %ne3A_253 = arith.constant 0 : i32
        %ne3A_254 = vector.broadcast %ne3A_253 : i32 to vector<16xi32>
        %ne3A_255 = arith.cmpi ne, %rem3A_252, %ne3A_254 : vector<16xi32>
        %and3A = arith.andi %ne3A_251, %ne3A_255 : vector<16xi1>
        %sub3A = arith.constant 1 : i32
        %sub3A_256 = vector.broadcast %sub3A : i32 to vector<16xi32>
        %sub3A_257 = arith.subi %div3A_235, %sub3A_256 : vector<16xi32>
        %select_n3A = arith.select %and3A, %sub3A_257, %div3A_235 : vector<16xi1>, vector<16xi32>
        %mul3A_258 = vector.broadcast %scan3A_54 : i32 to vector<16xi32>
        %mul3A_259 = arith.muli %select_n3A, %mul3A_258 : vector<16xi32>
        %sub3A_260 = arith.subi %add3A_234, %mul3A_259 : vector<16xi32>
        %gather3A = tpu.vector_load_idx %arg12[%add3A_234] : memref<400xf32, #tpu.memory_space<vmem>>[vector<16xi32>], vector<16xf32>,
        %broadcast_in_dim3A = arith.constant 0 : i32
        %broadcast_in_dim3A_261 = vector.broadcast %broadcast_in_dim3A : i32 to vector<16xi32>
        %gather3A_262 = tpu.vector_load_idx %arg8[%add3A_234, %broadcast_in_dim3A_261] : memref<400x8xi32, #tpu.memory_space<vmem>>[vector<16xi32>, vector<16xi32>], vector<16xi32>,
        %shift_left3A = arith.constant 24 : i32
        %shift_left3A_263 = vector.broadcast %shift_left3A : i32 to vector<16xi32>
        %shift_left3A_264 = arith.shli %gather3A_262, %shift_left3A_263 : vector<16xi32>
        %shift_right_arithmetic3A = arith.constant 24 : i32
        %shift_right_arithmetic3A_265 = vector.broadcast %shift_right_arithmetic3A : i32 to vector<16xi32>
        %shift_right_arithmetic3A_266 = arith.shrsi %shift_left3A_264, %shift_right_arithmetic3A_265 : vector<16xi32>
        %convert_element_type3A_267 = arith.sitofp %shift_right_arithmetic3A_266 : vector<16xi32> to vector<16xf32>
        %mul3A_268 = arith.mulf %convert_element_type3A_267, %gather3A : vector<16xf32>
        %broadcast_in_dim3A_269 = arith.constant 0 : i32
        %broadcast_in_dim3A_270 = vector.broadcast %broadcast_in_dim3A_269 : i32 to vector<16xi32>
        tpu.vector_store_idx %arg16[%select_n3A, %sub3A_260, %broadcast_in_dim3A_270], %mul3A_268 : memref<8x50x32xf32, #tpu.memory_space<vmem>>[vector<16xi32>, vector<16xi32>, vector<16xi32>], vector<16xf32>,
        %shift_left3A_271 = arith.constant 16 : i32
        %shift_left3A_272 = vector.broadcast %shift_left3A_271 : i32 to vector<16xi32>
        %shift_left3A_273 = arith.shli %gather3A_262, %shift_left3A_272 : vector<16xi32>
        %shift_right_arithmetic3A_274 = arith.constant 24 : i32
        %shift_right_arithmetic3A_275 = vector.broadcast %shift_right_arithmetic3A_274 : i32 to vector<16xi32>
        %shift_right_arithmetic3A_276 = arith.shrsi %shift_left3A_273, %shift_right_arithmetic3A_275 : vector<16xi32>
        %convert_element_type3A_277 = arith.sitofp %shift_right_arithmetic3A_276 : vector<16xi32> to vector<16xf32>
        %mul3A_278 = arith.mulf %convert_element_type3A_277, %gather3A : vector<16xf32>
        %broadcast_in_dim3A_279 = arith.constant 1 : i32
        %broadcast_in_dim3A_280 = vector.broadcast %broadcast_in_dim3A_279 : i32 to vector<16xi32>
        tpu.vector_store_idx %arg16[%select_n3A, %sub3A_260, %broadcast_in_dim3A_280], %mul3A_278 : memref<8x50x32xf32, #tpu.memory_space<vmem>>[vector<16xi32>, vector<16xi32>, vector<16xi32>], vector<16xf32>,
        %shift_left3A_281 = arith.constant 8 : i32
        %shift_left3A_282 = vector.broadcast %shift_left3A_281 : i32 to vector<16xi32>
        %shift_left3A_283 = arith.shli %gather3A_262, %shift_left3A_282 : vector<16xi32>
        %shift_right_arithmetic3A_284 = arith.constant 24 : i32
        %shift_right_arithmetic3A_285 = vector.broadcast %shift_right_arithmetic3A_284 : i32 to vector<16xi32>
        %shift_right_arithmetic3A_286 = arith.shrsi %shift_left3A_283, %shift_right_arithmetic3A_285 : vector<16xi32>
        %convert_element_type3A_287 = arith.sitofp %shift_right_arithmetic3A_286 : vector<16xi32> to vector<16xf32>
        %mul3A_288 = arith.mulf %convert_element_type3A_287, %gather3A : vector<16xf32>
        %broadcast_in_dim3A_289 = arith.constant 2 : i32
        %broadcast_in_dim3A_290 = vector.broadcast %broadcast_in_dim3A_289 : i32 to vector<16xi32>
        tpu.vector_store_idx %arg16[%select_n3A, %sub3A_260, %broadcast_in_dim3A_290], %mul3A_288 : memref<8x50x32xf32, #tpu.memory_space<vmem>>[vector<16xi32>, vector<16xi32>, vector<16xi32>], vector<16xf32>,
        %shift_right_arithmetic3A_291 = arith.constant 24 : i32
        %shift_right_arithmetic3A_292 = vector.broadcast %shift_right_arithmetic3A_291 : i32 to vector<16xi32>
        %shift_right_arithmetic3A_293 = arith.shrsi %gather3A_262, %shift_right_arithmetic3A_292 : vector<16xi32>
        %convert_element_type3A_294 = arith.sitofp %shift_right_arithmetic3A_293 : vector<16xi32> to vector<16xf32>
        %mul3A_295 = arith.mulf %convert_element_type3A_294, %gather3A : vector<16xf32>
        %broadcast_in_dim3A_296 = arith.constant 3 : i32
        %broadcast_in_dim3A_297 = vector.broadcast %broadcast_in_dim3A_296 : i32 to vector<16xi32>
        tpu.vector_store_idx %arg16[%select_n3A, %sub3A_260, %broadcast_in_dim3A_297], %mul3A_295 : memref<8x50x32xf32, #tpu.memory_space<vmem>>[vector<16xi32>, vector<16xi32>, vector<16xi32>], vector<16xf32>,
        %broadcast_in_dim3A_298 = arith.constant 1 : i32
        %broadcast_in_dim3A_299 = vector.broadcast %broadcast_in_dim3A_298 : i32 to vector<16xi32>
        %gather3A_300 = tpu.vector_load_idx %arg8[%add3A_234, %broadcast_in_dim3A_299] : memref<400x8xi32, #tpu.memory_space<vmem>>[vector<16xi32>, vector<16xi32>], vector<16xi32>,
        %shift_left3A_301 = arith.constant 24 : i32
        %shift_left3A_302 = vector.broadcast %shift_left3A_301 : i32 to vector<16xi32>
        %shift_left3A_303 = arith.shli %gather3A_300, %shift_left3A_302 : vector<16xi32>
        %shift_right_arithmetic3A_304 = arith.constant 24 : i32
        %shift_right_arithmetic3A_305 = vector.broadcast %shift_right_arithmetic3A_304 : i32 to vector<16xi32>
        %shift_right_arithmetic3A_306 = arith.shrsi %shift_left3A_303, %shift_right_arithmetic3A_305 : vector<16xi32>
        %convert_element_type3A_307 = arith.sitofp %shift_right_arithmetic3A_306 : vector<16xi32> to vector<16xf32>
        %mul3A_308 = arith.mulf %convert_element_type3A_307, %gather3A : vector<16xf32>
        %broadcast_in_dim3A_309 = arith.constant 4 : i32
        %broadcast_in_dim3A_310 = vector.broadcast %broadcast_in_dim3A_309 : i32 to vector<16xi32>
        tpu.vector_store_idx %arg16[%select_n3A, %sub3A_260, %broadcast_in_dim3A_310], %mul3A_308 : memref<8x50x32xf32, #tpu.memory_space<vmem>>[vector<16xi32>, vector<16xi32>, vector<16xi32>], vector<16xf32>,
        %shift_left3A_311 = arith.constant 16 : i32
        %shift_left3A_312 = vector.broadcast %shift_left3A_311 : i32 to vector<16xi32>
        %shift_left3A_313 = arith.shli %gather3A_300, %shift_left3A_312 : vector<16xi32>
        %shift_right_arithmetic3A_314 = arith.constant 24 : i32
        %shift_right_arithmetic3A_315 = vector.broadcast %shift_right_arithmetic3A_314 : i32 to vector<16xi32>
        %shift_right_arithmetic3A_316 = arith.shrsi %shift_left3A_313, %shift_right_arithmetic3A_315 : vector<16xi32>
        %convert_element_type3A_317 = arith.sitofp %shift_right_arithmetic3A_316 : vector<16xi32> to vector<16xf32>
        %mul3A_318 = arith.mulf %convert_element_type3A_317, %gather3A : vector<16xf32>
        %broadcast_in_dim3A_319 = arith.constant 5 : i32
        %broadcast_in_dim3A_320 = vector.broadcast %broadcast_in_dim3A_319 : i32 to vector<16xi32>
        tpu.vector_store_idx %arg16[%select_n3A, %sub3A_260, %broadcast_in_dim3A_320], %mul3A_318 : memref<8x50x32xf32, #tpu.memory_space<vmem>>[vector<16xi32>, vector<16xi32>, vector<16xi32>], vector<16xf32>,
        %shift_left3A_321 = arith.constant 8 : i32
        %shift_left3A_322 = vector.broadcast %shift_left3A_321 : i32 to vector<16xi32>
        %shift_left3A_323 = arith.shli %gather3A_300, %shift_left3A_322 : vector<16xi32>
        %shift_right_arithmetic3A_324 = arith.constant 24 : i32
        %shift_right_arithmetic3A_325 = vector.broadcast %shift_right_arithmetic3A_324 : i32 to vector<16xi32>
        %shift_right_arithmetic3A_326 = arith.shrsi %shift_left3A_323, %shift_right_arithmetic3A_325 : vector<16xi32>
        %convert_element_type3A_327 = arith.sitofp %shift_right_arithmetic3A_326 : vector<16xi32> to vector<16xf32>
        %mul3A_328 = arith.mulf %convert_element_type3A_327, %gather3A : vector<16xf32>
        %broadcast_in_dim3A_329 = arith.constant 6 : i32
        %broadcast_in_dim3A_330 = vector.broadcast %broadcast_in_dim3A_329 : i32 to vector<16xi32>
        tpu.vector_store_idx %arg16[%select_n3A, %sub3A_260, %broadcast_in_dim3A_330], %mul3A_328 : memref<8x50x32xf32, #tpu.memory_space<vmem>>[vector<16xi32>, vector<16xi32>, vector<16xi32>], vector<16xf32>,
        %shift_right_arithmetic3A_331 = arith.constant 24 : i32
        %shift_right_arithmetic3A_332 = vector.broadcast %shift_right_arithmetic3A_331 : i32 to vector<16xi32>
        %shift_right_arithmetic3A_333 = arith.shrsi %gather3A_300, %shift_right_arithmetic3A_332 : vector<16xi32>
        %convert_element_type3A_334 = arith.sitofp %shift_right_arithmetic3A_333 : vector<16xi32> to vector<16xf32>
        %mul3A_335 = arith.mulf %convert_element_type3A_334, %gather3A : vector<16xf32>
        %broadcast_in_dim3A_336 = arith.constant 7 : i32
        %broadcast_in_dim3A_337 = vector.broadcast %broadcast_in_dim3A_336 : i32 to vector<16xi32>
        tpu.vector_store_idx %arg16[%select_n3A, %sub3A_260, %broadcast_in_dim3A_337], %mul3A_335 : memref<8x50x32xf32, #tpu.memory_space<vmem>>[vector<16xi32>, vector<16xi32>, vector<16xi32>], vector<16xf32>,
        %broadcast_in_dim3A_338 = arith.constant 2 : i32
        %broadcast_in_dim3A_339 = vector.broadcast %broadcast_in_dim3A_338 : i32 to vector<16xi32>
        %gather3A_340 = tpu.vector_load_idx %arg8[%add3A_234, %broadcast_in_dim3A_339] : memref<400x8xi32, #tpu.memory_space<vmem>>[vector<16xi32>, vector<16xi32>], vector<16xi32>,
        %shift_left3A_341 = arith.constant 24 : i32
        %shift_left3A_342 = vector.broadcast %shift_left3A_341 : i32 to vector<16xi32>
        %shift_left3A_343 = arith.shli %gather3A_340, %shift_left3A_342 : vector<16xi32>
        %shift_right_arithmetic3A_344 = arith.constant 24 : i32
        %shift_right_arithmetic3A_345 = vector.broadcast %shift_right_arithmetic3A_344 : i32 to vector<16xi32>
        %shift_right_arithmetic3A_346 = arith.shrsi %shift_left3A_343, %shift_right_arithmetic3A_345 : vector<16xi32>
        %convert_element_type3A_347 = arith.sitofp %shift_right_arithmetic3A_346 : vector<16xi32> to vector<16xf32>
        %mul3A_348 = arith.mulf %convert_element_type3A_347, %gather3A : vector<16xf32>
        %broadcast_in_dim3A_349 = arith.constant 8 : i32
        %broadcast_in_dim3A_350 = vector.broadcast %broadcast_in_dim3A_349 : i32 to vector<16xi32>
        tpu.vector_store_idx %arg16[%select_n3A, %sub3A_260, %broadcast_in_dim3A_350], %mul3A_348 : memref<8x50x32xf32, #tpu.memory_space<vmem>>[vector<16xi32>, vector<16xi32>, vector<16xi32>], vector<16xf32>,
        %shift_left3A_351 = arith.constant 16 : i32
        %shift_left3A_352 = vector.broadcast %shift_left3A_351 : i32 to vector<16xi32>
        %shift_left3A_353 = arith.shli %gather3A_340, %shift_left3A_352 : vector<16xi32>
        %shift_right_arithmetic3A_354 = arith.constant 24 : i32
        %shift_right_arithmetic3A_355 = vector.broadcast %shift_right_arithmetic3A_354 : i32 to vector<16xi32>
        %shift_right_arithmetic3A_356 = arith.shrsi %shift_left3A_353, %shift_right_arithmetic3A_355 : vector<16xi32>
        %convert_element_type3A_357 = arith.sitofp %shift_right_arithmetic3A_356 : vector<16xi32> to vector<16xf32>
        %mul3A_358 = arith.mulf %convert_element_type3A_357, %gather3A : vector<16xf32>
        %broadcast_in_dim3A_359 = arith.constant 9 : i32
        %broadcast_in_dim3A_360 = vector.broadcast %broadcast_in_dim3A_359 : i32 to vector<16xi32>
        tpu.vector_store_idx %arg16[%select_n3A, %sub3A_260, %broadcast_in_dim3A_360], %mul3A_358 : memref<8x50x32xf32, #tpu.memory_space<vmem>>[vector<16xi32>, vector<16xi32>, vector<16xi32>], vector<16xf32>,
        %shift_left3A_361 = arith.constant 8 : i32
        %shift_left3A_362 = vector.broadcast %shift_left3A_361 : i32 to vector<16xi32>
        %shift_left3A_363 = arith.shli %gather3A_340, %shift_left3A_362 : vector<16xi32>
        %shift_right_arithmetic3A_364 = arith.constant 24 : i32
        %shift_right_arithmetic3A_365 = vector.broadcast %shift_right_arithmetic3A_364 : i32 to vector<16xi32>
        %shift_right_arithmetic3A_366 = arith.shrsi %shift_left3A_363, %shift_right_arithmetic3A_365 : vector<16xi32>
        %convert_element_type3A_367 = arith.sitofp %shift_right_arithmetic3A_366 : vector<16xi32> to vector<16xf32>
        %mul3A_368 = arith.mulf %convert_element_type3A_367, %gather3A : vector<16xf32>
        %broadcast_in_dim3A_369 = arith.constant 10 : i32
        %broadcast_in_dim3A_370 = vector.broadcast %broadcast_in_dim3A_369 : i32 to vector<16xi32>
        tpu.vector_store_idx %arg16[%select_n3A, %sub3A_260, %broadcast_in_dim3A_370], %mul3A_368 : memref<8x50x32xf32, #tpu.memory_space<vmem>>[vector<16xi32>, vector<16xi32>, vector<16xi32>], vector<16xf32>,
        %shift_right_arithmetic3A_371 = arith.constant 24 : i32
        %shift_right_arithmetic3A_372 = vector.broadcast %shift_right_arithmetic3A_371 : i32 to vector<16xi32>
        %shift_right_arithmetic3A_373 = arith.shrsi %gather3A_340, %shift_right_arithmetic3A_372 : vector<16xi32>
        %convert_element_type3A_374 = arith.sitofp %shift_right_arithmetic3A_373 : vector<16xi32> to vector<16xf32>
        %mul3A_375 = arith.mulf %convert_element_type3A_374, %gather3A : vector<16xf32>
        %broadcast_in_dim3A_376 = arith.constant 11 : i32
        %broadcast_in_dim3A_377 = vector.broadcast %broadcast_in_dim3A_376 : i32 to vector<16xi32>
        tpu.vector_store_idx %arg16[%select_n3A, %sub3A_260, %broadcast_in_dim3A_377], %mul3A_375 : memref<8x50x32xf32, #tpu.memory_space<vmem>>[vector<16xi32>, vector<16xi32>, vector<16xi32>], vector<16xf32>,
        %broadcast_in_dim3A_378 = arith.constant 3 : i32
        %broadcast_in_dim3A_379 = vector.broadcast %broadcast_in_dim3A_378 : i32 to vector<16xi32>
        %gather3A_380 = tpu.vector_load_idx %arg8[%add3A_234, %broadcast_in_dim3A_379] : memref<400x8xi32, #tpu.memory_space<vmem>>[vector<16xi32>, vector<16xi32>], vector<16xi32>,
        %shift_left3A_381 = arith.constant 24 : i32
        %shift_left3A_382 = vector.broadcast %shift_left3A_381 : i32 to vector<16xi32>
        %shift_left3A_383 = arith.shli %gather3A_380, %shift_left3A_382 : vector<16xi32>
        %shift_right_arithmetic3A_384 = arith.constant 24 : i32
        %shift_right_arithmetic3A_385 = vector.broadcast %shift_right_arithmetic3A_384 : i32 to vector<16xi32>
        %shift_right_arithmetic3A_386 = arith.shrsi %shift_left3A_383, %shift_right_arithmetic3A_385 : vector<16xi32>
        %convert_element_type3A_387 = arith.sitofp %shift_right_arithmetic3A_386 : vector<16xi32> to vector<16xf32>
        %mul3A_388 = arith.mulf %convert_element_type3A_387, %gather3A : vector<16xf32>
        %broadcast_in_dim3A_389 = arith.constant 12 : i32
        %broadcast_in_dim3A_390 = vector.broadcast %broadcast_in_dim3A_389 : i32 to vector<16xi32>
        tpu.vector_store_idx %arg16[%select_n3A, %sub3A_260, %broadcast_in_dim3A_390], %mul3A_388 : memref<8x50x32xf32, #tpu.memory_space<vmem>>[vector<16xi32>, vector<16xi32>, vector<16xi32>], vector<16xf32>,
        %shift_left3A_391 = arith.constant 16 : i32
        %shift_left3A_392 = vector.broadcast %shift_left3A_391 : i32 to vector<16xi32>
        %shift_left3A_393 = arith.shli %gather3A_380, %shift_left3A_392 : vector<16xi32>
        %shift_right_arithmetic3A_394 = arith.constant 24 : i32
        %shift_right_arithmetic3A_395 = vector.broadcast %shift_right_arithmetic3A_394 : i32 to vector<16xi32>
        %shift_right_arithmetic3A_396 = arith.shrsi %shift_left3A_393, %shift_right_arithmetic3A_395 : vector<16xi32>
        %convert_element_type3A_397 = arith.sitofp %shift_right_arithmetic3A_396 : vector<16xi32> to vector<16xf32>
        %mul3A_398 = arith.mulf %convert_element_type3A_397, %gather3A : vector<16xf32>
        %broadcast_in_dim3A_399 = arith.constant 13 : i32
        %broadcast_in_dim3A_400 = vector.broadcast %broadcast_in_dim3A_399 : i32 to vector<16xi32>
        tpu.vector_store_idx %arg16[%select_n3A, %sub3A_260, %broadcast_in_dim3A_400], %mul3A_398 : memref<8x50x32xf32, #tpu.memory_space<vmem>>[vector<16xi32>, vector<16xi32>, vector<16xi32>], vector<16xf32>,
        %shift_left3A_401 = arith.constant 8 : i32
        %shift_left3A_402 = vector.broadcast %shift_left3A_401 : i32 to vector<16xi32>
        %shift_left3A_403 = arith.shli %gather3A_380, %shift_left3A_402 : vector<16xi32>
        %shift_right_arithmetic3A_404 = arith.constant 24 : i32
        %shift_right_arithmetic3A_405 = vector.broadcast %shift_right_arithmetic3A_404 : i32 to vector<16xi32>
        %shift_right_arithmetic3A_406 = arith.shrsi %shift_left3A_403, %shift_right_arithmetic3A_405 : vector<16xi32>
        %convert_element_type3A_407 = arith.sitofp %shift_right_arithmetic3A_406 : vector<16xi32> to vector<16xf32>
        %mul3A_408 = arith.mulf %convert_element_type3A_407, %gather3A : vector<16xf32>
        %broadcast_in_dim3A_409 = arith.constant 14 : i32
        %broadcast_in_dim3A_410 = vector.broadcast %broadcast_in_dim3A_409 : i32 to vector<16xi32>
        tpu.vector_store_idx %arg16[%select_n3A, %sub3A_260, %broadcast_in_dim3A_410], %mul3A_408 : memref<8x50x32xf32, #tpu.memory_space<vmem>>[vector<16xi32>, vector<16xi32>, vector<16xi32>], vector<16xf32>,
        %shift_right_arithmetic3A_411 = arith.constant 24 : i32
        %shift_right_arithmetic3A_412 = vector.broadcast %shift_right_arithmetic3A_411 : i32 to vector<16xi32>
        %shift_right_arithmetic3A_413 = arith.shrsi %gather3A_380, %shift_right_arithmetic3A_412 : vector<16xi32>
        %convert_element_type3A_414 = arith.sitofp %shift_right_arithmetic3A_413 : vector<16xi32> to vector<16xf32>
        %mul3A_415 = arith.mulf %convert_element_type3A_414, %gather3A : vector<16xf32>
        %broadcast_in_dim3A_416 = arith.constant 15 : i32
        %broadcast_in_dim3A_417 = vector.broadcast %broadcast_in_dim3A_416 : i32 to vector<16xi32>
        tpu.vector_store_idx %arg16[%select_n3A, %sub3A_260, %broadcast_in_dim3A_417], %mul3A_415 : memref<8x50x32xf32, #tpu.memory_space<vmem>>[vector<16xi32>, vector<16xi32>, vector<16xi32>], vector<16xf32>,
        %broadcast_in_dim3A_418 = arith.constant 4 : i32
        %broadcast_in_dim3A_419 = vector.broadcast %broadcast_in_dim3A_418 : i32 to vector<16xi32>
        %gather3A_420 = tpu.vector_load_idx %arg8[%add3A_234, %broadcast_in_dim3A_419] : memref<400x8xi32, #tpu.memory_space<vmem>>[vector<16xi32>, vector<16xi32>], vector<16xi32>,
        %shift_left3A_421 = arith.constant 24 : i32
        %shift_left3A_422 = vector.broadcast %shift_left3A_421 : i32 to vector<16xi32>
        %shift_left3A_423 = arith.shli %gather3A_420, %shift_left3A_422 : vector<16xi32>
        %shift_right_arithmetic3A_424 = arith.constant 24 : i32
        %shift_right_arithmetic3A_425 = vector.broadcast %shift_right_arithmetic3A_424 : i32 to vector<16xi32>
        %shift_right_arithmetic3A_426 = arith.shrsi %shift_left3A_423, %shift_right_arithmetic3A_425 : vector<16xi32>
        %convert_element_type3A_427 = arith.sitofp %shift_right_arithmetic3A_426 : vector<16xi32> to vector<16xf32>
        %mul3A_428 = arith.mulf %convert_element_type3A_427, %gather3A : vector<16xf32>
        %broadcast_in_dim3A_429 = arith.constant 16 : i32
        %broadcast_in_dim3A_430 = vector.broadcast %broadcast_in_dim3A_429 : i32 to vector<16xi32>
        tpu.vector_store_idx %arg16[%select_n3A, %sub3A_260, %broadcast_in_dim3A_430], %mul3A_428 : memref<8x50x32xf32, #tpu.memory_space<vmem>>[vector<16xi32>, vector<16xi32>, vector<16xi32>], vector<16xf32>,
        %shift_left3A_431 = arith.constant 16 : i32
        %shift_left3A_432 = vector.broadcast %shift_left3A_431 : i32 to vector<16xi32>
        %shift_left3A_433 = arith.shli %gather3A_420, %shift_left3A_432 : vector<16xi32>
        %shift_right_arithmetic3A_434 = arith.constant 24 : i32
        %shift_right_arithmetic3A_435 = vector.broadcast %shift_right_arithmetic3A_434 : i32 to vector<16xi32>
        %shift_right_arithmetic3A_436 = arith.shrsi %shift_left3A_433, %shift_right_arithmetic3A_435 : vector<16xi32>
        %convert_element_type3A_437 = arith.sitofp %shift_right_arithmetic3A_436 : vector<16xi32> to vector<16xf32>
        %mul3A_438 = arith.mulf %convert_element_type3A_437, %gather3A : vector<16xf32>
        %broadcast_in_dim3A_439 = arith.constant 17 : i32
        %broadcast_in_dim3A_440 = vector.broadcast %broadcast_in_dim3A_439 : i32 to vector<16xi32>
        tpu.vector_store_idx %arg16[%select_n3A, %sub3A_260, %broadcast_in_dim3A_440], %mul3A_438 : memref<8x50x32xf32, #tpu.memory_space<vmem>>[vector<16xi32>, vector<16xi32>, vector<16xi32>], vector<16xf32>,
        %shift_left3A_441 = arith.constant 8 : i32
        %shift_left3A_442 = vector.broadcast %shift_left3A_441 : i32 to vector<16xi32>
        %shift_left3A_443 = arith.shli %gather3A_420, %shift_left3A_442 : vector<16xi32>
        %shift_right_arithmetic3A_444 = arith.constant 24 : i32
        %shift_right_arithmetic3A_445 = vector.broadcast %shift_right_arithmetic3A_444 : i32 to vector<16xi32>
        %shift_right_arithmetic3A_446 = arith.shrsi %shift_left3A_443, %shift_right_arithmetic3A_445 : vector<16xi32>
        %convert_element_type3A_447 = arith.sitofp %shift_right_arithmetic3A_446 : vector<16xi32> to vector<16xf32>
        %mul3A_448 = arith.mulf %convert_element_type3A_447, %gather3A : vector<16xf32>
        %broadcast_in_dim3A_449 = arith.constant 18 : i32
        %broadcast_in_dim3A_450 = vector.broadcast %broadcast_in_dim3A_449 : i32 to vector<16xi32>
        tpu.vector_store_idx %arg16[%select_n3A, %sub3A_260, %broadcast_in_dim3A_450], %mul3A_448 : memref<8x50x32xf32, #tpu.memory_space<vmem>>[vector<16xi32>, vector<16xi32>, vector<16xi32>], vector<16xf32>,
        %shift_right_arithmetic3A_451 = arith.constant 24 : i32
        %shift_right_arithmetic3A_452 = vector.broadcast %shift_right_arithmetic3A_451 : i32 to vector<16xi32>
        %shift_right_arithmetic3A_453 = arith.shrsi %gather3A_420, %shift_right_arithmetic3A_452 : vector<16xi32>
        %convert_element_type3A_454 = arith.sitofp %shift_right_arithmetic3A_453 : vector<16xi32> to vector<16xf32>
        %mul3A_455 = arith.mulf %convert_element_type3A_454, %gather3A : vector<16xf32>
        %broadcast_in_dim3A_456 = arith.constant 19 : i32
        %broadcast_in_dim3A_457 = vector.broadcast %broadcast_in_dim3A_456 : i32 to vector<16xi32>
        tpu.vector_store_idx %arg16[%select_n3A, %sub3A_260, %broadcast_in_dim3A_457], %mul3A_455 : memref<8x50x32xf32, #tpu.memory_space<vmem>>[vector<16xi32>, vector<16xi32>, vector<16xi32>], vector<16xf32>,
        %broadcast_in_dim3A_458 = arith.constant 5 : i32
        %broadcast_in_dim3A_459 = vector.broadcast %broadcast_in_dim3A_458 : i32 to vector<16xi32>
        %gather3A_460 = tpu.vector_load_idx %arg8[%add3A_234, %broadcast_in_dim3A_459] : memref<400x8xi32, #tpu.memory_space<vmem>>[vector<16xi32>, vector<16xi32>], vector<16xi32>,
        %shift_left3A_461 = arith.constant 24 : i32
        %shift_left3A_462 = vector.broadcast %shift_left3A_461 : i32 to vector<16xi32>
        %shift_left3A_463 = arith.shli %gather3A_460, %shift_left3A_462 : vector<16xi32>
        %shift_right_arithmetic3A_464 = arith.constant 24 : i32
        %shift_right_arithmetic3A_465 = vector.broadcast %shift_right_arithmetic3A_464 : i32 to vector<16xi32>
        %shift_right_arithmetic3A_466 = arith.shrsi %shift_left3A_463, %shift_right_arithmetic3A_465 : vector<16xi32>
        %convert_element_type3A_467 = arith.sitofp %shift_right_arithmetic3A_466 : vector<16xi32> to vector<16xf32>
        %mul3A_468 = arith.mulf %convert_element_type3A_467, %gather3A : vector<16xf32>
        %broadcast_in_dim3A_469 = arith.constant 20 : i32
        %broadcast_in_dim3A_470 = vector.broadcast %broadcast_in_dim3A_469 : i32 to vector<16xi32>
        tpu.vector_store_idx %arg16[%select_n3A, %sub3A_260, %broadcast_in_dim3A_470], %mul3A_468 : memref<8x50x32xf32, #tpu.memory_space<vmem>>[vector<16xi32>, vector<16xi32>, vector<16xi32>], vector<16xf32>,
        %shift_left3A_471 = arith.constant 16 : i32
        %shift_left3A_472 = vector.broadcast %shift_left3A_471 : i32 to vector<16xi32>
        %shift_left3A_473 = arith.shli %gather3A_460, %shift_left3A_472 : vector<16xi32>
        %shift_right_arithmetic3A_474 = arith.constant 24 : i32
        %shift_right_arithmetic3A_475 = vector.broadcast %shift_right_arithmetic3A_474 : i32 to vector<16xi32>
        %shift_right_arithmetic3A_476 = arith.shrsi %shift_left3A_473, %shift_right_arithmetic3A_475 : vector<16xi32>
        %convert_element_type3A_477 = arith.sitofp %shift_right_arithmetic3A_476 : vector<16xi32> to vector<16xf32>
        %mul3A_478 = arith.mulf %convert_element_type3A_477, %gather3A : vector<16xf32>
        %broadcast_in_dim3A_479 = arith.constant 21 : i32
        %broadcast_in_dim3A_480 = vector.broadcast %broadcast_in_dim3A_479 : i32 to vector<16xi32>
        tpu.vector_store_idx %arg16[%select_n3A, %sub3A_260, %broadcast_in_dim3A_480], %mul3A_478 : memref<8x50x32xf32, #tpu.memory_space<vmem>>[vector<16xi32>, vector<16xi32>, vector<16xi32>], vector<16xf32>,
        %shift_left3A_481 = arith.constant 8 : i32
        %shift_left3A_482 = vector.broadcast %shift_left3A_481 : i32 to vector<16xi32>
        %shift_left3A_483 = arith.shli %gather3A_460, %shift_left3A_482 : vector<16xi32>
        %shift_right_arithmetic3A_484 = arith.constant 24 : i32
        %shift_right_arithmetic3A_485 = vector.broadcast %shift_right_arithmetic3A_484 : i32 to vector<16xi32>
        %shift_right_arithmetic3A_486 = arith.shrsi %shift_left3A_483, %shift_right_arithmetic3A_485 : vector<16xi32>
        %convert_element_type3A_487 = arith.sitofp %shift_right_arithmetic3A_486 : vector<16xi32> to vector<16xf32>
        %mul3A_488 = arith.mulf %convert_element_type3A_487, %gather3A : vector<16xf32>
        %broadcast_in_dim3A_489 = arith.constant 22 : i32
        %broadcast_in_dim3A_490 = vector.broadcast %broadcast_in_dim3A_489 : i32 to vector<16xi32>
        tpu.vector_store_idx %arg16[%select_n3A, %sub3A_260, %broadcast_in_dim3A_490], %mul3A_488 : memref<8x50x32xf32, #tpu.memory_space<vmem>>[vector<16xi32>, vector<16xi32>, vector<16xi32>], vector<16xf32>,
        %shift_right_arithmetic3A_491 = arith.constant 24 : i32
        %shift_right_arithmetic3A_492 = vector.broadcast %shift_right_arithmetic3A_491 : i32 to vector<16xi32>
        %shift_right_arithmetic3A_493 = arith.shrsi %gather3A_460, %shift_right_arithmetic3A_492 : vector<16xi32>
        %convert_element_type3A_494 = arith.sitofp %shift_right_arithmetic3A_493 : vector<16xi32> to vector<16xf32>
        %mul3A_495 = arith.mulf %convert_element_type3A_494, %gather3A : vector<16xf32>
        %broadcast_in_dim3A_496 = arith.constant 23 : i32
        %broadcast_in_dim3A_497 = vector.broadcast %broadcast_in_dim3A_496 : i32 to vector<16xi32>
        tpu.vector_store_idx %arg16[%select_n3A, %sub3A_260, %broadcast_in_dim3A_497], %mul3A_495 : memref<8x50x32xf32, #tpu.memory_space<vmem>>[vector<16xi32>, vector<16xi32>, vector<16xi32>], vector<16xf32>,
        %broadcast_in_dim3A_498 = arith.constant 6 : i32
        %broadcast_in_dim3A_499 = vector.broadcast %broadcast_in_dim3A_498 : i32 to vector<16xi32>
        %gather3A_500 = tpu.vector_load_idx %arg8[%add3A_234, %broadcast_in_dim3A_499] : memref<400x8xi32, #tpu.memory_space<vmem>>[vector<16xi32>, vector<16xi32>], vector<16xi32>,
        %shift_left3A_501 = arith.constant 24 : i32
        %shift_left3A_502 = vector.broadcast %shift_left3A_501 : i32 to vector<16xi32>
        %shift_left3A_503 = arith.shli %gather3A_500, %shift_left3A_502 : vector<16xi32>
        %shift_right_arithmetic3A_504 = arith.constant 24 : i32
        %shift_right_arithmetic3A_505 = vector.broadcast %shift_right_arithmetic3A_504 : i32 to vector<16xi32>
        %shift_right_arithmetic3A_506 = arith.shrsi %shift_left3A_503, %shift_right_arithmetic3A_505 : vector<16xi32>
        %convert_element_type3A_507 = arith.sitofp %shift_right_arithmetic3A_506 : vector<16xi32> to vector<16xf32>
        %mul3A_508 = arith.mulf %convert_element_type3A_507, %gather3A : vector<16xf32>
        %broadcast_in_dim3A_509 = arith.constant 24 : i32
        %broadcast_in_dim3A_510 = vector.broadcast %broadcast_in_dim3A_509 : i32 to vector<16xi32>
        tpu.vector_store_idx %arg16[%select_n3A, %sub3A_260, %broadcast_in_dim3A_510], %mul3A_508 : memref<8x50x32xf32, #tpu.memory_space<vmem>>[vector<16xi32>, vector<16xi32>, vector<16xi32>], vector<16xf32>,
        %shift_left3A_511 = arith.constant 16 : i32
        %shift_left3A_512 = vector.broadcast %shift_left3A_511 : i32 to vector<16xi32>
        %shift_left3A_513 = arith.shli %gather3A_500, %shift_left3A_512 : vector<16xi32>
        %shift_right_arithmetic3A_514 = arith.constant 24 : i32
        %shift_right_arithmetic3A_515 = vector.broadcast %shift_right_arithmetic3A_514 : i32 to vector<16xi32>
        %shift_right_arithmetic3A_516 = arith.shrsi %shift_left3A_513, %shift_right_arithmetic3A_515 : vector<16xi32>
        %convert_element_type3A_517 = arith.sitofp %shift_right_arithmetic3A_516 : vector<16xi32> to vector<16xf32>
        %mul3A_518 = arith.mulf %convert_element_type3A_517, %gather3A : vector<16xf32>
        %broadcast_in_dim3A_519 = arith.constant 25 : i32
        %broadcast_in_dim3A_520 = vector.broadcast %broadcast_in_dim3A_519 : i32 to vector<16xi32>
        tpu.vector_store_idx %arg16[%select_n3A, %sub3A_260, %broadcast_in_dim3A_520], %mul3A_518 : memref<8x50x32xf32, #tpu.memory_space<vmem>>[vector<16xi32>, vector<16xi32>, vector<16xi32>], vector<16xf32>,
        %shift_left3A_521 = arith.constant 8 : i32
        %shift_left3A_522 = vector.broadcast %shift_left3A_521 : i32 to vector<16xi32>
        %shift_left3A_523 = arith.shli %gather3A_500, %shift_left3A_522 : vector<16xi32>
        %shift_right_arithmetic3A_524 = arith.constant 24 : i32
        %shift_right_arithmetic3A_525 = vector.broadcast %shift_right_arithmetic3A_524 : i32 to vector<16xi32>
        %shift_right_arithmetic3A_526 = arith.shrsi %shift_left3A_523, %shift_right_arithmetic3A_525 : vector<16xi32>
        %convert_element_type3A_527 = arith.sitofp %shift_right_arithmetic3A_526 : vector<16xi32> to vector<16xf32>
        %mul3A_528 = arith.mulf %convert_element_type3A_527, %gather3A : vector<16xf32>
        %broadcast_in_dim3A_529 = arith.constant 26 : i32
        %broadcast_in_dim3A_530 = vector.broadcast %broadcast_in_dim3A_529 : i32 to vector<16xi32>
        tpu.vector_store_idx %arg16[%select_n3A, %sub3A_260, %broadcast_in_dim3A_530], %mul3A_528 : memref<8x50x32xf32, #tpu.memory_space<vmem>>[vector<16xi32>, vector<16xi32>, vector<16xi32>], vector<16xf32>,
        %shift_right_arithmetic3A_531 = arith.constant 24 : i32
        %shift_right_arithmetic3A_532 = vector.broadcast %shift_right_arithmetic3A_531 : i32 to vector<16xi32>
        %shift_right_arithmetic3A_533 = arith.shrsi %gather3A_500, %shift_right_arithmetic3A_532 : vector<16xi32>
        %convert_element_type3A_534 = arith.sitofp %shift_right_arithmetic3A_533 : vector<16xi32> to vector<16xf32>
        %mul3A_535 = arith.mulf %convert_element_type3A_534, %gather3A : vector<16xf32>
        %broadcast_in_dim3A_536 = arith.constant 27 : i32
        %broadcast_in_dim3A_537 = vector.broadcast %broadcast_in_dim3A_536 : i32 to vector<16xi32>
        tpu.vector_store_idx %arg16[%select_n3A, %sub3A_260, %broadcast_in_dim3A_537], %mul3A_535 : memref<8x50x32xf32, #tpu.memory_space<vmem>>[vector<16xi32>, vector<16xi32>, vector<16xi32>], vector<16xf32>,
        %broadcast_in_dim3A_538 = arith.constant 7 : i32
        %broadcast_in_dim3A_539 = vector.broadcast %broadcast_in_dim3A_538 : i32 to vector<16xi32>
        %gather3A_540 = tpu.vector_load_idx %arg8[%add3A_234, %broadcast_in_dim3A_539] : memref<400x8xi32, #tpu.memory_space<vmem>>[vector<16xi32>, vector<16xi32>], vector<16xi32>,
        %shift_left3A_541 = arith.constant 24 : i32
        %shift_left3A_542 = vector.broadcast %shift_left3A_541 : i32 to vector<16xi32>
        %shift_left3A_543 = arith.shli %gather3A_540, %shift_left3A_542 : vector<16xi32>
        %shift_right_arithmetic3A_544 = arith.constant 24 : i32
        %shift_right_arithmetic3A_545 = vector.broadcast %shift_right_arithmetic3A_544 : i32 to vector<16xi32>
        %shift_right_arithmetic3A_546 = arith.shrsi %shift_left3A_543, %shift_right_arithmetic3A_545 : vector<16xi32>
        %convert_element_type3A_547 = arith.sitofp %shift_right_arithmetic3A_546 : vector<16xi32> to vector<16xf32>
        %mul3A_548 = arith.mulf %convert_element_type3A_547, %gather3A : vector<16xf32>
        %broadcast_in_dim3A_549 = arith.constant 28 : i32
        %broadcast_in_dim3A_550 = vector.broadcast %broadcast_in_dim3A_549 : i32 to vector<16xi32>
        tpu.vector_store_idx %arg16[%select_n3A, %sub3A_260, %broadcast_in_dim3A_550], %mul3A_548 : memref<8x50x32xf32, #tpu.memory_space<vmem>>[vector<16xi32>, vector<16xi32>, vector<16xi32>], vector<16xf32>,
        %shift_left3A_551 = arith.constant 16 : i32
        %shift_left3A_552 = vector.broadcast %shift_left3A_551 : i32 to vector<16xi32>
        %shift_left3A_553 = arith.shli %gather3A_540, %shift_left3A_552 : vector<16xi32>
        %shift_right_arithmetic3A_554 = arith.constant 24 : i32
        %shift_right_arithmetic3A_555 = vector.broadcast %shift_right_arithmetic3A_554 : i32 to vector<16xi32>
        %shift_right_arithmetic3A_556 = arith.shrsi %shift_left3A_553, %shift_right_arithmetic3A_555 : vector<16xi32>
        %convert_element_type3A_557 = arith.sitofp %shift_right_arithmetic3A_556 : vector<16xi32> to vector<16xf32>
        %mul3A_558 = arith.mulf %convert_element_type3A_557, %gather3A : vector<16xf32>
        %broadcast_in_dim3A_559 = arith.constant 29 : i32
        %broadcast_in_dim3A_560 = vector.broadcast %broadcast_in_dim3A_559 : i32 to vector<16xi32>
        tpu.vector_store_idx %arg16[%select_n3A, %sub3A_260, %broadcast_in_dim3A_560], %mul3A_558 : memref<8x50x32xf32, #tpu.memory_space<vmem>>[vector<16xi32>, vector<16xi32>, vector<16xi32>], vector<16xf32>,
        %shift_left3A_561 = arith.constant 8 : i32
        %shift_left3A_562 = vector.broadcast %shift_left3A_561 : i32 to vector<16xi32>
        %shift_left3A_563 = arith.shli %gather3A_540, %shift_left3A_562 : vector<16xi32>
        %shift_right_arithmetic3A_564 = arith.constant 24 : i32
        %shift_right_arithmetic3A_565 = vector.broadcast %shift_right_arithmetic3A_564 : i32 to vector<16xi32>
        %shift_right_arithmetic3A_566 = arith.shrsi %shift_left3A_563, %shift_right_arithmetic3A_565 : vector<16xi32>
        %convert_element_type3A_567 = arith.sitofp %shift_right_arithmetic3A_566 : vector<16xi32> to vector<16xf32>
        %mul3A_568 = arith.mulf %convert_element_type3A_567, %gather3A : vector<16xf32>
        %broadcast_in_dim3A_569 = arith.constant 30 : i32
        %broadcast_in_dim3A_570 = vector.broadcast %broadcast_in_dim3A_569 : i32 to vector<16xi32>
        tpu.vector_store_idx %arg16[%select_n3A, %sub3A_260, %broadcast_in_dim3A_570], %mul3A_568 : memref<8x50x32xf32, #tpu.memory_space<vmem>>[vector<16xi32>, vector<16xi32>, vector<16xi32>], vector<16xf32>,
        %shift_right_arithmetic3A_571 = arith.constant 24 : i32
        %shift_right_arithmetic3A_572 = vector.broadcast %shift_right_arithmetic3A_571 : i32 to vector<16xi32>
        %shift_right_arithmetic3A_573 = arith.shrsi %gather3A_540, %shift_right_arithmetic3A_572 : vector<16xi32>
        %convert_element_type3A_574 = arith.sitofp %shift_right_arithmetic3A_573 : vector<16xi32> to vector<16xf32>
        %mul3A_575 = arith.mulf %convert_element_type3A_574, %gather3A : vector<16xf32>
        %broadcast_in_dim3A_576 = arith.constant 31 : i32
        %broadcast_in_dim3A_577 = vector.broadcast %broadcast_in_dim3A_576 : i32 to vector<16xi32>
        tpu.vector_store_idx %arg16[%select_n3A, %sub3A_260, %broadcast_in_dim3A_577], %mul3A_575 : memref<8x50x32xf32, #tpu.memory_space<vmem>>[vector<16xi32>, vector<16xi32>, vector<16xi32>], vector<16xf32>,
      }
      %scan3A_133 = arith.constant 25 : i32
      %mul3A_134 = arith.constant 8 : i32
      %mul3A_135 = arith.muli %add3A_111, %mul3A_134 : i32
      %add3A_136 = arith.addi %mul3A_2, %mul3A_135 : i32
      %dma_start3A_137 = arith.constant 0 : i32
      %dma_start3A_138 = arith.constant 0 : i32
      %dma_start3A_139 = tpu.memref_slice %arg5[%add3A_136, %dma_start3A_137, %dma_start3A_138] : memref<4096x50x32xf32, #tpu.memory_space<hbm>> -> memref<8x50x32xf32, #tpu.memory_space<hbm>>
      %dma_start3A_140 = arith.constant 0 : i32
      %dma_start3A_141 = arith.constant 0 : i32
      %dma_start3A_142 = tpu.memref_slice %arg5[%add3A_136, %dma_start3A_140, %dma_start3A_141] : memref<4096x50x32xf32, #tpu.memory_space<hbm>> -> memref<8x50x32xf32, #tpu.memory_space<hbm>>
      tpu.enqueue_dma source(%arg16 : memref<8x50x32xf32, #tpu.memory_space<vmem>>) target(%dma_start3A_142 : memref<8x50x32xf32, #tpu.memory_space<hbm>>) target_semaphore(%arg26 : memref<!tpu.dma_semaphore, #tpu.memory_space<semaphore_mem>>)
      %lt3A_143 = arith.constant 3 : i32
      %lt3A_144 = arith.cmpi slt, %scan3A_71, %lt3A_143 : i32
      %convert_element_type3A_145 = arith.extui %lt3A_144 : i1 to i32
      %cond3A_146 = arith.constant 0 : i32
      %cond3A_147 = arith.cmpi ne, %convert_element_type3A_145, %cond3A_146 : i32
      scf.if %cond3A_147 {
        %add3A_230 = arith.constant 4 : i32
        %add3A_231 = arith.addi %add3A_111, %add3A_230 : i32
        %dma_start3A_232 = arith.constant 0 : i32
        %dma_start3A_233 = tpu.memref_slice %arg6[%add3A_231, %dma_start3A_232] : memref<16x400xi32, #tpu.memory_space<vmem>> -> memref<1x400xi32, #tpu.memory_space<vmem>>
        %dma_start3A_234 = tpu.memref_squeeze %dma_start3A_233 : memref<1x400xi32, #tpu.memory_space<vmem>> -> memref<400xi32, #tpu.memory_space<vmem>>
        %dma_start3A_235 = arith.constant 0 : i32
        %dma_start3A_236 = arith.constant 0 : i32
        %dma_start3A_237 = tpu.memref_slice %arg3[%dma_start3A_235, %dma_start3A_236] : memref<1000000x8xi32, #tpu.memory_space<hbm>> -> memref<1000000x8xi32, #tpu.memory_space<hbm>>
        tpu.enqueue_indirect_dma source(%dma_start3A_237 : memref<1000000x8xi32, #tpu.memory_space<hbm>>) target(%arg8 : memref<400x8xi32, #tpu.memory_space<vmem>>) offsets(%dma_start3A_234 : memref<400xi32, #tpu.memory_space<vmem>>) semaphore(%arg18 : memref<!tpu.dma_semaphore, #tpu.memory_space<semaphore_mem>>)
        %dma_start3A_238 = arith.constant 0 : i32
        %dma_start3A_239 = tpu.memref_slice %arg6[%add3A_231, %dma_start3A_238] : memref<16x400xi32, #tpu.memory_space<vmem>> -> memref<1x400xi32, #tpu.memory_space<vmem>>
        %dma_start3A_240 = tpu.memref_squeeze %dma_start3A_239 : memref<1x400xi32, #tpu.memory_space<vmem>> -> memref<400xi32, #tpu.memory_space<vmem>>
        %dma_start3A_241 = arith.constant 0 : i32
        %dma_start3A_242 = tpu.memref_slice %arg4[%dma_start3A_241] : memref<1000000xf32, #tpu.memory_space<hbm>> -> memref<1000000xf32, #tpu.memory_space<hbm>>
        tpu.enqueue_indirect_dma source(%dma_start3A_242 : memref<1000000xf32, #tpu.memory_space<hbm>>) target(%arg12 : memref<400xf32, #tpu.memory_space<vmem>>) offsets(%dma_start3A_240 : memref<400xi32, #tpu.memory_space<vmem>>) semaphore(%arg22 : memref<!tpu.dma_semaphore, #tpu.memory_space<semaphore_mem>>)
      } else {
      }
      %mul3A_148 = arith.constant 4 : i32
      %mul3A_149 = arith.muli %scan3A_71, %mul3A_148 : i32
      %add3A_150 = arith.constant 2 : i32
      %add3A_151 = arith.addi %mul3A_149, %add3A_150 : i32
      %dma_wait3A_152 = arith.constant 0 : i32
      %dma_wait3A_153 = tpu.memref_slice %arg6[%add3A_151, %dma_wait3A_152] : memref<16x400xi32, #tpu.memory_space<vmem>> -> memref<1x400xi32, #tpu.memory_space<vmem>>
      %dma_wait3A_154 = tpu.memref_squeeze %dma_wait3A_153 : memref<1x400xi32, #tpu.memory_space<vmem>> -> memref<400xi32, #tpu.memory_space<vmem>>
      %dma_wait3A_155 = arith.constant 0 : i32
      %dma_wait3A_156 = arith.constant 0 : i32
      %dma_wait3A_157 = tpu.memref_slice %arg3[%dma_wait3A_155, %dma_wait3A_156] : memref<1000000x8xi32, #tpu.memory_space<hbm>> -> memref<1000000x8xi32, #tpu.memory_space<hbm>>
      tpu.wait_indirect_dma semaphore(%arg19 : memref<!tpu.dma_semaphore, #tpu.memory_space<semaphore_mem>>) src(%dma_wait3A_157 : memref<1000000x8xi32, #tpu.memory_space<hbm>>) dst(%arg9 : memref<400x8xi32, #tpu.memory_space<vmem>>)
      %dma_wait3A_158 = arith.constant 0 : i32
      %dma_wait3A_159 = tpu.memref_slice %arg6[%add3A_151, %dma_wait3A_158] : memref<16x400xi32, #tpu.memory_space<vmem>> -> memref<1x400xi32, #tpu.memory_space<vmem>>
      %dma_wait3A_160 = tpu.memref_squeeze %dma_wait3A_159 : memref<1x400xi32, #tpu.memory_space<vmem>> -> memref<400xi32, #tpu.memory_space<vmem>>
      %dma_wait3A_161 = arith.constant 0 : i32
      %dma_wait3A_162 = tpu.memref_slice %arg4[%dma_wait3A_161] : memref<1000000xf32, #tpu.memory_space<hbm>> -> memref<1000000xf32, #tpu.memory_space<hbm>>
      tpu.wait_indirect_dma semaphore(%arg23 : memref<!tpu.dma_semaphore, #tpu.memory_space<semaphore_mem>>) src(%dma_wait3A_162 : memref<1000000xf32, #tpu.memory_space<hbm>>) dst(%arg13 : memref<400xf32, #tpu.memory_space<vmem>>)
      %dma_wait3A_163 = arith.constant 0 : i32
      %dma_wait3A_164 = arith.constant 0 : i32
      %dma_wait3A_165 = tpu.memref_slice %arg5[%mul3A_2, %dma_wait3A_163, %dma_wait3A_164] : memref<4096x50x32xf32, #tpu.memory_space<hbm>> -> memref<8x50x32xf32, #tpu.memory_space<hbm>>
      %dma_wait3A_166 = arith.constant 0 : i32
      %dma_wait3A_167 = arith.constant 0 : i32
      %dma_wait3A_168 = tpu.memref_slice %arg5[%mul3A_2, %dma_wait3A_166, %dma_wait3A_167] : memref<4096x50x32xf32, #tpu.memory_space<hbm>> -> memref<8x50x32xf32, #tpu.memory_space<hbm>>
      tpu.wait_dma2 semaphore(%arg25 : memref<!tpu.dma_semaphore, #tpu.memory_space<semaphore_mem>>) src(%arg15 : memref<8x50x32xf32, #tpu.memory_space<vmem>>) dst(%dma_wait3A_168 : memref<8x50x32xf32, #tpu.memory_space<hbm>>)
      %scan3A_169 = arith.constant 0 : i32
      %scan3A_170 = arith.constant 0 : i32
      %scan3A_171 = arith.constant 25 : i32
      %scan3A_172 = arith.addi %scan3A_170, %scan3A_171 : i32
      %scan3A_173 = arith.constant 1 : i32
      scf.for %scan3A_230 = %scan3A_170 to %scan3A_172 step %scan3A_173  : i32 {
        %mul3A_231 = arith.constant 16 : i32
        %mul3A_232 = arith.muli %scan3A_230, %mul3A_231 : i32
        %add3A_233 = vector.broadcast %mul3A_232 : i32 to vector<16xi32>
        %add3A_234 = arith.addi %iota3A, %add3A_233 : vector<16xi32>
        %div3A = vector.broadcast %scan3A_54 : i32 to vector<16xi32>
        %div3A_235 = arith.divsi %add3A_234, %div3A : vector<16xi32>
        %sign3A = arith.constant 0 : i32
        %sign3A_236 = vector.broadcast %sign3A : i32 to vector<16xi32>
        %sign3A_237 = arith.cmpi sgt, %add3A_234, %sign3A_236 : vector<16xi32>
        %sign3A_238 = arith.extui %sign3A_237 : vector<16xi1> to vector<16xi32>
        %sign3A_239 = arith.constant 0 : i32
        %sign3A_240 = vector.broadcast %sign3A_239 : i32 to vector<16xi32>
        %sign3A_241 = arith.cmpi slt, %add3A_234, %sign3A_240 : vector<16xi32>
        %sign3A_242 = arith.extui %sign3A_241 : vector<16xi1> to vector<16xi32>
        %sign3A_243 = arith.subi %sign3A_238, %sign3A_242 : vector<16xi32>
        %sign3A_244 = arith.constant 0 : i32
        %sign3A_245 = arith.cmpi sgt, %scan3A_54, %sign3A_244 : i32
        %sign3A_246 = arith.extui %sign3A_245 : i1 to i32
        %sign3A_247 = arith.constant 0 : i32
        %sign3A_248 = arith.cmpi slt, %scan3A_54, %sign3A_247 : i32
        %sign3A_249 = arith.extui %sign3A_248 : i1 to i32
        %sign3A_250 = arith.subi %sign3A_246, %sign3A_249 : i32
        %ne3A = vector.broadcast %sign3A_250 : i32 to vector<16xi32>
        %ne3A_251 = arith.cmpi ne, %sign3A_243, %ne3A : vector<16xi32>
        %rem3A = vector.broadcast %scan3A_54 : i32 to vector<16xi32>
        %rem3A_252 = arith.remsi %add3A_234, %rem3A : vector<16xi32>
        %ne3A_253 = arith.constant 0 : i32
        %ne3A_254 = vector.broadcast %ne3A_253 : i32 to vector<16xi32>
        %ne3A_255 = arith.cmpi ne, %rem3A_252, %ne3A_254 : vector<16xi32>
        %and3A = arith.andi %ne3A_251, %ne3A_255 : vector<16xi1>
        %sub3A = arith.constant 1 : i32
        %sub3A_256 = vector.broadcast %sub3A : i32 to vector<16xi32>
        %sub3A_257 = arith.subi %div3A_235, %sub3A_256 : vector<16xi32>
        %select_n3A = arith.select %and3A, %sub3A_257, %div3A_235 : vector<16xi1>, vector<16xi32>
        %mul3A_258 = vector.broadcast %scan3A_54 : i32 to vector<16xi32>
        %mul3A_259 = arith.muli %select_n3A, %mul3A_258 : vector<16xi32>
        %sub3A_260 = arith.subi %add3A_234, %mul3A_259 : vector<16xi32>
        %gather3A = tpu.vector_load_idx %arg13[%add3A_234] : memref<400xf32, #tpu.memory_space<vmem>>[vector<16xi32>], vector<16xf32>,
        %broadcast_in_dim3A = arith.constant 0 : i32
        %broadcast_in_dim3A_261 = vector.broadcast %broadcast_in_dim3A : i32 to vector<16xi32>
        %gather3A_262 = tpu.vector_load_idx %arg9[%add3A_234, %broadcast_in_dim3A_261] : memref<400x8xi32, #tpu.memory_space<vmem>>[vector<16xi32>, vector<16xi32>], vector<16xi32>,
        %shift_left3A = arith.constant 24 : i32
        %shift_left3A_263 = vector.broadcast %shift_left3A : i32 to vector<16xi32>
        %shift_left3A_264 = arith.shli %gather3A_262, %shift_left3A_263 : vector<16xi32>
        %shift_right_arithmetic3A = arith.constant 24 : i32
        %shift_right_arithmetic3A_265 = vector.broadcast %shift_right_arithmetic3A : i32 to vector<16xi32>
        %shift_right_arithmetic3A_266 = arith.shrsi %shift_left3A_264, %shift_right_arithmetic3A_265 : vector<16xi32>
        %convert_element_type3A_267 = arith.sitofp %shift_right_arithmetic3A_266 : vector<16xi32> to vector<16xf32>
        %mul3A_268 = arith.mulf %convert_element_type3A_267, %gather3A : vector<16xf32>
        %broadcast_in_dim3A_269 = arith.constant 0 : i32
        %broadcast_in_dim3A_270 = vector.broadcast %broadcast_in_dim3A_269 : i32 to vector<16xi32>
        tpu.vector_store_idx %arg15[%select_n3A, %sub3A_260, %broadcast_in_dim3A_270], %mul3A_268 : memref<8x50x32xf32, #tpu.memory_space<vmem>>[vector<16xi32>, vector<16xi32>, vector<16xi32>], vector<16xf32>,
        %shift_left3A_271 = arith.constant 16 : i32
        %shift_left3A_272 = vector.broadcast %shift_left3A_271 : i32 to vector<16xi32>
        %shift_left3A_273 = arith.shli %gather3A_262, %shift_left3A_272 : vector<16xi32>
        %shift_right_arithmetic3A_274 = arith.constant 24 : i32
        %shift_right_arithmetic3A_275 = vector.broadcast %shift_right_arithmetic3A_274 : i32 to vector<16xi32>
        %shift_right_arithmetic3A_276 = arith.shrsi %shift_left3A_273, %shift_right_arithmetic3A_275 : vector<16xi32>
        %convert_element_type3A_277 = arith.sitofp %shift_right_arithmetic3A_276 : vector<16xi32> to vector<16xf32>
        %mul3A_278 = arith.mulf %convert_element_type3A_277, %gather3A : vector<16xf32>
        %broadcast_in_dim3A_279 = arith.constant 1 : i32
        %broadcast_in_dim3A_280 = vector.broadcast %broadcast_in_dim3A_279 : i32 to vector<16xi32>
        tpu.vector_store_idx %arg15[%select_n3A, %sub3A_260, %broadcast_in_dim3A_280], %mul3A_278 : memref<8x50x32xf32, #tpu.memory_space<vmem>>[vector<16xi32>, vector<16xi32>, vector<16xi32>], vector<16xf32>,
        %shift_left3A_281 = arith.constant 8 : i32
        %shift_left3A_282 = vector.broadcast %shift_left3A_281 : i32 to vector<16xi32>
        %shift_left3A_283 = arith.shli %gather3A_262, %shift_left3A_282 : vector<16xi32>
        %shift_right_arithmetic3A_284 = arith.constant 24 : i32
        %shift_right_arithmetic3A_285 = vector.broadcast %shift_right_arithmetic3A_284 : i32 to vector<16xi32>
        %shift_right_arithmetic3A_286 = arith.shrsi %shift_left3A_283, %shift_right_arithmetic3A_285 : vector<16xi32>
        %convert_element_type3A_287 = arith.sitofp %shift_right_arithmetic3A_286 : vector<16xi32> to vector<16xf32>
        %mul3A_288 = arith.mulf %convert_element_type3A_287, %gather3A : vector<16xf32>
        %broadcast_in_dim3A_289 = arith.constant 2 : i32
        %broadcast_in_dim3A_290 = vector.broadcast %broadcast_in_dim3A_289 : i32 to vector<16xi32>
        tpu.vector_store_idx %arg15[%select_n3A, %sub3A_260, %broadcast_in_dim3A_290], %mul3A_288 : memref<8x50x32xf32, #tpu.memory_space<vmem>>[vector<16xi32>, vector<16xi32>, vector<16xi32>], vector<16xf32>,
        %shift_right_arithmetic3A_291 = arith.constant 24 : i32
        %shift_right_arithmetic3A_292 = vector.broadcast %shift_right_arithmetic3A_291 : i32 to vector<16xi32>
        %shift_right_arithmetic3A_293 = arith.shrsi %gather3A_262, %shift_right_arithmetic3A_292 : vector<16xi32>
        %convert_element_type3A_294 = arith.sitofp %shift_right_arithmetic3A_293 : vector<16xi32> to vector<16xf32>
        %mul3A_295 = arith.mulf %convert_element_type3A_294, %gather3A : vector<16xf32>
        %broadcast_in_dim3A_296 = arith.constant 3 : i32
        %broadcast_in_dim3A_297 = vector.broadcast %broadcast_in_dim3A_296 : i32 to vector<16xi32>
        tpu.vector_store_idx %arg15[%select_n3A, %sub3A_260, %broadcast_in_dim3A_297], %mul3A_295 : memref<8x50x32xf32, #tpu.memory_space<vmem>>[vector<16xi32>, vector<16xi32>, vector<16xi32>], vector<16xf32>,
        %broadcast_in_dim3A_298 = arith.constant 1 : i32
        %broadcast_in_dim3A_299 = vector.broadcast %broadcast_in_dim3A_298 : i32 to vector<16xi32>
        %gather3A_300 = tpu.vector_load_idx %arg9[%add3A_234, %broadcast_in_dim3A_299] : memref<400x8xi32, #tpu.memory_space<vmem>>[vector<16xi32>, vector<16xi32>], vector<16xi32>,
        %shift_left3A_301 = arith.constant 24 : i32
        %shift_left3A_302 = vector.broadcast %shift_left3A_301 : i32 to vector<16xi32>
        %shift_left3A_303 = arith.shli %gather3A_300, %shift_left3A_302 : vector<16xi32>
        %shift_right_arithmetic3A_304 = arith.constant 24 : i32
        %shift_right_arithmetic3A_305 = vector.broadcast %shift_right_arithmetic3A_304 : i32 to vector<16xi32>
        %shift_right_arithmetic3A_306 = arith.shrsi %shift_left3A_303, %shift_right_arithmetic3A_305 : vector<16xi32>
        %convert_element_type3A_307 = arith.sitofp %shift_right_arithmetic3A_306 : vector<16xi32> to vector<16xf32>
        %mul3A_308 = arith.mulf %convert_element_type3A_307, %gather3A : vector<16xf32>
        %broadcast_in_dim3A_309 = arith.constant 4 : i32
        %broadcast_in_dim3A_310 = vector.broadcast %broadcast_in_dim3A_309 : i32 to vector<16xi32>
        tpu.vector_store_idx %arg15[%select_n3A, %sub3A_260, %broadcast_in_dim3A_310], %mul3A_308 : memref<8x50x32xf32, #tpu.memory_space<vmem>>[vector<16xi32>, vector<16xi32>, vector<16xi32>], vector<16xf32>,
        %shift_left3A_311 = arith.constant 16 : i32
        %shift_left3A_312 = vector.broadcast %shift_left3A_311 : i32 to vector<16xi32>
        %shift_left3A_313 = arith.shli %gather3A_300, %shift_left3A_312 : vector<16xi32>
        %shift_right_arithmetic3A_314 = arith.constant 24 : i32
        %shift_right_arithmetic3A_315 = vector.broadcast %shift_right_arithmetic3A_314 : i32 to vector<16xi32>
        %shift_right_arithmetic3A_316 = arith.shrsi %shift_left3A_313, %shift_right_arithmetic3A_315 : vector<16xi32>
        %convert_element_type3A_317 = arith.sitofp %shift_right_arithmetic3A_316 : vector<16xi32> to vector<16xf32>
        %mul3A_318 = arith.mulf %convert_element_type3A_317, %gather3A : vector<16xf32>
        %broadcast_in_dim3A_319 = arith.constant 5 : i32
        %broadcast_in_dim3A_320 = vector.broadcast %broadcast_in_dim3A_319 : i32 to vector<16xi32>
        tpu.vector_store_idx %arg15[%select_n3A, %sub3A_260, %broadcast_in_dim3A_320], %mul3A_318 : memref<8x50x32xf32, #tpu.memory_space<vmem>>[vector<16xi32>, vector<16xi32>, vector<16xi32>], vector<16xf32>,
        %shift_left3A_321 = arith.constant 8 : i32
        %shift_left3A_322 = vector.broadcast %shift_left3A_321 : i32 to vector<16xi32>
        %shift_left3A_323 = arith.shli %gather3A_300, %shift_left3A_322 : vector<16xi32>
        %shift_right_arithmetic3A_324 = arith.constant 24 : i32
        %shift_right_arithmetic3A_325 = vector.broadcast %shift_right_arithmetic3A_324 : i32 to vector<16xi32>
        %shift_right_arithmetic3A_326 = arith.shrsi %shift_left3A_323, %shift_right_arithmetic3A_325 : vector<16xi32>
        %convert_element_type3A_327 = arith.sitofp %shift_right_arithmetic3A_326 : vector<16xi32> to vector<16xf32>
        %mul3A_328 = arith.mulf %convert_element_type3A_327, %gather3A : vector<16xf32>
        %broadcast_in_dim3A_329 = arith.constant 6 : i32
        %broadcast_in_dim3A_330 = vector.broadcast %broadcast_in_dim3A_329 : i32 to vector<16xi32>
        tpu.vector_store_idx %arg15[%select_n3A, %sub3A_260, %broadcast_in_dim3A_330], %mul3A_328 : memref<8x50x32xf32, #tpu.memory_space<vmem>>[vector<16xi32>, vector<16xi32>, vector<16xi32>], vector<16xf32>,
        %shift_right_arithmetic3A_331 = arith.constant 24 : i32
        %shift_right_arithmetic3A_332 = vector.broadcast %shift_right_arithmetic3A_331 : i32 to vector<16xi32>
        %shift_right_arithmetic3A_333 = arith.shrsi %gather3A_300, %shift_right_arithmetic3A_332 : vector<16xi32>
        %convert_element_type3A_334 = arith.sitofp %shift_right_arithmetic3A_333 : vector<16xi32> to vector<16xf32>
        %mul3A_335 = arith.mulf %convert_element_type3A_334, %gather3A : vector<16xf32>
        %broadcast_in_dim3A_336 = arith.constant 7 : i32
        %broadcast_in_dim3A_337 = vector.broadcast %broadcast_in_dim3A_336 : i32 to vector<16xi32>
        tpu.vector_store_idx %arg15[%select_n3A, %sub3A_260, %broadcast_in_dim3A_337], %mul3A_335 : memref<8x50x32xf32, #tpu.memory_space<vmem>>[vector<16xi32>, vector<16xi32>, vector<16xi32>], vector<16xf32>,
        %broadcast_in_dim3A_338 = arith.constant 2 : i32
        %broadcast_in_dim3A_339 = vector.broadcast %broadcast_in_dim3A_338 : i32 to vector<16xi32>
        %gather3A_340 = tpu.vector_load_idx %arg9[%add3A_234, %broadcast_in_dim3A_339] : memref<400x8xi32, #tpu.memory_space<vmem>>[vector<16xi32>, vector<16xi32>], vector<16xi32>,
        %shift_left3A_341 = arith.constant 24 : i32
        %shift_left3A_342 = vector.broadcast %shift_left3A_341 : i32 to vector<16xi32>
        %shift_left3A_343 = arith.shli %gather3A_340, %shift_left3A_342 : vector<16xi32>
        %shift_right_arithmetic3A_344 = arith.constant 24 : i32
        %shift_right_arithmetic3A_345 = vector.broadcast %shift_right_arithmetic3A_344 : i32 to vector<16xi32>
        %shift_right_arithmetic3A_346 = arith.shrsi %shift_left3A_343, %shift_right_arithmetic3A_345 : vector<16xi32>
        %convert_element_type3A_347 = arith.sitofp %shift_right_arithmetic3A_346 : vector<16xi32> to vector<16xf32>
        %mul3A_348 = arith.mulf %convert_element_type3A_347, %gather3A : vector<16xf32>
        %broadcast_in_dim3A_349 = arith.constant 8 : i32
        %broadcast_in_dim3A_350 = vector.broadcast %broadcast_in_dim3A_349 : i32 to vector<16xi32>
        tpu.vector_store_idx %arg15[%select_n3A, %sub3A_260, %broadcast_in_dim3A_350], %mul3A_348 : memref<8x50x32xf32, #tpu.memory_space<vmem>>[vector<16xi32>, vector<16xi32>, vector<16xi32>], vector<16xf32>,
        %shift_left3A_351 = arith.constant 16 : i32
        %shift_left3A_352 = vector.broadcast %shift_left3A_351 : i32 to vector<16xi32>
        %shift_left3A_353 = arith.shli %gather3A_340, %shift_left3A_352 : vector<16xi32>
        %shift_right_arithmetic3A_354 = arith.constant 24 : i32
        %shift_right_arithmetic3A_355 = vector.broadcast %shift_right_arithmetic3A_354 : i32 to vector<16xi32>
        %shift_right_arithmetic3A_356 = arith.shrsi %shift_left3A_353, %shift_right_arithmetic3A_355 : vector<16xi32>
        %convert_element_type3A_357 = arith.sitofp %shift_right_arithmetic3A_356 : vector<16xi32> to vector<16xf32>
        %mul3A_358 = arith.mulf %convert_element_type3A_357, %gather3A : vector<16xf32>
        %broadcast_in_dim3A_359 = arith.constant 9 : i32
        %broadcast_in_dim3A_360 = vector.broadcast %broadcast_in_dim3A_359 : i32 to vector<16xi32>
        tpu.vector_store_idx %arg15[%select_n3A, %sub3A_260, %broadcast_in_dim3A_360], %mul3A_358 : memref<8x50x32xf32, #tpu.memory_space<vmem>>[vector<16xi32>, vector<16xi32>, vector<16xi32>], vector<16xf32>,
        %shift_left3A_361 = arith.constant 8 : i32
        %shift_left3A_362 = vector.broadcast %shift_left3A_361 : i32 to vector<16xi32>
        %shift_left3A_363 = arith.shli %gather3A_340, %shift_left3A_362 : vector<16xi32>
        %shift_right_arithmetic3A_364 = arith.constant 24 : i32
        %shift_right_arithmetic3A_365 = vector.broadcast %shift_right_arithmetic3A_364 : i32 to vector<16xi32>
        %shift_right_arithmetic3A_366 = arith.shrsi %shift_left3A_363, %shift_right_arithmetic3A_365 : vector<16xi32>
        %convert_element_type3A_367 = arith.sitofp %shift_right_arithmetic3A_366 : vector<16xi32> to vector<16xf32>
        %mul3A_368 = arith.mulf %convert_element_type3A_367, %gather3A : vector<16xf32>
        %broadcast_in_dim3A_369 = arith.constant 10 : i32
        %broadcast_in_dim3A_370 = vector.broadcast %broadcast_in_dim3A_369 : i32 to vector<16xi32>
        tpu.vector_store_idx %arg15[%select_n3A, %sub3A_260, %broadcast_in_dim3A_370], %mul3A_368 : memref<8x50x32xf32, #tpu.memory_space<vmem>>[vector<16xi32>, vector<16xi32>, vector<16xi32>], vector<16xf32>,
        %shift_right_arithmetic3A_371 = arith.constant 24 : i32
        %shift_right_arithmetic3A_372 = vector.broadcast %shift_right_arithmetic3A_371 : i32 to vector<16xi32>
        %shift_right_arithmetic3A_373 = arith.shrsi %gather3A_340, %shift_right_arithmetic3A_372 : vector<16xi32>
        %convert_element_type3A_374 = arith.sitofp %shift_right_arithmetic3A_373 : vector<16xi32> to vector<16xf32>
        %mul3A_375 = arith.mulf %convert_element_type3A_374, %gather3A : vector<16xf32>
        %broadcast_in_dim3A_376 = arith.constant 11 : i32
        %broadcast_in_dim3A_377 = vector.broadcast %broadcast_in_dim3A_376 : i32 to vector<16xi32>
        tpu.vector_store_idx %arg15[%select_n3A, %sub3A_260, %broadcast_in_dim3A_377], %mul3A_375 : memref<8x50x32xf32, #tpu.memory_space<vmem>>[vector<16xi32>, vector<16xi32>, vector<16xi32>], vector<16xf32>,
        %broadcast_in_dim3A_378 = arith.constant 3 : i32
        %broadcast_in_dim3A_379 = vector.broadcast %broadcast_in_dim3A_378 : i32 to vector<16xi32>
        %gather3A_380 = tpu.vector_load_idx %arg9[%add3A_234, %broadcast_in_dim3A_379] : memref<400x8xi32, #tpu.memory_space<vmem>>[vector<16xi32>, vector<16xi32>], vector<16xi32>,
        %shift_left3A_381 = arith.constant 24 : i32
        %shift_left3A_382 = vector.broadcast %shift_left3A_381 : i32 to vector<16xi32>
        %shift_left3A_383 = arith.shli %gather3A_380, %shift_left3A_382 : vector<16xi32>
        %shift_right_arithmetic3A_384 = arith.constant 24 : i32
        %shift_right_arithmetic3A_385 = vector.broadcast %shift_right_arithmetic3A_384 : i32 to vector<16xi32>
        %shift_right_arithmetic3A_386 = arith.shrsi %shift_left3A_383, %shift_right_arithmetic3A_385 : vector<16xi32>
        %convert_element_type3A_387 = arith.sitofp %shift_right_arithmetic3A_386 : vector<16xi32> to vector<16xf32>
        %mul3A_388 = arith.mulf %convert_element_type3A_387, %gather3A : vector<16xf32>
        %broadcast_in_dim3A_389 = arith.constant 12 : i32
        %broadcast_in_dim3A_390 = vector.broadcast %broadcast_in_dim3A_389 : i32 to vector<16xi32>
        tpu.vector_store_idx %arg15[%select_n3A, %sub3A_260, %broadcast_in_dim3A_390], %mul3A_388 : memref<8x50x32xf32, #tpu.memory_space<vmem>>[vector<16xi32>, vector<16xi32>, vector<16xi32>], vector<16xf32>,
        %shift_left3A_391 = arith.constant 16 : i32
        %shift_left3A_392 = vector.broadcast %shift_left3A_391 : i32 to vector<16xi32>
        %shift_left3A_393 = arith.shli %gather3A_380, %shift_left3A_392 : vector<16xi32>
        %shift_right_arithmetic3A_394 = arith.constant 24 : i32
        %shift_right_arithmetic3A_395 = vector.broadcast %shift_right_arithmetic3A_394 : i32 to vector<16xi32>
        %shift_right_arithmetic3A_396 = arith.shrsi %shift_left3A_393, %shift_right_arithmetic3A_395 : vector<16xi32>
        %convert_element_type3A_397 = arith.sitofp %shift_right_arithmetic3A_396 : vector<16xi32> to vector<16xf32>
        %mul3A_398 = arith.mulf %convert_element_type3A_397, %gather3A : vector<16xf32>
        %broadcast_in_dim3A_399 = arith.constant 13 : i32
        %broadcast_in_dim3A_400 = vector.broadcast %broadcast_in_dim3A_399 : i32 to vector<16xi32>
        tpu.vector_store_idx %arg15[%select_n3A, %sub3A_260, %broadcast_in_dim3A_400], %mul3A_398 : memref<8x50x32xf32, #tpu.memory_space<vmem>>[vector<16xi32>, vector<16xi32>, vector<16xi32>], vector<16xf32>,
        %shift_left3A_401 = arith.constant 8 : i32
        %shift_left3A_402 = vector.broadcast %shift_left3A_401 : i32 to vector<16xi32>
        %shift_left3A_403 = arith.shli %gather3A_380, %shift_left3A_402 : vector<16xi32>
        %shift_right_arithmetic3A_404 = arith.constant 24 : i32
        %shift_right_arithmetic3A_405 = vector.broadcast %shift_right_arithmetic3A_404 : i32 to vector<16xi32>
        %shift_right_arithmetic3A_406 = arith.shrsi %shift_left3A_403, %shift_right_arithmetic3A_405 : vector<16xi32>
        %convert_element_type3A_407 = arith.sitofp %shift_right_arithmetic3A_406 : vector<16xi32> to vector<16xf32>
        %mul3A_408 = arith.mulf %convert_element_type3A_407, %gather3A : vector<16xf32>
        %broadcast_in_dim3A_409 = arith.constant 14 : i32
        %broadcast_in_dim3A_410 = vector.broadcast %broadcast_in_dim3A_409 : i32 to vector<16xi32>
        tpu.vector_store_idx %arg15[%select_n3A, %sub3A_260, %broadcast_in_dim3A_410], %mul3A_408 : memref<8x50x32xf32, #tpu.memory_space<vmem>>[vector<16xi32>, vector<16xi32>, vector<16xi32>], vector<16xf32>,
        %shift_right_arithmetic3A_411 = arith.constant 24 : i32
        %shift_right_arithmetic3A_412 = vector.broadcast %shift_right_arithmetic3A_411 : i32 to vector<16xi32>
        %shift_right_arithmetic3A_413 = arith.shrsi %gather3A_380, %shift_right_arithmetic3A_412 : vector<16xi32>
        %convert_element_type3A_414 = arith.sitofp %shift_right_arithmetic3A_413 : vector<16xi32> to vector<16xf32>
        %mul3A_415 = arith.mulf %convert_element_type3A_414, %gather3A : vector<16xf32>
        %broadcast_in_dim3A_416 = arith.constant 15 : i32
        %broadcast_in_dim3A_417 = vector.broadcast %broadcast_in_dim3A_416 : i32 to vector<16xi32>
        tpu.vector_store_idx %arg15[%select_n3A, %sub3A_260, %broadcast_in_dim3A_417], %mul3A_415 : memref<8x50x32xf32, #tpu.memory_space<vmem>>[vector<16xi32>, vector<16xi32>, vector<16xi32>], vector<16xf32>,
        %broadcast_in_dim3A_418 = arith.constant 4 : i32
        %broadcast_in_dim3A_419 = vector.broadcast %broadcast_in_dim3A_418 : i32 to vector<16xi32>
        %gather3A_420 = tpu.vector_load_idx %arg9[%add3A_234, %broadcast_in_dim3A_419] : memref<400x8xi32, #tpu.memory_space<vmem>>[vector<16xi32>, vector<16xi32>], vector<16xi32>,
        %shift_left3A_421 = arith.constant 24 : i32
        %shift_left3A_422 = vector.broadcast %shift_left3A_421 : i32 to vector<16xi32>
        %shift_left3A_423 = arith.shli %gather3A_420, %shift_left3A_422 : vector<16xi32>
        %shift_right_arithmetic3A_424 = arith.constant 24 : i32
        %shift_right_arithmetic3A_425 = vector.broadcast %shift_right_arithmetic3A_424 : i32 to vector<16xi32>
        %shift_right_arithmetic3A_426 = arith.shrsi %shift_left3A_423, %shift_right_arithmetic3A_425 : vector<16xi32>
        %convert_element_type3A_427 = arith.sitofp %shift_right_arithmetic3A_426 : vector<16xi32> to vector<16xf32>
        %mul3A_428 = arith.mulf %convert_element_type3A_427, %gather3A : vector<16xf32>
        %broadcast_in_dim3A_429 = arith.constant 16 : i32
        %broadcast_in_dim3A_430 = vector.broadcast %broadcast_in_dim3A_429 : i32 to vector<16xi32>
        tpu.vector_store_idx %arg15[%select_n3A, %sub3A_260, %broadcast_in_dim3A_430], %mul3A_428 : memref<8x50x32xf32, #tpu.memory_space<vmem>>[vector<16xi32>, vector<16xi32>, vector<16xi32>], vector<16xf32>,
        %shift_left3A_431 = arith.constant 16 : i32
        %shift_left3A_432 = vector.broadcast %shift_left3A_431 : i32 to vector<16xi32>
        %shift_left3A_433 = arith.shli %gather3A_420, %shift_left3A_432 : vector<16xi32>
        %shift_right_arithmetic3A_434 = arith.constant 24 : i32
        %shift_right_arithmetic3A_435 = vector.broadcast %shift_right_arithmetic3A_434 : i32 to vector<16xi32>
        %shift_right_arithmetic3A_436 = arith.shrsi %shift_left3A_433, %shift_right_arithmetic3A_435 : vector<16xi32>
        %convert_element_type3A_437 = arith.sitofp %shift_right_arithmetic3A_436 : vector<16xi32> to vector<16xf32>
        %mul3A_438 = arith.mulf %convert_element_type3A_437, %gather3A : vector<16xf32>
        %broadcast_in_dim3A_439 = arith.constant 17 : i32
        %broadcast_in_dim3A_440 = vector.broadcast %broadcast_in_dim3A_439 : i32 to vector<16xi32>
        tpu.vector_store_idx %arg15[%select_n3A, %sub3A_260, %broadcast_in_dim3A_440], %mul3A_438 : memref<8x50x32xf32, #tpu.memory_space<vmem>>[vector<16xi32>, vector<16xi32>, vector<16xi32>], vector<16xf32>,
        %shift_left3A_441 = arith.constant 8 : i32
        %shift_left3A_442 = vector.broadcast %shift_left3A_441 : i32 to vector<16xi32>
        %shift_left3A_443 = arith.shli %gather3A_420, %shift_left3A_442 : vector<16xi32>
        %shift_right_arithmetic3A_444 = arith.constant 24 : i32
        %shift_right_arithmetic3A_445 = vector.broadcast %shift_right_arithmetic3A_444 : i32 to vector<16xi32>
        %shift_right_arithmetic3A_446 = arith.shrsi %shift_left3A_443, %shift_right_arithmetic3A_445 : vector<16xi32>
        %convert_element_type3A_447 = arith.sitofp %shift_right_arithmetic3A_446 : vector<16xi32> to vector<16xf32>
        %mul3A_448 = arith.mulf %convert_element_type3A_447, %gather3A : vector<16xf32>
        %broadcast_in_dim3A_449 = arith.constant 18 : i32
        %broadcast_in_dim3A_450 = vector.broadcast %broadcast_in_dim3A_449 : i32 to vector<16xi32>
        tpu.vector_store_idx %arg15[%select_n3A, %sub3A_260, %broadcast_in_dim3A_450], %mul3A_448 : memref<8x50x32xf32, #tpu.memory_space<vmem>>[vector<16xi32>, vector<16xi32>, vector<16xi32>], vector<16xf32>,
        %shift_right_arithmetic3A_451 = arith.constant 24 : i32
        %shift_right_arithmetic3A_452 = vector.broadcast %shift_right_arithmetic3A_451 : i32 to vector<16xi32>
        %shift_right_arithmetic3A_453 = arith.shrsi %gather3A_420, %shift_right_arithmetic3A_452 : vector<16xi32>
        %convert_element_type3A_454 = arith.sitofp %shift_right_arithmetic3A_453 : vector<16xi32> to vector<16xf32>
        %mul3A_455 = arith.mulf %convert_element_type3A_454, %gather3A : vector<16xf32>
        %broadcast_in_dim3A_456 = arith.constant 19 : i32
        %broadcast_in_dim3A_457 = vector.broadcast %broadcast_in_dim3A_456 : i32 to vector<16xi32>
        tpu.vector_store_idx %arg15[%select_n3A, %sub3A_260, %broadcast_in_dim3A_457], %mul3A_455 : memref<8x50x32xf32, #tpu.memory_space<vmem>>[vector<16xi32>, vector<16xi32>, vector<16xi32>], vector<16xf32>,
        %broadcast_in_dim3A_458 = arith.constant 5 : i32
        %broadcast_in_dim3A_459 = vector.broadcast %broadcast_in_dim3A_458 : i32 to vector<16xi32>
        %gather3A_460 = tpu.vector_load_idx %arg9[%add3A_234, %broadcast_in_dim3A_459] : memref<400x8xi32, #tpu.memory_space<vmem>>[vector<16xi32>, vector<16xi32>], vector<16xi32>,
        %shift_left3A_461 = arith.constant 24 : i32
        %shift_left3A_462 = vector.broadcast %shift_left3A_461 : i32 to vector<16xi32>
        %shift_left3A_463 = arith.shli %gather3A_460, %shift_left3A_462 : vector<16xi32>
        %shift_right_arithmetic3A_464 = arith.constant 24 : i32
        %shift_right_arithmetic3A_465 = vector.broadcast %shift_right_arithmetic3A_464 : i32 to vector<16xi32>
        %shift_right_arithmetic3A_466 = arith.shrsi %shift_left3A_463, %shift_right_arithmetic3A_465 : vector<16xi32>
        %convert_element_type3A_467 = arith.sitofp %shift_right_arithmetic3A_466 : vector<16xi32> to vector<16xf32>
        %mul3A_468 = arith.mulf %convert_element_type3A_467, %gather3A : vector<16xf32>
        %broadcast_in_dim3A_469 = arith.constant 20 : i32
        %broadcast_in_dim3A_470 = vector.broadcast %broadcast_in_dim3A_469 : i32 to vector<16xi32>
        tpu.vector_store_idx %arg15[%select_n3A, %sub3A_260, %broadcast_in_dim3A_470], %mul3A_468 : memref<8x50x32xf32, #tpu.memory_space<vmem>>[vector<16xi32>, vector<16xi32>, vector<16xi32>], vector<16xf32>,
        %shift_left3A_471 = arith.constant 16 : i32
        %shift_left3A_472 = vector.broadcast %shift_left3A_471 : i32 to vector<16xi32>
        %shift_left3A_473 = arith.shli %gather3A_460, %shift_left3A_472 : vector<16xi32>
        %shift_right_arithmetic3A_474 = arith.constant 24 : i32
        %shift_right_arithmetic3A_475 = vector.broadcast %shift_right_arithmetic3A_474 : i32 to vector<16xi32>
        %shift_right_arithmetic3A_476 = arith.shrsi %shift_left3A_473, %shift_right_arithmetic3A_475 : vector<16xi32>
        %convert_element_type3A_477 = arith.sitofp %shift_right_arithmetic3A_476 : vector<16xi32> to vector<16xf32>
        %mul3A_478 = arith.mulf %convert_element_type3A_477, %gather3A : vector<16xf32>
        %broadcast_in_dim3A_479 = arith.constant 21 : i32
        %broadcast_in_dim3A_480 = vector.broadcast %broadcast_in_dim3A_479 : i32 to vector<16xi32>
        tpu.vector_store_idx %arg15[%select_n3A, %sub3A_260, %broadcast_in_dim3A_480], %mul3A_478 : memref<8x50x32xf32, #tpu.memory_space<vmem>>[vector<16xi32>, vector<16xi32>, vector<16xi32>], vector<16xf32>,
        %shift_left3A_481 = arith.constant 8 : i32
        %shift_left3A_482 = vector.broadcast %shift_left3A_481 : i32 to vector<16xi32>
        %shift_left3A_483 = arith.shli %gather3A_460, %shift_left3A_482 : vector<16xi32>
        %shift_right_arithmetic3A_484 = arith.constant 24 : i32
        %shift_right_arithmetic3A_485 = vector.broadcast %shift_right_arithmetic3A_484 : i32 to vector<16xi32>
        %shift_right_arithmetic3A_486 = arith.shrsi %shift_left3A_483, %shift_right_arithmetic3A_485 : vector<16xi32>
        %convert_element_type3A_487 = arith.sitofp %shift_right_arithmetic3A_486 : vector<16xi32> to vector<16xf32>
        %mul3A_488 = arith.mulf %convert_element_type3A_487, %gather3A : vector<16xf32>
        %broadcast_in_dim3A_489 = arith.constant 22 : i32
        %broadcast_in_dim3A_490 = vector.broadcast %broadcast_in_dim3A_489 : i32 to vector<16xi32>
        tpu.vector_store_idx %arg15[%select_n3A, %sub3A_260, %broadcast_in_dim3A_490], %mul3A_488 : memref<8x50x32xf32, #tpu.memory_space<vmem>>[vector<16xi32>, vector<16xi32>, vector<16xi32>], vector<16xf32>,
        %shift_right_arithmetic3A_491 = arith.constant 24 : i32
        %shift_right_arithmetic3A_492 = vector.broadcast %shift_right_arithmetic3A_491 : i32 to vector<16xi32>
        %shift_right_arithmetic3A_493 = arith.shrsi %gather3A_460, %shift_right_arithmetic3A_492 : vector<16xi32>
        %convert_element_type3A_494 = arith.sitofp %shift_right_arithmetic3A_493 : vector<16xi32> to vector<16xf32>
        %mul3A_495 = arith.mulf %convert_element_type3A_494, %gather3A : vector<16xf32>
        %broadcast_in_dim3A_496 = arith.constant 23 : i32
        %broadcast_in_dim3A_497 = vector.broadcast %broadcast_in_dim3A_496 : i32 to vector<16xi32>
        tpu.vector_store_idx %arg15[%select_n3A, %sub3A_260, %broadcast_in_dim3A_497], %mul3A_495 : memref<8x50x32xf32, #tpu.memory_space<vmem>>[vector<16xi32>, vector<16xi32>, vector<16xi32>], vector<16xf32>,
        %broadcast_in_dim3A_498 = arith.constant 6 : i32
        %broadcast_in_dim3A_499 = vector.broadcast %broadcast_in_dim3A_498 : i32 to vector<16xi32>
        %gather3A_500 = tpu.vector_load_idx %arg9[%add3A_234, %broadcast_in_dim3A_499] : memref<400x8xi32, #tpu.memory_space<vmem>>[vector<16xi32>, vector<16xi32>], vector<16xi32>,
        %shift_left3A_501 = arith.constant 24 : i32
        %shift_left3A_502 = vector.broadcast %shift_left3A_501 : i32 to vector<16xi32>
        %shift_left3A_503 = arith.shli %gather3A_500, %shift_left3A_502 : vector<16xi32>
        %shift_right_arithmetic3A_504 = arith.constant 24 : i32
        %shift_right_arithmetic3A_505 = vector.broadcast %shift_right_arithmetic3A_504 : i32 to vector<16xi32>
        %shift_right_arithmetic3A_506 = arith.shrsi %shift_left3A_503, %shift_right_arithmetic3A_505 : vector<16xi32>
        %convert_element_type3A_507 = arith.sitofp %shift_right_arithmetic3A_506 : vector<16xi32> to vector<16xf32>
        %mul3A_508 = arith.mulf %convert_element_type3A_507, %gather3A : vector<16xf32>
        %broadcast_in_dim3A_509 = arith.constant 24 : i32
        %broadcast_in_dim3A_510 = vector.broadcast %broadcast_in_dim3A_509 : i32 to vector<16xi32>
        tpu.vector_store_idx %arg15[%select_n3A, %sub3A_260, %broadcast_in_dim3A_510], %mul3A_508 : memref<8x50x32xf32, #tpu.memory_space<vmem>>[vector<16xi32>, vector<16xi32>, vector<16xi32>], vector<16xf32>,
        %shift_left3A_511 = arith.constant 16 : i32
        %shift_left3A_512 = vector.broadcast %shift_left3A_511 : i32 to vector<16xi32>
        %shift_left3A_513 = arith.shli %gather3A_500, %shift_left3A_512 : vector<16xi32>
        %shift_right_arithmetic3A_514 = arith.constant 24 : i32
        %shift_right_arithmetic3A_515 = vector.broadcast %shift_right_arithmetic3A_514 : i32 to vector<16xi32>
        %shift_right_arithmetic3A_516 = arith.shrsi %shift_left3A_513, %shift_right_arithmetic3A_515 : vector<16xi32>
        %convert_element_type3A_517 = arith.sitofp %shift_right_arithmetic3A_516 : vector<16xi32> to vector<16xf32>
        %mul3A_518 = arith.mulf %convert_element_type3A_517, %gather3A : vector<16xf32>
        %broadcast_in_dim3A_519 = arith.constant 25 : i32
        %broadcast_in_dim3A_520 = vector.broadcast %broadcast_in_dim3A_519 : i32 to vector<16xi32>
        tpu.vector_store_idx %arg15[%select_n3A, %sub3A_260, %broadcast_in_dim3A_520], %mul3A_518 : memref<8x50x32xf32, #tpu.memory_space<vmem>>[vector<16xi32>, vector<16xi32>, vector<16xi32>], vector<16xf32>,
        %shift_left3A_521 = arith.constant 8 : i32
        %shift_left3A_522 = vector.broadcast %shift_left3A_521 : i32 to vector<16xi32>
        %shift_left3A_523 = arith.shli %gather3A_500, %shift_left3A_522 : vector<16xi32>
        %shift_right_arithmetic3A_524 = arith.constant 24 : i32
        %shift_right_arithmetic3A_525 = vector.broadcast %shift_right_arithmetic3A_524 : i32 to vector<16xi32>
        %shift_right_arithmetic3A_526 = arith.shrsi %shift_left3A_523, %shift_right_arithmetic3A_525 : vector<16xi32>
        %convert_element_type3A_527 = arith.sitofp %shift_right_arithmetic3A_526 : vector<16xi32> to vector<16xf32>
        %mul3A_528 = arith.mulf %convert_element_type3A_527, %gather3A : vector<16xf32>
        %broadcast_in_dim3A_529 = arith.constant 26 : i32
        %broadcast_in_dim3A_530 = vector.broadcast %broadcast_in_dim3A_529 : i32 to vector<16xi32>
        tpu.vector_store_idx %arg15[%select_n3A, %sub3A_260, %broadcast_in_dim3A_530], %mul3A_528 : memref<8x50x32xf32, #tpu.memory_space<vmem>>[vector<16xi32>, vector<16xi32>, vector<16xi32>], vector<16xf32>,
        %shift_right_arithmetic3A_531 = arith.constant 24 : i32
        %shift_right_arithmetic3A_532 = vector.broadcast %shift_right_arithmetic3A_531 : i32 to vector<16xi32>
        %shift_right_arithmetic3A_533 = arith.shrsi %gather3A_500, %shift_right_arithmetic3A_532 : vector<16xi32>
        %convert_element_type3A_534 = arith.sitofp %shift_right_arithmetic3A_533 : vector<16xi32> to vector<16xf32>
        %mul3A_535 = arith.mulf %convert_element_type3A_534, %gather3A : vector<16xf32>
        %broadcast_in_dim3A_536 = arith.constant 27 : i32
        %broadcast_in_dim3A_537 = vector.broadcast %broadcast_in_dim3A_536 : i32 to vector<16xi32>
        tpu.vector_store_idx %arg15[%select_n3A, %sub3A_260, %broadcast_in_dim3A_537], %mul3A_535 : memref<8x50x32xf32, #tpu.memory_space<vmem>>[vector<16xi32>, vector<16xi32>, vector<16xi32>], vector<16xf32>,
        %broadcast_in_dim3A_538 = arith.constant 7 : i32
        %broadcast_in_dim3A_539 = vector.broadcast %broadcast_in_dim3A_538 : i32 to vector<16xi32>
        %gather3A_540 = tpu.vector_load_idx %arg9[%add3A_234, %broadcast_in_dim3A_539] : memref<400x8xi32, #tpu.memory_space<vmem>>[vector<16xi32>, vector<16xi32>], vector<16xi32>,
        %shift_left3A_541 = arith.constant 24 : i32
        %shift_left3A_542 = vector.broadcast %shift_left3A_541 : i32 to vector<16xi32>
        %shift_left3A_543 = arith.shli %gather3A_540, %shift_left3A_542 : vector<16xi32>
        %shift_right_arithmetic3A_544 = arith.constant 24 : i32
        %shift_right_arithmetic3A_545 = vector.broadcast %shift_right_arithmetic3A_544 : i32 to vector<16xi32>
        %shift_right_arithmetic3A_546 = arith.shrsi %shift_left3A_543, %shift_right_arithmetic3A_545 : vector<16xi32>
        %convert_element_type3A_547 = arith.sitofp %shift_right_arithmetic3A_546 : vector<16xi32> to vector<16xf32>
        %mul3A_548 = arith.mulf %convert_element_type3A_547, %gather3A : vector<16xf32>
        %broadcast_in_dim3A_549 = arith.constant 28 : i32
        %broadcast_in_dim3A_550 = vector.broadcast %broadcast_in_dim3A_549 : i32 to vector<16xi32>
        tpu.vector_store_idx %arg15[%select_n3A, %sub3A_260, %broadcast_in_dim3A_550], %mul3A_548 : memref<8x50x32xf32, #tpu.memory_space<vmem>>[vector<16xi32>, vector<16xi32>, vector<16xi32>], vector<16xf32>,
        %shift_left3A_551 = arith.constant 16 : i32
        %shift_left3A_552 = vector.broadcast %shift_left3A_551 : i32 to vector<16xi32>
        %shift_left3A_553 = arith.shli %gather3A_540, %shift_left3A_552 : vector<16xi32>
        %shift_right_arithmetic3A_554 = arith.constant 24 : i32
        %shift_right_arithmetic3A_555 = vector.broadcast %shift_right_arithmetic3A_554 : i32 to vector<16xi32>
        %shift_right_arithmetic3A_556 = arith.shrsi %shift_left3A_553, %shift_right_arithmetic3A_555 : vector<16xi32>
        %convert_element_type3A_557 = arith.sitofp %shift_right_arithmetic3A_556 : vector<16xi32> to vector<16xf32>
        %mul3A_558 = arith.mulf %convert_element_type3A_557, %gather3A : vector<16xf32>
        %broadcast_in_dim3A_559 = arith.constant 29 : i32
        %broadcast_in_dim3A_560 = vector.broadcast %broadcast_in_dim3A_559 : i32 to vector<16xi32>
        tpu.vector_store_idx %arg15[%select_n3A, %sub3A_260, %broadcast_in_dim3A_560], %mul3A_558 : memref<8x50x32xf32, #tpu.memory_space<vmem>>[vector<16xi32>, vector<16xi32>, vector<16xi32>], vector<16xf32>,
        %shift_left3A_561 = arith.constant 8 : i32
        %shift_left3A_562 = vector.broadcast %shift_left3A_561 : i32 to vector<16xi32>
        %shift_left3A_563 = arith.shli %gather3A_540, %shift_left3A_562 : vector<16xi32>
        %shift_right_arithmetic3A_564 = arith.constant 24 : i32
        %shift_right_arithmetic3A_565 = vector.broadcast %shift_right_arithmetic3A_564 : i32 to vector<16xi32>
        %shift_right_arithmetic3A_566 = arith.shrsi %shift_left3A_563, %shift_right_arithmetic3A_565 : vector<16xi32>
        %convert_element_type3A_567 = arith.sitofp %shift_right_arithmetic3A_566 : vector<16xi32> to vector<16xf32>
        %mul3A_568 = arith.mulf %convert_element_type3A_567, %gather3A : vector<16xf32>
        %broadcast_in_dim3A_569 = arith.constant 30 : i32
        %broadcast_in_dim3A_570 = vector.broadcast %broadcast_in_dim3A_569 : i32 to vector<16xi32>
        tpu.vector_store_idx %arg15[%select_n3A, %sub3A_260, %broadcast_in_dim3A_570], %mul3A_568 : memref<8x50x32xf32, #tpu.memory_space<vmem>>[vector<16xi32>, vector<16xi32>, vector<16xi32>], vector<16xf32>,
        %shift_right_arithmetic3A_571 = arith.constant 24 : i32
        %shift_right_arithmetic3A_572 = vector.broadcast %shift_right_arithmetic3A_571 : i32 to vector<16xi32>
        %shift_right_arithmetic3A_573 = arith.shrsi %gather3A_540, %shift_right_arithmetic3A_572 : vector<16xi32>
        %convert_element_type3A_574 = arith.sitofp %shift_right_arithmetic3A_573 : vector<16xi32> to vector<16xf32>
        %mul3A_575 = arith.mulf %convert_element_type3A_574, %gather3A : vector<16xf32>
        %broadcast_in_dim3A_576 = arith.constant 31 : i32
        %broadcast_in_dim3A_577 = vector.broadcast %broadcast_in_dim3A_576 : i32 to vector<16xi32>
        tpu.vector_store_idx %arg15[%select_n3A, %sub3A_260, %broadcast_in_dim3A_577], %mul3A_575 : memref<8x50x32xf32, #tpu.memory_space<vmem>>[vector<16xi32>, vector<16xi32>, vector<16xi32>], vector<16xf32>,
      }
      %scan3A_174 = arith.constant 25 : i32
      %mul3A_175 = arith.constant 8 : i32
      %mul3A_176 = arith.muli %add3A_151, %mul3A_175 : i32
      %add3A_177 = arith.addi %mul3A_2, %mul3A_176 : i32
      %dma_start3A_178 = arith.constant 0 : i32
      %dma_start3A_179 = arith.constant 0 : i32
      %dma_start3A_180 = tpu.memref_slice %arg5[%add3A_177, %dma_start3A_178, %dma_start3A_179] : memref<4096x50x32xf32, #tpu.memory_space<hbm>> -> memref<8x50x32xf32, #tpu.memory_space<hbm>>
      %dma_start3A_181 = arith.constant 0 : i32
      %dma_start3A_182 = arith.constant 0 : i32
      %dma_start3A_183 = tpu.memref_slice %arg5[%add3A_177, %dma_start3A_181, %dma_start3A_182] : memref<4096x50x32xf32, #tpu.memory_space<hbm>> -> memref<8x50x32xf32, #tpu.memory_space<hbm>>
      tpu.enqueue_dma source(%arg15 : memref<8x50x32xf32, #tpu.memory_space<vmem>>) target(%dma_start3A_183 : memref<8x50x32xf32, #tpu.memory_space<hbm>>) target_semaphore(%arg25 : memref<!tpu.dma_semaphore, #tpu.memory_space<semaphore_mem>>)
      %lt3A_184 = arith.constant 3 : i32
      %lt3A_185 = arith.cmpi slt, %scan3A_71, %lt3A_184 : i32
      %convert_element_type3A_186 = arith.extui %lt3A_185 : i1 to i32
      %cond3A_187 = arith.constant 0 : i32
      %cond3A_188 = arith.cmpi ne, %convert_element_type3A_186, %cond3A_187 : i32
      scf.if %cond3A_188 {
        %add3A_230 = arith.constant 4 : i32
        %add3A_231 = arith.addi %add3A_151, %add3A_230 : i32
        %dma_start3A_232 = arith.constant 0 : i32
        %dma_start3A_233 = tpu.memref_slice %arg6[%add3A_231, %dma_start3A_232] : memref<16x400xi32, #tpu.memory_space<vmem>> -> memref<1x400xi32, #tpu.memory_space<vmem>>
        %dma_start3A_234 = tpu.memref_squeeze %dma_start3A_233 : memref<1x400xi32, #tpu.memory_space<vmem>> -> memref<400xi32, #tpu.memory_space<vmem>>
        %dma_start3A_235 = arith.constant 0 : i32
        %dma_start3A_236 = arith.constant 0 : i32
        %dma_start3A_237 = tpu.memref_slice %arg3[%dma_start3A_235, %dma_start3A_236] : memref<1000000x8xi32, #tpu.memory_space<hbm>> -> memref<1000000x8xi32, #tpu.memory_space<hbm>>
        tpu.enqueue_indirect_dma source(%dma_start3A_237 : memref<1000000x8xi32, #tpu.memory_space<hbm>>) target(%arg9 : memref<400x8xi32, #tpu.memory_space<vmem>>) offsets(%dma_start3A_234 : memref<400xi32, #tpu.memory_space<vmem>>) semaphore(%arg19 : memref<!tpu.dma_semaphore, #tpu.memory_space<semaphore_mem>>)
        %dma_start3A_238 = arith.constant 0 : i32
        %dma_start3A_239 = tpu.memref_slice %arg6[%add3A_231, %dma_start3A_238] : memref<16x400xi32, #tpu.memory_space<vmem>> -> memref<1x400xi32, #tpu.memory_space<vmem>>
        %dma_start3A_240 = tpu.memref_squeeze %dma_start3A_239 : memref<1x400xi32, #tpu.memory_space<vmem>> -> memref<400xi32, #tpu.memory_space<vmem>>
        %dma_start3A_241 = arith.constant 0 : i32
        %dma_start3A_242 = tpu.memref_slice %arg4[%dma_start3A_241] : memref<1000000xf32, #tpu.memory_space<hbm>> -> memref<1000000xf32, #tpu.memory_space<hbm>>
        tpu.enqueue_indirect_dma source(%dma_start3A_242 : memref<1000000xf32, #tpu.memory_space<hbm>>) target(%arg13 : memref<400xf32, #tpu.memory_space<vmem>>) offsets(%dma_start3A_240 : memref<400xi32, #tpu.memory_space<vmem>>) semaphore(%arg23 : memref<!tpu.dma_semaphore, #tpu.memory_space<semaphore_mem>>)
      } else {
      }
      %mul3A_189 = arith.constant 4 : i32
      %mul3A_190 = arith.muli %scan3A_71, %mul3A_189 : i32
      %add3A_191 = arith.constant 3 : i32
      %add3A_192 = arith.addi %mul3A_190, %add3A_191 : i32
      %dma_wait3A_193 = arith.constant 0 : i32
      %dma_wait3A_194 = tpu.memref_slice %arg6[%add3A_192, %dma_wait3A_193] : memref<16x400xi32, #tpu.memory_space<vmem>> -> memref<1x400xi32, #tpu.memory_space<vmem>>
      %dma_wait3A_195 = tpu.memref_squeeze %dma_wait3A_194 : memref<1x400xi32, #tpu.memory_space<vmem>> -> memref<400xi32, #tpu.memory_space<vmem>>
      %dma_wait3A_196 = arith.constant 0 : i32
      %dma_wait3A_197 = arith.constant 0 : i32
      %dma_wait3A_198 = tpu.memref_slice %arg3[%dma_wait3A_196, %dma_wait3A_197] : memref<1000000x8xi32, #tpu.memory_space<hbm>> -> memref<1000000x8xi32, #tpu.memory_space<hbm>>
      tpu.wait_indirect_dma semaphore(%arg20 : memref<!tpu.dma_semaphore, #tpu.memory_space<semaphore_mem>>) src(%dma_wait3A_198 : memref<1000000x8xi32, #tpu.memory_space<hbm>>) dst(%arg10 : memref<400x8xi32, #tpu.memory_space<vmem>>)
      %dma_wait3A_199 = arith.constant 0 : i32
      %dma_wait3A_200 = tpu.memref_slice %arg6[%add3A_192, %dma_wait3A_199] : memref<16x400xi32, #tpu.memory_space<vmem>> -> memref<1x400xi32, #tpu.memory_space<vmem>>
      %dma_wait3A_201 = tpu.memref_squeeze %dma_wait3A_200 : memref<1x400xi32, #tpu.memory_space<vmem>> -> memref<400xi32, #tpu.memory_space<vmem>>
      %dma_wait3A_202 = arith.constant 0 : i32
      %dma_wait3A_203 = tpu.memref_slice %arg4[%dma_wait3A_202] : memref<1000000xf32, #tpu.memory_space<hbm>> -> memref<1000000xf32, #tpu.memory_space<hbm>>
      tpu.wait_indirect_dma semaphore(%arg24 : memref<!tpu.dma_semaphore, #tpu.memory_space<semaphore_mem>>) src(%dma_wait3A_203 : memref<1000000xf32, #tpu.memory_space<hbm>>) dst(%arg14 : memref<400xf32, #tpu.memory_space<vmem>>)
      %dma_wait3A_204 = arith.constant 0 : i32
      %dma_wait3A_205 = arith.constant 0 : i32
      %dma_wait3A_206 = tpu.memref_slice %arg5[%mul3A_2, %dma_wait3A_204, %dma_wait3A_205] : memref<4096x50x32xf32, #tpu.memory_space<hbm>> -> memref<8x50x32xf32, #tpu.memory_space<hbm>>
      %dma_wait3A_207 = arith.constant 0 : i32
      %dma_wait3A_208 = arith.constant 0 : i32
      %dma_wait3A_209 = tpu.memref_slice %arg5[%mul3A_2, %dma_wait3A_207, %dma_wait3A_208] : memref<4096x50x32xf32, #tpu.memory_space<hbm>> -> memref<8x50x32xf32, #tpu.memory_space<hbm>>
      tpu.wait_dma2 semaphore(%arg26 : memref<!tpu.dma_semaphore, #tpu.memory_space<semaphore_mem>>) src(%arg16 : memref<8x50x32xf32, #tpu.memory_space<vmem>>) dst(%dma_wait3A_209 : memref<8x50x32xf32, #tpu.memory_space<hbm>>)
      %scan3A_210 = arith.constant 0 : i32
      %scan3A_211 = arith.constant 0 : i32
      %scan3A_212 = arith.constant 25 : i32
      %scan3A_213 = arith.addi %scan3A_211, %scan3A_212 : i32
      %scan3A_214 = arith.constant 1 : i32
      scf.for %scan3A_230 = %scan3A_211 to %scan3A_213 step %scan3A_214  : i32 {
        %mul3A_231 = arith.constant 16 : i32
        %mul3A_232 = arith.muli %scan3A_230, %mul3A_231 : i32
        %add3A_233 = vector.broadcast %mul3A_232 : i32 to vector<16xi32>
        %add3A_234 = arith.addi %iota3A, %add3A_233 : vector<16xi32>
        %div3A = vector.broadcast %scan3A_54 : i32 to vector<16xi32>
        %div3A_235 = arith.divsi %add3A_234, %div3A : vector<16xi32>
        %sign3A = arith.constant 0 : i32
        %sign3A_236 = vector.broadcast %sign3A : i32 to vector<16xi32>
        %sign3A_237 = arith.cmpi sgt, %add3A_234, %sign3A_236 : vector<16xi32>
        %sign3A_238 = arith.extui %sign3A_237 : vector<16xi1> to vector<16xi32>
        %sign3A_239 = arith.constant 0 : i32
        %sign3A_240 = vector.broadcast %sign3A_239 : i32 to vector<16xi32>
        %sign3A_241 = arith.cmpi slt, %add3A_234, %sign3A_240 : vector<16xi32>
        %sign3A_242 = arith.extui %sign3A_241 : vector<16xi1> to vector<16xi32>
        %sign3A_243 = arith.subi %sign3A_238, %sign3A_242 : vector<16xi32>
        %sign3A_244 = arith.constant 0 : i32
        %sign3A_245 = arith.cmpi sgt, %scan3A_54, %sign3A_244 : i32
        %sign3A_246 = arith.extui %sign3A_245 : i1 to i32
        %sign3A_247 = arith.constant 0 : i32
        %sign3A_248 = arith.cmpi slt, %scan3A_54, %sign3A_247 : i32
        %sign3A_249 = arith.extui %sign3A_248 : i1 to i32
        %sign3A_250 = arith.subi %sign3A_246, %sign3A_249 : i32
        %ne3A = vector.broadcast %sign3A_250 : i32 to vector<16xi32>
        %ne3A_251 = arith.cmpi ne, %sign3A_243, %ne3A : vector<16xi32>
        %rem3A = vector.broadcast %scan3A_54 : i32 to vector<16xi32>
        %rem3A_252 = arith.remsi %add3A_234, %rem3A : vector<16xi32>
        %ne3A_253 = arith.constant 0 : i32
        %ne3A_254 = vector.broadcast %ne3A_253 : i32 to vector<16xi32>
        %ne3A_255 = arith.cmpi ne, %rem3A_252, %ne3A_254 : vector<16xi32>
        %and3A = arith.andi %ne3A_251, %ne3A_255 : vector<16xi1>
        %sub3A = arith.constant 1 : i32
        %sub3A_256 = vector.broadcast %sub3A : i32 to vector<16xi32>
        %sub3A_257 = arith.subi %div3A_235, %sub3A_256 : vector<16xi32>
        %select_n3A = arith.select %and3A, %sub3A_257, %div3A_235 : vector<16xi1>, vector<16xi32>
        %mul3A_258 = vector.broadcast %scan3A_54 : i32 to vector<16xi32>
        %mul3A_259 = arith.muli %select_n3A, %mul3A_258 : vector<16xi32>
        %sub3A_260 = arith.subi %add3A_234, %mul3A_259 : vector<16xi32>
        %gather3A = tpu.vector_load_idx %arg14[%add3A_234] : memref<400xf32, #tpu.memory_space<vmem>>[vector<16xi32>], vector<16xf32>,
        %broadcast_in_dim3A = arith.constant 0 : i32
        %broadcast_in_dim3A_261 = vector.broadcast %broadcast_in_dim3A : i32 to vector<16xi32>
        %gather3A_262 = tpu.vector_load_idx %arg10[%add3A_234, %broadcast_in_dim3A_261] : memref<400x8xi32, #tpu.memory_space<vmem>>[vector<16xi32>, vector<16xi32>], vector<16xi32>,
        %shift_left3A = arith.constant 24 : i32
        %shift_left3A_263 = vector.broadcast %shift_left3A : i32 to vector<16xi32>
        %shift_left3A_264 = arith.shli %gather3A_262, %shift_left3A_263 : vector<16xi32>
        %shift_right_arithmetic3A = arith.constant 24 : i32
        %shift_right_arithmetic3A_265 = vector.broadcast %shift_right_arithmetic3A : i32 to vector<16xi32>
        %shift_right_arithmetic3A_266 = arith.shrsi %shift_left3A_264, %shift_right_arithmetic3A_265 : vector<16xi32>
        %convert_element_type3A_267 = arith.sitofp %shift_right_arithmetic3A_266 : vector<16xi32> to vector<16xf32>
        %mul3A_268 = arith.mulf %convert_element_type3A_267, %gather3A : vector<16xf32>
        %broadcast_in_dim3A_269 = arith.constant 0 : i32
        %broadcast_in_dim3A_270 = vector.broadcast %broadcast_in_dim3A_269 : i32 to vector<16xi32>
        tpu.vector_store_idx %arg16[%select_n3A, %sub3A_260, %broadcast_in_dim3A_270], %mul3A_268 : memref<8x50x32xf32, #tpu.memory_space<vmem>>[vector<16xi32>, vector<16xi32>, vector<16xi32>], vector<16xf32>,
        %shift_left3A_271 = arith.constant 16 : i32
        %shift_left3A_272 = vector.broadcast %shift_left3A_271 : i32 to vector<16xi32>
        %shift_left3A_273 = arith.shli %gather3A_262, %shift_left3A_272 : vector<16xi32>
        %shift_right_arithmetic3A_274 = arith.constant 24 : i32
        %shift_right_arithmetic3A_275 = vector.broadcast %shift_right_arithmetic3A_274 : i32 to vector<16xi32>
        %shift_right_arithmetic3A_276 = arith.shrsi %shift_left3A_273, %shift_right_arithmetic3A_275 : vector<16xi32>
        %convert_element_type3A_277 = arith.sitofp %shift_right_arithmetic3A_276 : vector<16xi32> to vector<16xf32>
        %mul3A_278 = arith.mulf %convert_element_type3A_277, %gather3A : vector<16xf32>
        %broadcast_in_dim3A_279 = arith.constant 1 : i32
        %broadcast_in_dim3A_280 = vector.broadcast %broadcast_in_dim3A_279 : i32 to vector<16xi32>
        tpu.vector_store_idx %arg16[%select_n3A, %sub3A_260, %broadcast_in_dim3A_280], %mul3A_278 : memref<8x50x32xf32, #tpu.memory_space<vmem>>[vector<16xi32>, vector<16xi32>, vector<16xi32>], vector<16xf32>,
        %shift_left3A_281 = arith.constant 8 : i32
        %shift_left3A_282 = vector.broadcast %shift_left3A_281 : i32 to vector<16xi32>
        %shift_left3A_283 = arith.shli %gather3A_262, %shift_left3A_282 : vector<16xi32>
        %shift_right_arithmetic3A_284 = arith.constant 24 : i32
        %shift_right_arithmetic3A_285 = vector.broadcast %shift_right_arithmetic3A_284 : i32 to vector<16xi32>
        %shift_right_arithmetic3A_286 = arith.shrsi %shift_left3A_283, %shift_right_arithmetic3A_285 : vector<16xi32>
        %convert_element_type3A_287 = arith.sitofp %shift_right_arithmetic3A_286 : vector<16xi32> to vector<16xf32>
        %mul3A_288 = arith.mulf %convert_element_type3A_287, %gather3A : vector<16xf32>
        %broadcast_in_dim3A_289 = arith.constant 2 : i32
        %broadcast_in_dim3A_290 = vector.broadcast %broadcast_in_dim3A_289 : i32 to vector<16xi32>
        tpu.vector_store_idx %arg16[%select_n3A, %sub3A_260, %broadcast_in_dim3A_290], %mul3A_288 : memref<8x50x32xf32, #tpu.memory_space<vmem>>[vector<16xi32>, vector<16xi32>, vector<16xi32>], vector<16xf32>,
        %shift_right_arithmetic3A_291 = arith.constant 24 : i32
        %shift_right_arithmetic3A_292 = vector.broadcast %shift_right_arithmetic3A_291 : i32 to vector<16xi32>
        %shift_right_arithmetic3A_293 = arith.shrsi %gather3A_262, %shift_right_arithmetic3A_292 : vector<16xi32>
        %convert_element_type3A_294 = arith.sitofp %shift_right_arithmetic3A_293 : vector<16xi32> to vector<16xf32>
        %mul3A_295 = arith.mulf %convert_element_type3A_294, %gather3A : vector<16xf32>
        %broadcast_in_dim3A_296 = arith.constant 3 : i32
        %broadcast_in_dim3A_297 = vector.broadcast %broadcast_in_dim3A_296 : i32 to vector<16xi32>
        tpu.vector_store_idx %arg16[%select_n3A, %sub3A_260, %broadcast_in_dim3A_297], %mul3A_295 : memref<8x50x32xf32, #tpu.memory_space<vmem>>[vector<16xi32>, vector<16xi32>, vector<16xi32>], vector<16xf32>,
        %broadcast_in_dim3A_298 = arith.constant 1 : i32
        %broadcast_in_dim3A_299 = vector.broadcast %broadcast_in_dim3A_298 : i32 to vector<16xi32>
        %gather3A_300 = tpu.vector_load_idx %arg10[%add3A_234, %broadcast_in_dim3A_299] : memref<400x8xi32, #tpu.memory_space<vmem>>[vector<16xi32>, vector<16xi32>], vector<16xi32>,
        %shift_left3A_301 = arith.constant 24 : i32
        %shift_left3A_302 = vector.broadcast %shift_left3A_301 : i32 to vector<16xi32>
        %shift_left3A_303 = arith.shli %gather3A_300, %shift_left3A_302 : vector<16xi32>
        %shift_right_arithmetic3A_304 = arith.constant 24 : i32
        %shift_right_arithmetic3A_305 = vector.broadcast %shift_right_arithmetic3A_304 : i32 to vector<16xi32>
        %shift_right_arithmetic3A_306 = arith.shrsi %shift_left3A_303, %shift_right_arithmetic3A_305 : vector<16xi32>
        %convert_element_type3A_307 = arith.sitofp %shift_right_arithmetic3A_306 : vector<16xi32> to vector<16xf32>
        %mul3A_308 = arith.mulf %convert_element_type3A_307, %gather3A : vector<16xf32>
        %broadcast_in_dim3A_309 = arith.constant 4 : i32
        %broadcast_in_dim3A_310 = vector.broadcast %broadcast_in_dim3A_309 : i32 to vector<16xi32>
        tpu.vector_store_idx %arg16[%select_n3A, %sub3A_260, %broadcast_in_dim3A_310], %mul3A_308 : memref<8x50x32xf32, #tpu.memory_space<vmem>>[vector<16xi32>, vector<16xi32>, vector<16xi32>], vector<16xf32>,
        %shift_left3A_311 = arith.constant 16 : i32
        %shift_left3A_312 = vector.broadcast %shift_left3A_311 : i32 to vector<16xi32>
        %shift_left3A_313 = arith.shli %gather3A_300, %shift_left3A_312 : vector<16xi32>
        %shift_right_arithmetic3A_314 = arith.constant 24 : i32
        %shift_right_arithmetic3A_315 = vector.broadcast %shift_right_arithmetic3A_314 : i32 to vector<16xi32>
        %shift_right_arithmetic3A_316 = arith.shrsi %shift_left3A_313, %shift_right_arithmetic3A_315 : vector<16xi32>
        %convert_element_type3A_317 = arith.sitofp %shift_right_arithmetic3A_316 : vector<16xi32> to vector<16xf32>
        %mul3A_318 = arith.mulf %convert_element_type3A_317, %gather3A : vector<16xf32>
        %broadcast_in_dim3A_319 = arith.constant 5 : i32
        %broadcast_in_dim3A_320 = vector.broadcast %broadcast_in_dim3A_319 : i32 to vector<16xi32>
        tpu.vector_store_idx %arg16[%select_n3A, %sub3A_260, %broadcast_in_dim3A_320], %mul3A_318 : memref<8x50x32xf32, #tpu.memory_space<vmem>>[vector<16xi32>, vector<16xi32>, vector<16xi32>], vector<16xf32>,
        %shift_left3A_321 = arith.constant 8 : i32
        %shift_left3A_322 = vector.broadcast %shift_left3A_321 : i32 to vector<16xi32>
        %shift_left3A_323 = arith.shli %gather3A_300, %shift_left3A_322 : vector<16xi32>
        %shift_right_arithmetic3A_324 = arith.constant 24 : i32
        %shift_right_arithmetic3A_325 = vector.broadcast %shift_right_arithmetic3A_324 : i32 to vector<16xi32>
        %shift_right_arithmetic3A_326 = arith.shrsi %shift_left3A_323, %shift_right_arithmetic3A_325 : vector<16xi32>
        %convert_element_type3A_327 = arith.sitofp %shift_right_arithmetic3A_326 : vector<16xi32> to vector<16xf32>
        %mul3A_328 = arith.mulf %convert_element_type3A_327, %gather3A : vector<16xf32>
        %broadcast_in_dim3A_329 = arith.constant 6 : i32
        %broadcast_in_dim3A_330 = vector.broadcast %broadcast_in_dim3A_329 : i32 to vector<16xi32>
        tpu.vector_store_idx %arg16[%select_n3A, %sub3A_260, %broadcast_in_dim3A_330], %mul3A_328 : memref<8x50x32xf32, #tpu.memory_space<vmem>>[vector<16xi32>, vector<16xi32>, vector<16xi32>], vector<16xf32>,
        %shift_right_arithmetic3A_331 = arith.constant 24 : i32
        %shift_right_arithmetic3A_332 = vector.broadcast %shift_right_arithmetic3A_331 : i32 to vector<16xi32>
        %shift_right_arithmetic3A_333 = arith.shrsi %gather3A_300, %shift_right_arithmetic3A_332 : vector<16xi32>
        %convert_element_type3A_334 = arith.sitofp %shift_right_arithmetic3A_333 : vector<16xi32> to vector<16xf32>
        %mul3A_335 = arith.mulf %convert_element_type3A_334, %gather3A : vector<16xf32>
        %broadcast_in_dim3A_336 = arith.constant 7 : i32
        %broadcast_in_dim3A_337 = vector.broadcast %broadcast_in_dim3A_336 : i32 to vector<16xi32>
        tpu.vector_store_idx %arg16[%select_n3A, %sub3A_260, %broadcast_in_dim3A_337], %mul3A_335 : memref<8x50x32xf32, #tpu.memory_space<vmem>>[vector<16xi32>, vector<16xi32>, vector<16xi32>], vector<16xf32>,
        %broadcast_in_dim3A_338 = arith.constant 2 : i32
        %broadcast_in_dim3A_339 = vector.broadcast %broadcast_in_dim3A_338 : i32 to vector<16xi32>
        %gather3A_340 = tpu.vector_load_idx %arg10[%add3A_234, %broadcast_in_dim3A_339] : memref<400x8xi32, #tpu.memory_space<vmem>>[vector<16xi32>, vector<16xi32>], vector<16xi32>,
        %shift_left3A_341 = arith.constant 24 : i32
        %shift_left3A_342 = vector.broadcast %shift_left3A_341 : i32 to vector<16xi32>
        %shift_left3A_343 = arith.shli %gather3A_340, %shift_left3A_342 : vector<16xi32>
        %shift_right_arithmetic3A_344 = arith.constant 24 : i32
        %shift_right_arithmetic3A_345 = vector.broadcast %shift_right_arithmetic3A_344 : i32 to vector<16xi32>
        %shift_right_arithmetic3A_346 = arith.shrsi %shift_left3A_343, %shift_right_arithmetic3A_345 : vector<16xi32>
        %convert_element_type3A_347 = arith.sitofp %shift_right_arithmetic3A_346 : vector<16xi32> to vector<16xf32>
        %mul3A_348 = arith.mulf %convert_element_type3A_347, %gather3A : vector<16xf32>
        %broadcast_in_dim3A_349 = arith.constant 8 : i32
        %broadcast_in_dim3A_350 = vector.broadcast %broadcast_in_dim3A_349 : i32 to vector<16xi32>
        tpu.vector_store_idx %arg16[%select_n3A, %sub3A_260, %broadcast_in_dim3A_350], %mul3A_348 : memref<8x50x32xf32, #tpu.memory_space<vmem>>[vector<16xi32>, vector<16xi32>, vector<16xi32>], vector<16xf32>,
        %shift_left3A_351 = arith.constant 16 : i32
        %shift_left3A_352 = vector.broadcast %shift_left3A_351 : i32 to vector<16xi32>
        %shift_left3A_353 = arith.shli %gather3A_340, %shift_left3A_352 : vector<16xi32>
        %shift_right_arithmetic3A_354 = arith.constant 24 : i32
        %shift_right_arithmetic3A_355 = vector.broadcast %shift_right_arithmetic3A_354 : i32 to vector<16xi32>
        %shift_right_arithmetic3A_356 = arith.shrsi %shift_left3A_353, %shift_right_arithmetic3A_355 : vector<16xi32>
        %convert_element_type3A_357 = arith.sitofp %shift_right_arithmetic3A_356 : vector<16xi32> to vector<16xf32>
        %mul3A_358 = arith.mulf %convert_element_type3A_357, %gather3A : vector<16xf32>
        %broadcast_in_dim3A_359 = arith.constant 9 : i32
        %broadcast_in_dim3A_360 = vector.broadcast %broadcast_in_dim3A_359 : i32 to vector<16xi32>
        tpu.vector_store_idx %arg16[%select_n3A, %sub3A_260, %broadcast_in_dim3A_360], %mul3A_358 : memref<8x50x32xf32, #tpu.memory_space<vmem>>[vector<16xi32>, vector<16xi32>, vector<16xi32>], vector<16xf32>,
        %shift_left3A_361 = arith.constant 8 : i32
        %shift_left3A_362 = vector.broadcast %shift_left3A_361 : i32 to vector<16xi32>
        %shift_left3A_363 = arith.shli %gather3A_340, %shift_left3A_362 : vector<16xi32>
        %shift_right_arithmetic3A_364 = arith.constant 24 : i32
        %shift_right_arithmetic3A_365 = vector.broadcast %shift_right_arithmetic3A_364 : i32 to vector<16xi32>
        %shift_right_arithmetic3A_366 = arith.shrsi %shift_left3A_363, %shift_right_arithmetic3A_365 : vector<16xi32>
        %convert_element_type3A_367 = arith.sitofp %shift_right_arithmetic3A_366 : vector<16xi32> to vector<16xf32>
        %mul3A_368 = arith.mulf %convert_element_type3A_367, %gather3A : vector<16xf32>
        %broadcast_in_dim3A_369 = arith.constant 10 : i32
        %broadcast_in_dim3A_370 = vector.broadcast %broadcast_in_dim3A_369 : i32 to vector<16xi32>
        tpu.vector_store_idx %arg16[%select_n3A, %sub3A_260, %broadcast_in_dim3A_370], %mul3A_368 : memref<8x50x32xf32, #tpu.memory_space<vmem>>[vector<16xi32>, vector<16xi32>, vector<16xi32>], vector<16xf32>,
        %shift_right_arithmetic3A_371 = arith.constant 24 : i32
        %shift_right_arithmetic3A_372 = vector.broadcast %shift_right_arithmetic3A_371 : i32 to vector<16xi32>
        %shift_right_arithmetic3A_373 = arith.shrsi %gather3A_340, %shift_right_arithmetic3A_372 : vector<16xi32>
        %convert_element_type3A_374 = arith.sitofp %shift_right_arithmetic3A_373 : vector<16xi32> to vector<16xf32>
        %mul3A_375 = arith.mulf %convert_element_type3A_374, %gather3A : vector<16xf32>
        %broadcast_in_dim3A_376 = arith.constant 11 : i32
        %broadcast_in_dim3A_377 = vector.broadcast %broadcast_in_dim3A_376 : i32 to vector<16xi32>
        tpu.vector_store_idx %arg16[%select_n3A, %sub3A_260, %broadcast_in_dim3A_377], %mul3A_375 : memref<8x50x32xf32, #tpu.memory_space<vmem>>[vector<16xi32>, vector<16xi32>, vector<16xi32>], vector<16xf32>,
        %broadcast_in_dim3A_378 = arith.constant 3 : i32
        %broadcast_in_dim3A_379 = vector.broadcast %broadcast_in_dim3A_378 : i32 to vector<16xi32>
        %gather3A_380 = tpu.vector_load_idx %arg10[%add3A_234, %broadcast_in_dim3A_379] : memref<400x8xi32, #tpu.memory_space<vmem>>[vector<16xi32>, vector<16xi32>], vector<16xi32>,
        %shift_left3A_381 = arith.constant 24 : i32
        %shift_left3A_382 = vector.broadcast %shift_left3A_381 : i32 to vector<16xi32>
        %shift_left3A_383 = arith.shli %gather3A_380, %shift_left3A_382 : vector<16xi32>
        %shift_right_arithmetic3A_384 = arith.constant 24 : i32
        %shift_right_arithmetic3A_385 = vector.broadcast %shift_right_arithmetic3A_384 : i32 to vector<16xi32>
        %shift_right_arithmetic3A_386 = arith.shrsi %shift_left3A_383, %shift_right_arithmetic3A_385 : vector<16xi32>
        %convert_element_type3A_387 = arith.sitofp %shift_right_arithmetic3A_386 : vector<16xi32> to vector<16xf32>
        %mul3A_388 = arith.mulf %convert_element_type3A_387, %gather3A : vector<16xf32>
        %broadcast_in_dim3A_389 = arith.constant 12 : i32
        %broadcast_in_dim3A_390 = vector.broadcast %broadcast_in_dim3A_389 : i32 to vector<16xi32>
        tpu.vector_store_idx %arg16[%select_n3A, %sub3A_260, %broadcast_in_dim3A_390], %mul3A_388 : memref<8x50x32xf32, #tpu.memory_space<vmem>>[vector<16xi32>, vector<16xi32>, vector<16xi32>], vector<16xf32>,
        %shift_left3A_391 = arith.constant 16 : i32
        %shift_left3A_392 = vector.broadcast %shift_left3A_391 : i32 to vector<16xi32>
        %shift_left3A_393 = arith.shli %gather3A_380, %shift_left3A_392 : vector<16xi32>
        %shift_right_arithmetic3A_394 = arith.constant 24 : i32
        %shift_right_arithmetic3A_395 = vector.broadcast %shift_right_arithmetic3A_394 : i32 to vector<16xi32>
        %shift_right_arithmetic3A_396 = arith.shrsi %shift_left3A_393, %shift_right_arithmetic3A_395 : vector<16xi32>
        %convert_element_type3A_397 = arith.sitofp %shift_right_arithmetic3A_396 : vector<16xi32> to vector<16xf32>
        %mul3A_398 = arith.mulf %convert_element_type3A_397, %gather3A : vector<16xf32>
        %broadcast_in_dim3A_399 = arith.constant 13 : i32
        %broadcast_in_dim3A_400 = vector.broadcast %broadcast_in_dim3A_399 : i32 to vector<16xi32>
        tpu.vector_store_idx %arg16[%select_n3A, %sub3A_260, %broadcast_in_dim3A_400], %mul3A_398 : memref<8x50x32xf32, #tpu.memory_space<vmem>>[vector<16xi32>, vector<16xi32>, vector<16xi32>], vector<16xf32>,
        %shift_left3A_401 = arith.constant 8 : i32
        %shift_left3A_402 = vector.broadcast %shift_left3A_401 : i32 to vector<16xi32>
        %shift_left3A_403 = arith.shli %gather3A_380, %shift_left3A_402 : vector<16xi32>
        %shift_right_arithmetic3A_404 = arith.constant 24 : i32
        %shift_right_arithmetic3A_405 = vector.broadcast %shift_right_arithmetic3A_404 : i32 to vector<16xi32>
        %shift_right_arithmetic3A_406 = arith.shrsi %shift_left3A_403, %shift_right_arithmetic3A_405 : vector<16xi32>
        %convert_element_type3A_407 = arith.sitofp %shift_right_arithmetic3A_406 : vector<16xi32> to vector<16xf32>
        %mul3A_408 = arith.mulf %convert_element_type3A_407, %gather3A : vector<16xf32>
        %broadcast_in_dim3A_409 = arith.constant 14 : i32
        %broadcast_in_dim3A_410 = vector.broadcast %broadcast_in_dim3A_409 : i32 to vector<16xi32>
        tpu.vector_store_idx %arg16[%select_n3A, %sub3A_260, %broadcast_in_dim3A_410], %mul3A_408 : memref<8x50x32xf32, #tpu.memory_space<vmem>>[vector<16xi32>, vector<16xi32>, vector<16xi32>], vector<16xf32>,
        %shift_right_arithmetic3A_411 = arith.constant 24 : i32
        %shift_right_arithmetic3A_412 = vector.broadcast %shift_right_arithmetic3A_411 : i32 to vector<16xi32>
        %shift_right_arithmetic3A_413 = arith.shrsi %gather3A_380, %shift_right_arithmetic3A_412 : vector<16xi32>
        %convert_element_type3A_414 = arith.sitofp %shift_right_arithmetic3A_413 : vector<16xi32> to vector<16xf32>
        %mul3A_415 = arith.mulf %convert_element_type3A_414, %gather3A : vector<16xf32>
        %broadcast_in_dim3A_416 = arith.constant 15 : i32
        %broadcast_in_dim3A_417 = vector.broadcast %broadcast_in_dim3A_416 : i32 to vector<16xi32>
        tpu.vector_store_idx %arg16[%select_n3A, %sub3A_260, %broadcast_in_dim3A_417], %mul3A_415 : memref<8x50x32xf32, #tpu.memory_space<vmem>>[vector<16xi32>, vector<16xi32>, vector<16xi32>], vector<16xf32>,
        %broadcast_in_dim3A_418 = arith.constant 4 : i32
        %broadcast_in_dim3A_419 = vector.broadcast %broadcast_in_dim3A_418 : i32 to vector<16xi32>
        %gather3A_420 = tpu.vector_load_idx %arg10[%add3A_234, %broadcast_in_dim3A_419] : memref<400x8xi32, #tpu.memory_space<vmem>>[vector<16xi32>, vector<16xi32>], vector<16xi32>,
        %shift_left3A_421 = arith.constant 24 : i32
        %shift_left3A_422 = vector.broadcast %shift_left3A_421 : i32 to vector<16xi32>
        %shift_left3A_423 = arith.shli %gather3A_420, %shift_left3A_422 : vector<16xi32>
        %shift_right_arithmetic3A_424 = arith.constant 24 : i32
        %shift_right_arithmetic3A_425 = vector.broadcast %shift_right_arithmetic3A_424 : i32 to vector<16xi32>
        %shift_right_arithmetic3A_426 = arith.shrsi %shift_left3A_423, %shift_right_arithmetic3A_425 : vector<16xi32>
        %convert_element_type3A_427 = arith.sitofp %shift_right_arithmetic3A_426 : vector<16xi32> to vector<16xf32>
        %mul3A_428 = arith.mulf %convert_element_type3A_427, %gather3A : vector<16xf32>
        %broadcast_in_dim3A_429 = arith.constant 16 : i32
        %broadcast_in_dim3A_430 = vector.broadcast %broadcast_in_dim3A_429 : i32 to vector<16xi32>
        tpu.vector_store_idx %arg16[%select_n3A, %sub3A_260, %broadcast_in_dim3A_430], %mul3A_428 : memref<8x50x32xf32, #tpu.memory_space<vmem>>[vector<16xi32>, vector<16xi32>, vector<16xi32>], vector<16xf32>,
        %shift_left3A_431 = arith.constant 16 : i32
        %shift_left3A_432 = vector.broadcast %shift_left3A_431 : i32 to vector<16xi32>
        %shift_left3A_433 = arith.shli %gather3A_420, %shift_left3A_432 : vector<16xi32>
        %shift_right_arithmetic3A_434 = arith.constant 24 : i32
        %shift_right_arithmetic3A_435 = vector.broadcast %shift_right_arithmetic3A_434 : i32 to vector<16xi32>
        %shift_right_arithmetic3A_436 = arith.shrsi %shift_left3A_433, %shift_right_arithmetic3A_435 : vector<16xi32>
        %convert_element_type3A_437 = arith.sitofp %shift_right_arithmetic3A_436 : vector<16xi32> to vector<16xf32>
        %mul3A_438 = arith.mulf %convert_element_type3A_437, %gather3A : vector<16xf32>
        %broadcast_in_dim3A_439 = arith.constant 17 : i32
        %broadcast_in_dim3A_440 = vector.broadcast %broadcast_in_dim3A_439 : i32 to vector<16xi32>
        tpu.vector_store_idx %arg16[%select_n3A, %sub3A_260, %broadcast_in_dim3A_440], %mul3A_438 : memref<8x50x32xf32, #tpu.memory_space<vmem>>[vector<16xi32>, vector<16xi32>, vector<16xi32>], vector<16xf32>,
        %shift_left3A_441 = arith.constant 8 : i32
        %shift_left3A_442 = vector.broadcast %shift_left3A_441 : i32 to vector<16xi32>
        %shift_left3A_443 = arith.shli %gather3A_420, %shift_left3A_442 : vector<16xi32>
        %shift_right_arithmetic3A_444 = arith.constant 24 : i32
        %shift_right_arithmetic3A_445 = vector.broadcast %shift_right_arithmetic3A_444 : i32 to vector<16xi32>
        %shift_right_arithmetic3A_446 = arith.shrsi %shift_left3A_443, %shift_right_arithmetic3A_445 : vector<16xi32>
        %convert_element_type3A_447 = arith.sitofp %shift_right_arithmetic3A_446 : vector<16xi32> to vector<16xf32>
        %mul3A_448 = arith.mulf %convert_element_type3A_447, %gather3A : vector<16xf32>
        %broadcast_in_dim3A_449 = arith.constant 18 : i32
        %broadcast_in_dim3A_450 = vector.broadcast %broadcast_in_dim3A_449 : i32 to vector<16xi32>
        tpu.vector_store_idx %arg16[%select_n3A, %sub3A_260, %broadcast_in_dim3A_450], %mul3A_448 : memref<8x50x32xf32, #tpu.memory_space<vmem>>[vector<16xi32>, vector<16xi32>, vector<16xi32>], vector<16xf32>,
        %shift_right_arithmetic3A_451 = arith.constant 24 : i32
        %shift_right_arithmetic3A_452 = vector.broadcast %shift_right_arithmetic3A_451 : i32 to vector<16xi32>
        %shift_right_arithmetic3A_453 = arith.shrsi %gather3A_420, %shift_right_arithmetic3A_452 : vector<16xi32>
        %convert_element_type3A_454 = arith.sitofp %shift_right_arithmetic3A_453 : vector<16xi32> to vector<16xf32>
        %mul3A_455 = arith.mulf %convert_element_type3A_454, %gather3A : vector<16xf32>
        %broadcast_in_dim3A_456 = arith.constant 19 : i32
        %broadcast_in_dim3A_457 = vector.broadcast %broadcast_in_dim3A_456 : i32 to vector<16xi32>
        tpu.vector_store_idx %arg16[%select_n3A, %sub3A_260, %broadcast_in_dim3A_457], %mul3A_455 : memref<8x50x32xf32, #tpu.memory_space<vmem>>[vector<16xi32>, vector<16xi32>, vector<16xi32>], vector<16xf32>,
        %broadcast_in_dim3A_458 = arith.constant 5 : i32
        %broadcast_in_dim3A_459 = vector.broadcast %broadcast_in_dim3A_458 : i32 to vector<16xi32>
        %gather3A_460 = tpu.vector_load_idx %arg10[%add3A_234, %broadcast_in_dim3A_459] : memref<400x8xi32, #tpu.memory_space<vmem>>[vector<16xi32>, vector<16xi32>], vector<16xi32>,
        %shift_left3A_461 = arith.constant 24 : i32
        %shift_left3A_462 = vector.broadcast %shift_left3A_461 : i32 to vector<16xi32>
        %shift_left3A_463 = arith.shli %gather3A_460, %shift_left3A_462 : vector<16xi32>
        %shift_right_arithmetic3A_464 = arith.constant 24 : i32
        %shift_right_arithmetic3A_465 = vector.broadcast %shift_right_arithmetic3A_464 : i32 to vector<16xi32>
        %shift_right_arithmetic3A_466 = arith.shrsi %shift_left3A_463, %shift_right_arithmetic3A_465 : vector<16xi32>
        %convert_element_type3A_467 = arith.sitofp %shift_right_arithmetic3A_466 : vector<16xi32> to vector<16xf32>
        %mul3A_468 = arith.mulf %convert_element_type3A_467, %gather3A : vector<16xf32>
        %broadcast_in_dim3A_469 = arith.constant 20 : i32
        %broadcast_in_dim3A_470 = vector.broadcast %broadcast_in_dim3A_469 : i32 to vector<16xi32>
        tpu.vector_store_idx %arg16[%select_n3A, %sub3A_260, %broadcast_in_dim3A_470], %mul3A_468 : memref<8x50x32xf32, #tpu.memory_space<vmem>>[vector<16xi32>, vector<16xi32>, vector<16xi32>], vector<16xf32>,
        %shift_left3A_471 = arith.constant 16 : i32
        %shift_left3A_472 = vector.broadcast %shift_left3A_471 : i32 to vector<16xi32>
        %shift_left3A_473 = arith.shli %gather3A_460, %shift_left3A_472 : vector<16xi32>
        %shift_right_arithmetic3A_474 = arith.constant 24 : i32
        %shift_right_arithmetic3A_475 = vector.broadcast %shift_right_arithmetic3A_474 : i32 to vector<16xi32>
        %shift_right_arithmetic3A_476 = arith.shrsi %shift_left3A_473, %shift_right_arithmetic3A_475 : vector<16xi32>
        %convert_element_type3A_477 = arith.sitofp %shift_right_arithmetic3A_476 : vector<16xi32> to vector<16xf32>
        %mul3A_478 = arith.mulf %convert_element_type3A_477, %gather3A : vector<16xf32>
        %broadcast_in_dim3A_479 = arith.constant 21 : i32
        %broadcast_in_dim3A_480 = vector.broadcast %broadcast_in_dim3A_479 : i32 to vector<16xi32>
        tpu.vector_store_idx %arg16[%select_n3A, %sub3A_260, %broadcast_in_dim3A_480], %mul3A_478 : memref<8x50x32xf32, #tpu.memory_space<vmem>>[vector<16xi32>, vector<16xi32>, vector<16xi32>], vector<16xf32>,
        %shift_left3A_481 = arith.constant 8 : i32
        %shift_left3A_482 = vector.broadcast %shift_left3A_481 : i32 to vector<16xi32>
        %shift_left3A_483 = arith.shli %gather3A_460, %shift_left3A_482 : vector<16xi32>
        %shift_right_arithmetic3A_484 = arith.constant 24 : i32
        %shift_right_arithmetic3A_485 = vector.broadcast %shift_right_arithmetic3A_484 : i32 to vector<16xi32>
        %shift_right_arithmetic3A_486 = arith.shrsi %shift_left3A_483, %shift_right_arithmetic3A_485 : vector<16xi32>
        %convert_element_type3A_487 = arith.sitofp %shift_right_arithmetic3A_486 : vector<16xi32> to vector<16xf32>
        %mul3A_488 = arith.mulf %convert_element_type3A_487, %gather3A : vector<16xf32>
        %broadcast_in_dim3A_489 = arith.constant 22 : i32
        %broadcast_in_dim3A_490 = vector.broadcast %broadcast_in_dim3A_489 : i32 to vector<16xi32>
        tpu.vector_store_idx %arg16[%select_n3A, %sub3A_260, %broadcast_in_dim3A_490], %mul3A_488 : memref<8x50x32xf32, #tpu.memory_space<vmem>>[vector<16xi32>, vector<16xi32>, vector<16xi32>], vector<16xf32>,
        %shift_right_arithmetic3A_491 = arith.constant 24 : i32
        %shift_right_arithmetic3A_492 = vector.broadcast %shift_right_arithmetic3A_491 : i32 to vector<16xi32>
        %shift_right_arithmetic3A_493 = arith.shrsi %gather3A_460, %shift_right_arithmetic3A_492 : vector<16xi32>
        %convert_element_type3A_494 = arith.sitofp %shift_right_arithmetic3A_493 : vector<16xi32> to vector<16xf32>
        %mul3A_495 = arith.mulf %convert_element_type3A_494, %gather3A : vector<16xf32>
        %broadcast_in_dim3A_496 = arith.constant 23 : i32
        %broadcast_in_dim3A_497 = vector.broadcast %broadcast_in_dim3A_496 : i32 to vector<16xi32>
        tpu.vector_store_idx %arg16[%select_n3A, %sub3A_260, %broadcast_in_dim3A_497], %mul3A_495 : memref<8x50x32xf32, #tpu.memory_space<vmem>>[vector<16xi32>, vector<16xi32>, vector<16xi32>], vector<16xf32>,
        %broadcast_in_dim3A_498 = arith.constant 6 : i32
        %broadcast_in_dim3A_499 = vector.broadcast %broadcast_in_dim3A_498 : i32 to vector<16xi32>
        %gather3A_500 = tpu.vector_load_idx %arg10[%add3A_234, %broadcast_in_dim3A_499] : memref<400x8xi32, #tpu.memory_space<vmem>>[vector<16xi32>, vector<16xi32>], vector<16xi32>,
        %shift_left3A_501 = arith.constant 24 : i32
        %shift_left3A_502 = vector.broadcast %shift_left3A_501 : i32 to vector<16xi32>
        %shift_left3A_503 = arith.shli %gather3A_500, %shift_left3A_502 : vector<16xi32>
        %shift_right_arithmetic3A_504 = arith.constant 24 : i32
        %shift_right_arithmetic3A_505 = vector.broadcast %shift_right_arithmetic3A_504 : i32 to vector<16xi32>
        %shift_right_arithmetic3A_506 = arith.shrsi %shift_left3A_503, %shift_right_arithmetic3A_505 : vector<16xi32>
        %convert_element_type3A_507 = arith.sitofp %shift_right_arithmetic3A_506 : vector<16xi32> to vector<16xf32>
        %mul3A_508 = arith.mulf %convert_element_type3A_507, %gather3A : vector<16xf32>
        %broadcast_in_dim3A_509 = arith.constant 24 : i32
        %broadcast_in_dim3A_510 = vector.broadcast %broadcast_in_dim3A_509 : i32 to vector<16xi32>
        tpu.vector_store_idx %arg16[%select_n3A, %sub3A_260, %broadcast_in_dim3A_510], %mul3A_508 : memref<8x50x32xf32, #tpu.memory_space<vmem>>[vector<16xi32>, vector<16xi32>, vector<16xi32>], vector<16xf32>,
        %shift_left3A_511 = arith.constant 16 : i32
        %shift_left3A_512 = vector.broadcast %shift_left3A_511 : i32 to vector<16xi32>
        %shift_left3A_513 = arith.shli %gather3A_500, %shift_left3A_512 : vector<16xi32>
        %shift_right_arithmetic3A_514 = arith.constant 24 : i32
        %shift_right_arithmetic3A_515 = vector.broadcast %shift_right_arithmetic3A_514 : i32 to vector<16xi32>
        %shift_right_arithmetic3A_516 = arith.shrsi %shift_left3A_513, %shift_right_arithmetic3A_515 : vector<16xi32>
        %convert_element_type3A_517 = arith.sitofp %shift_right_arithmetic3A_516 : vector<16xi32> to vector<16xf32>
        %mul3A_518 = arith.mulf %convert_element_type3A_517, %gather3A : vector<16xf32>
        %broadcast_in_dim3A_519 = arith.constant 25 : i32
        %broadcast_in_dim3A_520 = vector.broadcast %broadcast_in_dim3A_519 : i32 to vector<16xi32>
        tpu.vector_store_idx %arg16[%select_n3A, %sub3A_260, %broadcast_in_dim3A_520], %mul3A_518 : memref<8x50x32xf32, #tpu.memory_space<vmem>>[vector<16xi32>, vector<16xi32>, vector<16xi32>], vector<16xf32>,
        %shift_left3A_521 = arith.constant 8 : i32
        %shift_left3A_522 = vector.broadcast %shift_left3A_521 : i32 to vector<16xi32>
        %shift_left3A_523 = arith.shli %gather3A_500, %shift_left3A_522 : vector<16xi32>
        %shift_right_arithmetic3A_524 = arith.constant 24 : i32
        %shift_right_arithmetic3A_525 = vector.broadcast %shift_right_arithmetic3A_524 : i32 to vector<16xi32>
        %shift_right_arithmetic3A_526 = arith.shrsi %shift_left3A_523, %shift_right_arithmetic3A_525 : vector<16xi32>
        %convert_element_type3A_527 = arith.sitofp %shift_right_arithmetic3A_526 : vector<16xi32> to vector<16xf32>
        %mul3A_528 = arith.mulf %convert_element_type3A_527, %gather3A : vector<16xf32>
        %broadcast_in_dim3A_529 = arith.constant 26 : i32
        %broadcast_in_dim3A_530 = vector.broadcast %broadcast_in_dim3A_529 : i32 to vector<16xi32>
        tpu.vector_store_idx %arg16[%select_n3A, %sub3A_260, %broadcast_in_dim3A_530], %mul3A_528 : memref<8x50x32xf32, #tpu.memory_space<vmem>>[vector<16xi32>, vector<16xi32>, vector<16xi32>], vector<16xf32>,
        %shift_right_arithmetic3A_531 = arith.constant 24 : i32
        %shift_right_arithmetic3A_532 = vector.broadcast %shift_right_arithmetic3A_531 : i32 to vector<16xi32>
        %shift_right_arithmetic3A_533 = arith.shrsi %gather3A_500, %shift_right_arithmetic3A_532 : vector<16xi32>
        %convert_element_type3A_534 = arith.sitofp %shift_right_arithmetic3A_533 : vector<16xi32> to vector<16xf32>
        %mul3A_535 = arith.mulf %convert_element_type3A_534, %gather3A : vector<16xf32>
        %broadcast_in_dim3A_536 = arith.constant 27 : i32
        %broadcast_in_dim3A_537 = vector.broadcast %broadcast_in_dim3A_536 : i32 to vector<16xi32>
        tpu.vector_store_idx %arg16[%select_n3A, %sub3A_260, %broadcast_in_dim3A_537], %mul3A_535 : memref<8x50x32xf32, #tpu.memory_space<vmem>>[vector<16xi32>, vector<16xi32>, vector<16xi32>], vector<16xf32>,
        %broadcast_in_dim3A_538 = arith.constant 7 : i32
        %broadcast_in_dim3A_539 = vector.broadcast %broadcast_in_dim3A_538 : i32 to vector<16xi32>
        %gather3A_540 = tpu.vector_load_idx %arg10[%add3A_234, %broadcast_in_dim3A_539] : memref<400x8xi32, #tpu.memory_space<vmem>>[vector<16xi32>, vector<16xi32>], vector<16xi32>,
        %shift_left3A_541 = arith.constant 24 : i32
        %shift_left3A_542 = vector.broadcast %shift_left3A_541 : i32 to vector<16xi32>
        %shift_left3A_543 = arith.shli %gather3A_540, %shift_left3A_542 : vector<16xi32>
        %shift_right_arithmetic3A_544 = arith.constant 24 : i32
        %shift_right_arithmetic3A_545 = vector.broadcast %shift_right_arithmetic3A_544 : i32 to vector<16xi32>
        %shift_right_arithmetic3A_546 = arith.shrsi %shift_left3A_543, %shift_right_arithmetic3A_545 : vector<16xi32>
        %convert_element_type3A_547 = arith.sitofp %shift_right_arithmetic3A_546 : vector<16xi32> to vector<16xf32>
        %mul3A_548 = arith.mulf %convert_element_type3A_547, %gather3A : vector<16xf32>
        %broadcast_in_dim3A_549 = arith.constant 28 : i32
        %broadcast_in_dim3A_550 = vector.broadcast %broadcast_in_dim3A_549 : i32 to vector<16xi32>
        tpu.vector_store_idx %arg16[%select_n3A, %sub3A_260, %broadcast_in_dim3A_550], %mul3A_548 : memref<8x50x32xf32, #tpu.memory_space<vmem>>[vector<16xi32>, vector<16xi32>, vector<16xi32>], vector<16xf32>,
        %shift_left3A_551 = arith.constant 16 : i32
        %shift_left3A_552 = vector.broadcast %shift_left3A_551 : i32 to vector<16xi32>
        %shift_left3A_553 = arith.shli %gather3A_540, %shift_left3A_552 : vector<16xi32>
        %shift_right_arithmetic3A_554 = arith.constant 24 : i32
        %shift_right_arithmetic3A_555 = vector.broadcast %shift_right_arithmetic3A_554 : i32 to vector<16xi32>
        %shift_right_arithmetic3A_556 = arith.shrsi %shift_left3A_553, %shift_right_arithmetic3A_555 : vector<16xi32>
        %convert_element_type3A_557 = arith.sitofp %shift_right_arithmetic3A_556 : vector<16xi32> to vector<16xf32>
        %mul3A_558 = arith.mulf %convert_element_type3A_557, %gather3A : vector<16xf32>
        %broadcast_in_dim3A_559 = arith.constant 29 : i32
        %broadcast_in_dim3A_560 = vector.broadcast %broadcast_in_dim3A_559 : i32 to vector<16xi32>
        tpu.vector_store_idx %arg16[%select_n3A, %sub3A_260, %broadcast_in_dim3A_560], %mul3A_558 : memref<8x50x32xf32, #tpu.memory_space<vmem>>[vector<16xi32>, vector<16xi32>, vector<16xi32>], vector<16xf32>,
        %shift_left3A_561 = arith.constant 8 : i32
        %shift_left3A_562 = vector.broadcast %shift_left3A_561 : i32 to vector<16xi32>
        %shift_left3A_563 = arith.shli %gather3A_540, %shift_left3A_562 : vector<16xi32>
        %shift_right_arithmetic3A_564 = arith.constant 24 : i32
        %shift_right_arithmetic3A_565 = vector.broadcast %shift_right_arithmetic3A_564 : i32 to vector<16xi32>
        %shift_right_arithmetic3A_566 = arith.shrsi %shift_left3A_563, %shift_right_arithmetic3A_565 : vector<16xi32>
        %convert_element_type3A_567 = arith.sitofp %shift_right_arithmetic3A_566 : vector<16xi32> to vector<16xf32>
        %mul3A_568 = arith.mulf %convert_element_type3A_567, %gather3A : vector<16xf32>
        %broadcast_in_dim3A_569 = arith.constant 30 : i32
        %broadcast_in_dim3A_570 = vector.broadcast %broadcast_in_dim3A_569 : i32 to vector<16xi32>
        tpu.vector_store_idx %arg16[%select_n3A, %sub3A_260, %broadcast_in_dim3A_570], %mul3A_568 : memref<8x50x32xf32, #tpu.memory_space<vmem>>[vector<16xi32>, vector<16xi32>, vector<16xi32>], vector<16xf32>,
        %shift_right_arithmetic3A_571 = arith.constant 24 : i32
        %shift_right_arithmetic3A_572 = vector.broadcast %shift_right_arithmetic3A_571 : i32 to vector<16xi32>
        %shift_right_arithmetic3A_573 = arith.shrsi %gather3A_540, %shift_right_arithmetic3A_572 : vector<16xi32>
        %convert_element_type3A_574 = arith.sitofp %shift_right_arithmetic3A_573 : vector<16xi32> to vector<16xf32>
        %mul3A_575 = arith.mulf %convert_element_type3A_574, %gather3A : vector<16xf32>
        %broadcast_in_dim3A_576 = arith.constant 31 : i32
        %broadcast_in_dim3A_577 = vector.broadcast %broadcast_in_dim3A_576 : i32 to vector<16xi32>
        tpu.vector_store_idx %arg16[%select_n3A, %sub3A_260, %broadcast_in_dim3A_577], %mul3A_575 : memref<8x50x32xf32, #tpu.memory_space<vmem>>[vector<16xi32>, vector<16xi32>, vector<16xi32>], vector<16xf32>,
      }
      %scan3A_215 = arith.constant 25 : i32
      %mul3A_216 = arith.constant 8 : i32
      %mul3A_217 = arith.muli %add3A_192, %mul3A_216 : i32
      %add3A_218 = arith.addi %mul3A_2, %mul3A_217 : i32
      %dma_start3A_219 = arith.constant 0 : i32
      %dma_start3A_220 = arith.constant 0 : i32
      %dma_start3A_221 = tpu.memref_slice %arg5[%add3A_218, %dma_start3A_219, %dma_start3A_220] : memref<4096x50x32xf32, #tpu.memory_space<hbm>> -> memref<8x50x32xf32, #tpu.memory_space<hbm>>
      %dma_start3A_222 = arith.constant 0 : i32
      %dma_start3A_223 = arith.constant 0 : i32
      %dma_start3A_224 = tpu.memref_slice %arg5[%add3A_218, %dma_start3A_222, %dma_start3A_223] : memref<4096x50x32xf32, #tpu.memory_space<hbm>> -> memref<8x50x32xf32, #tpu.memory_space<hbm>>
      tpu.enqueue_dma source(%arg16 : memref<8x50x32xf32, #tpu.memory_space<vmem>>) target(%dma_start3A_224 : memref<8x50x32xf32, #tpu.memory_space<hbm>>) target_semaphore(%arg26 : memref<!tpu.dma_semaphore, #tpu.memory_space<semaphore_mem>>)
      %lt3A_225 = arith.constant 3 : i32
      %lt3A_226 = arith.cmpi slt, %scan3A_71, %lt3A_225 : i32
      %convert_element_type3A_227 = arith.extui %lt3A_226 : i1 to i32
      %cond3A_228 = arith.constant 0 : i32
      %cond3A_229 = arith.cmpi ne, %convert_element_type3A_227, %cond3A_228 : i32
      scf.if %cond3A_229 {
        %add3A_230 = arith.constant 4 : i32
        %add3A_231 = arith.addi %add3A_192, %add3A_230 : i32
        %dma_start3A_232 = arith.constant 0 : i32
        %dma_start3A_233 = tpu.memref_slice %arg6[%add3A_231, %dma_start3A_232] : memref<16x400xi32, #tpu.memory_space<vmem>> -> memref<1x400xi32, #tpu.memory_space<vmem>>
        %dma_start3A_234 = tpu.memref_squeeze %dma_start3A_233 : memref<1x400xi32, #tpu.memory_space<vmem>> -> memref<400xi32, #tpu.memory_space<vmem>>
        %dma_start3A_235 = arith.constant 0 : i32
        %dma_start3A_236 = arith.constant 0 : i32
        %dma_start3A_237 = tpu.memref_slice %arg3[%dma_start3A_235, %dma_start3A_236] : memref<1000000x8xi32, #tpu.memory_space<hbm>> -> memref<1000000x8xi32, #tpu.memory_space<hbm>>
        tpu.enqueue_indirect_dma source(%dma_start3A_237 : memref<1000000x8xi32, #tpu.memory_space<hbm>>) target(%arg10 : memref<400x8xi32, #tpu.memory_space<vmem>>) offsets(%dma_start3A_234 : memref<400xi32, #tpu.memory_space<vmem>>) semaphore(%arg20 : memref<!tpu.dma_semaphore, #tpu.memory_space<semaphore_mem>>)
        %dma_start3A_238 = arith.constant 0 : i32
        %dma_start3A_239 = tpu.memref_slice %arg6[%add3A_231, %dma_start3A_238] : memref<16x400xi32, #tpu.memory_space<vmem>> -> memref<1x400xi32, #tpu.memory_space<vmem>>
        %dma_start3A_240 = tpu.memref_squeeze %dma_start3A_239 : memref<1x400xi32, #tpu.memory_space<vmem>> -> memref<400xi32, #tpu.memory_space<vmem>>
        %dma_start3A_241 = arith.constant 0 : i32
        %dma_start3A_242 = tpu.memref_slice %arg4[%dma_start3A_241] : memref<1000000xf32, #tpu.memory_space<hbm>> -> memref<1000000xf32, #tpu.memory_space<hbm>>
        tpu.enqueue_indirect_dma source(%dma_start3A_242 : memref<1000000xf32, #tpu.memory_space<hbm>>) target(%arg14 : memref<400xf32, #tpu.memory_space<vmem>>) offsets(%dma_start3A_240 : memref<400xi32, #tpu.memory_space<vmem>>) semaphore(%arg24 : memref<!tpu.dma_semaphore, #tpu.memory_space<semaphore_mem>>)
      } else {
      }
    }
    %scan3A_59 = arith.constant 4 : i32
    %dma_wait3A = arith.constant 0 : i32
    %dma_wait3A_60 = arith.constant 0 : i32
    %dma_wait3A_61 = tpu.memref_slice %arg5[%mul3A_2, %dma_wait3A, %dma_wait3A_60] : memref<4096x50x32xf32, #tpu.memory_space<hbm>> -> memref<8x50x32xf32, #tpu.memory_space<hbm>>
    %dma_wait3A_62 = arith.constant 0 : i32
    %dma_wait3A_63 = arith.constant 0 : i32
    %dma_wait3A_64 = tpu.memref_slice %arg5[%mul3A_2, %dma_wait3A_62, %dma_wait3A_63] : memref<4096x50x32xf32, #tpu.memory_space<hbm>> -> memref<8x50x32xf32, #tpu.memory_space<hbm>>
    tpu.wait_dma2 semaphore(%arg25 : memref<!tpu.dma_semaphore, #tpu.memory_space<semaphore_mem>>) src(%arg15 : memref<8x50x32xf32, #tpu.memory_space<vmem>>) dst(%dma_wait3A_64 : memref<8x50x32xf32, #tpu.memory_space<hbm>>)
    %dma_wait3A_65 = arith.constant 0 : i32
    %dma_wait3A_66 = arith.constant 0 : i32
    %dma_wait3A_67 = tpu.memref_slice %arg5[%mul3A_2, %dma_wait3A_65, %dma_wait3A_66] : memref<4096x50x32xf32, #tpu.memory_space<hbm>> -> memref<8x50x32xf32, #tpu.memory_space<hbm>>
    %dma_wait3A_68 = arith.constant 0 : i32
    %dma_wait3A_69 = arith.constant 0 : i32
    %dma_wait3A_70 = tpu.memref_slice %arg5[%mul3A_2, %dma_wait3A_68, %dma_wait3A_69] : memref<4096x50x32xf32, #tpu.memory_space<hbm>> -> memref<8x50x32xf32, #tpu.memory_space<hbm>>
    tpu.wait_dma2 semaphore(%arg26 : memref<!tpu.dma_semaphore, #tpu.memory_space<semaphore_mem>>) src(%arg16 : memref<8x50x32xf32, #tpu.memory_space<vmem>>) dst(%dma_wait3A_70 : memref<8x50x32xf32, #tpu.memory_space<hbm>>)
    return
  }
}

</mosaic_0001>

<sc_bundles>
// kernel: kernel.4.cloned.1.call-start
scs
__scs_entry_jumppad:
0x0: {  	(pc) =	sbr.rel $0x88, $3  }
0x1: {  	(tag) =	ssettag $0x0;
	lr =	simm.s32 $0x1  }
0x2: {  	[smem:$0x3F9E] =	sst lr;
	_ =	strace $0xD0000000  }
0x3: {  	_ = 	snop  }
0x4: {  	_ = 	snop  }
0x5: {  	_ = 	snop  }
0x6: {  	_ = 	snop  }
0x7: {  	_ = 	snop  }
__scs_overlays_trampoline_lowered:
0x8: {  	[smem:$0x3FAD] =	sst s0  }
0x9: {  	[smem:$0x3FAE] =	sst s1  }
0xa: {  	[smem:$0x3FAF] =	sst s2  }
0xb: {  	[smem:$0x3FB0] =	sst s3  }
0xc: {  	[smem:$0x3FB1] =	sst s4  }
0xd: {  	[smem:$0x3FB2] =	sst s5  }
0xe: {  	[smem:$0x3FB3] =	sst s6  }
0xf: {  	[smem:$0x3FB4] =	sst s7  }
0x10: {  	[smem:$0x3FB5] =	sst s8  }
0x11: {  	[smem:$0x3FB6] =	sst s9;
	s0 =	simm.s32 @!p0 $0x0  }
0x12: {  	s1 =	sld [smem:$0x3F9C];
	s0 =	simm.s32 @p0 $0x1  }
0x13: {  	[smem:$0x3FB7] =	sst s0;
	s0 =	simm.s32 @!p1 $0x0  }
0x14: {  	s2 =	sld [smem:$0x3F9B];
	s0 =	simm.s32 @p1 $0x1  }
0x15: {  	[smem:$0x3FB8] =	sst s0;
	s0 =	simm.s32 @!p2 $0x0  }
0x16: {  	s3 =	sld [smem:$0x3FDB];
	s0 =	simm.s32 @p2 $0x1  }
0x17: {  	s4 =	simm.s32 $0x1BF5;
	[smem:$0x3FBA] =	sst s0  }
0x18: {  	s0 =	sld [smem:$0x3F9D];
	_ =	swait.ge [sflag:s4], $0x0  }
0x19: {  	s7 =	sld [smem:$0x3F9E]  }
0x1a: {  	s8 =	sadd.s32 $0xFFFFE003, lr  }
0x1b: {  	s9 =	sadd.s32 $0xFFFFFEF7, lr;
	s5 =	simm.s32 $0xFFFFFFFF;
	p2 =	slt.u32 s8, $0xFFFFF086  }
0x1c: {  	p1 =	slt.u32 s9, $0xF7A;
	s5 =	simm.s32 @!p2 $0x0  }
0x1d: {  	s5 =	simm.s32 @p1 $0x1;
	p0 =	seq.s32 s7, s2  }
0x1e: {  	s7 =	smul.u32 @!p0 $0xF7A, s2;
	p2 =	seq.s32 @!p0 s5, $0x0  }
0x1f: {  	s9 =	smul.u32 $0xF7A, s1;
	s8 =	simm.s32 @!p0 $0x1BF5;
	p2 =	por !p2, p0  }
0x20: {  	[sflag:s8] =	ssyncset.s32 @!p0 $0xFFFFF086;
	s6 =	sadd.s32 @!p0 s3, s7;
	s7 =	simm.s32 @!p0 $0x108  }
0x21: {  	s3 =	sadd.s32 s3, s9;
	s6 =	sadd.s32 @!p0 $0x88, s6;
	s7 =	simm.s32 @p2 $0x1082  }
0x22: {  	[simem:s7], [sflag:s8] =	dma.local @!p0 [hbm:s6], $0xF7A  }
0x23: {  	s9 =	sor.u32 $0xD0000000, s2;
	s6 =	simm.s32 $0x108;
	_ =	swait.ge @!p0 [sflag:s8], $0x0  }
0x24: {  	s3 =	sadd.s32 $0x88, s3;
	s6 =	simm.s32 @!p1 $0x1082;
	[sflag:s4] =	ssyncset.s32 $0xFFFFF086  }
0x25: {  	[simem:s6], [sflag:s4] =	dma.local [hbm:s3], $0xF7A  }
0x26: {  	[smem:$0x3F9E] =	sst s1;
	(tag) =	ssettag s2;
	_ =	strace s9  }
0x27: {  	s1 =	sld [smem:$0x3FAE]  }
0x28: {  	s2 =	sld [smem:$0x3FAF]  }
0x29: {  	s4 =	sld [smem:$0x3FB1]  }
0x2a: {  	p0 =	seq.s32 s5, $0x0;
	s5 =	sld [smem:$0x3FB2]  }
0x2b: {  	s6 =	sld [smem:$0x3FB3]  }
0x2c: {  	s7 =	sld [smem:$0x3FB4]  }
0x2d: {  	s3 =	simm.s32 $0x108;
	s8 =	sld [smem:$0x3FB5]  }
0x2e: {  	s3 =	simm.s32 @!p0 $0x1082;
	s9 =	sld [smem:$0x3FB6]  }
0x2f: {  	lr =	sadd.s32 s0, s3;
	s0 =	sld [smem:$0x3FAD]  }
0x30: {  	s3 =	sld [smem:$0x3FB0]  }
0x31: {  	[smem:$0x3FB9] =	sst s10  }
0x32: {  	s10 =	sld [smem:$0x3FB7];
	_ =	sdelay $0x3  }
0x33: {  	p0 =	seq.s32 s10, $0x1;
	s10 =	sld [smem:$0x3FB9];
	_ =	sdelay $0x3  }
0x34: {  	[smem:$0x3FB9] =	sst s10  }
0x35: {  	s10 =	sld [smem:$0x3FB8];
	_ =	sdelay $0x3  }
0x36: {  	p1 =	seq.s32 s10, $0x1;
	s10 =	sld [smem:$0x3FB9];
	_ =	sdelay $0x3  }
0x37: {  	[smem:$0x3FB9] =	sst s10  }
0x38: {  	s10 =	sld [smem:$0x3FBA]  }
0x39: {  	_ = 	snop;
	(pc) =	sbr.ind lr, $3  }
0x3a: {  	_ = 	snop  }
0x3b: {  	_ = 	snop  }
0x3c: {  	p2 =	seq.s32 s10, $0x1;
	s10 =	sld [smem:$0x3FB9]  }
0x3d: {  	_ =	shalt  }
0x3e: {  	_ =	shalt  }
0x3f: {  	_ =	shalt  }
0x40: {  	_ =	shalt  }
0x41: {  	_ =	shalt  }
0x42: {  	_ =	shalt  }
0x43: {  	_ =	shalt  }
0x44: {  	_ =	shalt  }
0x45: {  	_ =	shalt  }
0x46: {  	_ =	shalt  }
0x47: {  	_ =	shalt  }
0x48: {  	_ =	shalt  }
0x49: {  	_ =	shalt  }
0x4a: {  	_ =	shalt  }
0x4b: {  	_ =	shalt  }
0x4c: {  	_ =	shalt  }
0x4d: {  	_ =	shalt  }
0x4e: {  	_ =	shalt  }
0x4f: {  	_ =	shalt  }
0x50: {  	_ =	shalt  }
0x51: {  	_ =	shalt  }
0x52: {  	_ =	shalt  }
0x53: {  	_ =	shalt  }
0x54: {  	_ =	shalt  }
0x55: {  	_ =	shalt  }
0x56: {  	_ =	shalt  }
0x57: {  	_ =	shalt  }
0x58: {  	_ =	shalt  }
0x59: {  	_ =	shalt  }
0x5a: {  	_ =	shalt  }
0x5b: {  	_ =	shalt  }
0x5c: {  	_ =	shalt  }
0x5d: {  	_ =	shalt  }
0x5e: {  	_ =	shalt  }
0x5f: {  	_ =	shalt  }
0x60: {  	_ =	shalt  }
0x61: {  	_ =	shalt  }
0x62: {  	_ =	shalt  }
0x63: {  	_ =	shalt  }
0x64: {  	_ =	shalt  }
0x65: {  	_ =	shalt  }
0x66: {  	_ =	shalt  }
0x67: {  	_ =	shalt  }
0x68: {  	_ =	shalt  }
0x69: {  	_ =	shalt  }
0x6a: {  	_ =	shalt  }
0x6b: {  	_ =	shalt  }
0x6c: {  	_ =	shalt  }
0x6d: {  	_ =	shalt  }
0x6e: {  	_ =	shalt  }
0x6f: {  	_ =	shalt  }
0x70: {  	_ =	shalt  }
0x71: {  	_ =	shalt  }
0x72: {  	_ =	shalt  }
0x73: {  	_ =	shalt  }
0x74: {  	_ =	shalt  }
0x75: {  	_ =	shalt  }
0x76: {  	_ =	shalt  }
0x77: {  	_ =	shalt  }
0x78: {  	_ =	shalt  }
0x79: {  	_ =	shalt  }
0x7a: {  	_ =	shalt  }
0x7b: {  	_ =	shalt  }
0x7c: {  	_ =	shalt  }
0x7d: {  	_ =	shalt  }
0x7e: {  	_ =	shalt  }
0x7f: {  	_ =	shalt  }
0x80: {  	_ =	shalt  }
0x81: {  	_ =	shalt  }
0x82: {  	_ =	shalt  }
0x83: {  	_ =	shalt  }
0x84: {  	_ =	shalt  }
0x85: {  	_ =	shalt  }
0x86: {  	_ =	shalt  }
0x87: {  	_ =	shalt  }
.Lfunc_end0:
.L_simem_size_0:
called_computation_lowered:
.L_overlay_start_0:
0x88: {  	s2 =	sld [smem:$0x3FD9]  }
0x89: {  	s3 =	sld [smem:$0x3FFE];
	_ =	sdelay $0x1  }
0x8a: {  	s1 =	srdreg.scid  }
0x8b: {  	s0 =	sand.u32 $0x1, s1  }
0x8c: {  	s16 =	sshll.u32 s0, $0xA;
	s2 =	sadd.s32 s3, s2  }
0x8d: {  	s2 =	sadd.s32 s2, s16  }
0x8e: {  	[smem:$0x3FC5] =	sst s2  }
0x8f: {  	_ = 	snop  }
0x90: {  	(tm) =	ssettm $0x1  }
0x91: {  	s17 =	sld [smem:$0x3FFB];
	_ =	sdelay $0x3  }
0x92: {  	_ =	strace s17  }
0x93: {  	s2 =	sld [smem:$0x3FFC];
	_ =	sdelay $0x3  }
0x94: {  	_ =	strace s2  }
0x95: {  	s2 =	sld [smem:$0x3FFD];
	_ =	sdelay $0x3  }
0x96: {  	_ =	strace s2  }
0x97: {  	_ =	strace $0x8FFFFFFF  }
0x98: {  	s18 =	sld [smem:$0x3FDB];
	_ =	sdelay $0x1  }
0x99: {  	s19 =	simm.s32 $_scs_section_size  }
0x9a: {  	s4 =	simm.s32 $_size__tile_overlayer_lowered;
	s5 =	simm.s32 $_tile_overlayer_lowered  }
0x9b: {  	s22 =	simm.s32 $0x1BFF;
	s21 =	sshll.u32 s5, $0x1;
	s2 =	sadd.s32 s19, s18  }
0x9c: {  	s6 =	simm.s32 $0x0;
	s20 =	sshll.u32 s4, $0x1;
	s4 =	sadd.s32 s21, s2  }
0x9d: {  	[timem:s6], [sflag:s22] =	dma.local [hbm:s4], s20  }
0x9e: {  	_ =	swait.ge [sflag:s22], s20  }
0x9f: {  	s3 =	ssub.s32 $0x0, s20;
	[sflag:s22] =	ssyncset.done $0x0  }
0xa0: {  	[sflag:s22] =	ssyncadd.s32 s3;
	_ =	sdelay $0x1  }
0xa1: {  	s23 =	simm.s32 $0x1B8B  }
0xa2: {  	_ =	swait.ge [sflag:s23], $0x1  }
0xa3: {  	[sflag:s23] =	ssyncset.done $0x0  }
0xa4: {  	s25 =	simm.s32 $0x1B8E;
	s24 =	sld [smem:$0x3FFE];
	[sflag:s23] =	ssyncadd.s32 $0xFFFFFFFF  }
0xa5: {  	s26 =	simm.s32 $execute0_lowered;
	[smem:$0x3FD2] =	sst s25  }
0xa6: {  	s4 =	sshll.u32 s26, $0x1;
	_ =	strace $0x80000046;
	[dreg:$0x1] =	wrdreg $0xFFFFFFFF  }
0xa7: {  	s28 =	simm.s32 $_size_execute0_lowered;
	s2 =	sadd.s32 s2, s4;
	[dreg:$0x0] =	wrdreg $0x0  }
0xa8: {  	s4 =	sshll.u32 s28, $0x1;
	[dreg:$0x2] =	wrdreg s2  }
0xa9: {  	[dreg:$0x3] =	wrdreg s4  }
0xaa: {  	[dreg:$0x4] =	wrdreg $0xC0  }
0xab: {  	_ =	task [dreg:s6], $0x5FFFF  }
0xac: {  	[dreg:$0x1] =	wrdreg $0xFFFFFFFF  }
0xad: {  	[dreg:$0x0] =	wrdreg $0x60  }
0xae: {  	[dreg:$0x2] =	wrdreg s24  }
0xaf: {  	[dreg:$0x3] =	wrdreg $0x9  }
0xb0: {  	_ =	task.clear_ibuf [dreg:s6], $0x4FFFF;
	_ =	strace $0x90000046  }
0xb1: {  	s29 =	simm.s32 $0x9;
	_ =	strace $0x80000048  }
0xb2: {  	_ =	swait.ge [sflag:s29], $0x1  }
0xb3: {  	[sflag:s29] =	ssyncadd.s32 $0xFFFFFFFF  }
0xb4: {  	_ =	strace $0x90000048  }
0xb5: {  	_ =	sfence  }
0xb6: {  	s30 =	sld [smem:$0x0];
	_ =	sdelay $0x2  }
0xb7: {  	s31 =	sshll.u32 s1, $0xD;
	s1 =	sshrl.u32 s1, $0x2  }
0xb8: {  	s3 =	sand.u32 $0x4000, s31;
	s1 =	sadd.s32 s1, s30  }
0xb9: {  	s0 =	sor.u32 s3, s0;
	s1 =	sshll.u32 s1, $0x11  }
0xba: {  	s0 =	sor.u32 s1, s0  }
0xbb: {  	s0 =	sadd.s32 $0x8F2B, s0  }
0xbc: {  	[sflag:s0] =	ssyncadd.remote.s32 $0x1  }
0xbd: {  	_ =	sfence.sel $0xFFFF  }
0xbe: {  	[dreg:$0x0] =	wrdreg $0xFFFFFFFF;
	(pc) =	sbr.abs _section_cstart, $3  }
0xbf: {  	[dreg:$0x1] =	wrdreg $0xFFFFFFFF  }
0xc0: {  	_ =	task.clear_ibuf [dreg:s6], $0x2FFFF;
	_ =	strace $0x9FFFFFFF  }
0xc1: {  	(tm) =	ssettm $0x7FFFFFFF  }
tec
execute0_lowered:
.L_overlay_start_1:
0x0: {  	(tag) =	ssettag $0x1  }
0x1: {  	s1 =	srdreg.scid  }
0x2: {  	s0 =	stileid.u32;
	s4 =	rddreg [dreg:$0x0];
	s2 =	simm.s32 $0x0  }
0x3: {  	s12 =	simm.s32 $0x2710;
	s13 =	simm.s32 $0x1;
	s14 =	simm.s32 $0x4E20  }
0x4: {  	s15 =	simm.s32 $0x2;
	s16 =	simm.s32 $0x7530;
	s17 =	simm.s32 $0x3  }
0x5: {  	s18 =	simm.s32 $0x4;
	s5 =	sand.u32 $0x1, s1;
	s3 =	sshll.u32 s0, $0x1  }
0x6: {  	s19 =	simm.s32 $0x0;
	s1 =	rddreg [dreg:$0x1];
	s6 =	sor.u32 s5, s3  }
0x7: {  	[smem:$0x7FF] =	sst s2;
	s8 =	sadd.s32 $0xF4E00, s4;
	s9 =	smul.u32 $0xF4240, s6  }
0x8: {  	_ =	strace $0x80000047;
	s5 =	ssub.s32 $0x2, s5;
	s7 =	smul.u32 $0x3D090, s6  }
0x9: {  	s3 =	sadd.s32 $0xA00, s4;
	s10 =	sshrl.u32 s5, $0x1;
	s6 =	smul.u32 $0x7A12, s6  }
0xa: {  	s11 =	ssub.s32 s5, s10;
	s30 =	sshrl.u32 s9, $0x5;
	s31 =	sshrl.u32 s7, $0x3  }
0xb: {  	v1 =	vlaneseq.u32;
	s6 =	sadd.s32 s8, s6;
	s7 =	sadd.s32 $0x13880, s9;
	s9 =	sadd.s32 $0x1D4C0, s9  }
0xc: {  	v0 =	vshrl.u32 v1, $0x3;
	s11 =	smax.u32 s11, $0x1;
	s4 =	sadd.s32 s3, s30;
	s10 =	sadd.s32 s8, s31  }
0xd: {  	v1 =	vand.u32 $0x7, v1;
	v0 =	vmul.u32 $0x8, v0;
	s8 =	sadd.s32 $0x4E2, s6;
	s5 =	sadd.s32 $0x4E2, s4;
	s10 =	sadd.s32 $0x7530, s10  }
.LBB2_1:
0xe: {  	[tilespmem:s2], [sflag:$0x1] =	stream.linear.gather [hbm4b:s4+s2], $0x2710, $0x38;
	[tilespmem:$0x9C40] =	vst v63  }
0xf: {  	s20 =	simm.s32 $0x0  }
0x10: {  	[tilespmem:s12], [sflag:$0x2] =	stream.linear.gather [hbm4b:s5+s2], $0x2710, $0x38;
	[tilespmem:$0x9C40] =	vst v63  }
.LBB2_2:
0x11: {  	_ =	swait.ge [sflag:s13], $0x2710  }
0x12: {  	p0 =	seq.s32 s20, $0x0;
	[sflag:s13] =	ssyncset.done $0x0  }
0x13: {  	s21 =	simm.s32 $0x0;
	s22 =	simm.s32 @!p0 $0x3;
	[sflag:s13] =	ssyncadd.s32 $0xFFFFD8F0  }
0x14: {  	v2 =	vmov s21;
	_ =	swait.ge @!p0 [sflag:s22], $0x2710  }
0x15: {  	v2 =	vshll.u32 v2, $0x3;
	[sflag:s22] =	ssyncset.done @!p0 $0x0  }
0x16: {  	v3 =	vor.u32 v0, v2;
	[sflag:s22] =	ssyncadd.s32 @!p0 $0xFFFFD8F0  }
0x17: {  	v3 =	vor.u32 v1, v3;
	s22 =	simm.s32 $0x2;
	v2 =	vld [tilespmem:s21+$0x0]  }
.LBB2_3:
0x18: {  	p1 =	sne.s32 s22, $0x4E0  }
.Ltmp0:
0x19: {  	_ = 	snop;
	(pc) =	sbr.rel @p1 .LBB2_3-.Ltmp0, $4  }
0x1a: {  	v4 =	vmov s22  }
0x1b: {  	v4 =	vshll.u32 v4, $0x3  }
0x1c: {  	s21 =	sadd.s32 $0x10, s21;
	v4 =	vor.u32 v0, v4;
	[tilespmem:v3+s14+$0x0] =	vst.idx.msk $0xffff, v2  }
0x1d: {  	s22 =	sadd.s32 $0x2, s22;
	v3 =	vor.u32 v1, v4;
	v2 =	vld [tilespmem:s21+$0x0]  }
0x1e: {  	_ = 	snop  }
0x1f: {  	s22 =	smul.u32 $0x9C4, s20  }
0x20: {  	s21 =	smul.u32 $0x13880, s20;
	_ =	sdelay $0x1  }
0x21: {  	s23 =	sadd.s32 s22, s6;
	s31 =	sadd.s32 s21, s7;
	[tilespmem:v3+s14+$0x0] =	vst.idx.msk $0xffff, v2  }
0x22: {  	[hbm4b:s23+s2] =	stream.linear.scatter [tilespmem:s14], [sflag:$0x3], $0x2710, $0x38;
	[tilespmem:$0x9C40] =	vst v63  }
0x23: {  	s23 =	sshrl.u32 s31, $0x5  }
0x24: {  	s23 =	sadd.s32 s3, s23  }
0x25: {  	[tilespmem:s2], [sflag:$0x1] =	stream.linear.gather [hbm4b:s23+s2], $0x2710, $0x38;
	[tilespmem:$0x9C40] =	vst v63  }
0x26: {  	_ =	swait.ge [sflag:s15], $0x2710  }
0x27: {  	[sflag:s15] =	ssyncset.done $0x0  }
0x28: {  	s24 =	simm.s32 $0x0;
	s23 =	simm.s32 @!p0 $0x4;
	[sflag:s15] =	ssyncadd.s32 $0xFFFFD8F0  }
0x29: {  	v2 =	vmov s24;
	_ =	swait.ge @!p0 [sflag:s23], $0x2710  }
0x2a: {  	v2 =	vshll.u32 v2, $0x3;
	[sflag:s23] =	ssyncset.done @!p0 $0x0  }
0x2b: {  	v3 =	vor.u32 v0, v2;
	[sflag:s23] =	ssyncadd.s32 @!p0 $0xFFFFD8F0;
	s23 =	simm.s32 $0x2710  }
0x2c: {  	s24 =	simm.s32 $0x2;
	v3 =	vor.u32 v1, v3;
	v2 =	vld [tilespmem:s23+$0x0]  }
.LBB2_5:
0x2d: {  	p0 =	sne.s32 s24, $0x4E0  }
.Ltmp1:
0x2e: {  	_ = 	snop;
	(pc) =	sbr.rel @p0 .LBB2_5-.Ltmp1, $4  }
0x2f: {  	v4 =	vmov s24  }
0x30: {  	v4 =	vshll.u32 v4, $0x3  }
0x31: {  	s23 =	sadd.s32 $0x10, s23;
	v4 =	vor.u32 v0, v4;
	[tilespmem:v3+s16+$0x0] =	vst.idx.msk $0xffff, v2  }
0x32: {  	s24 =	sadd.s32 $0x2, s24;
	v3 =	vor.u32 v1, v4;
	v2 =	vld [tilespmem:s23+$0x0]  }
0x33: {  	p0 =	seq.s32 s20, $0xB  }
.Ltmp2:
0x34: {  	_ = 	snop;
	(pc) =	sbr.rel @p0 .LBB2_8-.Ltmp2, $3  }
0x35: {  	_ =	sdelay $0x1  }
0x36: {  	s22 =	sadd.s32 s22, s8;
	[tilespmem:v3+s16+$0x0] =	vst.idx.msk $0xffff, v2  }
0x37: {  	[hbm4b:s22+s2] =	stream.linear.scatter [tilespmem:s16], [sflag:$0x4], $0x2710, $0x38;
	[tilespmem:$0x9C40] =	vst v63  }
.Ltmp3:
0x38: {  	(pc) =	sbr.rel .LBB2_2-.Ltmp3, $4  }
0x39: {  	s21 =	sadd.s32 s21, s9  }
0x3a: {  	s21 =	sshrl.u32 s21, $0x5  }
0x3b: {  	s20 =	sadd.s32 $0x1, s20;
	s21 =	sadd.s32 s3, s21  }
0x3c: {  	[tilespmem:s12], [sflag:$0x2] =	stream.linear.gather [hbm4b:s21+s2], $0x2710, $0x38;
	[tilespmem:$0x9C40] =	vst v63  }
.LBB2_8:
0x3d: {  	_ =	swait.ge [sflag:s13], $0x2710  }
0x3e: {  	[sflag:s13] =	ssyncset.done $0x0  }
0x3f: {  	s20 =	simm.s32 $0x0;
	[sflag:s13] =	ssyncadd.s32 $0xFFFFD8F0  }
0x40: {  	v2 =	vmov s20;
	_ =	swait.ge [sflag:s17], $0x2710  }
0x41: {  	v2 =	vshll.u32 v2, $0x3;
	[sflag:s17] =	ssyncset.done $0x0  }
0x42: {  	v3 =	vor.u32 v0, v2;
	[sflag:s17] =	ssyncadd.s32 $0xFFFFD8F0  }
0x43: {  	s21 =	simm.s32 $0x2;
	v3 =	vor.u32 v1, v3;
	v2 =	vld [tilespmem:s20+$0x0]  }
.LBB2_9:
0x44: {  	p0 =	sne.s32 s21, $0x4E0  }
.Ltmp4:
0x45: {  	_ = 	snop;
	(pc) =	sbr.rel @p0 .LBB2_9-.Ltmp4, $4  }
0x46: {  	v4 =	vmov s21  }
0x47: {  	v4 =	vshll.u32 v4, $0x3  }
0x48: {  	s20 =	sadd.s32 $0x10, s20;
	v4 =	vor.u32 v0, v4;
	[tilespmem:v3+s14+$0x0] =	vst.idx.msk $0xffff, v2  }
0x49: {  	s21 =	sadd.s32 $0x2, s21;
	v3 =	vor.u32 v1, v4;
	v2 =	vld [tilespmem:s20+$0x0]  }
0x4a: {  	_ =	sdelay $0x3  }
0x4b: {  	s19 =	sadd.s32 $0x1, s19;
	[tilespmem:v3+s14+$0x0] =	vst.idx.msk $0xffff, v2  }
0x4c: {  	[hbm4b:s10+s2] =	stream.linear.scatter [tilespmem:s14], [sflag:$0x3], $0x2710, $0x38;
	[tilespmem:$0x9C40] =	vst v63  }
0x4d: {  	p0 =	sne.s32 s19, s11;
	_ =	swait.ge [sflag:s17], $0x2710  }
.Ltmp5:
0x4e: {  	[sflag:s17] =	ssyncset.done $0x0;
	(pc) =	sbr.rel @p0 .LBB2_1-.Ltmp5, $4  }
0x4f: {  	[sflag:s17] =	ssyncadd.s32 $0xFFFFD8F0  }
0x50: {  	_ =	swait.ge [sflag:s18], $0x2710  }
0x51: {  	[sflag:s18] =	ssyncset.done $0x0  }
0x52: {  	[sflag:s18] =	ssyncadd.s32 $0xFFFFD8F0  }
0x53: {  	_ =	sfence.sel $0x180000  }
0x54: {  	[bflag:$0x0] =	sbarrier.arrive $0xFFFF  }
0x55: {  	p0 =	sne.s32 s0, $0x0;
	_ =	strace $0x90000047  }
0x56: {  	s0 =	sadd.s32 @!p0 $0x100000, s1;
	[bflag:$0x2] =	sbarrier.arrive $0xFFFF  }
0x57: {  	[sflag:s0] =	ssyncadd.tile.s32 @!p0 $0x1;
	_ =	shalt  }
.Lfunc_end2:
_tile_overlayer_lowered:
.L_overlay_start_2:
0x58: {  	(tag) =	ssettag $0x2  }
0x59: {  	s0 =	rddreg [dreg:$0x0];
	s2 =	stileid.u32  }
0x5a: {  	s1 =	rddreg [dreg:$0x1];
	p0 =	sne.s32 s2, $0x0  }
0x5b: {  	s3 =	rddreg [dreg:$0x2];
	[bflag:$0x3] =	sbarrier.arrive $0xFFFF;
	s2 =	simm.s32 @!p0 $0x1C05  }
0x5c: {  	[timem:s3], [sflag:s2] =	dma.local @!p0 [hbm:s0], s1  }
0x5d: {  	s0 =	simm.s32 @!p0 $0x5  }
0x5e: {  	_ =	swait.ge @!p0 [sflag:s0], s1  }
0x5f: {  	s1 =	ssub.s32 @!p0 $0x0, s1;
	[sflag:s0] =	ssyncset.done @!p0 $0x0  }
0x60: {  	[sflag:s0] =	ssyncadd.s32 @!p0 s1  }
0x61: {  	[bflag:$0x3] =	sbarrier.arrive $0xFFFF  }
0x62: {  	_ =	shalt  }

// kernel: kernel.7.cloned.1.call-start
scs
__scs_entry_jumppad:
0x0: {  	(pc) =	sbr.rel $0x88, $3  }
0x1: {  	(tag) =	ssettag $0x0;
	lr =	simm.s32 $0x1  }
0x2: {  	[smem:$0x3F9E] =	sst lr;
	_ =	strace $0xD0000000  }
0x3: {  	_ = 	snop  }
0x4: {  	_ = 	snop  }
0x5: {  	_ = 	snop  }
0x6: {  	_ = 	snop  }
0x7: {  	_ = 	snop  }
__scs_overlays_trampoline_lowered:
0x8: {  	[smem:$0x3FAD] =	sst s0  }
0x9: {  	[smem:$0x3FAE] =	sst s1  }
0xa: {  	[smem:$0x3FAF] =	sst s2  }
0xb: {  	[smem:$0x3FB0] =	sst s3  }
0xc: {  	[smem:$0x3FB1] =	sst s4  }
0xd: {  	[smem:$0x3FB2] =	sst s5  }
0xe: {  	[smem:$0x3FB3] =	sst s6  }
0xf: {  	[smem:$0x3FB4] =	sst s7  }
0x10: {  	[smem:$0x3FB5] =	sst s8  }
0x11: {  	[smem:$0x3FB6] =	sst s9;
	s0 =	simm.s32 @!p0 $0x0  }
0x12: {  	s1 =	sld [smem:$0x3F9C];
	s0 =	simm.s32 @p0 $0x1  }
0x13: {  	[smem:$0x3FB7] =	sst s0;
	s0 =	simm.s32 @!p1 $0x0  }
0x14: {  	s2 =	sld [smem:$0x3F9B];
	s0 =	simm.s32 @p1 $0x1  }
0x15: {  	[smem:$0x3FB8] =	sst s0;
	s0 =	simm.s32 @!p2 $0x0  }
0x16: {  	s3 =	sld [smem:$0x3FDB];
	s0 =	simm.s32 @p2 $0x1  }
0x17: {  	s4 =	simm.s32 $0x1BF5;
	[smem:$0x3FBA] =	sst s0  }
0x18: {  	s0 =	sld [smem:$0x3F9D];
	_ =	swait.ge [sflag:s4], $0x0  }
0x19: {  	s7 =	sld [smem:$0x3F9E]  }
0x1a: {  	s8 =	sadd.s32 $0xFFFFE003, lr  }
0x1b: {  	s9 =	sadd.s32 $0xFFFFFEF7, lr;
	s5 =	simm.s32 $0xFFFFFFFF;
	p2 =	slt.u32 s8, $0xFFFFF086  }
0x1c: {  	p1 =	slt.u32 s9, $0xF7A;
	s5 =	simm.s32 @!p2 $0x0  }
0x1d: {  	s5 =	simm.s32 @p1 $0x1;
	p0 =	seq.s32 s7, s2  }
0x1e: {  	s7 =	smul.u32 @!p0 $0xF7A, s2;
	p2 =	seq.s32 @!p0 s5, $0x0  }
0x1f: {  	s9 =	smul.u32 $0xF7A, s1;
	s8 =	simm.s32 @!p0 $0x1BF5;
	p2 =	por !p2, p0  }
0x20: {  	[sflag:s8] =	ssyncset.s32 @!p0 $0xFFFFF086;
	s6 =	sadd.s32 @!p0 s3, s7;
	s7 =	simm.s32 @!p0 $0x108  }
0x21: {  	s3 =	sadd.s32 s3, s9;
	s6 =	sadd.s32 @!p0 $0x88, s6;
	s7 =	simm.s32 @p2 $0x1082  }
0x22: {  	[simem:s7], [sflag:s8] =	dma.local @!p0 [hbm:s6], $0xF7A  }
0x23: {  	s9 =	sor.u32 $0xD0000000, s2;
	s6 =	simm.s32 $0x108;
	_ =	swait.ge @!p0 [sflag:s8], $0x0  }
0x24: {  	s3 =	sadd.s32 $0x88, s3;
	s6 =	simm.s32 @!p1 $0x1082;
	[sflag:s4] =	ssyncset.s32 $0xFFFFF086  }
0x25: {  	[simem:s6], [sflag:s4] =	dma.local [hbm:s3], $0xF7A  }
0x26: {  	[smem:$0x3F9E] =	sst s1;
	(tag) =	ssettag s2;
	_ =	strace s9  }
0x27: {  	s1 =	sld [smem:$0x3FAE]  }
0x28: {  	s2 =	sld [smem:$0x3FAF]  }
0x29: {  	s4 =	sld [smem:$0x3FB1]  }
0x2a: {  	p0 =	seq.s32 s5, $0x0;
	s5 =	sld [smem:$0x3FB2]  }
0x2b: {  	s6 =	sld [smem:$0x3FB3]  }
0x2c: {  	s7 =	sld [smem:$0x3FB4]  }
0x2d: {  	s3 =	simm.s32 $0x108;
	s8 =	sld [smem:$0x3FB5]  }
0x2e: {  	s3 =	simm.s32 @!p0 $0x1082;
	s9 =	sld [smem:$0x3FB6]  }
0x2f: {  	lr =	sadd.s32 s0, s3;
	s0 =	sld [smem:$0x3FAD]  }
0x30: {  	s3 =	sld [smem:$0x3FB0]  }
0x31: {  	[smem:$0x3FB9] =	sst s10  }
0x32: {  	s10 =	sld [smem:$0x3FB7];
	_ =	sdelay $0x3  }
0x33: {  	p0 =	seq.s32 s10, $0x1;
	s10 =	sld [smem:$0x3FB9];
	_ =	sdelay $0x3  }
0x34: {  	[smem:$0x3FB9] =	sst s10  }
0x35: {  	s10 =	sld [smem:$0x3FB8];
	_ =	sdelay $0x3  }
0x36: {  	p1 =	seq.s32 s10, $0x1;
	s10 =	sld [smem:$0x3FB9];
	_ =	sdelay $0x3  }
0x37: {  	[smem:$0x3FB9] =	sst s10  }
0x38: {  	s10 =	sld [smem:$0x3FBA]  }
0x39: {  	_ = 	snop;
	(pc) =	sbr.ind lr, $3  }
0x3a: {  	_ = 	snop  }
0x3b: {  	_ = 	snop  }
0x3c: {  	p2 =	seq.s32 s10, $0x1;
	s10 =	sld [smem:$0x3FB9]  }
0x3d: {  	_ =	shalt  }
0x3e: {  	_ =	shalt  }
0x3f: {  	_ =	shalt  }
0x40: {  	_ =	shalt  }
0x41: {  	_ =	shalt  }
0x42: {  	_ =	shalt  }
0x43: {  	_ =	shalt  }
0x44: {  	_ =	shalt  }
0x45: {  	_ =	shalt  }
0x46: {  	_ =	shalt  }
0x47: {  	_ =	shalt  }
0x48: {  	_ =	shalt  }
0x49: {  	_ =	shalt  }
0x4a: {  	_ =	shalt  }
0x4b: {  	_ =	shalt  }
0x4c: {  	_ =	shalt  }
0x4d: {  	_ =	shalt  }
0x4e: {  	_ =	shalt  }
0x4f: {  	_ =	shalt  }
0x50: {  	_ =	shalt  }
0x51: {  	_ =	shalt  }
0x52: {  	_ =	shalt  }
0x53: {  	_ =	shalt  }
0x54: {  	_ =	shalt  }
0x55: {  	_ =	shalt  }
0x56: {  	_ =	shalt  }
0x57: {  	_ =	shalt  }
0x58: {  	_ =	shalt  }
0x59: {  	_ =	shalt  }
0x5a: {  	_ =	shalt  }
0x5b: {  	_ =	shalt  }
0x5c: {  	_ =	shalt  }
0x5d: {  	_ =	shalt  }
0x5e: {  	_ =	shalt  }
0x5f: {  	_ =	shalt  }
0x60: {  	_ =	shalt  }
0x61: {  	_ =	shalt  }
0x62: {  	_ =	shalt  }
0x63: {  	_ =	shalt  }
0x64: {  	_ =	shalt  }
0x65: {  	_ =	shalt  }
0x66: {  	_ =	shalt  }
0x67: {  	_ =	shalt  }
0x68: {  	_ =	shalt  }
0x69: {  	_ =	shalt  }
0x6a: {  	_ =	shalt  }
0x6b: {  	_ =	shalt  }
0x6c: {  	_ =	shalt  }
0x6d: {  	_ =	shalt  }
0x6e: {  	_ =	shalt  }
0x6f: {  	_ =	shalt  }
0x70: {  	_ =	shalt  }
0x71: {  	_ =	shalt  }
0x72: {  	_ =	shalt  }
0x73: {  	_ =	shalt  }
0x74: {  	_ =	shalt  }
0x75: {  	_ =	shalt  }
0x76: {  	_ =	shalt  }
0x77: {  	_ =	shalt  }
0x78: {  	_ =	shalt  }
0x79: {  	_ =	shalt  }
0x7a: {  	_ =	shalt  }
0x7b: {  	_ =	shalt  }
0x7c: {  	_ =	shalt  }
0x7d: {  	_ =	shalt  }
0x7e: {  	_ =	shalt  }
0x7f: {  	_ =	shalt  }
0x80: {  	_ =	shalt  }
0x81: {  	_ =	shalt  }
0x82: {  	_ =	shalt  }
0x83: {  	_ =	shalt  }
0x84: {  	_ =	shalt  }
0x85: {  	_ =	shalt  }
0x86: {  	_ =	shalt  }
0x87: {  	_ =	shalt  }
.Lfunc_end0:
.L_simem_size_0:
called_computation.1_lowered:
.L_overlay_start_0:
0x88: {  	s2 =	sld [smem:$0x3FD9]  }
0x89: {  	s3 =	sld [smem:$0x3FFE];
	_ =	sdelay $0x1  }
0x8a: {  	s1 =	srdreg.scid  }
0x8b: {  	s0 =	sand.u32 $0x1, s1  }
0x8c: {  	s17 =	sshll.u32 s0, $0xA;
	s2 =	sadd.s32 s3, s2  }
0x8d: {  	s2 =	sadd.s32 s2, s17  }
0x8e: {  	[smem:$0x3FC5] =	sst s2  }
0x8f: {  	_ = 	snop  }
0x90: {  	s2 =	sld [smem:$0x3FC7]  }
0x91: {  	s18 =	sld [smem:$0x3FD0];
	(tm) =	ssettm $0x1  }
0x92: {  	s4 =	sld [smem:$0x3FFB];
	_ =	sdelay $0x3  }
0x93: {  	_ =	strace s4  }
0x94: {  	s4 =	sld [smem:$0x3FFC];
	_ =	sdelay $0x3  }
0x95: {  	_ =	strace s4  }
0x96: {  	s4 =	sld [smem:$0x3FFD];
	_ =	sdelay $0x3  }
0x97: {  	_ =	strace s4  }
0x98: {  	_ =	strace $0x8FFFFFFF  }
0x99: {  	s19 =	sld [smem:$0x3FDB];
	_ =	sdelay $0x1  }
0x9a: {  	s5 =	simm.s32 $_scs_section_size  }
0x9b: {  	s6 =	simm.s32 $_size__tile_overlayer_lowered;
	s7 =	simm.s32 $_tile_overlayer_lowered  }
0x9c: {  	s22 =	simm.s32 $0x1BFF;
	s21 =	sshll.u32 s7, $0x1;
	s4 =	sadd.s32 s5, s19  }
0x9d: {  	s8 =	simm.s32 $0x0;
	s20 =	sshll.u32 s6, $0x1;
	s6 =	sadd.s32 s21, s4  }
0x9e: {  	[timem:s8], [sflag:s22] =	dma.local [hbm:s6], s20  }
0x9f: {  	_ =	swait.ge [sflag:s22], s20  }
0xa0: {  	s5 =	ssub.s32 $0x0, s20;
	[sflag:s22] =	ssyncset.done $0x0  }
0xa1: {  	[sflag:s22] =	ssyncadd.s32 s5;
	_ =	sdelay $0x1  }
0xa2: {  	s23 =	simm.s32 $0x1B8B  }
0xa3: {  	_ =	swait.ge [sflag:s23], $0x1  }
0xa4: {  	[sflag:s23] =	ssyncset.done $0x0  }
0xa5: {  	s25 =	simm.s32 $0x1B8E;
	s24 =	sld [smem:$0x3FFE];
	[sflag:s23] =	ssyncadd.s32 $0xFFFFFFFF  }
0xa6: {  	s26 =	simm.s32 $execute0_lowered;
	[smem:$0x3FD2] =	sst s25  }
0xa7: {  	s6 =	sshll.u32 s26, $0x1;
	_ =	strace $0x80000049;
	[dreg:$0x1] =	wrdreg $0xFFFFFFFF  }
0xa8: {  	s28 =	simm.s32 $_size_execute0_lowered;
	s4 =	sadd.s32 s4, s6;
	[dreg:$0x0] =	wrdreg $0x0  }
0xa9: {  	s6 =	sshll.u32 s28, $0x1;
	[dreg:$0x2] =	wrdreg s4  }
0xaa: {  	[dreg:$0x3] =	wrdreg s6  }
0xab: {  	[dreg:$0x4] =	wrdreg $0xC0  }
0xac: {  	_ =	task [dreg:s8], $0x5FFFF  }
0xad: {  	[dreg:$0x1] =	wrdreg $0xFFFFFFFF  }
0xae: {  	[dreg:$0x0] =	wrdreg $0x60  }
0xaf: {  	[dreg:$0x2] =	wrdreg s24  }
0xb0: {  	[dreg:$0x3] =	wrdreg s2  }
0xb1: {  	[dreg:$0x4] =	wrdreg s18  }
0xb2: {  	[dreg:$0x5] =	wrdreg $0x9  }
0xb3: {  	_ =	task.clear_ibuf [dreg:s8], $0x6FFFF;
	_ =	strace $0x90000049  }
0xb4: {  	s29 =	simm.s32 $0x9;
	_ =	strace $0x8000004B  }
0xb5: {  	_ =	swait.ge [sflag:s29], $0x1  }
0xb6: {  	[sflag:s29] =	ssyncadd.s32 $0xFFFFFFFF  }
0xb7: {  	_ =	strace $0x9000004B  }
0xb8: {  	_ =	sfence  }
0xb9: {  	s30 =	sld [smem:$0x0];
	_ =	sdelay $0x2  }
0xba: {  	s31 =	sshll.u32 s1, $0xD;
	s1 =	sshrl.u32 s1, $0x2  }
0xbb: {  	s3 =	sand.u32 $0x4000, s31;
	s1 =	sadd.s32 s1, s30  }
0xbc: {  	s0 =	sor.u32 s3, s0;
	s1 =	sshll.u32 s1, $0x11  }
0xbd: {  	s0 =	sor.u32 s1, s0  }
0xbe: {  	s0 =	sadd.s32 $0x8F2B, s0  }
0xbf: {  	[sflag:s0] =	ssyncadd.remote.s32 $0x1  }
0xc0: {  	_ =	sfence.sel $0xFFFF  }
0xc1: {  	[dreg:$0x0] =	wrdreg $0xFFFFFFFF;
	(pc) =	sbr.abs _section_cstart, $3  }
0xc2: {  	[dreg:$0x1] =	wrdreg $0xFFFFFFFF  }
0xc3: {  	_ =	task.clear_ibuf [dreg:s8], $0x2FFFF;
	_ =	strace $0x9FFFFFFF  }
0xc4: {  	(tm) =	ssettm $0x7FFFFFFF  }
0xc5: {  	_ =	shalt  }
tec
execute0_lowered:
.L_overlay_start_1:
0x0: {  	(tag) =	ssettag $0x1  }
0x1: {  	s0 =	rddreg [dreg:$0x0];
	s1 =	srdreg.scid  }
0x2: {  	s3 =	stileid.u32;
	s2 =	rddreg [dreg:$0x1];
	s10 =	simm.s32 $0x190  }
0x3: {  	s11 =	simm.s32 $0x1900;
	s12 =	simm.s32 $0x4B00;
	s13 =	simm.s32 $0x2580  }
0x4: {  	s14 =	simm.s32 $0x4C90;
	s16 =	simm.s32 $0x3200;
	s17 =	simm.s32 $0x4E20  }
0x5: {  	s19 =	simm.s32 $0x3E80;
	s20 =	simm.s32 $0x4FB0;
	s21 =	simm.s32 $0x1  }
0x6: {  	s22 =	simm.s32 $0x5;
	s23 =	simm.s32 $0x5140;
	s24 =	simm.s32 $0x2  }
0x7: {  	s28 =	simm.s32 $0x3;
	s29 =	simm.s32 $0x7;
	s30 =	simm.s32 $0x9  }
0x8: {  	s31 =	simm.s32 $0x4;
	s1 =	sand.u32 $0x1, s1;
	s4 =	sshll.u32 s3, $0x1  }
0x9: {  	s6 =	sor.u32 s1, s4;
	s4 =	simm.s32 $0x0;
	s1 =	ssub.s32 $0x2, s1  }
0xa: {  	s5 =	smul.u32 $0x320, s6;
	[smem:$0x7FF] =	sst s4;
	s8 =	sshrl.u32 s1, $0x1  }
.Ltmp0:
0xb: {  	s6 =	sshll.u32 s6, $0x7;
	_ =	strace $0x8000004A;
	(pc) =	sbr.rel .LBB2_1-.Ltmp0, $4  }
0xc: {  	s25 =	ssub.s32 s1, s8;
	s1 =	simm.s32 $0x8;
	s7 =	sadd.s32 s5, s0  }
0xd: {  	s5 =	sadd.s32 $0xF4E00, s0;
	s0 =	smax.u32 s25, $0x1;
	s25 =	simm.s32 $0x6  }
0xe: {  	v0 =	vlaneseq.u32;
	s26 =	sadd.s32 $0x1E9200, s7;
	[dreg:$0x5] =	wrdreg s0;
	s0 =	simm.s32 $0xA  }
0xf: {  	v1 =	vimm.s32 $0x0;
	v2 =	vor.u32 $0xFFFFFFF8, v0;
	s7 =	simm.s32 $0x0;
	[dreg:$0x4] =	wrdreg s26;
	s26 =	simm.s32 $0x8340  }
.LBB2_12:
0x10: {  	_ =	swait.ge [sflag:s30], $0x3200  }
0x11: {  	[sflag:s30] =	ssyncset.done $0x0  }
0x12: {  	[sflag:s30] =	ssyncadd.s32 $0xFFFFCE00  }
0x13: {  	_ =	swait.ge [sflag:s0], $0x3200  }
0x14: {  	s7 =	rddreg [dreg:$0x6]  }
0x15: {  	s3 =	rddreg [dreg:$0x5];
	s7 =	sadd.s32 $0x1, s7  }
0x16: {  	p0 =	sne.s32 s7, s3  }
.Ltmp1:
0x17: {  	_ = 	snop;
	(pc) =	sbr.rel @!p0 .LBB2_13-.Ltmp1, $3  }
0x18: {  	_ =	sdelay $0x1  }
0x19: {  	[sflag:s0] =	ssyncset.done $0x0  }
0x1a: {  	[sflag:s0] =	ssyncadd.s32 $0xFFFFCE00  }
.LBB2_1:
0x1b: {  	[dreg:$0x6] =	wrdreg s7  }
0x1c: {  	s3 =	rddreg [dreg:$0x4];
	s9 =	simm.s32 $0xB  }
0x1d: {  	[tilespmem:s4], [sflag:$0xB] =	stream.linear.gather [hbm4b:s3+s4], $0x1900, $0x38;
	[tilespmem:$0xB540] =	vst v63  }
0x1e: {  	_ =	swait.ge [sflag:s9], $0x1900  }
0x1f: {  	[sflag:s9] =	ssyncset.done $0x0  }
0x20: {  	[sflag:s9] =	ssyncadd.s32 $0xFFFFE700  }
0x21: {  	[tilespmem:s11], [sflag:$0x1] =	stream.indirect.gather [hbm4b:s5+s10], $0x8, s4, s10, $0xb8;
	[tilespmem:$0xB540] =	vst v63  }
0x22: {  	_ = 	snop  }
0x23: {  	[tilespmem:s12], [sflag:$0x5] =	stream.indirect.gather [hbm4b:s2+s10], $0x1, s4, s10, $0xb8;
	[tilespmem:$0xB540] =	vst v63  }
0x24: {  	_ = 	snop  }
0x25: {  	[tilespmem:s13], [sflag:$0x2] =	stream.indirect.gather [hbm4b:s5+s10], $0x8, s10, s10, $0xb8;
	[tilespmem:$0xB540] =	vst v63  }
0x26: {  	_ = 	snop  }
0x27: {  	[tilespmem:s14], [sflag:$0x6] =	stream.indirect.gather [hbm4b:s2+s10], $0x1, s10, s10, $0xb8;
	[tilespmem:$0xB540] =	vst v63  }
0x28: {  	s15 =	simm.s32 $0x320  }
0x29: {  	[tilespmem:s16], [sflag:$0x3] =	stream.indirect.gather [hbm4b:s5+s10], $0x8, s15, s10, $0xb8;
	[tilespmem:$0xB540] =	vst v63  }
0x2a: {  	_ = 	snop  }
0x2b: {  	[tilespmem:s17], [sflag:$0x7] =	stream.indirect.gather [hbm4b:s2+s10], $0x1, s15, s10, $0xb8;
	[tilespmem:$0xB540] =	vst v63  }
0x2c: {  	s18 =	simm.s32 $0x4B0  }
0x2d: {  	[tilespmem:s19], [sflag:$0x4] =	stream.indirect.gather [hbm4b:s5+s10], $0x8, s18, s10, $0xb8;
	[tilespmem:$0xB540] =	vst v63  }
0x2e: {  	_ = 	snop  }
0x2f: {  	[tilespmem:s20], [sflag:$0x8] =	stream.indirect.gather [hbm4b:s2+s10], $0x1, s18, s10, $0xb8;
	[tilespmem:$0xB540] =	vst v63  }
0x30: {  	s18 =	simm.s32 $0x0  }
.LBB2_2:
0x31: {  	s7 =	simm.s32 $0x0  }
0x32: {  	_ =	swait.ge [sflag:s21], $0xC80;
	v4 =	vor.u32 s7, v0  }
0x33: {  	[sflag:s21] =	ssyncset.done $0x0;
	v3 =	vmulhi.u32 $0x51EB851F, v4  }
0x34: {  	[sflag:s21] =	ssyncadd.s32 $0xFFFFF380  }
0x35: {  	_ =	swait.ge [sflag:s22], $0x190;
	v5 =	vshrl.u32 v3, $0x4  }
0x36: {  	p1 =	seq.s32 s18, $0x0;
	[sflag:s22] =	ssyncset.done $0x0;
	v3 =	vshll.u32 v4, $0x3;
	v6 =	vmul.u32 $0xFFFFFFCE, v5  }
0x37: {  	s8 =	simm.s32 @!p1 $0x9;
	v7 =	vmov s7;
	v8 =	vsub.s32 $0x0, v4;
	[sflag:s22] =	ssyncadd.s32 $0xFFFFFE70  }
0x38: {  	vm0 =	veq.s32 v7, v0;
	_ =	swait.ge @!p1 [sflag:s8], $0x3200;
	vm1 =	vne.s32 v6, v8  }
0x39: {  	[sflag:s8] =	ssyncset.done @!p1 $0x0;
	vm0 =	vmand vm0, vm1  }
0x3a: {  	v6 =	vand.u32 v2, v4;
	[sflag:s8] =	ssyncadd.s32 @!p1 $0xFFFFCE00;
	v7 =	vsel vm0, $0xFFFFFFFF, v1  }
0x3b: {  	v8 =	vld.idx.msk [tilespmem:v3+s11+$0x0], $0xffff;
	v5 =	vadd.s32 v7, v5  }
0x3c: {  	v7 =	vmul.u32 $0x7FFFFCE, v5;
	_ =	sdelay $0x1  }
0x3d: {  	v5 =	vmul.u32 $0x640, v5;
	v7 =	vadd.s32 v4, v7  }
0x3e: {  	v4 =	vld.idx.msk [tilespmem:v6+s12+$0x0], $0xffff;
	v6 =	vshll.u32 v7, $0x5  }
0x3f: {  	v7 =	vshll.u32 v8, $0x18;
	v10 =	vshll.u32 v8, $0x8;
	v5 =	vadd.s32 v5, v6  }
0x40: {  	v6 =	vshll.u32 v8, $0x10;
	v7 =	vshra.s32 v7, $0x18;
	v10 =	vshra.s32 v10, $0x18  }
0x41: {  	v9 =	vor.u32 $0x1, v5;
	v7 =	vcvt.s32.f32 v7;
	v6 =	vshra.s32 v6, $0x18  }
0x42: {  	v8 =	vshra.s32 v8, $0x18;
	v11 =	vor.u32 $0x2, v5;
	v6 =	vcvt.s32.f32 v6  }
0x43: {  	v12 =	vor.u32 $0x3, v5;
	v10 =	vcvt.s32.f32 v10;
	v7 =	vmul.f32 v7, v4  }
0x44: {  	v13 =	vor.u32 $0x1, v3;
	v8 =	vcvt.s32.f32 v8;
	v6 =	vmul.f32 v6, v4  }
0x45: {  	[tilespmem:v5+s23+$0x0] =	vst.idx.msk $0xffff, v7;
	v7 =	vmul.f32 v10, v4  }
0x46: {  	[tilespmem:v9+s23+$0x0] =	vst.idx.msk $0xffff, v6;
	v6 =	vmul.f32 v8, v4  }
0x47: {  	[tilespmem:v11+s23+$0x0] =	vst.idx.msk $0xffff, v7  }
0x48: {  	[tilespmem:v12+s23+$0x0] =	vst.idx.msk $0xffff, v6  }
0x49: {  	v6 =	vld.idx.msk [tilespmem:v13+s11+$0x0], $0xffff;
	_ =	sdelay $0x4  }
0x4a: {  	v8 =	vor.u32 $0x5, v5;
	v7 =	vor.u32 $0x4, v5;
	v9 =	vshll.u32 v6, $0x18  }
0x4b: {  	v12 =	vor.u32 $0x6, v5;
	v10 =	vshll.u32 v6, $0x10;
	v9 =	vshra.s32 v9, $0x18  }
0x4c: {  	v11 =	vshll.u32 v6, $0x8;
	v10 =	vshra.s32 v10, $0x18;
	v9 =	vcvt.s32.f32 v9  }
0x4d: {  	v13 =	vor.u32 $0x7, v5;
	v11 =	vshra.s32 v11, $0x18;
	v10 =	vcvt.s32.f32 v10  }
0x4e: {  	v6 =	vshra.s32 v6, $0x18;
	v11 =	vcvt.s32.f32 v11;
	v9 =	vmul.f32 v9, v4  }
0x4f: {  	v14 =	vor.u32 $0x2, v3;
	v6 =	vcvt.s32.f32 v6;
	v10 =	vmul.f32 v10, v4  }
0x50: {  	v11 =	vmul.f32 v11, v4;
	[tilespmem:v7+s23+$0x0] =	vst.idx.msk $0xffff, v9  }
0x51: {  	v6 =	vmul.f32 v6, v4;
	[tilespmem:v8+s23+$0x0] =	vst.idx.msk $0xffff, v10  }
0x52: {  	[tilespmem:v12+s23+$0x0] =	vst.idx.msk $0xffff, v11  }
0x53: {  	[tilespmem:v13+s23+$0x0] =	vst.idx.msk $0xffff, v6  }
0x54: {  	v6 =	vld.idx.msk [tilespmem:v14+s11+$0x0], $0xffff;
	_ =	sdelay $0x4  }
0x55: {  	v7 =	vor.u32 $0x8, v5;
	v8 =	vor.u32 $0x9, v5;
	v9 =	vshll.u32 v6, $0x18  }
0x56: {  	v12 =	vor.u32 $0xA, v5;
	v10 =	vshll.u32 v6, $0x10;
	v9 =	vshra.s32 v9, $0x18  }
0x57: {  	v11 =	vshll.u32 v6, $0x8;
	v10 =	vshra.s32 v10, $0x18;
	v9 =	vcvt.s32.f32 v9  }
0x58: {  	v13 =	vor.u32 $0xB, v5;
	v11 =	vshra.s32 v11, $0x18;
	v10 =	vcvt.s32.f32 v10  }
0x59: {  	v6 =	vshra.s32 v6, $0x18;
	v11 =	vcvt.s32.f32 v11;
	v9 =	vmul.f32 v9, v4  }
0x5a: {  	v14 =	vor.u32 $0x3, v3;
	v6 =	vcvt.s32.f32 v6;
	v10 =	vmul.f32 v10, v4  }
0x5b: {  	v11 =	vmul.f32 v11, v4;
	[tilespmem:v7+s23+$0x0] =	vst.idx.msk $0xffff, v9  }
0x5c: {  	v6 =	vmul.f32 v6, v4;
	[tilespmem:v8+s23+$0x0] =	vst.idx.msk $0xffff, v10  }
0x5d: {  	[tilespmem:v12+s23+$0x0] =	vst.idx.msk $0xffff, v11  }
0x5e: {  	[tilespmem:v13+s23+$0x0] =	vst.idx.msk $0xffff, v6  }
0x5f: {  	v6 =	vld.idx.msk [tilespmem:v14+s11+$0x0], $0xffff;
	_ =	sdelay $0x4  }
0x60: {  	v7 =	vor.u32 $0xC, v5;
	v8 =	vor.u32 $0xD, v5;
	v9 =	vshll.u32 v6, $0x18  }
0x61: {  	v12 =	vor.u32 $0xE, v5;
	v10 =	vshll.u32 v6, $0x10;
	v9 =	vshra.s32 v9, $0x18  }
0x62: {  	v11 =	vshll.u32 v6, $0x8;
	v10 =	vshra.s32 v10, $0x18;
	v9 =	vcvt.s32.f32 v9  }
0x63: {  	v13 =	vor.u32 $0xF, v5;
	v11 =	vshra.s32 v11, $0x18;
	v10 =	vcvt.s32.f32 v10  }
0x64: {  	v6 =	vshra.s32 v6, $0x18;
	v11 =	vcvt.s32.f32 v11;
	v9 =	vmul.f32 v9, v4  }
0x65: {  	v14 =	vor.u32 $0x4, v3;
	v6 =	vcvt.s32.f32 v6;
	v10 =	vmul.f32 v10, v4  }
0x66: {  	v11 =	vmul.f32 v11, v4;
	[tilespmem:v7+s23+$0x0] =	vst.idx.msk $0xffff, v9  }
0x67: {  	v6 =	vmul.f32 v6, v4;
	[tilespmem:v8+s23+$0x0] =	vst.idx.msk $0xffff, v10  }
0x68: {  	[tilespmem:v12+s23+$0x0] =	vst.idx.msk $0xffff, v11  }
0x69: {  	[tilespmem:v13+s23+$0x0] =	vst.idx.msk $0xffff, v6  }
0x6a: {  	v6 =	vld.idx.msk [tilespmem:v14+s11+$0x0], $0xffff;
	_ =	sdelay $0x4  }
0x6b: {  	v7 =	vor.u32 $0x10, v5;
	v8 =	vor.u32 $0x11, v5;
	v9 =	vshll.u32 v6, $0x18  }
0x6c: {  	v12 =	vor.u32 $0x12, v5;
	v10 =	vshll.u32 v6, $0x10;
	v9 =	vshra.s32 v9, $0x18  }
0x6d: {  	v11 =	vshll.u32 v6, $0x8;
	v10 =	vshra.s32 v10, $0x18;
	v9 =	vcvt.s32.f32 v9  }
0x6e: {  	v13 =	vor.u32 $0x13, v5;
	v11 =	vshra.s32 v11, $0x18;
	v10 =	vcvt.s32.f32 v10  }
0x6f: {  	v6 =	vshra.s32 v6, $0x18;
	v11 =	vcvt.s32.f32 v11;
	v9 =	vmul.f32 v9, v4  }
0x70: {  	v14 =	vor.u32 $0x5, v3;
	v6 =	vcvt.s32.f32 v6;
	v10 =	vmul.f32 v10, v4  }
0x71: {  	v11 =	vmul.f32 v11, v4;
	[tilespmem:v7+s23+$0x0] =	vst.idx.msk $0xffff, v9  }
0x72: {  	v6 =	vmul.f32 v6, v4;
	[tilespmem:v8+s23+$0x0] =	vst.idx.msk $0xffff, v10  }
0x73: {  	[tilespmem:v12+s23+$0x0] =	vst.idx.msk $0xffff, v11  }
0x74: {  	[tilespmem:v13+s23+$0x0] =	vst.idx.msk $0xffff, v6  }
0x75: {  	v6 =	vld.idx.msk [tilespmem:v14+s11+$0x0], $0xffff;
	_ =	sdelay $0x4  }
0x76: {  	v7 =	vor.u32 $0x14, v5;
	v8 =	vor.u32 $0x15, v5;
	v9 =	vshll.u32 v6, $0x18  }
0x77: {  	v12 =	vor.u32 $0x16, v5;
	v10 =	vshll.u32 v6, $0x10;
	v9 =	vshra.s32 v9, $0x18  }
0x78: {  	v11 =	vshll.u32 v6, $0x8;
	v10 =	vshra.s32 v10, $0x18;
	v9 =	vcvt.s32.f32 v9  }
0x79: {  	v13 =	vor.u32 $0x17, v5;
	v11 =	vshra.s32 v11, $0x18;
	v10 =	vcvt.s32.f32 v10  }
0x7a: {  	v6 =	vshra.s32 v6, $0x18;
	v11 =	vcvt.s32.f32 v11;
	v9 =	vmul.f32 v9, v4  }
0x7b: {  	v14 =	vor.u32 $0x6, v3;
	v6 =	vcvt.s32.f32 v6;
	v10 =	vmul.f32 v10, v4  }
0x7c: {  	v11 =	vmul.f32 v11, v4;
	[tilespmem:v7+s23+$0x0] =	vst.idx.msk $0xffff, v9  }
0x7d: {  	v6 =	vmul.f32 v6, v4;
	[tilespmem:v8+s23+$0x0] =	vst.idx.msk $0xffff, v10  }
0x7e: {  	[tilespmem:v12+s23+$0x0] =	vst.idx.msk $0xffff, v11  }
0x7f: {  	[tilespmem:v13+s23+$0x0] =	vst.idx.msk $0xffff, v6  }
0x80: {  	v6 =	vld.idx.msk [tilespmem:v14+s11+$0x0], $0xffff;
	_ =	sdelay $0x4  }
0x81: {  	v7 =	vor.u32 $0x18, v5;
	v8 =	vor.u32 $0x19, v5;
	v9 =	vshll.u32 v6, $0x18  }
0x82: {  	v10 =	vor.u32 $0x1A, v5;
	v11 =	vshll.u32 v6, $0x10;
	v9 =	vshra.s32 v9, $0x18  }
0x83: {  	v12 =	vshll.u32 v6, $0x8;
	v11 =	vshra.s32 v11, $0x18;
	v9 =	vcvt.s32.f32 v9  }
0x84: {  	v13 =	vor.u32 $0x1B, v5;
	v12 =	vshra.s32 v12, $0x18;
	v11 =	vcvt.s32.f32 v11  }
0x85: {  	v6 =	vshra.s32 v6, $0x18;
	v12 =	vcvt.s32.f32 v12;
	v9 =	vmul.f32 v9, v4  }
0x86: {  	v3 =	vor.u32 $0x7, v3;
	v6 =	vcvt.s32.f32 v6;
	v11 =	vmul.f32 v11, v4  }
0x87: {  	v12 =	vmul.f32 v12, v4;
	[tilespmem:v7+s23+$0x0] =	vst.idx.msk $0xffff, v9  }
0x88: {  	v6 =	vmul.f32 v6, v4;
	[tilespmem:v8+s23+$0x0] =	vst.idx.msk $0xffff, v11  }
0x89: {  	[tilespmem:v10+s23+$0x0] =	vst.idx.msk $0xffff, v12  }
0x8a: {  	[tilespmem:v13+s23+$0x0] =	vst.idx.msk $0xffff, v6  }
0x8b: {  	v3 =	vld.idx.msk [tilespmem:v3+s11+$0x0], $0xffff;
	_ =	sdelay $0x2  }
0x8c: {  	v14 =	vor.u32 $0x1D, v5  }
0x8d: {  	v12 =	vor.u32 $0x1C, v5;
	v6 =	vor.u32 $0x1F, v5;
	v5 =	vor.u32 $0x1E, v5  }
0x8e: {  	v7 =	vshll.u32 v3, $0x18;
	v8 =	vshll.u32 v3, $0x10;
	v9 =	vshll.u32 v3, $0x8  }
0x8f: {  	s15 =	simm.s32 $0x10;
	v13 =	vshra.s32 v3, $0x18;
	v10 =	vshra.s32 v7, $0x18;
	v8 =	vshra.s32 v8, $0x18  }
0x90: {  	v7 =	vor.u32 s15, v0;
	v13 =	vcvt.s32.f32 v13;
	v10 =	vcvt.s32.f32 v10  }
0x91: {  	v9 =	vshra.s32 v9, $0x18;
	v11 =	vcvt.s32.f32 v8;
	v8 =	vmulhi.u32 $0x51EB851F, v7  }
0x92: {  	v9 =	vcvt.s32.f32 v9;
	v15 =	vmul.f32 v10, v4  }
0x93: {  	v3 =	vshll.u32 v7, $0x3;
	v8 =	vshrl.u32 v8, $0x4;
	v16 =	vmul.f32 v11, v4  }
0x94: {  	v10 =	vmul.f32 v9, v4;
	v9 =	vand.u32 v2, v7;
	v11 =	vmul.u32 $0xFFFFFFCE, v8;
	[tilespmem:v12+s23+$0x0] =	vst.idx.msk $0xffff, v15  }
0x95: {  	s7 =	simm.s32 $0x20;
	v4 =	vmul.f32 v13, v4;
	v13 =	vsub.s32 $0x0, v7;
	v12 =	vmov s15;
	[tilespmem:v14+s23+$0x0] =	vst.idx.msk $0xffff, v16  }
.LBB2_3:
0x96: {  	p0 =	sne.s32 s7, $0x180;
	vm0 =	veq.s32 v12, v0;
	vm1 =	vne.s32 v11, v13;
	[tilespmem:v5+s23+$0x0] =	vst.idx.msk $0xffff, v10;
	s8 =	smov.u32 s7;
	s7 =	sadd.s32 $0x10, s7  }
0x97: {  	vm0 =	vmand vm0, vm1;
	[tilespmem:v6+s23+$0x0] =	vst.idx.msk $0xffff, v4  }
0x98: {  	v4 =	vsel vm0, $0xFFFFFFFF, v1;
	v6 =	vld.idx.msk [tilespmem:v3+s11+$0x0], $0xffff  }
0x99: {  	v5 =	vadd.s32 v4, v8  }
0x9a: {  	v8 =	vmul.u32 $0x7FFFFCE, v5  }
0x9b: {  	v4 =	vld.idx.msk [tilespmem:v9+s12+$0x0], $0xffff  }
0x9c: {  	v5 =	vmul.u32 $0x640, v5;
	v7 =	vadd.s32 v7, v8  }
0x9d: {  	v7 =	vshll.u32 v7, $0x5  }
0x9e: {  	v8 =	vshll.u32 v6, $0x18;
	v5 =	vadd.s32 v5, v7;
	v7 =	vshll.u32 v6, $0x10  }
0x9f: {  	v10 =	vshll.u32 v6, $0x8;
	v8 =	vshra.s32 v8, $0x18;
	v9 =	vor.u32 $0x1, v5  }
0xa0: {  	v8 =	vcvt.s32.f32 v8;
	v7 =	vshra.s32 v7, $0x18;
	v11 =	vor.u32 $0x2, v5  }
0xa1: {  	v10 =	vshra.s32 v10, $0x18;
	v12 =	vor.u32 $0x3, v5;
	v7 =	vcvt.s32.f32 v7  }
0xa2: {  	v6 =	vshra.s32 v6, $0x18;
	v10 =	vcvt.s32.f32 v10;
	v8 =	vmul.f32 v8, v4  }
0xa3: {  	v13 =	vor.u32 $0x1, v3;
	v6 =	vcvt.s32.f32 v6;
	v7 =	vmul.f32 v7, v4  }
0xa4: {  	[tilespmem:v5+s23+$0x0] =	vst.idx.msk $0xffff, v8;
	v8 =	vmul.f32 v10, v4  }
0xa5: {  	v6 =	vmul.f32 v6, v4;
	[tilespmem:v9+s23+$0x0] =	vst.idx.msk $0xffff, v7  }
0xa6: {  	[tilespmem:v11+s23+$0x0] =	vst.idx.msk $0xffff, v8  }
0xa7: {  	[tilespmem:v12+s23+$0x0] =	vst.idx.msk $0xffff, v6  }
0xa8: {  	v6 =	vld.idx.msk [tilespmem:v13+s11+$0x0], $0xffff;
	_ =	sdelay $0x4  }
0xa9: {  	v7 =	vor.u32 $0x4, v5;
	v8 =	vor.u32 $0x5, v5  }
0xaa: {  	v9 =	vshll.u32 v6, $0x18;
	v10 =	vshll.u32 v6, $0x10;
	v11 =	vshll.u32 v6, $0x8  }
0xab: {  	v9 =	vshra.s32 v9, $0x18;
	v10 =	vshra.s32 v10, $0x18;
	v11 =	vshra.s32 v11, $0x18  }
0xac: {  	v6 =	vshra.s32 v6, $0x18;
	v9 =	vcvt.s32.f32 v9;
	v10 =	vcvt.s32.f32 v10  }
0xad: {  	v12 =	vor.u32 $0x6, v5;
	v6 =	vcvt.s32.f32 v6;
	v11 =	vcvt.s32.f32 v11  }
0xae: {  	v13 =	vor.u32 $0x7, v5;
	v9 =	vmul.f32 v9, v4;
	v10 =	vmul.f32 v10, v4  }
0xaf: {  	v14 =	vor.u32 $0x2, v3;
	v6 =	vmul.f32 v6, v4;
	v11 =	vmul.f32 v11, v4  }
0xb0: {  	[tilespmem:v7+s23+$0x0] =	vst.idx.msk $0xffff, v9  }
0xb1: {  	[tilespmem:v8+s23+$0x0] =	vst.idx.msk $0xffff, v10  }
0xb2: {  	[tilespmem:v12+s23+$0x0] =	vst.idx.msk $0xffff, v11  }
0xb3: {  	[tilespmem:v13+s23+$0x0] =	vst.idx.msk $0xffff, v6  }
0xb4: {  	v6 =	vld.idx.msk [tilespmem:v14+s11+$0x0], $0xffff;
	_ =	sdelay $0x4  }
0xb5: {  	v7 =	vor.u32 $0x8, v5;
	v8 =	vor.u32 $0x9, v5  }
0xb6: {  	v9 =	vshll.u32 v6, $0x18;
	v10 =	vshll.u32 v6, $0x10;
	v11 =	vshll.u32 v6, $0x8  }
0xb7: {  	v9 =	vshra.s32 v9, $0x18;
	v10 =	vshra.s32 v10, $0x18;
	v11 =	vshra.s32 v11, $0x18  }
0xb8: {  	v6 =	vshra.s32 v6, $0x18;
	v9 =	vcvt.s32.f32 v9;
	v10 =	vcvt.s32.f32 v10  }
0xb9: {  	v12 =	vor.u32 $0xA, v5;
	v6 =	vcvt.s32.f32 v6;
	v11 =	vcvt.s32.f32 v11  }
0xba: {  	v13 =	vor.u32 $0xB, v5;
	v9 =	vmul.f32 v9, v4;
	v10 =	vmul.f32 v10, v4  }
0xbb: {  	v14 =	vor.u32 $0x3, v3;
	v6 =	vmul.f32 v6, v4;
	v11 =	vmul.f32 v11, v4  }
0xbc: {  	[tilespmem:v7+s23+$0x0] =	vst.idx.msk $0xffff, v9  }
0xbd: {  	[tilespmem:v8+s23+$0x0] =	vst.idx.msk $0xffff, v10  }
0xbe: {  	[tilespmem:v12+s23+$0x0] =	vst.idx.msk $0xffff, v11  }
0xbf: {  	[tilespmem:v13+s23+$0x0] =	vst.idx.msk $0xffff, v6  }
0xc0: {  	v6 =	vld.idx.msk [tilespmem:v14+s11+$0x0], $0xffff;
	_ =	sdelay $0x4  }
0xc1: {  	v7 =	vor.u32 $0xC, v5;
	v8 =	vor.u32 $0xD, v5  }
0xc2: {  	v9 =	vshll.u32 v6, $0x18;
	v10 =	vshll.u32 v6, $0x10;
	v11 =	vshll.u32 v6, $0x8  }
0xc3: {  	v9 =	vshra.s32 v9, $0x18;
	v10 =	vshra.s32 v10, $0x18;
	v11 =	vshra.s32 v11, $0x18  }
0xc4: {  	v6 =	vshra.s32 v6, $0x18;
	v9 =	vcvt.s32.f32 v9;
	v10 =	vcvt.s32.f32 v10  }
0xc5: {  	v12 =	vor.u32 $0xE, v5;
	v6 =	vcvt.s32.f32 v6;
	v11 =	vcvt.s32.f32 v11  }
0xc6: {  	v13 =	vor.u32 $0xF, v5;
	v9 =	vmul.f32 v9, v4;
	v10 =	vmul.f32 v10, v4  }
0xc7: {  	v14 =	vor.u32 $0x4, v3;
	v6 =	vmul.f32 v6, v4;
	v11 =	vmul.f32 v11, v4  }
0xc8: {  	[tilespmem:v7+s23+$0x0] =	vst.idx.msk $0xffff, v9  }
0xc9: {  	[tilespmem:v8+s23+$0x0] =	vst.idx.msk $0xffff, v10  }
0xca: {  	[tilespmem:v12+s23+$0x0] =	vst.idx.msk $0xffff, v11  }
0xcb: {  	[tilespmem:v13+s23+$0x0] =	vst.idx.msk $0xffff, v6  }
0xcc: {  	v6 =	vld.idx.msk [tilespmem:v14+s11+$0x0], $0xffff;
	_ =	sdelay $0x4  }
0xcd: {  	v7 =	vor.u32 $0x10, v5;
	v8 =	vor.u32 $0x11, v5  }
0xce: {  	v9 =	vshll.u32 v6, $0x18;
	v10 =	vshll.u32 v6, $0x10;
	v11 =	vshll.u32 v6, $0x8  }
0xcf: {  	v9 =	vshra.s32 v9, $0x18;
	v10 =	vshra.s32 v10, $0x18;
	v11 =	vshra.s32 v11, $0x18  }
0xd0: {  	v6 =	vshra.s32 v6, $0x18;
	v9 =	vcvt.s32.f32 v9;
	v10 =	vcvt.s32.f32 v10  }
0xd1: {  	v12 =	vor.u32 $0x12, v5;
	v6 =	vcvt.s32.f32 v6;
	v11 =	vcvt.s32.f32 v11  }
0xd2: {  	v13 =	vor.u32 $0x13, v5;
	v9 =	vmul.f32 v9, v4;
	v10 =	vmul.f32 v10, v4  }
0xd3: {  	v14 =	vor.u32 $0x5, v3;
	v6 =	vmul.f32 v6, v4;
	v11 =	vmul.f32 v11, v4  }
0xd4: {  	[tilespmem:v7+s23+$0x0] =	vst.idx.msk $0xffff, v9  }
0xd5: {  	[tilespmem:v8+s23+$0x0] =	vst.idx.msk $0xffff, v10  }
0xd6: {  	[tilespmem:v12+s23+$0x0] =	vst.idx.msk $0xffff, v11  }
0xd7: {  	[tilespmem:v13+s23+$0x0] =	vst.idx.msk $0xffff, v6  }
0xd8: {  	v6 =	vld.idx.msk [tilespmem:v14+s11+$0x0], $0xffff;
	_ =	sdelay $0x4  }
0xd9: {  	v7 =	vor.u32 $0x14, v5;
	v8 =	vor.u32 $0x15, v5  }
0xda: {  	v9 =	vshll.u32 v6, $0x18;
	v10 =	vshll.u32 v6, $0x10;
	v11 =	vshll.u32 v6, $0x8  }
0xdb: {  	v9 =	vshra.s32 v9, $0x18;
	v10 =	vshra.s32 v10, $0x18;
	v11 =	vshra.s32 v11, $0x18  }
0xdc: {  	v6 =	vshra.s32 v6, $0x18;
	v9 =	vcvt.s32.f32 v9;
	v10 =	vcvt.s32.f32 v10  }
0xdd: {  	v12 =	vor.u32 $0x16, v5;
	v6 =	vcvt.s32.f32 v6;
	v11 =	vcvt.s32.f32 v11  }
0xde: {  	v13 =	vor.u32 $0x17, v5;
	v9 =	vmul.f32 v9, v4;
	v10 =	vmul.f32 v10, v4  }
0xdf: {  	v14 =	vor.u32 $0x6, v3;
	v6 =	vmul.f32 v6, v4;
	v11 =	vmul.f32 v11, v4  }
0xe0: {  	[tilespmem:v7+s23+$0x0] =	vst.idx.msk $0xffff, v9  }
0xe1: {  	[tilespmem:v8+s23+$0x0] =	vst.idx.msk $0xffff, v10  }
0xe2: {  	[tilespmem:v12+s23+$0x0] =	vst.idx.msk $0xffff, v11  }
0xe3: {  	[tilespmem:v13+s23+$0x0] =	vst.idx.msk $0xffff, v6  }
0xe4: {  	v6 =	vld.idx.msk [tilespmem:v14+s11+$0x0], $0xffff;
	_ =	sdelay $0x4  }
0xe5: {  	v7 =	vor.u32 $0x18, v5;
	v9 =	vor.u32 $0x1A, v5;
	v8 =	vor.u32 $0x19, v5  }
0xe6: {  	v10 =	vshll.u32 v6, $0x18;
	v11 =	vshll.u32 v6, $0x10;
	v12 =	vshll.u32 v6, $0x8  }
0xe7: {  	v10 =	vshra.s32 v10, $0x18;
	v11 =	vshra.s32 v11, $0x18;
	v12 =	vshra.s32 v12, $0x18  }
0xe8: {  	v6 =	vshra.s32 v6, $0x18;
	v10 =	vcvt.s32.f32 v10;
	v11 =	vcvt.s32.f32 v11  }
0xe9: {  	v13 =	vor.u32 $0x1B, v5;
	v6 =	vcvt.s32.f32 v6;
	v12 =	vcvt.s32.f32 v12  }
0xea: {  	v3 =	vor.u32 $0x7, v3;
	v10 =	vmul.f32 v10, v4;
	v11 =	vmul.f32 v11, v4  }
0xeb: {  	v6 =	vmul.f32 v6, v4;
	v12 =	vmul.f32 v12, v4  }
0xec: {  	[tilespmem:v7+s23+$0x0] =	vst.idx.msk $0xffff, v10  }
0xed: {  	[tilespmem:v8+s23+$0x0] =	vst.idx.msk $0xffff, v11  }
0xee: {  	[tilespmem:v9+s23+$0x0] =	vst.idx.msk $0xffff, v12  }
0xef: {  	[tilespmem:v13+s23+$0x0] =	vst.idx.msk $0xffff, v6  }
0xf0: {  	v3 =	vld.idx.msk [tilespmem:v3+s11+$0x0], $0xffff;
	_ =	sdelay $0x3  }
0xf1: {  	v6 =	vor.u32 $0x1F, v5  }
0xf2: {  	v14 =	vor.u32 $0x1D, v5;
	v12 =	vor.u32 $0x1C, v5;
	v5 =	vor.u32 $0x1E, v5  }
0xf3: {  	v7 =	vshll.u32 v3, $0x18;
	v8 =	vshll.u32 v3, $0x10;
	v9 =	vshll.u32 v3, $0x8  }
0xf4: {  	v10 =	vshra.s32 v7, $0x18;
	v8 =	vshra.s32 v8, $0x18;
	v9 =	vshra.s32 v9, $0x18  }
0xf5: {  	v7 =	vor.u32 s8, v0;
	v10 =	vcvt.s32.f32 v10;
	v11 =	vcvt.s32.f32 v8  }
.Ltmp2:
0xf6: {  	v13 =	vshra.s32 v3, $0x18;
	v8 =	vmulhi.u32 $0x51EB851F, v7;
	v9 =	vcvt.s32.f32 v9;
	(pc) =	sbr.rel @p0 .LBB2_3-.Ltmp2, $4  }
0xf7: {  	v13 =	vcvt.s32.f32 v13;
	v3 =	vshll.u32 v7, $0x3;
	v15 =	vmul.f32 v10, v4  }
0xf8: {  	v8 =	vshrl.u32 v8, $0x4;
	v16 =	vmul.f32 v11, v4;
	v10 =	vmul.f32 v9, v4  }
0xf9: {  	v9 =	vand.u32 v2, v7;
	v4 =	vmul.f32 v13, v4;
	v11 =	vmul.u32 $0xFFFFFFCE, v8;
	[tilespmem:v12+s23+$0x0] =	vst.idx.msk $0xffff, v15  }
0xfa: {  	v13 =	vsub.s32 $0x0, v7;
	v12 =	vmov s8;
	[tilespmem:v14+s23+$0x0] =	vst.idx.msk $0xffff, v16  }
0xfb: {  	_ =	sdelay $0x2  }
0xfc: {  	vm0 =	veq.s32 v12, v0;
	vm1 =	vne.s32 v11, v13  }
0xfd: {  	[tilespmem:v5+s23+$0x0] =	vst.idx.msk $0xffff, v10;
	vm0 =	vmand vm0, vm1  }
0xfe: {  	[tilespmem:v6+s23+$0x0] =	vst.idx.msk $0xffff, v4;
	v4 =	vsel vm0, $0xFFFFFFFF, v1  }
0xff: {  	v6 =	vld.idx.msk [tilespmem:v3+s11+$0x0], $0xffff;
	v4 =	vadd.s32 v4, v8  }
0x100: {  	v5 =	vmul.u32 $0x7FFFFCE, v4;
	_ =	sdelay $0x1  }
0x101: {  	v5 =	vadd.s32 v7, v5;
	v7 =	vmul.u32 $0x640, v4  }
0x102: {  	v4 =	vld.idx.msk [tilespmem:v9+s12+$0x0], $0xffff;
	v5 =	vshll.u32 v5, $0x5  }
0x103: {  	v8 =	vshll.u32 v6, $0x18;
	v10 =	vshll.u32 v6, $0x8;
	v5 =	vadd.s32 v7, v5  }
0x104: {  	v7 =	vshll.u32 v6, $0x10;
	v8 =	vshra.s32 v8, $0x18;
	v10 =	vshra.s32 v10, $0x18  }
0x105: {  	v9 =	vor.u32 $0x1, v5;
	v8 =	vcvt.s32.f32 v8;
	v7 =	vshra.s32 v7, $0x18  }
0x106: {  	v6 =	vshra.s32 v6, $0x18;
	v11 =	vor.u32 $0x2, v5;
	v7 =	vcvt.s32.f32 v7  }
0x107: {  	v12 =	vor.u32 $0x3, v5;
	v10 =	vcvt.s32.f32 v10;
	v8 =	vmul.f32 v8, v4  }
0x108: {  	v13 =	vor.u32 $0x1, v3;
	v6 =	vcvt.s32.f32 v6;
	v7 =	vmul.f32 v7, v4  }
0x109: {  	[tilespmem:v5+s23+$0x0] =	vst.idx.msk $0xffff, v8;
	v8 =	vmul.f32 v10, v4  }
0x10a: {  	v6 =	vmul.f32 v6, v4;
	[tilespmem:v9+s23+$0x0] =	vst.idx.msk $0xffff, v7  }
0x10b: {  	[tilespmem:v11+s23+$0x0] =	vst.idx.msk $0xffff, v8  }
0x10c: {  	[tilespmem:v12+s23+$0x0] =	vst.idx.msk $0xffff, v6  }
0x10d: {  	v6 =	vld.idx.msk [tilespmem:v13+s11+$0x0], $0xffff;
	_ =	sdelay $0x4  }
0x10e: {  	v7 =	vor.u32 $0x4, v5;
	v8 =	vor.u32 $0x5, v5;
	v9 =	vshll.u32 v6, $0x18  }
0x10f: {  	v12 =	vor.u32 $0x6, v5;
	v10 =	vshll.u32 v6, $0x10;
	v9 =	vshra.s32 v9, $0x18  }
0x110: {  	v11 =	vshll.u32 v6, $0x8;
	v10 =	vshra.s32 v10, $0x18;
	v9 =	vcvt.s32.f32 v9  }
0x111: {  	v13 =	vor.u32 $0x7, v5;
	v11 =	vshra.s32 v11, $0x18;
	v10 =	vcvt.s32.f32 v10  }
0x112: {  	v6 =	vshra.s32 v6, $0x18;
	v11 =	vcvt.s32.f32 v11;
	v9 =	vmul.f32 v9, v4  }
0x113: {  	v14 =	vor.u32 $0x2, v3;
	v6 =	vcvt.s32.f32 v6;
	v10 =	vmul.f32 v10, v4  }
0x114: {  	v11 =	vmul.f32 v11, v4;
	[tilespmem:v7+s23+$0x0] =	vst.idx.msk $0xffff, v9  }
0x115: {  	v6 =	vmul.f32 v6, v4;
	[tilespmem:v8+s23+$0x0] =	vst.idx.msk $0xffff, v10  }
0x116: {  	[tilespmem:v12+s23+$0x0] =	vst.idx.msk $0xffff, v11  }
0x117: {  	[tilespmem:v13+s23+$0x0] =	vst.idx.msk $0xffff, v6  }
0x118: {  	v6 =	vld.idx.msk [tilespmem:v14+s11+$0x0], $0xffff;
	_ =	sdelay $0x4  }
0x119: {  	v7 =	vor.u32 $0x8, v5;
	v8 =	vor.u32 $0x9, v5;
	v9 =	vshll.u32 v6, $0x18  }
0x11a: {  	v12 =	vor.u32 $0xA, v5;
	v10 =	vshll.u32 v6, $0x10;
	v9 =	vshra.s32 v9, $0x18  }
0x11b: {  	v11 =	vshll.u32 v6, $0x8;
	v10 =	vshra.s32 v10, $0x18;
	v9 =	vcvt.s32.f32 v9  }
0x11c: {  	v13 =	vor.u32 $0xB, v5;
	v11 =	vshra.s32 v11, $0x18;
	v10 =	vcvt.s32.f32 v10  }
0x11d: {  	v6 =	vshra.s32 v6, $0x18;
	v11 =	vcvt.s32.f32 v11;
	v9 =	vmul.f32 v9, v4  }
0x11e: {  	v14 =	vor.u32 $0x3, v3;
	v6 =	vcvt.s32.f32 v6;
	v10 =	vmul.f32 v10, v4  }
0x11f: {  	v11 =	vmul.f32 v11, v4;
	[tilespmem:v7+s23+$0x0] =	vst.idx.msk $0xffff, v9  }
0x120: {  	v6 =	vmul.f32 v6, v4;
	[tilespmem:v8+s23+$0x0] =	vst.idx.msk $0xffff, v10  }
0x121: {  	[tilespmem:v12+s23+$0x0] =	vst.idx.msk $0xffff, v11  }
0x122: {  	[tilespmem:v13+s23+$0x0] =	vst.idx.msk $0xffff, v6  }
0x123: {  	v6 =	vld.idx.msk [tilespmem:v14+s11+$0x0], $0xffff;
	_ =	sdelay $0x4  }
0x124: {  	v7 =	vor.u32 $0xC, v5;
	v8 =	vor.u32 $0xD, v5;
	v9 =	vshll.u32 v6, $0x18  }
0x125: {  	v12 =	vor.u32 $0xE, v5;
	v10 =	vshll.u32 v6, $0x10;
	v9 =	vshra.s32 v9, $0x18  }
0x126: {  	v11 =	vshll.u32 v6, $0x8;
	v10 =	vshra.s32 v10, $0x18;
	v9 =	vcvt.s32.f32 v9  }
0x127: {  	v13 =	vor.u32 $0xF, v5;
	v11 =	vshra.s32 v11, $0x18;
	v10 =	vcvt.s32.f32 v10  }
0x128: {  	v6 =	vshra.s32 v6, $0x18;
	v11 =	vcvt.s32.f32 v11;
	v9 =	vmul.f32 v9, v4  }
0x129: {  	v14 =	vor.u32 $0x4, v3;
	v6 =	vcvt.s32.f32 v6;
	v10 =	vmul.f32 v10, v4  }
0x12a: {  	v11 =	vmul.f32 v11, v4;
	[tilespmem:v7+s23+$0x0] =	vst.idx.msk $0xffff, v9  }
0x12b: {  	v6 =	vmul.f32 v6, v4;
	[tilespmem:v8+s23+$0x0] =	vst.idx.msk $0xffff, v10  }
0x12c: {  	[tilespmem:v12+s23+$0x0] =	vst.idx.msk $0xffff, v11  }
0x12d: {  	[tilespmem:v13+s23+$0x0] =	vst.idx.msk $0xffff, v6  }
0x12e: {  	v6 =	vld.idx.msk [tilespmem:v14+s11+$0x0], $0xffff;
	_ =	sdelay $0x4  }
0x12f: {  	v7 =	vor.u32 $0x10, v5;
	v8 =	vor.u32 $0x11, v5;
	v9 =	vshll.u32 v6, $0x18  }
0x130: {  	v12 =	vor.u32 $0x12, v5;
	v10 =	vshll.u32 v6, $0x10;
	v9 =	vshra.s32 v9, $0x18  }
0x131: {  	v11 =	vshll.u32 v6, $0x8;
	v10 =	vshra.s32 v10, $0x18;
	v9 =	vcvt.s32.f32 v9  }
0x132: {  	v13 =	vor.u32 $0x13, v5;
	v11 =	vshra.s32 v11, $0x18;
	v10 =	vcvt.s32.f32 v10  }
0x133: {  	v6 =	vshra.s32 v6, $0x18;
	v11 =	vcvt.s32.f32 v11;
	v9 =	vmul.f32 v9, v4  }
0x134: {  	v14 =	vor.u32 $0x5, v3;
	v6 =	vcvt.s32.f32 v6;
	v10 =	vmul.f32 v10, v4  }
0x135: {  	v11 =	vmul.f32 v11, v4;
	[tilespmem:v7+s23+$0x0] =	vst.idx.msk $0xffff, v9  }
0x136: {  	v6 =	vmul.f32 v6, v4;
	[tilespmem:v8+s23+$0x0] =	vst.idx.msk $0xffff, v10  }
0x137: {  	[tilespmem:v12+s23+$0x0] =	vst.idx.msk $0xffff, v11  }
0x138: {  	[tilespmem:v13+s23+$0x0] =	vst.idx.msk $0xffff, v6  }
0x139: {  	v6 =	vld.idx.msk [tilespmem:v14+s11+$0x0], $0xffff;
	_ =	sdelay $0x4  }
0x13a: {  	v7 =	vor.u32 $0x14, v5;
	v8 =	vor.u32 $0x15, v5;
	v9 =	vshll.u32 v6, $0x18  }
0x13b: {  	v12 =	vor.u32 $0x16, v5;
	v10 =	vshll.u32 v6, $0x10;
	v9 =	vshra.s32 v9, $0x18  }
0x13c: {  	v11 =	vshll.u32 v6, $0x8;
	v10 =	vshra.s32 v10, $0x18;
	v9 =	vcvt.s32.f32 v9  }
0x13d: {  	v13 =	vor.u32 $0x17, v5;
	v11 =	vshra.s32 v11, $0x18;
	v10 =	vcvt.s32.f32 v10  }
0x13e: {  	v6 =	vshra.s32 v6, $0x18;
	v11 =	vcvt.s32.f32 v11;
	v9 =	vmul.f32 v9, v4  }
0x13f: {  	v14 =	vor.u32 $0x6, v3;
	v6 =	vcvt.s32.f32 v6;
	v10 =	vmul.f32 v10, v4  }
0x140: {  	v11 =	vmul.f32 v11, v4;
	[tilespmem:v7+s23+$0x0] =	vst.idx.msk $0xffff, v9  }
0x141: {  	v6 =	vmul.f32 v6, v4;
	[tilespmem:v8+s23+$0x0] =	vst.idx.msk $0xffff, v10  }
0x142: {  	[tilespmem:v12+s23+$0x0] =	vst.idx.msk $0xffff, v11  }
0x143: {  	[tilespmem:v13+s23+$0x0] =	vst.idx.msk $0xffff, v6  }
0x144: {  	v6 =	vld.idx.msk [tilespmem:v14+s11+$0x0], $0xffff;
	_ =	sdelay $0x4  }
0x145: {  	v7 =	vor.u32 $0x18, v5;
	v8 =	vor.u32 $0x19, v5;
	v9 =	vshll.u32 v6, $0x18  }
0x146: {  	v10 =	vor.u32 $0x1A, v5;
	v11 =	vshll.u32 v6, $0x10;
	v9 =	vshra.s32 v9, $0x18  }
0x147: {  	v12 =	vshll.u32 v6, $0x8;
	v11 =	vshra.s32 v11, $0x18;
	v9 =	vcvt.s32.f32 v9  }
0x148: {  	v13 =	vor.u32 $0x1B, v5;
	v12 =	vshra.s32 v12, $0x18;
	v11 =	vcvt.s32.f32 v11  }
0x149: {  	v6 =	vshra.s32 v6, $0x18;
	v12 =	vcvt.s32.f32 v12;
	v9 =	vmul.f32 v9, v4  }
0x14a: {  	v3 =	vor.u32 $0x7, v3;
	v6 =	vcvt.s32.f32 v6;
	v11 =	vmul.f32 v11, v4  }
0x14b: {  	v12 =	vmul.f32 v12, v4;
	[tilespmem:v7+s23+$0x0] =	vst.idx.msk $0xffff, v9  }
0x14c: {  	v6 =	vmul.f32 v6, v4;
	[tilespmem:v8+s23+$0x0] =	vst.idx.msk $0xffff, v11  }
0x14d: {  	[tilespmem:v10+s23+$0x0] =	vst.idx.msk $0xffff, v12  }
0x14e: {  	[tilespmem:v13+s23+$0x0] =	vst.idx.msk $0xffff, v6  }
0x14f: {  	v3 =	vld.idx.msk [tilespmem:v3+s11+$0x0], $0xffff;
	_ =	sdelay $0x4  }
0x150: {  	v7 =	vor.u32 $0x1C, v5;
	v9 =	vor.u32 $0x1D, v5;
	v8 =	vshll.u32 v3, $0x18  }
0x151: {  	v6 =	vor.u32 $0x1F, v5;
	v10 =	vshll.u32 v3, $0x10;
	v8 =	vshra.s32 v8, $0x18  }
0x152: {  	v11 =	vshll.u32 v3, $0x8;
	v10 =	vshra.s32 v10, $0x18;
	v8 =	vcvt.s32.f32 v8  }
0x153: {  	v5 =	vor.u32 $0x1E, v5;
	v11 =	vshra.s32 v11, $0x18;
	v10 =	vcvt.s32.f32 v10  }
0x154: {  	v3 =	vshra.s32 v3, $0x18;
	v11 =	vcvt.s32.f32 v11;
	v8 =	vmul.f32 v8, v4  }
0x155: {  	s8 =	sshll.u32 s18, $0x5;
	v3 =	vcvt.s32.f32 v3;
	v10 =	vmul.f32 v10, v4  }
0x156: {  	s7 =	sadd.s32 s6, s8;
	v11 =	vmul.f32 v11, v4;
	[tilespmem:v7+s23+$0x0] =	vst.idx.msk $0xffff, v8  }
0x157: {  	s7 =	smul.u32 $0xC8, s7;
	v3 =	vmul.f32 v3, v4;
	[tilespmem:v9+s23+$0x0] =	vst.idx.msk $0xffff, v10  }
0x158: {  	p0 =	seq.s32 s18, $0x3;
	s3 =	rddreg [dreg:$0x2];
	[tilespmem:v5+s23+$0x0] =	vst.idx.msk $0xffff, v11  }
0x159: {  	s9 =	smul.u32 @!p0 $0x1900, s18;
	s7 =	sadd.s32 s3, s7;
	[tilespmem:v6+s23+$0x0] =	vst.idx.msk $0xffff, v3  }
0x15a: {  	[hbm4b:s7+s4] =	stream.linear.scatter [tilespmem:s23], [sflag:$0x9], $0x3200, $0x38;
	[tilespmem:$0xB540] =	vst v63  }
0x15b: {  	s7 =	sshra.s32 @!p0 s9, $0x2  }
0x15c: {  	s15 =	simm.s32 @!p0 $0x190;
	s3 =	simm.s32 @!p0 $0x1900;
	s9 =	sadd.s32 @!p0 $0x640, s7  }
0x15d: {  	[tilespmem:s3], [sflag:$0x1] =	stream.indirect.gather @!p0 [hbm4b:s5+s15], $0x8, s9, s15, $0xb8;
	[tilespmem:$0xB540] =	vst v63  }
0x15e: {  	s3 =	simm.s32 @!p0 $0x4B00  }
0x15f: {  	[tilespmem:s3], [sflag:$0x5] =	stream.indirect.gather @!p0 [hbm4b:s2+s15], $0x1, s9, s15, $0xb8;
	[tilespmem:$0xB540] =	vst v63  }
0x160: {  	s15 =	simm.s32 $0x0  }
0x161: {  	_ =	swait.ge [sflag:s24], $0xC80;
	v4 =	vor.u32 s15, v0  }
0x162: {  	[sflag:s24] =	ssyncset.done $0x0;
	v3 =	vmulhi.u32 $0x51EB851F, v4  }
0x163: {  	[sflag:s24] =	ssyncadd.s32 $0xFFFFF380  }
0x164: {  	_ =	swait.ge [sflag:s25], $0x190;
	v5 =	vshrl.u32 v3, $0x4  }
0x165: {  	v3 =	vshll.u32 v4, $0x3;
	[sflag:s25] =	ssyncset.done $0x0;
	v6 =	vmul.u32 $0xFFFFFFCE, v5  }
0x166: {  	s9 =	simm.s32 @!p1 $0xA;
	v7 =	vmov s15;
	v8 =	vsub.s32 $0x0, v4;
	[sflag:s25] =	ssyncadd.s32 $0xFFFFFE70  }
0x167: {  	vm14 =	veq.s32 v7, v0;
	_ =	swait.ge @!p1 [sflag:s9], $0x3200;
	vm15 =	vne.s32 v6, v8  }
0x168: {  	[sflag:s9] =	ssyncset.done @!p1 $0x0;
	vm0 =	vmand vm14, vm15  }
0x169: {  	v6 =	vand.u32 v2, v4;
	[sflag:s9] =	ssyncadd.s32 @!p1 $0xFFFFCE00;
	v7 =	vsel vm0, $0xFFFFFFFF, v1  }
0x16a: {  	v8 =	vld.idx.msk [tilespmem:v3+s13+$0x0], $0xffff;
	v5 =	vadd.s32 v7, v5  }
0x16b: {  	v7 =	vmul.u32 $0x7FFFFCE, v5;
	_ =	sdelay $0x1  }
0x16c: {  	v5 =	vmul.u32 $0x640, v5;
	v7 =	vadd.s32 v4, v7  }
0x16d: {  	v4 =	vld.idx.msk [tilespmem:v6+s14+$0x0], $0xffff;
	v6 =	vshll.u32 v7, $0x5  }
0x16e: {  	v7 =	vshll.u32 v8, $0x18;
	v5 =	vadd.s32 v5, v6;
	v6 =	vshll.u32 v8, $0x10  }
0x16f: {  	v10 =	vshll.u32 v8, $0x8;
	v8 =	vshra.s32 v8, $0x18;
	v7 =	vshra.s32 v7, $0x18  }
0x170: {  	v9 =	vor.u32 $0x1, v5;
	v6 =	vshra.s32 v6, $0x18;
	v7 =	vcvt.s32.f32 v7  }
0x171: {  	v11 =	vor.u32 $0x2, v5;
	v10 =	vshra.s32 v10, $0x18;
	v6 =	vcvt.s32.f32 v6  }
0x172: {  	v12 =	vor.u32 $0x3, v5;
	v10 =	vcvt.s32.f32 v10;
	v7 =	vmul.f32 v7, v4  }
0x173: {  	v13 =	vor.u32 $0x1, v3;
	v8 =	vcvt.s32.f32 v8;
	v6 =	vmul.f32 v6, v4  }
0x174: {  	[tilespmem:v5+s26+$0x0] =	vst.idx.msk $0xffff, v7;
	v7 =	vmul.f32 v10, v4  }
0x175: {  	[tilespmem:v9+s26+$0x0] =	vst.idx.msk $0xffff, v6;
	v6 =	vmul.f32 v8, v4  }
0x176: {  	[tilespmem:v11+s26+$0x0] =	vst.idx.msk $0xffff, v7  }
0x177: {  	[tilespmem:v12+s26+$0x0] =	vst.idx.msk $0xffff, v6  }
0x178: {  	v6 =	vld.idx.msk [tilespmem:v13+s13+$0x0], $0xffff;
	_ =	sdelay $0x4  }
0x179: {  	v8 =	vor.u32 $0x5, v5;
	v7 =	vor.u32 $0x4, v5;
	v9 =	vshll.u32 v6, $0x18  }
0x17a: {  	v12 =	vor.u32 $0x6, v5;
	v10 =	vshll.u32 v6, $0x10;
	v9 =	vshra.s32 v9, $0x18  }
0x17b: {  	v11 =	vshll.u32 v6, $0x8;
	v10 =	vshra.s32 v10, $0x18;
	v9 =	vcvt.s32.f32 v9  }
0x17c: {  	v13 =	vor.u32 $0x7, v5;
	v11 =	vshra.s32 v11, $0x18;
	v10 =	vcvt.s32.f32 v10  }
0x17d: {  	v6 =	vshra.s32 v6, $0x18;
	v11 =	vcvt.s32.f32 v11;
	v9 =	vmul.f32 v9, v4  }
0x17e: {  	v14 =	vor.u32 $0x2, v3;
	v6 =	vcvt.s32.f32 v6;
	v10 =	vmul.f32 v10, v4  }
0x17f: {  	v11 =	vmul.f32 v11, v4;
	[tilespmem:v7+s26+$0x0] =	vst.idx.msk $0xffff, v9  }
0x180: {  	v6 =	vmul.f32 v6, v4;
	[tilespmem:v8+s26+$0x0] =	vst.idx.msk $0xffff, v10  }
0x181: {  	[tilespmem:v12+s26+$0x0] =	vst.idx.msk $0xffff, v11  }
0x182: {  	[tilespmem:v13+s26+$0x0] =	vst.idx.msk $0xffff, v6  }
0x183: {  	v6 =	vld.idx.msk [tilespmem:v14+s13+$0x0], $0xffff;
	_ =	sdelay $0x4  }
0x184: {  	v7 =	vor.u32 $0x8, v5;
	v8 =	vor.u32 $0x9, v5;
	v9 =	vshll.u32 v6, $0x18  }
0x185: {  	v12 =	vor.u32 $0xA, v5;
	v10 =	vshll.u32 v6, $0x10;
	v9 =	vshra.s32 v9, $0x18  }
0x186: {  	v11 =	vshll.u32 v6, $0x8;
	v10 =	vshra.s32 v10, $0x18;
	v9 =	vcvt.s32.f32 v9  }
0x187: {  	v13 =	vor.u32 $0xB, v5;
	v11 =	vshra.s32 v11, $0x18;
	v10 =	vcvt.s32.f32 v10  }
0x188: {  	v6 =	vshra.s32 v6, $0x18;
	v11 =	vcvt.s32.f32 v11;
	v9 =	vmul.f32 v9, v4  }
0x189: {  	v14 =	vor.u32 $0x3, v3;
	v6 =	vcvt.s32.f32 v6;
	v10 =	vmul.f32 v10, v4  }
0x18a: {  	v11 =	vmul.f32 v11, v4;
	[tilespmem:v7+s26+$0x0] =	vst.idx.msk $0xffff, v9  }
0x18b: {  	v6 =	vmul.f32 v6, v4;
	[tilespmem:v8+s26+$0x0] =	vst.idx.msk $0xffff, v10  }
0x18c: {  	[tilespmem:v12+s26+$0x0] =	vst.idx.msk $0xffff, v11  }
0x18d: {  	[tilespmem:v13+s26+$0x0] =	vst.idx.msk $0xffff, v6  }
0x18e: {  	v6 =	vld.idx.msk [tilespmem:v14+s13+$0x0], $0xffff;
	_ =	sdelay $0x4  }
0x18f: {  	v7 =	vor.u32 $0xC, v5;
	v8 =	vor.u32 $0xD, v5;
	v9 =	vshll.u32 v6, $0x18  }
0x190: {  	v12 =	vor.u32 $0xE, v5;
	v10 =	vshll.u32 v6, $0x10;
	v9 =	vshra.s32 v9, $0x18  }
0x191: {  	v11 =	vshll.u32 v6, $0x8;
	v10 =	vshra.s32 v10, $0x18;
	v9 =	vcvt.s32.f32 v9  }
0x192: {  	v13 =	vor.u32 $0xF, v5;
	v11 =	vshra.s32 v11, $0x18;
	v10 =	vcvt.s32.f32 v10  }
0x193: {  	v6 =	vshra.s32 v6, $0x18;
	v11 =	vcvt.s32.f32 v11;
	v9 =	vmul.f32 v9, v4  }
0x194: {  	v14 =	vor.u32 $0x4, v3;
	v6 =	vcvt.s32.f32 v6;
	v10 =	vmul.f32 v10, v4  }
0x195: {  	v11 =	vmul.f32 v11, v4;
	[tilespmem:v7+s26+$0x0] =	vst.idx.msk $0xffff, v9  }
0x196: {  	v6 =	vmul.f32 v6, v4;
	[tilespmem:v8+s26+$0x0] =	vst.idx.msk $0xffff, v10  }
0x197: {  	[tilespmem:v12+s26+$0x0] =	vst.idx.msk $0xffff, v11  }
0x198: {  	[tilespmem:v13+s26+$0x0] =	vst.idx.msk $0xffff, v6  }
0x199: {  	v6 =	vld.idx.msk [tilespmem:v14+s13+$0x0], $0xffff;
	_ =	sdelay $0x4  }
0x19a: {  	v7 =	vor.u32 $0x10, v5;
	v8 =	vor.u32 $0x11, v5;
	v9 =	vshll.u32 v6, $0x18  }
0x19b: {  	v12 =	vor.u32 $0x12, v5;
	v10 =	vshll.u32 v6, $0x10;
	v9 =	vshra.s32 v9, $0x18  }
0x19c: {  	v11 =	vshll.u32 v6, $0x8;
	v10 =	vshra.s32 v10, $0x18;
	v9 =	vcvt.s32.f32 v9  }
0x19d: {  	v13 =	vor.u32 $0x13, v5;
	v11 =	vshra.s32 v11, $0x18;
	v10 =	vcvt.s32.f32 v10  }
0x19e: {  	v6 =	vshra.s32 v6, $0x18;
	v11 =	vcvt.s32.f32 v11;
	v9 =	vmul.f32 v9, v4  }
0x19f: {  	v14 =	vor.u32 $0x5, v3;
	v6 =	vcvt.s32.f32 v6;
	v10 =	vmul.f32 v10, v4  }
0x1a0: {  	v11 =	vmul.f32 v11, v4;
	[tilespmem:v7+s26+$0x0] =	vst.idx.msk $0xffff, v9  }
0x1a1: {  	v6 =	vmul.f32 v6, v4;
	[tilespmem:v8+s26+$0x0] =	vst.idx.msk $0xffff, v10  }
0x1a2: {  	[tilespmem:v12+s26+$0x0] =	vst.idx.msk $0xffff, v11  }
0x1a3: {  	[tilespmem:v13+s26+$0x0] =	vst.idx.msk $0xffff, v6  }
0x1a4: {  	v6 =	vld.idx.msk [tilespmem:v14+s13+$0x0], $0xffff;
	_ =	sdelay $0x4  }
0x1a5: {  	v7 =	vor.u32 $0x14, v5;
	v8 =	vor.u32 $0x15, v5;
	v9 =	vshll.u32 v6, $0x18  }
0x1a6: {  	v12 =	vor.u32 $0x16, v5;
	v10 =	vshll.u32 v6, $0x10;
	v9 =	vshra.s32 v9, $0x18  }
0x1a7: {  	v11 =	vshll.u32 v6, $0x8;
	v10 =	vshra.s32 v10, $0x18;
	v9 =	vcvt.s32.f32 v9  }
0x1a8: {  	v13 =	vor.u32 $0x17, v5;
	v11 =	vshra.s32 v11, $0x18;
	v10 =	vcvt.s32.f32 v10  }
0x1a9: {  	v6 =	vshra.s32 v6, $0x18;
	v11 =	vcvt.s32.f32 v11;
	v9 =	vmul.f32 v9, v4  }
0x1aa: {  	v14 =	vor.u32 $0x6, v3;
	v6 =	vcvt.s32.f32 v6;
	v10 =	vmul.f32 v10, v4  }
0x1ab: {  	v11 =	vmul.f32 v11, v4;
	[tilespmem:v7+s26+$0x0] =	vst.idx.msk $0xffff, v9  }
0x1ac: {  	v6 =	vmul.f32 v6, v4;
	[tilespmem:v8+s26+$0x0] =	vst.idx.msk $0xffff, v10  }
0x1ad: {  	[tilespmem:v12+s26+$0x0] =	vst.idx.msk $0xffff, v11  }
0x1ae: {  	[tilespmem:v13+s26+$0x0] =	vst.idx.msk $0xffff, v6  }
0x1af: {  	v6 =	vld.idx.msk [tilespmem:v14+s13+$0x0], $0xffff;
	_ =	sdelay $0x4  }
0x1b0: {  	v7 =	vor.u32 $0x18, v5;
	v8 =	vor.u32 $0x19, v5;
	v9 =	vshll.u32 v6, $0x18  }
0x1b1: {  	v10 =	vor.u32 $0x1A, v5;
	v11 =	vshll.u32 v6, $0x10;
	v9 =	vshra.s32 v9, $0x18  }
0x1b2: {  	v12 =	vshll.u32 v6, $0x8;
	v11 =	vshra.s32 v11, $0x18;
	v9 =	vcvt.s32.f32 v9  }
0x1b3: {  	v13 =	vor.u32 $0x1B, v5;
	v12 =	vshra.s32 v12, $0x18;
	v11 =	vcvt.s32.f32 v11  }
0x1b4: {  	v6 =	vshra.s32 v6, $0x18;
	v12 =	vcvt.s32.f32 v12;
	v9 =	vmul.f32 v9, v4  }
0x1b5: {  	v3 =	vor.u32 $0x7, v3;
	v6 =	vcvt.s32.f32 v6;
	v11 =	vmul.f32 v11, v4  }
0x1b6: {  	v12 =	vmul.f32 v12, v4;
	[tilespmem:v7+s26+$0x0] =	vst.idx.msk $0xffff, v9  }
0x1b7: {  	v6 =	vmul.f32 v6, v4;
	[tilespmem:v8+s26+$0x0] =	vst.idx.msk $0xffff, v11  }
0x1b8: {  	[tilespmem:v10+s26+$0x0] =	vst.idx.msk $0xffff, v12  }
0x1b9: {  	[tilespmem:v13+s26+$0x0] =	vst.idx.msk $0xffff, v6  }
0x1ba: {  	v3 =	vld.idx.msk [tilespmem:v3+s13+$0x0], $0xffff;
	_ =	sdelay $0x2  }
0x1bb: {  	v14 =	vor.u32 $0x1D, v5  }
0x1bc: {  	v12 =	vor.u32 $0x1C, v5;
	v6 =	vor.u32 $0x1F, v5;
	v5 =	vor.u32 $0x1E, v5  }
0x1bd: {  	v7 =	vshll.u32 v3, $0x18;
	v8 =	vshll.u32 v3, $0x10;
	v9 =	vshll.u32 v3, $0x8  }
0x1be: {  	s15 =	simm.s32 $0x10;
	v13 =	vshra.s32 v3, $0x18;
	v10 =	vshra.s32 v7, $0x18;
	v8 =	vshra.s32 v8, $0x18  }
0x1bf: {  	v7 =	vor.u32 s15, v0;
	v13 =	vcvt.s32.f32 v13;
	v10 =	vcvt.s32.f32 v10  }
0x1c0: {  	v9 =	vshra.s32 v9, $0x18;
	v11 =	vcvt.s32.f32 v8;
	v8 =	vmulhi.u32 $0x51EB851F, v7  }
0x1c1: {  	v9 =	vcvt.s32.f32 v9;
	v15 =	vmul.f32 v10, v4  }
0x1c2: {  	v3 =	vshll.u32 v7, $0x3;
	v8 =	vshrl.u32 v8, $0x4;
	v16 =	vmul.f32 v11, v4  }
0x1c3: {  	v10 =	vmul.f32 v9, v4;
	v9 =	vand.u32 v2, v7;
	v11 =	vmul.u32 $0xFFFFFFCE, v8;
	[tilespmem:v12+s26+$0x0] =	vst.idx.msk $0xffff, v15  }
0x1c4: {  	s9 =	simm.s32 $0x20;
	v4 =	vmul.f32 v13, v4;
	v13 =	vsub.s32 $0x0, v7;
	v12 =	vmov s15;
	[tilespmem:v14+s26+$0x0] =	vst.idx.msk $0xffff, v16  }
.LBB2_5:
0x1c5: {  	p1 =	sne.s32 s9, $0x180;
	vm0 =	veq.s32 v12, v0;
	vm1 =	vne.s32 v11, v13;
	[tilespmem:v5+s26+$0x0] =	vst.idx.msk $0xffff, v10;
	s15 =	smov.u32 s9;
	s9 =	sadd.s32 $0x10, s9  }
0x1c6: {  	vm0 =	vmand vm0, vm1;
	[tilespmem:v6+s26+$0x0] =	vst.idx.msk $0xffff, v4  }
0x1c7: {  	v4 =	vsel vm0, $0xFFFFFFFF, v1;
	v6 =	vld.idx.msk [tilespmem:v3+s13+$0x0], $0xffff  }
0x1c8: {  	v5 =	vadd.s32 v4, v8  }
0x1c9: {  	v8 =	vmul.u32 $0x7FFFFCE, v5  }
0x1ca: {  	v4 =	vld.idx.msk [tilespmem:v9+s14+$0x0], $0xffff  }
0x1cb: {  	v5 =	vmul.u32 $0x640, v5;
	v7 =	vadd.s32 v7, v8  }
0x1cc: {  	v7 =	vshll.u32 v7, $0x5  }
0x1cd: {  	v8 =	vshll.u32 v6, $0x18;
	v5 =	vadd.s32 v5, v7;
	v7 =	vshll.u32 v6, $0x10  }
0x1ce: {  	v10 =	vshll.u32 v6, $0x8;
	v8 =	vshra.s32 v8, $0x18;
	v9 =	vor.u32 $0x1, v5  }
0x1cf: {  	v8 =	vcvt.s32.f32 v8;
	v7 =	vshra.s32 v7, $0x18;
	v11 =	vor.u32 $0x2, v5  }
0x1d0: {  	v10 =	vshra.s32 v10, $0x18;
	v12 =	vor.u32 $0x3, v5;
	v7 =	vcvt.s32.f32 v7  }
0x1d1: {  	v6 =	vshra.s32 v6, $0x18;
	v10 =	vcvt.s32.f32 v10;
	v8 =	vmul.f32 v8, v4  }
0x1d2: {  	v13 =	vor.u32 $0x1, v3;
	v6 =	vcvt.s32.f32 v6;
	v7 =	vmul.f32 v7, v4  }
0x1d3: {  	[tilespmem:v5+s26+$0x0] =	vst.idx.msk $0xffff, v8;
	v8 =	vmul.f32 v10, v4  }
0x1d4: {  	v6 =	vmul.f32 v6, v4;
	[tilespmem:v9+s26+$0x0] =	vst.idx.msk $0xffff, v7  }
0x1d5: {  	[tilespmem:v11+s26+$0x0] =	vst.idx.msk $0xffff, v8  }
0x1d6: {  	[tilespmem:v12+s26+$0x0] =	vst.idx.msk $0xffff, v6  }
0x1d7: {  	v6 =	vld.idx.msk [tilespmem:v13+s13+$0x0], $0xffff;
	_ =	sdelay $0x4  }
0x1d8: {  	v7 =	vor.u32 $0x4, v5;
	v8 =	vor.u32 $0x5, v5  }
0x1d9: {  	v9 =	vshll.u32 v6, $0x18;
	v10 =	vshll.u32 v6, $0x10;
	v11 =	vshll.u32 v6, $0x8  }
0x1da: {  	v9 =	vshra.s32 v9, $0x18;
	v10 =	vshra.s32 v10, $0x18;
	v11 =	vshra.s32 v11, $0x18  }
0x1db: {  	v6 =	vshra.s32 v6, $0x18;
	v9 =	vcvt.s32.f32 v9;
	v10 =	vcvt.s32.f32 v10  }
0x1dc: {  	v12 =	vor.u32 $0x6, v5;
	v6 =	vcvt.s32.f32 v6;
	v11 =	vcvt.s32.f32 v11  }
0x1dd: {  	v13 =	vor.u32 $0x7, v5;
	v9 =	vmul.f32 v9, v4;
	v10 =	vmul.f32 v10, v4  }
0x1de: {  	v14 =	vor.u32 $0x2, v3;
	v6 =	vmul.f32 v6, v4;
	v11 =	vmul.f32 v11, v4  }
0x1df: {  	[tilespmem:v7+s26+$0x0] =	vst.idx.msk $0xffff, v9  }
0x1e0: {  	[tilespmem:v8+s26+$0x0] =	vst.idx.msk $0xffff, v10  }
0x1e1: {  	[tilespmem:v12+s26+$0x0] =	vst.idx.msk $0xffff, v11  }
0x1e2: {  	[tilespmem:v13+s26+$0x0] =	vst.idx.msk $0xffff, v6  }
0x1e3: {  	v6 =	vld.idx.msk [tilespmem:v14+s13+$0x0], $0xffff;
	_ =	sdelay $0x4  }
0x1e4: {  	v7 =	vor.u32 $0x8, v5;
	v8 =	vor.u32 $0x9, v5  }
0x1e5: {  	v9 =	vshll.u32 v6, $0x18;
	v10 =	vshll.u32 v6, $0x10;
	v11 =	vshll.u32 v6, $0x8  }
0x1e6: {  	v9 =	vshra.s32 v9, $0x18;
	v10 =	vshra.s32 v10, $0x18;
	v11 =	vshra.s32 v11, $0x18  }
0x1e7: {  	v6 =	vshra.s32 v6, $0x18;
	v9 =	vcvt.s32.f32 v9;
	v10 =	vcvt.s32.f32 v10  }
0x1e8: {  	v12 =	vor.u32 $0xA, v5;
	v6 =	vcvt.s32.f32 v6;
	v11 =	vcvt.s32.f32 v11  }
0x1e9: {  	v13 =	vor.u32 $0xB, v5;
	v9 =	vmul.f32 v9, v4;
	v10 =	vmul.f32 v10, v4  }
0x1ea: {  	v14 =	vor.u32 $0x3, v3;
	v6 =	vmul.f32 v6, v4;
	v11 =	vmul.f32 v11, v4  }
0x1eb: {  	[tilespmem:v7+s26+$0x0] =	vst.idx.msk $0xffff, v9  }
0x1ec: {  	[tilespmem:v8+s26+$0x0] =	vst.idx.msk $0xffff, v10  }
0x1ed: {  	[tilespmem:v12+s26+$0x0] =	vst.idx.msk $0xffff, v11  }
0x1ee: {  	[tilespmem:v13+s26+$0x0] =	vst.idx.msk $0xffff, v6  }
0x1ef: {  	v6 =	vld.idx.msk [tilespmem:v14+s13+$0x0], $0xffff;
	_ =	sdelay $0x4  }
0x1f0: {  	v7 =	vor.u32 $0xC, v5;
	v8 =	vor.u32 $0xD, v5  }
0x1f1: {  	v9 =	vshll.u32 v6, $0x18;
	v10 =	vshll.u32 v6, $0x10;
	v11 =	vshll.u32 v6, $0x8  }
0x1f2: {  	v9 =	vshra.s32 v9, $0x18;
	v10 =	vshra.s32 v10, $0x18;
	v11 =	vshra.s32 v11, $0x18  }
0x1f3: {  	v6 =	vshra.s32 v6, $0x18;
	v9 =	vcvt.s32.f32 v9;
	v10 =	vcvt.s32.f32 v10  }
0x1f4: {  	v12 =	vor.u32 $0xE, v5;
	v6 =	vcvt.s32.f32 v6;
	v11 =	vcvt.s32.f32 v11  }
0x1f5: {  	v13 =	vor.u32 $0xF, v5;
	v9 =	vmul.f32 v9, v4;
	v10 =	vmul.f32 v10, v4  }
0x1f6: {  	v14 =	vor.u32 $0x4, v3;
	v6 =	vmul.f32 v6, v4;
	v11 =	vmul.f32 v11, v4  }
0x1f7: {  	[tilespmem:v7+s26+$0x0] =	vst.idx.msk $0xffff, v9  }
0x1f8: {  	[tilespmem:v8+s26+$0x0] =	vst.idx.msk $0xffff, v10  }
0x1f9: {  	[tilespmem:v12+s26+$0x0] =	vst.idx.msk $0xffff, v11  }
0x1fa: {  	[tilespmem:v13+s26+$0x0] =	vst.idx.msk $0xffff, v6  }
0x1fb: {  	v6 =	vld.idx.msk [tilespmem:v14+s13+$0x0], $0xffff;
	_ =	sdelay $0x4  }
0x1fc: {  	v7 =	vor.u32 $0x10, v5;
	v8 =	vor.u32 $0x11, v5  }
0x1fd: {  	v9 =	vshll.u32 v6, $0x18;
	v10 =	vshll.u32 v6, $0x10;
	v11 =	vshll.u32 v6, $0x8  }
0x1fe: {  	v9 =	vshra.s32 v9, $0x18;
	v10 =	vshra.s32 v10, $0x18;
	v11 =	vshra.s32 v11, $0x18  }
0x1ff: {  	v6 =	vshra.s32 v6, $0x18;
	v9 =	vcvt.s32.f32 v9;
	v10 =	vcvt.s32.f32 v10  }
0x200: {  	v12 =	vor.u32 $0x12, v5;
	v6 =	vcvt.s32.f32 v6;
	v11 =	vcvt.s32.f32 v11  }
0x201: {  	v13 =	vor.u32 $0x13, v5;
	v9 =	vmul.f32 v9, v4;
	v10 =	vmul.f32 v10, v4  }
0x202: {  	v14 =	vor.u32 $0x5, v3;
	v6 =	vmul.f32 v6, v4;
	v11 =	vmul.f32 v11, v4  }
0x203: {  	[tilespmem:v7+s26+$0x0] =	vst.idx.msk $0xffff, v9  }
0x204: {  	[tilespmem:v8+s26+$0x0] =	vst.idx.msk $0xffff, v10  }
0x205: {  	[tilespmem:v12+s26+$0x0] =	vst.idx.msk $0xffff, v11  }
0x206: {  	[tilespmem:v13+s26+$0x0] =	vst.idx.msk $0xffff, v6  }
0x207: {  	v6 =	vld.idx.msk [tilespmem:v14+s13+$0x0], $0xffff;
	_ =	sdelay $0x4  }
0x208: {  	v7 =	vor.u32 $0x14, v5;
	v8 =	vor.u32 $0x15, v5  }
0x209: {  	v9 =	vshll.u32 v6, $0x18;
	v10 =	vshll.u32 v6, $0x10;
	v11 =	vshll.u32 v6, $0x8  }
0x20a: {  	v9 =	vshra.s32 v9, $0x18;
	v10 =	vshra.s32 v10, $0x18;
	v11 =	vshra.s32 v11, $0x18  }
0x20b: {  	v6 =	vshra.s32 v6, $0x18;
	v9 =	vcvt.s32.f32 v9;
	v10 =	vcvt.s32.f32 v10  }
0x20c: {  	v12 =	vor.u32 $0x16, v5;
	v6 =	vcvt.s32.f32 v6;
	v11 =	vcvt.s32.f32 v11  }
0x20d: {  	v13 =	vor.u32 $0x17, v5;
	v9 =	vmul.f32 v9, v4;
	v10 =	vmul.f32 v10, v4  }
0x20e: {  	v14 =	vor.u32 $0x6, v3;
	v6 =	vmul.f32 v6, v4;
	v11 =	vmul.f32 v11, v4  }
0x20f: {  	[tilespmem:v7+s26+$0x0] =	vst.idx.msk $0xffff, v9  }
0x210: {  	[tilespmem:v8+s26+$0x0] =	vst.idx.msk $0xffff, v10  }
0x211: {  	[tilespmem:v12+s26+$0x0] =	vst.idx.msk $0xffff, v11  }
0x212: {  	[tilespmem:v13+s26+$0x0] =	vst.idx.msk $0xffff, v6  }
0x213: {  	v6 =	vld.idx.msk [tilespmem:v14+s13+$0x0], $0xffff;
	_ =	sdelay $0x4  }
0x214: {  	v7 =	vor.u32 $0x18, v5;
	v9 =	vor.u32 $0x1A, v5;
	v8 =	vor.u32 $0x19, v5  }
0x215: {  	v10 =	vshll.u32 v6, $0x18;
	v11 =	vshll.u32 v6, $0x10;
	v12 =	vshll.u32 v6, $0x8  }
0x216: {  	v10 =	vshra.s32 v10, $0x18;
	v11 =	vshra.s32 v11, $0x18;
	v12 =	vshra.s32 v12, $0x18  }
0x217: {  	v6 =	vshra.s32 v6, $0x18;
	v10 =	vcvt.s32.f32 v10;
	v11 =	vcvt.s32.f32 v11  }
0x218: {  	v13 =	vor.u32 $0x1B, v5;
	v6 =	vcvt.s32.f32 v6;
	v12 =	vcvt.s32.f32 v12  }
0x219: {  	v3 =	vor.u32 $0x7, v3;
	v10 =	vmul.f32 v10, v4;
	v11 =	vmul.f32 v11, v4  }
0x21a: {  	v6 =	vmul.f32 v6, v4;
	v12 =	vmul.f32 v12, v4  }
0x21b: {  	[tilespmem:v7+s26+$0x0] =	vst.idx.msk $0xffff, v10  }
0x21c: {  	[tilespmem:v8+s26+$0x0] =	vst.idx.msk $0xffff, v11  }
0x21d: {  	[tilespmem:v9+s26+$0x0] =	vst.idx.msk $0xffff, v12  }
0x21e: {  	[tilespmem:v13+s26+$0x0] =	vst.idx.msk $0xffff, v6  }
0x21f: {  	v3 =	vld.idx.msk [tilespmem:v3+s13+$0x0], $0xffff;
	_ =	sdelay $0x3  }
0x220: {  	v6 =	vor.u32 $0x1F, v5  }
0x221: {  	v14 =	vor.u32 $0x1D, v5;
	v12 =	vor.u32 $0x1C, v5;
	v5 =	vor.u32 $0x1E, v5  }
0x222: {  	v7 =	vshll.u32 v3, $0x18;
	v8 =	vshll.u32 v3, $0x10;
	v9 =	vshll.u32 v3, $0x8  }
0x223: {  	v10 =	vshra.s32 v7, $0x18;
	v8 =	vshra.s32 v8, $0x18;
	v9 =	vshra.s32 v9, $0x18  }
0x224: {  	v7 =	vor.u32 s15, v0;
	v10 =	vcvt.s32.f32 v10;
	v11 =	vcvt.s32.f32 v8  }
.Ltmp3:
0x225: {  	v13 =	vshra.s32 v3, $0x18;
	v8 =	vmulhi.u32 $0x51EB851F, v7;
	v9 =	vcvt.s32.f32 v9;
	(pc) =	sbr.rel @p1 .LBB2_5-.Ltmp3, $4  }
0x226: {  	v13 =	vcvt.s32.f32 v13;
	v3 =	vshll.u32 v7, $0x3;
	v15 =	vmul.f32 v10, v4  }
0x227: {  	v8 =	vshrl.u32 v8, $0x4;
	v16 =	vmul.f32 v11, v4;
	v10 =	vmul.f32 v9, v4  }
0x228: {  	v9 =	vand.u32 v2, v7;
	v4 =	vmul.f32 v13, v4;
	v11 =	vmul.u32 $0xFFFFFFCE, v8;
	[tilespmem:v12+s26+$0x0] =	vst.idx.msk $0xffff, v15  }
0x229: {  	v13 =	vsub.s32 $0x0, v7;
	v12 =	vmov s15;
	[tilespmem:v14+s26+$0x0] =	vst.idx.msk $0xffff, v16  }
0x22a: {  	_ =	sdelay $0x2  }
0x22b: {  	vm0 =	veq.s32 v12, v0;
	vm1 =	vne.s32 v11, v13  }
0x22c: {  	[tilespmem:v5+s26+$0x0] =	vst.idx.msk $0xffff, v10;
	vm0 =	vmand vm0, vm1  }
0x22d: {  	[tilespmem:v6+s26+$0x0] =	vst.idx.msk $0xffff, v4;
	v4 =	vsel vm0, $0xFFFFFFFF, v1  }
0x22e: {  	v6 =	vld.idx.msk [tilespmem:v3+s13+$0x0], $0xffff;
	v4 =	vadd.s32 v4, v8  }
0x22f: {  	v5 =	vmul.u32 $0x7FFFFCE, v4;
	_ =	sdelay $0x1  }
0x230: {  	v5 =	vadd.s32 v7, v5;
	v7 =	vmul.u32 $0x640, v4  }
0x231: {  	v4 =	vld.idx.msk [tilespmem:v9+s14+$0x0], $0xffff;
	v5 =	vshll.u32 v5, $0x5  }
0x232: {  	v8 =	vshll.u32 v6, $0x18;
	v10 =	vshll.u32 v6, $0x8;
	v5 =	vadd.s32 v7, v5  }
0x233: {  	v7 =	vshll.u32 v6, $0x10;
	v8 =	vshra.s32 v8, $0x18;
	v10 =	vshra.s32 v10, $0x18  }
0x234: {  	v9 =	vor.u32 $0x1, v5;
	v8 =	vcvt.s32.f32 v8;
	v7 =	vshra.s32 v7, $0x18  }
0x235: {  	v6 =	vshra.s32 v6, $0x18;
	v11 =	vor.u32 $0x2, v5;
	v7 =	vcvt.s32.f32 v7  }
0x236: {  	v12 =	vor.u32 $0x3, v5;
	v10 =	vcvt.s32.f32 v10;
	v8 =	vmul.f32 v8, v4  }
0x237: {  	v13 =	vor.u32 $0x1, v3;
	v6 =	vcvt.s32.f32 v6;
	v7 =	vmul.f32 v7, v4  }
0x238: {  	[tilespmem:v5+s26+$0x0] =	vst.idx.msk $0xffff, v8;
	v8 =	vmul.f32 v10, v4  }
0x239: {  	v6 =	vmul.f32 v6, v4;
	[tilespmem:v9+s26+$0x0] =	vst.idx.msk $0xffff, v7  }
0x23a: {  	[tilespmem:v11+s26+$0x0] =	vst.idx.msk $0xffff, v8  }
0x23b: {  	[tilespmem:v12+s26+$0x0] =	vst.idx.msk $0xffff, v6  }
0x23c: {  	v6 =	vld.idx.msk [tilespmem:v13+s13+$0x0], $0xffff;
	_ =	sdelay $0x4  }
0x23d: {  	v7 =	vor.u32 $0x4, v5;
	v8 =	vor.u32 $0x5, v5;
	v9 =	vshll.u32 v6, $0x18  }
0x23e: {  	v12 =	vor.u32 $0x6, v5;
	v10 =	vshll.u32 v6, $0x10;
	v9 =	vshra.s32 v9, $0x18  }
0x23f: {  	v11 =	vshll.u32 v6, $0x8;
	v10 =	vshra.s32 v10, $0x18;
	v9 =	vcvt.s32.f32 v9  }
0x240: {  	v13 =	vor.u32 $0x7, v5;
	v11 =	vshra.s32 v11, $0x18;
	v10 =	vcvt.s32.f32 v10  }
0x241: {  	v6 =	vshra.s32 v6, $0x18;
	v11 =	vcvt.s32.f32 v11;
	v9 =	vmul.f32 v9, v4  }
0x242: {  	v14 =	vor.u32 $0x2, v3;
	v6 =	vcvt.s32.f32 v6;
	v10 =	vmul.f32 v10, v4  }
0x243: {  	v11 =	vmul.f32 v11, v4;
	[tilespmem:v7+s26+$0x0] =	vst.idx.msk $0xffff, v9  }
0x244: {  	v6 =	vmul.f32 v6, v4;
	[tilespmem:v8+s26+$0x0] =	vst.idx.msk $0xffff, v10  }
0x245: {  	[tilespmem:v12+s26+$0x0] =	vst.idx.msk $0xffff, v11  }
0x246: {  	[tilespmem:v13+s26+$0x0] =	vst.idx.msk $0xffff, v6  }
0x247: {  	v6 =	vld.idx.msk [tilespmem:v14+s13+$0x0], $0xffff;
	_ =	sdelay $0x4  }
0x248: {  	v7 =	vor.u32 $0x8, v5;
	v8 =	vor.u32 $0x9, v5;
	v9 =	vshll.u32 v6, $0x18  }
0x249: {  	v12 =	vor.u32 $0xA, v5;
	v10 =	vshll.u32 v6, $0x10;
	v9 =	vshra.s32 v9, $0x18  }
0x24a: {  	v11 =	vshll.u32 v6, $0x8;
	v10 =	vshra.s32 v10, $0x18;
	v9 =	vcvt.s32.f32 v9  }
0x24b: {  	v13 =	vor.u32 $0xB, v5;
	v11 =	vshra.s32 v11, $0x18;
	v10 =	vcvt.s32.f32 v10  }
0x24c: {  	v6 =	vshra.s32 v6, $0x18;
	v11 =	vcvt.s32.f32 v11;
	v9 =	vmul.f32 v9, v4  }
0x24d: {  	v14 =	vor.u32 $0x3, v3;
	v6 =	vcvt.s32.f32 v6;
	v10 =	vmul.f32 v10, v4  }
0x24e: {  	v11 =	vmul.f32 v11, v4;
	[tilespmem:v7+s26+$0x0] =	vst.idx.msk $0xffff, v9  }
0x24f: {  	v6 =	vmul.f32 v6, v4;
	[tilespmem:v8+s26+$0x0] =	vst.idx.msk $0xffff, v10  }
0x250: {  	[tilespmem:v12+s26+$0x0] =	vst.idx.msk $0xffff, v11  }
0x251: {  	[tilespmem:v13+s26+$0x0] =	vst.idx.msk $0xffff, v6  }
0x252: {  	v6 =	vld.idx.msk [tilespmem:v14+s13+$0x0], $0xffff;
	_ =	sdelay $0x4  }
0x253: {  	v7 =	vor.u32 $0xC, v5;
	v8 =	vor.u32 $0xD, v5;
	v9 =	vshll.u32 v6, $0x18  }
0x254: {  	v12 =	vor.u32 $0xE, v5;
	v10 =	vshll.u32 v6, $0x10;
	v9 =	vshra.s32 v9, $0x18  }
0x255: {  	v11 =	vshll.u32 v6, $0x8;
	v10 =	vshra.s32 v10, $0x18;
	v9 =	vcvt.s32.f32 v9  }
0x256: {  	v13 =	vor.u32 $0xF, v5;
	v11 =	vshra.s32 v11, $0x18;
	v10 =	vcvt.s32.f32 v10  }
0x257: {  	v6 =	vshra.s32 v6, $0x18;
	v11 =	vcvt.s32.f32 v11;
	v9 =	vmul.f32 v9, v4  }
0x258: {  	v14 =	vor.u32 $0x4, v3;
	v6 =	vcvt.s32.f32 v6;
	v10 =	vmul.f32 v10, v4  }
0x259: {  	v11 =	vmul.f32 v11, v4;
	[tilespmem:v7+s26+$0x0] =	vst.idx.msk $0xffff, v9  }
0x25a: {  	v6 =	vmul.f32 v6, v4;
	[tilespmem:v8+s26+$0x0] =	vst.idx.msk $0xffff, v10  }
0x25b: {  	[tilespmem:v12+s26+$0x0] =	vst.idx.msk $0xffff, v11  }
0x25c: {  	[tilespmem:v13+s26+$0x0] =	vst.idx.msk $0xffff, v6  }
0x25d: {  	v6 =	vld.idx.msk [tilespmem:v14+s13+$0x0], $0xffff;
	_ =	sdelay $0x4  }
0x25e: {  	v7 =	vor.u32 $0x10, v5;
	v8 =	vor.u32 $0x11, v5;
	v9 =	vshll.u32 v6, $0x18  }
0x25f: {  	v12 =	vor.u32 $0x12, v5;
	v10 =	vshll.u32 v6, $0x10;
	v9 =	vshra.s32 v9, $0x18  }
0x260: {  	v11 =	vshll.u32 v6, $0x8;
	v10 =	vshra.s32 v10, $0x18;
	v9 =	vcvt.s32.f32 v9  }
0x261: {  	v13 =	vor.u32 $0x13, v5;
	v11 =	vshra.s32 v11, $0x18;
	v10 =	vcvt.s32.f32 v10  }
0x262: {  	v6 =	vshra.s32 v6, $0x18;
	v11 =	vcvt.s32.f32 v11;
	v9 =	vmul.f32 v9, v4  }
0x263: {  	v14 =	vor.u32 $0x5, v3;
	v6 =	vcvt.s32.f32 v6;
	v10 =	vmul.f32 v10, v4  }
0x264: {  	v11 =	vmul.f32 v11, v4;
	[tilespmem:v7+s26+$0x0] =	vst.idx.msk $0xffff, v9  }
0x265: {  	v6 =	vmul.f32 v6, v4;
	[tilespmem:v8+s26+$0x0] =	vst.idx.msk $0xffff, v10  }
0x266: {  	[tilespmem:v12+s26+$0x0] =	vst.idx.msk $0xffff, v11  }
0x267: {  	[tilespmem:v13+s26+$0x0] =	vst.idx.msk $0xffff, v6  }
0x268: {  	v6 =	vld.idx.msk [tilespmem:v14+s13+$0x0], $0xffff;
	_ =	sdelay $0x4  }
0x269: {  	v7 =	vor.u32 $0x14, v5;
	v8 =	vor.u32 $0x15, v5;
	v9 =	vshll.u32 v6, $0x18  }
0x26a: {  	v12 =	vor.u32 $0x16, v5;
	v10 =	vshll.u32 v6, $0x10;
	v9 =	vshra.s32 v9, $0x18  }
0x26b: {  	v11 =	vshll.u32 v6, $0x8;
	v10 =	vshra.s32 v10, $0x18;
	v9 =	vcvt.s32.f32 v9  }
0x26c: {  	v13 =	vor.u32 $0x17, v5;
	v11 =	vshra.s32 v11, $0x18;
	v10 =	vcvt.s32.f32 v10  }
0x26d: {  	v6 =	vshra.s32 v6, $0x18;
	v11 =	vcvt.s32.f32 v11;
	v9 =	vmul.f32 v9, v4  }
0x26e: {  	v14 =	vor.u32 $0x6, v3;
	v6 =	vcvt.s32.f32 v6;
	v10 =	vmul.f32 v10, v4  }
0x26f: {  	v11 =	vmul.f32 v11, v4;
	[tilespmem:v7+s26+$0x0] =	vst.idx.msk $0xffff, v9  }
0x270: {  	v6 =	vmul.f32 v6, v4;
	[tilespmem:v8+s26+$0x0] =	vst.idx.msk $0xffff, v10  }
0x271: {  	[tilespmem:v12+s26+$0x0] =	vst.idx.msk $0xffff, v11  }
0x272: {  	[tilespmem:v13+s26+$0x0] =	vst.idx.msk $0xffff, v6  }
0x273: {  	v6 =	vld.idx.msk [tilespmem:v14+s13+$0x0], $0xffff;
	_ =	sdelay $0x4  }
0x274: {  	v7 =	vor.u32 $0x18, v5;
	v8 =	vor.u32 $0x19, v5;
	v9 =	vshll.u32 v6, $0x18  }
0x275: {  	v10 =	vor.u32 $0x1A, v5;
	v11 =	vshll.u32 v6, $0x10;
	v9 =	vshra.s32 v9, $0x18  }
0x276: {  	v12 =	vshll.u32 v6, $0x8;
	v11 =	vshra.s32 v11, $0x18;
	v9 =	vcvt.s32.f32 v9  }
0x277: {  	v13 =	vor.u32 $0x1B, v5;
	v12 =	vshra.s32 v12, $0x18;
	v11 =	vcvt.s32.f32 v11  }
0x278: {  	v6 =	vshra.s32 v6, $0x18;
	v12 =	vcvt.s32.f32 v12;
	v9 =	vmul.f32 v9, v4  }
0x279: {  	v3 =	vor.u32 $0x7, v3;
	v6 =	vcvt.s32.f32 v6;
	v11 =	vmul.f32 v11, v4  }
0x27a: {  	v12 =	vmul.f32 v12, v4;
	[tilespmem:v7+s26+$0x0] =	vst.idx.msk $0xffff, v9  }
0x27b: {  	v6 =	vmul.f32 v6, v4;
	[tilespmem:v8+s26+$0x0] =	vst.idx.msk $0xffff, v11  }
0x27c: {  	[tilespmem:v10+s26+$0x0] =	vst.idx.msk $0xffff, v12  }
0x27d: {  	[tilespmem:v13+s26+$0x0] =	vst.idx.msk $0xffff, v6  }
0x27e: {  	v3 =	vld.idx.msk [tilespmem:v3+s13+$0x0], $0xffff;
	_ =	sdelay $0x4  }
0x27f: {  	v7 =	vor.u32 $0x1C, v5;
	v9 =	vor.u32 $0x1D, v5;
	v8 =	vshll.u32 v3, $0x18  }
0x280: {  	v6 =	vor.u32 $0x1F, v5;
	v10 =	vshll.u32 v3, $0x10;
	v8 =	vshra.s32 v8, $0x18  }
0x281: {  	v11 =	vshll.u32 v3, $0x8;
	v10 =	vshra.s32 v10, $0x18;
	v8 =	vcvt.s32.f32 v8  }
0x282: {  	v5 =	vor.u32 $0x1E, v5;
	v11 =	vshra.s32 v11, $0x18;
	v10 =	vcvt.s32.f32 v10  }
0x283: {  	v3 =	vshra.s32 v3, $0x18;
	v11 =	vcvt.s32.f32 v11;
	v8 =	vmul.f32 v8, v4  }
0x284: {  	s3 =	sadd.s32 s8, s6;
	v3 =	vcvt.s32.f32 v3;
	v10 =	vmul.f32 v10, v4  }
0x285: {  	s3 =	smul.u32 $0xC8, s3;
	v11 =	vmul.f32 v11, v4;
	[tilespmem:v7+s26+$0x0] =	vst.idx.msk $0xffff, v8  }
0x286: {  	s15 =	rddreg [dreg:$0x2];
	v3 =	vmul.f32 v3, v4;
	[tilespmem:v9+s26+$0x0] =	vst.idx.msk $0xffff, v10  }
0x287: {  	s8 =	sadd.s32 s15, s3;
	[tilespmem:v5+s26+$0x0] =	vst.idx.msk $0xffff, v11  }
0x288: {  	s3 =	sadd.s32 $0x640, s8;
	[tilespmem:v6+s26+$0x0] =	vst.idx.msk $0xffff, v3  }
0x289: {  	[hbm4b:s3+s4] =	stream.linear.scatter [tilespmem:s26], [sflag:$0xA], $0x3200, $0x38;
	[tilespmem:$0xB540] =	vst v63  }
0x28a: {  	s9 =	simm.s32 @!p0 $0x190;
	s15 =	simm.s32 @!p0 $0x2580;
	s3 =	sadd.s32 @!p0 $0x7D0, s7  }
0x28b: {  	[tilespmem:s15], [sflag:$0x2] =	stream.indirect.gather @!p0 [hbm4b:s5+s9], $0x8, s3, s9, $0xb8;
	[tilespmem:$0xB540] =	vst v63  }
0x28c: {  	s15 =	simm.s32 @!p0 $0x4C90  }
0x28d: {  	[tilespmem:s15], [sflag:$0x6] =	stream.indirect.gather @!p0 [hbm4b:s2+s9], $0x1, s3, s9, $0xb8;
	[tilespmem:$0xB540] =	vst v63  }
0x28e: {  	s9 =	simm.s32 $0x0  }
0x28f: {  	_ =	swait.ge [sflag:s28], $0xC80;
	v4 =	vor.u32 s9, v0  }
0x290: {  	[sflag:s28] =	ssyncset.done $0x0;
	v3 =	vmulhi.u32 $0x51EB851F, v4  }
0x291: {  	[sflag:s28] =	ssyncadd.s32 $0xFFFFF380  }
0x292: {  	_ =	swait.ge [sflag:s29], $0x190;
	v5 =	vshrl.u32 v3, $0x4  }
0x293: {  	v3 =	vshll.u32 v4, $0x3;
	[sflag:s29] =	ssyncset.done $0x0;
	v6 =	vmul.u32 $0xFFFFFFCE, v5  }
0x294: {  	v7 =	vmov s9;
	v8 =	vsub.s32 $0x0, v4;
	[sflag:s29] =	ssyncadd.s32 $0xFFFFFE70  }
0x295: {  	vm14 =	veq.s32 v7, v0;
	_ =	swait.ge [sflag:s30], $0x3200;
	vm15 =	vne.s32 v6, v8  }
0x296: {  	[sflag:s30] =	ssyncset.done $0x0;
	vm0 =	vmand vm14, vm15  }
0x297: {  	v6 =	vand.u32 v2, v4;
	[sflag:s30] =	ssyncadd.s32 $0xFFFFCE00;
	v7 =	vsel vm0, $0xFFFFFFFF, v1  }
0x298: {  	v8 =	vld.idx.msk [tilespmem:v3+s16+$0x0], $0xffff;
	v5 =	vadd.s32 v7, v5  }
0x299: {  	v7 =	vmul.u32 $0x7FFFFCE, v5;
	_ =	sdelay $0x1  }
0x29a: {  	v5 =	vmul.u32 $0x640, v5;
	v7 =	vadd.s32 v4, v7  }
0x29b: {  	v4 =	vld.idx.msk [tilespmem:v6+s17+$0x0], $0xffff;
	v6 =	vshll.u32 v7, $0x5  }
0x29c: {  	v7 =	vshll.u32 v8, $0x18;
	v5 =	vadd.s32 v5, v6;
	v6 =	vshll.u32 v8, $0x10  }
0x29d: {  	v10 =	vshll.u32 v8, $0x8;
	v8 =	vshra.s32 v8, $0x18;
	v7 =	vshra.s32 v7, $0x18  }
0x29e: {  	v9 =	vor.u32 $0x1, v5;
	v6 =	vshra.s32 v6, $0x18;
	v7 =	vcvt.s32.f32 v7  }
0x29f: {  	v11 =	vor.u32 $0x2, v5;
	v10 =	vshra.s32 v10, $0x18;
	v6 =	vcvt.s32.f32 v6  }
0x2a0: {  	v12 =	vor.u32 $0x3, v5;
	v10 =	vcvt.s32.f32 v10;
	v7 =	vmul.f32 v7, v4  }
0x2a1: {  	v13 =	vor.u32 $0x1, v3;
	v8 =	vcvt.s32.f32 v8;
	v6 =	vmul.f32 v6, v4  }
0x2a2: {  	[tilespmem:v5+s23+$0x0] =	vst.idx.msk $0xffff, v7;
	v7 =	vmul.f32 v10, v4  }
0x2a3: {  	[tilespmem:v9+s23+$0x0] =	vst.idx.msk $0xffff, v6;
	v6 =	vmul.f32 v8, v4  }
0x2a4: {  	[tilespmem:v11+s23+$0x0] =	vst.idx.msk $0xffff, v7  }
0x2a5: {  	[tilespmem:v12+s23+$0x0] =	vst.idx.msk $0xffff, v6  }
0x2a6: {  	v6 =	vld.idx.msk [tilespmem:v13+s16+$0x0], $0xffff;
	_ =	sdelay $0x4  }
0x2a7: {  	v8 =	vor.u32 $0x5, v5;
	v7 =	vor.u32 $0x4, v5;
	v9 =	vshll.u32 v6, $0x18  }
0x2a8: {  	v12 =	vor.u32 $0x6, v5;
	v10 =	vshll.u32 v6, $0x10;
	v9 =	vshra.s32 v9, $0x18  }
0x2a9: {  	v11 =	vshll.u32 v6, $0x8;
	v10 =	vshra.s32 v10, $0x18;
	v9 =	vcvt.s32.f32 v9  }
0x2aa: {  	v13 =	vor.u32 $0x7, v5;
	v11 =	vshra.s32 v11, $0x18;
	v10 =	vcvt.s32.f32 v10  }
0x2ab: {  	v6 =	vshra.s32 v6, $0x18;
	v11 =	vcvt.s32.f32 v11;
	v9 =	vmul.f32 v9, v4  }
0x2ac: {  	v14 =	vor.u32 $0x2, v3;
	v6 =	vcvt.s32.f32 v6;
	v10 =	vmul.f32 v10, v4  }
0x2ad: {  	v11 =	vmul.f32 v11, v4;
	[tilespmem:v7+s23+$0x0] =	vst.idx.msk $0xffff, v9  }
0x2ae: {  	v6 =	vmul.f32 v6, v4;
	[tilespmem:v8+s23+$0x0] =	vst.idx.msk $0xffff, v10  }
0x2af: {  	[tilespmem:v12+s23+$0x0] =	vst.idx.msk $0xffff, v11  }
0x2b0: {  	[tilespmem:v13+s23+$0x0] =	vst.idx.msk $0xffff, v6  }
0x2b1: {  	v6 =	vld.idx.msk [tilespmem:v14+s16+$0x0], $0xffff;
	_ =	sdelay $0x4  }
0x2b2: {  	v7 =	vor.u32 $0x8, v5;
	v8 =	vor.u32 $0x9, v5;
	v9 =	vshll.u32 v6, $0x18  }
0x2b3: {  	v12 =	vor.u32 $0xA, v5;
	v10 =	vshll.u32 v6, $0x10;
	v9 =	vshra.s32 v9, $0x18  }
0x2b4: {  	v11 =	vshll.u32 v6, $0x8;
	v10 =	vshra.s32 v10, $0x18;
	v9 =	vcvt.s32.f32 v9  }
0x2b5: {  	v13 =	vor.u32 $0xB, v5;
	v11 =	vshra.s32 v11, $0x18;
	v10 =	vcvt.s32.f32 v10  }
0x2b6: {  	v6 =	vshra.s32 v6, $0x18;
	v11 =	vcvt.s32.f32 v11;
	v9 =	vmul.f32 v9, v4  }
0x2b7: {  	v14 =	vor.u32 $0x3, v3;
	v6 =	vcvt.s32.f32 v6;
	v10 =	vmul.f32 v10, v4  }
0x2b8: {  	v11 =	vmul.f32 v11, v4;
	[tilespmem:v7+s23+$0x0] =	vst.idx.msk $0xffff, v9  }
0x2b9: {  	v6 =	vmul.f32 v6, v4;
	[tilespmem:v8+s23+$0x0] =	vst.idx.msk $0xffff, v10  }
0x2ba: {  	[tilespmem:v12+s23+$0x0] =	vst.idx.msk $0xffff, v11  }
0x2bb: {  	[tilespmem:v13+s23+$0x0] =	vst.idx.msk $0xffff, v6  }
0x2bc: {  	v6 =	vld.idx.msk [tilespmem:v14+s16+$0x0], $0xffff;
	_ =	sdelay $0x4  }
0x2bd: {  	v7 =	vor.u32 $0xC, v5;
	v8 =	vor.u32 $0xD, v5;
	v9 =	vshll.u32 v6, $0x18  }
0x2be: {  	v12 =	vor.u32 $0xE, v5;
	v10 =	vshll.u32 v6, $0x10;
	v9 =	vshra.s32 v9, $0x18  }
0x2bf: {  	v11 =	vshll.u32 v6, $0x8;
	v10 =	vshra.s32 v10, $0x18;
	v9 =	vcvt.s32.f32 v9  }
0x2c0: {  	v13 =	vor.u32 $0xF, v5;
	v11 =	vshra.s32 v11, $0x18;
	v10 =	vcvt.s32.f32 v10  }
0x2c1: {  	v6 =	vshra.s32 v6, $0x18;
	v11 =	vcvt.s32.f32 v11;
	v9 =	vmul.f32 v9, v4  }
0x2c2: {  	v14 =	vor.u32 $0x4, v3;
	v6 =	vcvt.s32.f32 v6;
	v10 =	vmul.f32 v10, v4  }
0x2c3: {  	v11 =	vmul.f32 v11, v4;
	[tilespmem:v7+s23+$0x0] =	vst.idx.msk $0xffff, v9  }
0x2c4: {  	v6 =	vmul.f32 v6, v4;
	[tilespmem:v8+s23+$0x0] =	vst.idx.msk $0xffff, v10  }
0x2c5: {  	[tilespmem:v12+s23+$0x0] =	vst.idx.msk $0xffff, v11  }
0x2c6: {  	[tilespmem:v13+s23+$0x0] =	vst.idx.msk $0xffff, v6  }
0x2c7: {  	v6 =	vld.idx.msk [tilespmem:v14+s16+$0x0], $0xffff;
	_ =	sdelay $0x4  }
0x2c8: {  	v7 =	vor.u32 $0x10, v5;
	v8 =	vor.u32 $0x11, v5;
	v9 =	vshll.u32 v6, $0x18  }
0x2c9: {  	v12 =	vor.u32 $0x12, v5;
	v10 =	vshll.u32 v6, $0x10;
	v9 =	vshra.s32 v9, $0x18  }
0x2ca: {  	v11 =	vshll.u32 v6, $0x8;
	v10 =	vshra.s32 v10, $0x18;
	v9 =	vcvt.s32.f32 v9  }
0x2cb: {  	v13 =	vor.u32 $0x13, v5;
	v11 =	vshra.s32 v11, $0x18;
	v10 =	vcvt.s32.f32 v10  }
0x2cc: {  	v6 =	vshra.s32 v6, $0x18;
	v11 =	vcvt.s32.f32 v11;
	v9 =	vmul.f32 v9, v4  }
0x2cd: {  	v14 =	vor.u32 $0x5, v3;
	v6 =	vcvt.s32.f32 v6;
	v10 =	vmul.f32 v10, v4  }
0x2ce: {  	v11 =	vmul.f32 v11, v4;
	[tilespmem:v7+s23+$0x0] =	vst.idx.msk $0xffff, v9  }
0x2cf: {  	v6 =	vmul.f32 v6, v4;
	[tilespmem:v8+s23+$0x0] =	vst.idx.msk $0xffff, v10  }
0x2d0: {  	[tilespmem:v12+s23+$0x0] =	vst.idx.msk $0xffff, v11  }
0x2d1: {  	[tilespmem:v13+s23+$0x0] =	vst.idx.msk $0xffff, v6  }
0x2d2: {  	v6 =	vld.idx.msk [tilespmem:v14+s16+$0x0], $0xffff;
	_ =	sdelay $0x4  }
0x2d3: {  	v7 =	vor.u32 $0x14, v5;
	v8 =	vor.u32 $0x15, v5;
	v9 =	vshll.u32 v6, $0x18  }
0x2d4: {  	v12 =	vor.u32 $0x16, v5;
	v10 =	vshll.u32 v6, $0x10;
	v9 =	vshra.s32 v9, $0x18  }
0x2d5: {  	v11 =	vshll.u32 v6, $0x8;
	v10 =	vshra.s32 v10, $0x18;
	v9 =	vcvt.s32.f32 v9  }
0x2d6: {  	v13 =	vor.u32 $0x17, v5;
	v11 =	vshra.s32 v11, $0x18;
	v10 =	vcvt.s32.f32 v10  }
0x2d7: {  	v6 =	vshra.s32 v6, $0x18;
	v11 =	vcvt.s32.f32 v11;
	v9 =	vmul.f32 v9, v4  }
0x2d8: {  	v14 =	vor.u32 $0x6, v3;
	v6 =	vcvt.s32.f32 v6;
	v10 =	vmul.f32 v10, v4  }
0x2d9: {  	v11 =	vmul.f32 v11, v4;
	[tilespmem:v7+s23+$0x0] =	vst.idx.msk $0xffff, v9  }
0x2da: {  	v6 =	vmul.f32 v6, v4;
	[tilespmem:v8+s23+$0x0] =	vst.idx.msk $0xffff, v10  }
0x2db: {  	[tilespmem:v12+s23+$0x0] =	vst.idx.msk $0xffff, v11  }
0x2dc: {  	[tilespmem:v13+s23+$0x0] =	vst.idx.msk $0xffff, v6  }
0x2dd: {  	v6 =	vld.idx.msk [tilespmem:v14+s16+$0x0], $0xffff;
	_ =	sdelay $0x4  }
0x2de: {  	v7 =	vor.u32 $0x18, v5;
	v8 =	vor.u32 $0x19, v5;
	v9 =	vshll.u32 v6, $0x18  }
0x2df: {  	v10 =	vor.u32 $0x1A, v5;
	v11 =	vshll.u32 v6, $0x10;
	v9 =	vshra.s32 v9, $0x18  }
0x2e0: {  	v12 =	vshll.u32 v6, $0x8;
	v11 =	vshra.s32 v11, $0x18;
	v9 =	vcvt.s32.f32 v9  }
0x2e1: {  	v13 =	vor.u32 $0x1B, v5;
	v12 =	vshra.s32 v12, $0x18;
	v11 =	vcvt.s32.f32 v11  }
0x2e2: {  	v6 =	vshra.s32 v6, $0x18;
	v12 =	vcvt.s32.f32 v12;
	v9 =	vmul.f32 v9, v4  }
0x2e3: {  	v3 =	vor.u32 $0x7, v3;
	v6 =	vcvt.s32.f32 v6;
	v11 =	vmul.f32 v11, v4  }
0x2e4: {  	v12 =	vmul.f32 v12, v4;
	[tilespmem:v7+s23+$0x0] =	vst.idx.msk $0xffff, v9  }
0x2e5: {  	v6 =	vmul.f32 v6, v4;
	[tilespmem:v8+s23+$0x0] =	vst.idx.msk $0xffff, v11  }
0x2e6: {  	[tilespmem:v10+s23+$0x0] =	vst.idx.msk $0xffff, v12  }
0x2e7: {  	[tilespmem:v13+s23+$0x0] =	vst.idx.msk $0xffff, v6  }
0x2e8: {  	v3 =	vld.idx.msk [tilespmem:v3+s16+$0x0], $0xffff;
	_ =	sdelay $0x2  }
0x2e9: {  	v14 =	vor.u32 $0x1D, v5  }
0x2ea: {  	v12 =	vor.u32 $0x1C, v5;
	v6 =	vor.u32 $0x1F, v5;
	v5 =	vor.u32 $0x1E, v5  }
0x2eb: {  	v7 =	vshll.u32 v3, $0x18;
	v8 =	vshll.u32 v3, $0x10;
	v9 =	vshll.u32 v3, $0x8  }
0x2ec: {  	s15 =	simm.s32 $0x10;
	v13 =	vshra.s32 v3, $0x18;
	v10 =	vshra.s32 v7, $0x18;
	v8 =	vshra.s32 v8, $0x18  }
0x2ed: {  	v7 =	vor.u32 s15, v0;
	v13 =	vcvt.s32.f32 v13;
	v10 =	vcvt.s32.f32 v10  }
0x2ee: {  	v9 =	vshra.s32 v9, $0x18;
	v11 =	vcvt.s32.f32 v8;
	v8 =	vmulhi.u32 $0x51EB851F, v7  }
0x2ef: {  	v9 =	vcvt.s32.f32 v9;
	v15 =	vmul.f32 v10, v4  }
0x2f0: {  	v3 =	vshll.u32 v7, $0x3;
	v8 =	vshrl.u32 v8, $0x4;
	v16 =	vmul.f32 v11, v4  }
0x2f1: {  	v10 =	vmul.f32 v9, v4;
	v9 =	vand.u32 v2, v7;
	v11 =	vmul.u32 $0xFFFFFFCE, v8;
	[tilespmem:v12+s23+$0x0] =	vst.idx.msk $0xffff, v15  }
0x2f2: {  	s9 =	simm.s32 $0x20;
	v4 =	vmul.f32 v13, v4;
	v13 =	vsub.s32 $0x0, v7;
	v12 =	vmov s15;
	[tilespmem:v14+s23+$0x0] =	vst.idx.msk $0xffff, v16  }
.LBB2_7:
0x2f3: {  	p1 =	sne.s32 s9, $0x180;
	vm0 =	veq.s32 v12, v0;
	vm1 =	vne.s32 v11, v13;
	[tilespmem:v5+s23+$0x0] =	vst.idx.msk $0xffff, v10;
	s15 =	smov.u32 s9;
	s9 =	sadd.s32 $0x10, s9  }
0x2f4: {  	vm0 =	vmand vm0, vm1;
	[tilespmem:v6+s23+$0x0] =	vst.idx.msk $0xffff, v4  }
0x2f5: {  	v4 =	vsel vm0, $0xFFFFFFFF, v1;
	v6 =	vld.idx.msk [tilespmem:v3+s16+$0x0], $0xffff  }
0x2f6: {  	v5 =	vadd.s32 v4, v8  }
0x2f7: {  	v8 =	vmul.u32 $0x7FFFFCE, v5  }
0x2f8: {  	v4 =	vld.idx.msk [tilespmem:v9+s17+$0x0], $0xffff  }
0x2f9: {  	v5 =	vmul.u32 $0x640, v5;
	v7 =	vadd.s32 v7, v8  }
0x2fa: {  	v7 =	vshll.u32 v7, $0x5  }
0x2fb: {  	v8 =	vshll.u32 v6, $0x18;
	v5 =	vadd.s32 v5, v7;
	v7 =	vshll.u32 v6, $0x10  }
0x2fc: {  	v10 =	vshll.u32 v6, $0x8;
	v8 =	vshra.s32 v8, $0x18;
	v9 =	vor.u32 $0x1, v5  }
0x2fd: {  	v8 =	vcvt.s32.f32 v8;
	v7 =	vshra.s32 v7, $0x18;
	v11 =	vor.u32 $0x2, v5  }
0x2fe: {  	v10 =	vshra.s32 v10, $0x18;
	v12 =	vor.u32 $0x3, v5;
	v7 =	vcvt.s32.f32 v7  }
0x2ff: {  	v6 =	vshra.s32 v6, $0x18;
	v10 =	vcvt.s32.f32 v10;
	v8 =	vmul.f32 v8, v4  }
0x300: {  	v13 =	vor.u32 $0x1, v3;
	v6 =	vcvt.s32.f32 v6;
	v7 =	vmul.f32 v7, v4  }
0x301: {  	[tilespmem:v5+s23+$0x0] =	vst.idx.msk $0xffff, v8;
	v8 =	vmul.f32 v10, v4  }
0x302: {  	v6 =	vmul.f32 v6, v4;
	[tilespmem:v9+s23+$0x0] =	vst.idx.msk $0xffff, v7  }
0x303: {  	[tilespmem:v11+s23+$0x0] =	vst.idx.msk $0xffff, v8  }
0x304: {  	[tilespmem:v12+s23+$0x0] =	vst.idx.msk $0xffff, v6  }
0x305: {  	v6 =	vld.idx.msk [tilespmem:v13+s16+$0x0], $0xffff;
	_ =	sdelay $0x4  }
0x306: {  	v7 =	vor.u32 $0x4, v5;
	v8 =	vor.u32 $0x5, v5  }
0x307: {  	v9 =	vshll.u32 v6, $0x18;
	v10 =	vshll.u32 v6, $0x10;
	v11 =	vshll.u32 v6, $0x8  }
0x308: {  	v9 =	vshra.s32 v9, $0x18;
	v10 =	vshra.s32 v10, $0x18;
	v11 =	vshra.s32 v11, $0x18  }
0x309: {  	v6 =	vshra.s32 v6, $0x18;
	v9 =	vcvt.s32.f32 v9;
	v10 =	vcvt.s32.f32 v10  }
0x30a: {  	v12 =	vor.u32 $0x6, v5;
	v6 =	vcvt.s32.f32 v6;
	v11 =	vcvt.s32.f32 v11  }
0x30b: {  	v13 =	vor.u32 $0x7, v5;
	v9 =	vmul.f32 v9, v4;
	v10 =	vmul.f32 v10, v4  }
0x30c: {  	v14 =	vor.u32 $0x2, v3;
	v6 =	vmul.f32 v6, v4;
	v11 =	vmul.f32 v11, v4  }
0x30d: {  	[tilespmem:v7+s23+$0x0] =	vst.idx.msk $0xffff, v9  }
0x30e: {  	[tilespmem:v8+s23+$0x0] =	vst.idx.msk $0xffff, v10  }
0x30f: {  	[tilespmem:v12+s23+$0x0] =	vst.idx.msk $0xffff, v11  }
0x310: {  	[tilespmem:v13+s23+$0x0] =	vst.idx.msk $0xffff, v6  }
0x311: {  	v6 =	vld.idx.msk [tilespmem:v14+s16+$0x0], $0xffff;
	_ =	sdelay $0x4  }
0x312: {  	v7 =	vor.u32 $0x8, v5;
	v8 =	vor.u32 $0x9, v5  }
0x313: {  	v9 =	vshll.u32 v6, $0x18;
	v10 =	vshll.u32 v6, $0x10;
	v11 =	vshll.u32 v6, $0x8  }
0x314: {  	v9 =	vshra.s32 v9, $0x18;
	v10 =	vshra.s32 v10, $0x18;
	v11 =	vshra.s32 v11, $0x18  }
0x315: {  	v6 =	vshra.s32 v6, $0x18;
	v9 =	vcvt.s32.f32 v9;
	v10 =	vcvt.s32.f32 v10  }
0x316: {  	v12 =	vor.u32 $0xA, v5;
	v6 =	vcvt.s32.f32 v6;
	v11 =	vcvt.s32.f32 v11  }
0x317: {  	v13 =	vor.u32 $0xB, v5;
	v9 =	vmul.f32 v9, v4;
	v10 =	vmul.f32 v10, v4  }
0x318: {  	v14 =	vor.u32 $0x3, v3;
	v6 =	vmul.f32 v6, v4;
	v11 =	vmul.f32 v11, v4  }
0x319: {  	[tilespmem:v7+s23+$0x0] =	vst.idx.msk $0xffff, v9  }
0x31a: {  	[tilespmem:v8+s23+$0x0] =	vst.idx.msk $0xffff, v10  }
0x31b: {  	[tilespmem:v12+s23+$0x0] =	vst.idx.msk $0xffff, v11  }
0x31c: {  	[tilespmem:v13+s23+$0x0] =	vst.idx.msk $0xffff, v6  }
0x31d: {  	v6 =	vld.idx.msk [tilespmem:v14+s16+$0x0], $0xffff;
	_ =	sdelay $0x4  }
0x31e: {  	v7 =	vor.u32 $0xC, v5;
	v8 =	vor.u32 $0xD, v5  }
0x31f: {  	v9 =	vshll.u32 v6, $0x18;
	v10 =	vshll.u32 v6, $0x10;
	v11 =	vshll.u32 v6, $0x8  }
0x320: {  	v9 =	vshra.s32 v9, $0x18;
	v10 =	vshra.s32 v10, $0x18;
	v11 =	vshra.s32 v11, $0x18  }
0x321: {  	v6 =	vshra.s32 v6, $0x18;
	v9 =	vcvt.s32.f32 v9;
	v10 =	vcvt.s32.f32 v10  }
0x322: {  	v12 =	vor.u32 $0xE, v5;
	v6 =	vcvt.s32.f32 v6;
	v11 =	vcvt.s32.f32 v11  }
0x323: {  	v13 =	vor.u32 $0xF, v5;
	v9 =	vmul.f32 v9, v4;
	v10 =	vmul.f32 v10, v4  }
0x324: {  	v14 =	vor.u32 $0x4, v3;
	v6 =	vmul.f32 v6, v4;
	v11 =	vmul.f32 v11, v4  }
0x325: {  	[tilespmem:v7+s23+$0x0] =	vst.idx.msk $0xffff, v9  }
0x326: {  	[tilespmem:v8+s23+$0x0] =	vst.idx.msk $0xffff, v10  }
0x327: {  	[tilespmem:v12+s23+$0x0] =	vst.idx.msk $0xffff, v11  }
0x328: {  	[tilespmem:v13+s23+$0x0] =	vst.idx.msk $0xffff, v6  }
0x329: {  	v6 =	vld.idx.msk [tilespmem:v14+s16+$0x0], $0xffff;
	_ =	sdelay $0x4  }
0x32a: {  	v7 =	vor.u32 $0x10, v5;
	v8 =	vor.u32 $0x11, v5  }
0x32b: {  	v9 =	vshll.u32 v6, $0x18;
	v10 =	vshll.u32 v6, $0x10;
	v11 =	vshll.u32 v6, $0x8  }
0x32c: {  	v9 =	vshra.s32 v9, $0x18;
	v10 =	vshra.s32 v10, $0x18;
	v11 =	vshra.s32 v11, $0x18  }
0x32d: {  	v6 =	vshra.s32 v6, $0x18;
	v9 =	vcvt.s32.f32 v9;
	v10 =	vcvt.s32.f32 v10  }
0x32e: {  	v12 =	vor.u32 $0x12, v5;
	v6 =	vcvt.s32.f32 v6;
	v11 =	vcvt.s32.f32 v11  }
0x32f: {  	v13 =	vor.u32 $0x13, v5;
	v9 =	vmul.f32 v9, v4;
	v10 =	vmul.f32 v10, v4  }
0x330: {  	v14 =	vor.u32 $0x5, v3;
	v6 =	vmul.f32 v6, v4;
	v11 =	vmul.f32 v11, v4  }
0x331: {  	[tilespmem:v7+s23+$0x0] =	vst.idx.msk $0xffff, v9  }
0x332: {  	[tilespmem:v8+s23+$0x0] =	vst.idx.msk $0xffff, v10  }
0x333: {  	[tilespmem:v12+s23+$0x0] =	vst.idx.msk $0xffff, v11  }
0x334: {  	[tilespmem:v13+s23+$0x0] =	vst.idx.msk $0xffff, v6  }
0x335: {  	v6 =	vld.idx.msk [tilespmem:v14+s16+$0x0], $0xffff;
	_ =	sdelay $0x4  }
0x336: {  	v7 =	vor.u32 $0x14, v5;
	v8 =	vor.u32 $0x15, v5  }
0x337: {  	v9 =	vshll.u32 v6, $0x18;
	v10 =	vshll.u32 v6, $0x10;
	v11 =	vshll.u32 v6, $0x8  }
0x338: {  	v9 =	vshra.s32 v9, $0x18;
	v10 =	vshra.s32 v10, $0x18;
	v11 =	vshra.s32 v11, $0x18  }
0x339: {  	v6 =	vshra.s32 v6, $0x18;
	v9 =	vcvt.s32.f32 v9;
	v10 =	vcvt.s32.f32 v10  }
0x33a: {  	v12 =	vor.u32 $0x16, v5;
	v6 =	vcvt.s32.f32 v6;
	v11 =	vcvt.s32.f32 v11  }
0x33b: {  	v13 =	vor.u32 $0x17, v5;
	v9 =	vmul.f32 v9, v4;
	v10 =	vmul.f32 v10, v4  }
0x33c: {  	v14 =	vor.u32 $0x6, v3;
	v6 =	vmul.f32 v6, v4;
	v11 =	vmul.f32 v11, v4  }
0x33d: {  	[tilespmem:v7+s23+$0x0] =	vst.idx.msk $0xffff, v9  }
0x33e: {  	[tilespmem:v8+s23+$0x0] =	vst.idx.msk $0xffff, v10  }
0x33f: {  	[tilespmem:v12+s23+$0x0] =	vst.idx.msk $0xffff, v11  }
0x340: {  	[tilespmem:v13+s23+$0x0] =	vst.idx.msk $0xffff, v6  }
0x341: {  	v6 =	vld.idx.msk [tilespmem:v14+s16+$0x0], $0xffff;
	_ =	sdelay $0x4  }
0x342: {  	v7 =	vor.u32 $0x18, v5;
	v9 =	vor.u32 $0x1A, v5;
	v8 =	vor.u32 $0x19, v5  }
0x343: {  	v10 =	vshll.u32 v6, $0x18;
	v11 =	vshll.u32 v6, $0x10;
	v12 =	vshll.u32 v6, $0x8  }
0x344: {  	v10 =	vshra.s32 v10, $0x18;
	v11 =	vshra.s32 v11, $0x18;
	v12 =	vshra.s32 v12, $0x18  }
0x345: {  	v6 =	vshra.s32 v6, $0x18;
	v10 =	vcvt.s32.f32 v10;
	v11 =	vcvt.s32.f32 v11  }
0x346: {  	v13 =	vor.u32 $0x1B, v5;
	v6 =	vcvt.s32.f32 v6;
	v12 =	vcvt.s32.f32 v12  }
0x347: {  	v3 =	vor.u32 $0x7, v3;
	v10 =	vmul.f32 v10, v4;
	v11 =	vmul.f32 v11, v4  }
0x348: {  	v6 =	vmul.f32 v6, v4;
	v12 =	vmul.f32 v12, v4  }
0x349: {  	[tilespmem:v7+s23+$0x0] =	vst.idx.msk $0xffff, v10  }
0x34a: {  	[tilespmem:v8+s23+$0x0] =	vst.idx.msk $0xffff, v11  }
0x34b: {  	[tilespmem:v9+s23+$0x0] =	vst.idx.msk $0xffff, v12  }
0x34c: {  	[tilespmem:v13+s23+$0x0] =	vst.idx.msk $0xffff, v6  }
0x34d: {  	v3 =	vld.idx.msk [tilespmem:v3+s16+$0x0], $0xffff;
	_ =	sdelay $0x3  }
0x34e: {  	v6 =	vor.u32 $0x1F, v5  }
0x34f: {  	v14 =	vor.u32 $0x1D, v5;
	v12 =	vor.u32 $0x1C, v5;
	v5 =	vor.u32 $0x1E, v5  }
0x350: {  	v7 =	vshll.u32 v3, $0x18;
	v8 =	vshll.u32 v3, $0x10;
	v9 =	vshll.u32 v3, $0x8  }
0x351: {  	v10 =	vshra.s32 v7, $0x18;
	v8 =	vshra.s32 v8, $0x18;
	v9 =	vshra.s32 v9, $0x18  }
0x352: {  	v7 =	vor.u32 s15, v0;
	v10 =	vcvt.s32.f32 v10;
	v11 =	vcvt.s32.f32 v8  }
.Ltmp4:
0x353: {  	v13 =	vshra.s32 v3, $0x18;
	v8 =	vmulhi.u32 $0x51EB851F, v7;
	v9 =	vcvt.s32.f32 v9;
	(pc) =	sbr.rel @p1 .LBB2_7-.Ltmp4, $4  }
0x354: {  	v13 =	vcvt.s32.f32 v13;
	v3 =	vshll.u32 v7, $0x3;
	v15 =	vmul.f32 v10, v4  }
0x355: {  	v8 =	vshrl.u32 v8, $0x4;
	v16 =	vmul.f32 v11, v4;
	v10 =	vmul.f32 v9, v4  }
0x356: {  	v9 =	vand.u32 v2, v7;
	v4 =	vmul.f32 v13, v4;
	v11 =	vmul.u32 $0xFFFFFFCE, v8;
	[tilespmem:v12+s23+$0x0] =	vst.idx.msk $0xffff, v15  }
0x357: {  	v13 =	vsub.s32 $0x0, v7;
	v12 =	vmov s15;
	[tilespmem:v14+s23+$0x0] =	vst.idx.msk $0xffff, v16  }
0x358: {  	_ =	sdelay $0x2  }
0x359: {  	vm0 =	veq.s32 v12, v0;
	vm1 =	vne.s32 v11, v13  }
0x35a: {  	[tilespmem:v5+s23+$0x0] =	vst.idx.msk $0xffff, v10;
	vm0 =	vmand vm0, vm1  }
0x35b: {  	[tilespmem:v6+s23+$0x0] =	vst.idx.msk $0xffff, v4;
	v4 =	vsel vm0, $0xFFFFFFFF, v1  }
0x35c: {  	v6 =	vld.idx.msk [tilespmem:v3+s16+$0x0], $0xffff;
	v4 =	vadd.s32 v4, v8  }
0x35d: {  	v5 =	vmul.u32 $0x7FFFFCE, v4;
	_ =	sdelay $0x1  }
0x35e: {  	v5 =	vadd.s32 v7, v5;
	v7 =	vmul.u32 $0x640, v4  }
0x35f: {  	v4 =	vld.idx.msk [tilespmem:v9+s17+$0x0], $0xffff;
	v5 =	vshll.u32 v5, $0x5  }
0x360: {  	v8 =	vshll.u32 v6, $0x18;
	v10 =	vshll.u32 v6, $0x8;
	v5 =	vadd.s32 v7, v5  }
0x361: {  	v7 =	vshll.u32 v6, $0x10;
	v8 =	vshra.s32 v8, $0x18;
	v10 =	vshra.s32 v10, $0x18  }
0x362: {  	v9 =	vor.u32 $0x1, v5;
	v8 =	vcvt.s32.f32 v8;
	v7 =	vshra.s32 v7, $0x18  }
0x363: {  	v6 =	vshra.s32 v6, $0x18;
	v11 =	vor.u32 $0x2, v5;
	v7 =	vcvt.s32.f32 v7  }
0x364: {  	v12 =	vor.u32 $0x3, v5;
	v10 =	vcvt.s32.f32 v10;
	v8 =	vmul.f32 v8, v4  }
0x365: {  	v13 =	vor.u32 $0x1, v3;
	v6 =	vcvt.s32.f32 v6;
	v7 =	vmul.f32 v7, v4  }
0x366: {  	[tilespmem:v5+s23+$0x0] =	vst.idx.msk $0xffff, v8;
	v8 =	vmul.f32 v10, v4  }
0x367: {  	v6 =	vmul.f32 v6, v4;
	[tilespmem:v9+s23+$0x0] =	vst.idx.msk $0xffff, v7  }
0x368: {  	[tilespmem:v11+s23+$0x0] =	vst.idx.msk $0xffff, v8  }
0x369: {  	[tilespmem:v12+s23+$0x0] =	vst.idx.msk $0xffff, v6  }
0x36a: {  	v6 =	vld.idx.msk [tilespmem:v13+s16+$0x0], $0xffff;
	_ =	sdelay $0x4  }
0x36b: {  	v7 =	vor.u32 $0x4, v5;
	v8 =	vor.u32 $0x5, v5;
	v9 =	vshll.u32 v6, $0x18  }
0x36c: {  	v12 =	vor.u32 $0x6, v5;
	v10 =	vshll.u32 v6, $0x10;
	v9 =	vshra.s32 v9, $0x18  }
0x36d: {  	v11 =	vshll.u32 v6, $0x8;
	v10 =	vshra.s32 v10, $0x18;
	v9 =	vcvt.s32.f32 v9  }
0x36e: {  	v13 =	vor.u32 $0x7, v5;
	v11 =	vshra.s32 v11, $0x18;
	v10 =	vcvt.s32.f32 v10  }
0x36f: {  	v6 =	vshra.s32 v6, $0x18;
	v11 =	vcvt.s32.f32 v11;
	v9 =	vmul.f32 v9, v4  }
0x370: {  	v14 =	vor.u32 $0x2, v3;
	v6 =	vcvt.s32.f32 v6;
	v10 =	vmul.f32 v10, v4  }
0x371: {  	v11 =	vmul.f32 v11, v4;
	[tilespmem:v7+s23+$0x0] =	vst.idx.msk $0xffff, v9  }
0x372: {  	v6 =	vmul.f32 v6, v4;
	[tilespmem:v8+s23+$0x0] =	vst.idx.msk $0xffff, v10  }
0x373: {  	[tilespmem:v12+s23+$0x0] =	vst.idx.msk $0xffff, v11  }
0x374: {  	[tilespmem:v13+s23+$0x0] =	vst.idx.msk $0xffff, v6  }
0x375: {  	v6 =	vld.idx.msk [tilespmem:v14+s16+$0x0], $0xffff;
	_ =	sdelay $0x4  }
0x376: {  	v7 =	vor.u32 $0x8, v5;
	v8 =	vor.u32 $0x9, v5;
	v9 =	vshll.u32 v6, $0x18  }
0x377: {  	v12 =	vor.u32 $0xA, v5;
	v10 =	vshll.u32 v6, $0x10;
	v9 =	vshra.s32 v9, $0x18  }
0x378: {  	v11 =	vshll.u32 v6, $0x8;
	v10 =	vshra.s32 v10, $0x18;
	v9 =	vcvt.s32.f32 v9  }
0x379: {  	v13 =	vor.u32 $0xB, v5;
	v11 =	vshra.s32 v11, $0x18;
	v10 =	vcvt.s32.f32 v10  }
0x37a: {  	v6 =	vshra.s32 v6, $0x18;
	v11 =	vcvt.s32.f32 v11;
	v9 =	vmul.f32 v9, v4  }
0x37b: {  	v14 =	vor.u32 $0x3, v3;
	v6 =	vcvt.s32.f32 v6;
	v10 =	vmul.f32 v10, v4  }
0x37c: {  	v11 =	vmul.f32 v11, v4;
	[tilespmem:v7+s23+$0x0] =	vst.idx.msk $0xffff, v9  }
0x37d: {  	v6 =	vmul.f32 v6, v4;
	[tilespmem:v8+s23+$0x0] =	vst.idx.msk $0xffff, v10  }
0x37e: {  	[tilespmem:v12+s23+$0x0] =	vst.idx.msk $0xffff, v11  }
0x37f: {  	[tilespmem:v13+s23+$0x0] =	vst.idx.msk $0xffff, v6  }
0x380: {  	v6 =	vld.idx.msk [tilespmem:v14+s16+$0x0], $0xffff;
	_ =	sdelay $0x4  }
0x381: {  	v7 =	vor.u32 $0xC, v5;
	v8 =	vor.u32 $0xD, v5;
	v9 =	vshll.u32 v6, $0x18  }
0x382: {  	v12 =	vor.u32 $0xE, v5;
	v10 =	vshll.u32 v6, $0x10;
	v9 =	vshra.s32 v9, $0x18  }
0x383: {  	v11 =	vshll.u32 v6, $0x8;
	v10 =	vshra.s32 v10, $0x18;
	v9 =	vcvt.s32.f32 v9  }
0x384: {  	v13 =	vor.u32 $0xF, v5;
	v11 =	vshra.s32 v11, $0x18;
	v10 =	vcvt.s32.f32 v10  }
0x385: {  	v6 =	vshra.s32 v6, $0x18;
	v11 =	vcvt.s32.f32 v11;
	v9 =	vmul.f32 v9, v4  }
0x386: {  	v14 =	vor.u32 $0x4, v3;
	v6 =	vcvt.s32.f32 v6;
	v10 =	vmul.f32 v10, v4  }
0x387: {  	v11 =	vmul.f32 v11, v4;
	[tilespmem:v7+s23+$0x0] =	vst.idx.msk $0xffff, v9  }
0x388: {  	v6 =	vmul.f32 v6, v4;
	[tilespmem:v8+s23+$0x0] =	vst.idx.msk $0xffff, v10  }
0x389: {  	[tilespmem:v12+s23+$0x0] =	vst.idx.msk $0xffff, v11  }
0x38a: {  	[tilespmem:v13+s23+$0x0] =	vst.idx.msk $0xffff, v6  }
0x38b: {  	v6 =	vld.idx.msk [tilespmem:v14+s16+$0x0], $0xffff;
	_ =	sdelay $0x4  }
0x38c: {  	v7 =	vor.u32 $0x10, v5;
	v8 =	vor.u32 $0x11, v5;
	v9 =	vshll.u32 v6, $0x18  }
0x38d: {  	v12 =	vor.u32 $0x12, v5;
	v10 =	vshll.u32 v6, $0x10;
	v9 =	vshra.s32 v9, $0x18  }
0x38e: {  	v11 =	vshll.u32 v6, $0x8;
	v10 =	vshra.s32 v10, $0x18;
	v9 =	vcvt.s32.f32 v9  }
0x38f: {  	v13 =	vor.u32 $0x13, v5;
	v11 =	vshra.s32 v11, $0x18;
	v10 =	vcvt.s32.f32 v10  }
0x390: {  	v6 =	vshra.s32 v6, $0x18;
	v11 =	vcvt.s32.f32 v11;
	v9 =	vmul.f32 v9, v4  }
0x391: {  	v14 =	vor.u32 $0x5, v3;
	v6 =	vcvt.s32.f32 v6;
	v10 =	vmul.f32 v10, v4  }
0x392: {  	v11 =	vmul.f32 v11, v4;
	[tilespmem:v7+s23+$0x0] =	vst.idx.msk $0xffff, v9  }
0x393: {  	v6 =	vmul.f32 v6, v4;
	[tilespmem:v8+s23+$0x0] =	vst.idx.msk $0xffff, v10  }
0x394: {  	[tilespmem:v12+s23+$0x0] =	vst.idx.msk $0xffff, v11  }
0x395: {  	[tilespmem:v13+s23+$0x0] =	vst.idx.msk $0xffff, v6  }
0x396: {  	v6 =	vld.idx.msk [tilespmem:v14+s16+$0x0], $0xffff;
	_ =	sdelay $0x4  }
0x397: {  	v7 =	vor.u32 $0x14, v5;
	v8 =	vor.u32 $0x15, v5;
	v9 =	vshll.u32 v6, $0x18  }
0x398: {  	v12 =	vor.u32 $0x16, v5;
	v10 =	vshll.u32 v6, $0x10;
	v9 =	vshra.s32 v9, $0x18  }
0x399: {  	v11 =	vshll.u32 v6, $0x8;
	v10 =	vshra.s32 v10, $0x18;
	v9 =	vcvt.s32.f32 v9  }
0x39a: {  	v13 =	vor.u32 $0x17, v5;
	v11 =	vshra.s32 v11, $0x18;
	v10 =	vcvt.s32.f32 v10  }
0x39b: {  	v6 =	vshra.s32 v6, $0x18;
	v11 =	vcvt.s32.f32 v11;
	v9 =	vmul.f32 v9, v4  }
0x39c: {  	v14 =	vor.u32 $0x6, v3;
	v6 =	vcvt.s32.f32 v6;
	v10 =	vmul.f32 v10, v4  }
0x39d: {  	v11 =	vmul.f32 v11, v4;
	[tilespmem:v7+s23+$0x0] =	vst.idx.msk $0xffff, v9  }
0x39e: {  	v6 =	vmul.f32 v6, v4;
	[tilespmem:v8+s23+$0x0] =	vst.idx.msk $0xffff, v10  }
0x39f: {  	[tilespmem:v12+s23+$0x0] =	vst.idx.msk $0xffff, v11  }
0x3a0: {  	[tilespmem:v13+s23+$0x0] =	vst.idx.msk $0xffff, v6  }
0x3a1: {  	v6 =	vld.idx.msk [tilespmem:v14+s16+$0x0], $0xffff;
	_ =	sdelay $0x4  }
0x3a2: {  	v7 =	vor.u32 $0x18, v5;
	v8 =	vor.u32 $0x19, v5;
	v9 =	vshll.u32 v6, $0x18  }
0x3a3: {  	v10 =	vor.u32 $0x1A, v5;
	v11 =	vshll.u32 v6, $0x10;
	v9 =	vshra.s32 v9, $0x18  }
0x3a4: {  	v12 =	vshll.u32 v6, $0x8;
	v11 =	vshra.s32 v11, $0x18;
	v9 =	vcvt.s32.f32 v9  }
0x3a5: {  	v13 =	vor.u32 $0x1B, v5;
	v12 =	vshra.s32 v12, $0x18;
	v11 =	vcvt.s32.f32 v11  }
0x3a6: {  	v6 =	vshra.s32 v6, $0x18;
	v12 =	vcvt.s32.f32 v12;
	v9 =	vmul.f32 v9, v4  }
0x3a7: {  	v3 =	vor.u32 $0x7, v3;
	v6 =	vcvt.s32.f32 v6;
	v11 =	vmul.f32 v11, v4  }
0x3a8: {  	v12 =	vmul.f32 v12, v4;
	[tilespmem:v7+s23+$0x0] =	vst.idx.msk $0xffff, v9  }
0x3a9: {  	v6 =	vmul.f32 v6, v4;
	[tilespmem:v8+s23+$0x0] =	vst.idx.msk $0xffff, v11  }
0x3aa: {  	[tilespmem:v10+s23+$0x0] =	vst.idx.msk $0xffff, v12  }
0x3ab: {  	[tilespmem:v13+s23+$0x0] =	vst.idx.msk $0xffff, v6  }
0x3ac: {  	v3 =	vld.idx.msk [tilespmem:v3+s16+$0x0], $0xffff;
	_ =	sdelay $0x4  }
0x3ad: {  	v7 =	vor.u32 $0x1C, v5;
	v9 =	vor.u32 $0x1D, v5;
	v8 =	vshll.u32 v3, $0x18  }
0x3ae: {  	v6 =	vor.u32 $0x1F, v5;
	v10 =	vshll.u32 v3, $0x10;
	v8 =	vshra.s32 v8, $0x18  }
0x3af: {  	v11 =	vshll.u32 v3, $0x8;
	v10 =	vshra.s32 v10, $0x18;
	v8 =	vcvt.s32.f32 v8  }
0x3b0: {  	v5 =	vor.u32 $0x1E, v5;
	v11 =	vshra.s32 v11, $0x18;
	v10 =	vcvt.s32.f32 v10  }
0x3b1: {  	v3 =	vshra.s32 v3, $0x18;
	v11 =	vcvt.s32.f32 v11;
	v8 =	vmul.f32 v8, v4  }
0x3b2: {  	v3 =	vcvt.s32.f32 v3;
	v10 =	vmul.f32 v10, v4  }
0x3b3: {  	v11 =	vmul.f32 v11, v4;
	[tilespmem:v7+s23+$0x0] =	vst.idx.msk $0xffff, v8  }
0x3b4: {  	v3 =	vmul.f32 v3, v4;
	[tilespmem:v9+s23+$0x0] =	vst.idx.msk $0xffff, v10  }
0x3b5: {  	[tilespmem:v5+s23+$0x0] =	vst.idx.msk $0xffff, v11  }
0x3b6: {  	s3 =	sadd.s32 $0xC80, s8;
	[tilespmem:v6+s23+$0x0] =	vst.idx.msk $0xffff, v3  }
0x3b7: {  	[hbm4b:s3+s4] =	stream.linear.scatter [tilespmem:s23], [sflag:$0x9], $0x3200, $0x38;
	[tilespmem:$0xB540] =	vst v63  }
0x3b8: {  	s9 =	simm.s32 @!p0 $0x3200;
	s3 =	sadd.s32 @!p0 $0x960, s7;
	s7 =	simm.s32 @!p0 $0x190  }
0x3b9: {  	[tilespmem:s9], [sflag:$0x3] =	stream.indirect.gather @!p0 [hbm4b:s5+s7], $0x8, s3, s7, $0xb8;
	[tilespmem:$0xB540] =	vst v63  }
0x3ba: {  	s9 =	simm.s32 @!p0 $0x4E20  }
0x3bb: {  	[tilespmem:s9], [sflag:$0x7] =	stream.indirect.gather @!p0 [hbm4b:s2+s7], $0x1, s3, s7, $0xb8;
	[tilespmem:$0xB540] =	vst v63  }
0x3bc: {  	s9 =	simm.s32 $0x0  }
0x3bd: {  	_ =	swait.ge [sflag:s31], $0xC80;
	v4 =	vor.u32 s9, v0  }
0x3be: {  	[sflag:s31] =	ssyncset.done $0x0;
	v3 =	vmulhi.u32 $0x51EB851F, v4  }
0x3bf: {  	[sflag:s31] =	ssyncadd.s32 $0xFFFFF380  }
0x3c0: {  	_ =	swait.ge [sflag:s1], $0x190;
	v5 =	vshrl.u32 v3, $0x4  }
0x3c1: {  	v3 =	vshll.u32 v4, $0x3;
	[sflag:s1] =	ssyncset.done $0x0;
	v6 =	vmul.u32 $0xFFFFFFCE, v5  }
0x3c2: {  	v7 =	vmov s9;
	v8 =	vsub.s32 $0x0, v4;
	[sflag:s1] =	ssyncadd.s32 $0xFFFFFE70  }
0x3c3: {  	vm14 =	veq.s32 v7, v0;
	_ =	swait.ge [sflag:s0], $0x3200;
	vm15 =	vne.s32 v6, v8  }
0x3c4: {  	[sflag:s0] =	ssyncset.done $0x0;
	vm0 =	vmand vm14, vm15  }
0x3c5: {  	v6 =	vand.u32 v2, v4;
	[sflag:s0] =	ssyncadd.s32 $0xFFFFCE00;
	v7 =	vsel vm0, $0xFFFFFFFF, v1  }
0x3c6: {  	v8 =	vld.idx.msk [tilespmem:v3+s19+$0x0], $0xffff;
	v5 =	vadd.s32 v7, v5  }
0x3c7: {  	v7 =	vmul.u32 $0x7FFFFCE, v5;
	_ =	sdelay $0x1  }
0x3c8: {  	v5 =	vmul.u32 $0x640, v5;
	v7 =	vadd.s32 v4, v7  }
0x3c9: {  	v4 =	vld.idx.msk [tilespmem:v6+s20+$0x0], $0xffff;
	v6 =	vshll.u32 v7, $0x5  }
0x3ca: {  	v7 =	vshll.u32 v8, $0x18;
	v5 =	vadd.s32 v5, v6;
	v6 =	vshll.u32 v8, $0x10  }
0x3cb: {  	v10 =	vshll.u32 v8, $0x8;
	v8 =	vshra.s32 v8, $0x18;
	v7 =	vshra.s32 v7, $0x18  }
0x3cc: {  	v9 =	vor.u32 $0x1, v5;
	v6 =	vshra.s32 v6, $0x18;
	v7 =	vcvt.s32.f32 v7  }
0x3cd: {  	v11 =	vor.u32 $0x2, v5;
	v10 =	vshra.s32 v10, $0x18;
	v6 =	vcvt.s32.f32 v6  }
0x3ce: {  	v12 =	vor.u32 $0x3, v5;
	v10 =	vcvt.s32.f32 v10;
	v7 =	vmul.f32 v7, v4  }
0x3cf: {  	v13 =	vor.u32 $0x1, v3;
	v8 =	vcvt.s32.f32 v8;
	v6 =	vmul.f32 v6, v4  }
0x3d0: {  	[tilespmem:v5+s26+$0x0] =	vst.idx.msk $0xffff, v7;
	v7 =	vmul.f32 v10, v4  }
0x3d1: {  	[tilespmem:v9+s26+$0x0] =	vst.idx.msk $0xffff, v6;
	v6 =	vmul.f32 v8, v4  }
0x3d2: {  	[tilespmem:v11+s26+$0x0] =	vst.idx.msk $0xffff, v7  }
0x3d3: {  	[tilespmem:v12+s26+$0x0] =	vst.idx.msk $0xffff, v6  }
0x3d4: {  	v6 =	vld.idx.msk [tilespmem:v13+s19+$0x0], $0xffff;
	_ =	sdelay $0x4  }
0x3d5: {  	v8 =	vor.u32 $0x5, v5;
	v7 =	vor.u32 $0x4, v5;
	v9 =	vshll.u32 v6, $0x18  }
0x3d6: {  	v12 =	vor.u32 $0x6, v5;
	v10 =	vshll.u32 v6, $0x10;
	v9 =	vshra.s32 v9, $0x18  }
0x3d7: {  	v11 =	vshll.u32 v6, $0x8;
	v10 =	vshra.s32 v10, $0x18;
	v9 =	vcvt.s32.f32 v9  }
0x3d8: {  	v13 =	vor.u32 $0x7, v5;
	v11 =	vshra.s32 v11, $0x18;
	v10 =	vcvt.s32.f32 v10  }
0x3d9: {  	v6 =	vshra.s32 v6, $0x18;
	v11 =	vcvt.s32.f32 v11;
	v9 =	vmul.f32 v9, v4  }
0x3da: {  	v14 =	vor.u32 $0x2, v3;
	v6 =	vcvt.s32.f32 v6;
	v10 =	vmul.f32 v10, v4  }
0x3db: {  	v11 =	vmul.f32 v11, v4;
	[tilespmem:v7+s26+$0x0] =	vst.idx.msk $0xffff, v9  }
0x3dc: {  	v6 =	vmul.f32 v6, v4;
	[tilespmem:v8+s26+$0x0] =	vst.idx.msk $0xffff, v10  }
0x3dd: {  	[tilespmem:v12+s26+$0x0] =	vst.idx.msk $0xffff, v11  }
0x3de: {  	[tilespmem:v13+s26+$0x0] =	vst.idx.msk $0xffff, v6  }
0x3df: {  	v6 =	vld.idx.msk [tilespmem:v14+s19+$0x0], $0xffff;
	_ =	sdelay $0x4  }
0x3e0: {  	v7 =	vor.u32 $0x8, v5;
	v8 =	vor.u32 $0x9, v5;
	v9 =	vshll.u32 v6, $0x18  }
0x3e1: {  	v12 =	vor.u32 $0xA, v5;
	v10 =	vshll.u32 v6, $0x10;
	v9 =	vshra.s32 v9, $0x18  }
0x3e2: {  	v11 =	vshll.u32 v6, $0x8;
	v10 =	vshra.s32 v10, $0x18;
	v9 =	vcvt.s32.f32 v9  }
0x3e3: {  	v13 =	vor.u32 $0xB, v5;
	v11 =	vshra.s32 v11, $0x18;
	v10 =	vcvt.s32.f32 v10  }
0x3e4: {  	v6 =	vshra.s32 v6, $0x18;
	v11 =	vcvt.s32.f32 v11;
	v9 =	vmul.f32 v9, v4  }
0x3e5: {  	v14 =	vor.u32 $0x3, v3;
	v6 =	vcvt.s32.f32 v6;
	v10 =	vmul.f32 v10, v4  }
0x3e6: {  	v11 =	vmul.f32 v11, v4;
	[tilespmem:v7+s26+$0x0] =	vst.idx.msk $0xffff, v9  }
0x3e7: {  	v6 =	vmul.f32 v6, v4;
	[tilespmem:v8+s26+$0x0] =	vst.idx.msk $0xffff, v10  }
0x3e8: {  	[tilespmem:v12+s26+$0x0] =	vst.idx.msk $0xffff, v11  }
0x3e9: {  	[tilespmem:v13+s26+$0x0] =	vst.idx.msk $0xffff, v6  }
0x3ea: {  	v6 =	vld.idx.msk [tilespmem:v14+s19+$0x0], $0xffff;
	_ =	sdelay $0x4  }
0x3eb: {  	v7 =	vor.u32 $0xC, v5;
	v8 =	vor.u32 $0xD, v5;
	v9 =	vshll.u32 v6, $0x18  }
0x3ec: {  	v12 =	vor.u32 $0xE, v5;
	v10 =	vshll.u32 v6, $0x10;
	v9 =	vshra.s32 v9, $0x18  }
0x3ed: {  	v11 =	vshll.u32 v6, $0x8;
	v10 =	vshra.s32 v10, $0x18;
	v9 =	vcvt.s32.f32 v9  }
0x3ee: {  	v13 =	vor.u32 $0xF, v5;
	v11 =	vshra.s32 v11, $0x18;
	v10 =	vcvt.s32.f32 v10  }
0x3ef: {  	v6 =	vshra.s32 v6, $0x18;
	v11 =	vcvt.s32.f32 v11;
	v9 =	vmul.f32 v9, v4  }
0x3f0: {  	v14 =	vor.u32 $0x4, v3;
	v6 =	vcvt.s32.f32 v6;
	v10 =	vmul.f32 v10, v4  }
0x3f1: {  	v11 =	vmul.f32 v11, v4;
	[tilespmem:v7+s26+$0x0] =	vst.idx.msk $0xffff, v9  }
0x3f2: {  	v6 =	vmul.f32 v6, v4;
	[tilespmem:v8+s26+$0x0] =	vst.idx.msk $0xffff, v10  }
0x3f3: {  	[tilespmem:v12+s26+$0x0] =	vst.idx.msk $0xffff, v11  }
0x3f4: {  	[tilespmem:v13+s26+$0x0] =	vst.idx.msk $0xffff, v6  }
0x3f5: {  	v6 =	vld.idx.msk [tilespmem:v14+s19+$0x0], $0xffff;
	_ =	sdelay $0x4  }
0x3f6: {  	v7 =	vor.u32 $0x10, v5;
	v8 =	vor.u32 $0x11, v5;
	v9 =	vshll.u32 v6, $0x18  }
0x3f7: {  	v12 =	vor.u32 $0x12, v5;
	v10 =	vshll.u32 v6, $0x10;
	v9 =	vshra.s32 v9, $0x18  }
0x3f8: {  	v11 =	vshll.u32 v6, $0x8;
	v10 =	vshra.s32 v10, $0x18;
	v9 =	vcvt.s32.f32 v9  }
0x3f9: {  	v13 =	vor.u32 $0x13, v5;
	v11 =	vshra.s32 v11, $0x18;
	v10 =	vcvt.s32.f32 v10  }
0x3fa: {  	v6 =	vshra.s32 v6, $0x18;
	v11 =	vcvt.s32.f32 v11;
	v9 =	vmul.f32 v9, v4  }
0x3fb: {  	v14 =	vor.u32 $0x5, v3;
	v6 =	vcvt.s32.f32 v6;
	v10 =	vmul.f32 v10, v4  }
0x3fc: {  	v11 =	vmul.f32 v11, v4;
	[tilespmem:v7+s26+$0x0] =	vst.idx.msk $0xffff, v9  }
0x3fd: {  	v6 =	vmul.f32 v6, v4;
	[tilespmem:v8+s26+$0x0] =	vst.idx.msk $0xffff, v10  }
0x3fe: {  	[tilespmem:v12+s26+$0x0] =	vst.idx.msk $0xffff, v11  }
0x3ff: {  	[tilespmem:v13+s26+$0x0] =	vst.idx.msk $0xffff, v6  }
0x400: {  	v6 =	vld.idx.msk [tilespmem:v14+s19+$0x0], $0xffff;
	_ =	sdelay $0x4  }
0x401: {  	v7 =	vor.u32 $0x14, v5;
	v8 =	vor.u32 $0x15, v5;
	v9 =	vshll.u32 v6, $0x18  }
0x402: {  	v12 =	vor.u32 $0x16, v5;
	v10 =	vshll.u32 v6, $0x10;
	v9 =	vshra.s32 v9, $0x18  }
0x403: {  	v11 =	vshll.u32 v6, $0x8;
	v10 =	vshra.s32 v10, $0x18;
	v9 =	vcvt.s32.f32 v9  }
0x404: {  	v13 =	vor.u32 $0x17, v5;
	v11 =	vshra.s32 v11, $0x18;
	v10 =	vcvt.s32.f32 v10  }
0x405: {  	v6 =	vshra.s32 v6, $0x18;
	v11 =	vcvt.s32.f32 v11;
	v9 =	vmul.f32 v9, v4  }
0x406: {  	v14 =	vor.u32 $0x6, v3;
	v6 =	vcvt.s32.f32 v6;
	v10 =	vmul.f32 v10, v4  }
0x407: {  	v11 =	vmul.f32 v11, v4;
	[tilespmem:v7+s26+$0x0] =	vst.idx.msk $0xffff, v9  }
0x408: {  	v6 =	vmul.f32 v6, v4;
	[tilespmem:v8+s26+$0x0] =	vst.idx.msk $0xffff, v10  }
0x409: {  	[tilespmem:v12+s26+$0x0] =	vst.idx.msk $0xffff, v11  }
0x40a: {  	[tilespmem:v13+s26+$0x0] =	vst.idx.msk $0xffff, v6  }
0x40b: {  	v6 =	vld.idx.msk [tilespmem:v14+s19+$0x0], $0xffff;
	_ =	sdelay $0x4  }
0x40c: {  	v7 =	vor.u32 $0x18, v5;
	v8 =	vor.u32 $0x19, v5;
	v9 =	vshll.u32 v6, $0x18  }
0x40d: {  	v10 =	vor.u32 $0x1A, v5;
	v11 =	vshll.u32 v6, $0x10;
	v9 =	vshra.s32 v9, $0x18  }
0x40e: {  	v12 =	vshll.u32 v6, $0x8;
	v11 =	vshra.s32 v11, $0x18;
	v9 =	vcvt.s32.f32 v9  }
0x40f: {  	v13 =	vor.u32 $0x1B, v5;
	v12 =	vshra.s32 v12, $0x18;
	v11 =	vcvt.s32.f32 v11  }
0x410: {  	v6 =	vshra.s32 v6, $0x18;
	v12 =	vcvt.s32.f32 v12;
	v9 =	vmul.f32 v9, v4  }
0x411: {  	v3 =	vor.u32 $0x7, v3;
	v6 =	vcvt.s32.f32 v6;
	v11 =	vmul.f32 v11, v4  }
0x412: {  	v12 =	vmul.f32 v12, v4;
	[tilespmem:v7+s26+$0x0] =	vst.idx.msk $0xffff, v9  }
0x413: {  	v6 =	vmul.f32 v6, v4;
	[tilespmem:v8+s26+$0x0] =	vst.idx.msk $0xffff, v11  }
0x414: {  	[tilespmem:v10+s26+$0x0] =	vst.idx.msk $0xffff, v12  }
0x415: {  	[tilespmem:v13+s26+$0x0] =	vst.idx.msk $0xffff, v6  }
0x416: {  	v3 =	vld.idx.msk [tilespmem:v3+s19+$0x0], $0xffff;
	_ =	sdelay $0x2  }
0x417: {  	v14 =	vor.u32 $0x1D, v5  }
0x418: {  	v12 =	vor.u32 $0x1C, v5;
	v6 =	vor.u32 $0x1F, v5;
	v5 =	vor.u32 $0x1E, v5  }
0x419: {  	v7 =	vshll.u32 v3, $0x18;
	v8 =	vshll.u32 v3, $0x10;
	v9 =	vshll.u32 v3, $0x8  }
0x41a: {  	s15 =	simm.s32 $0x10;
	v13 =	vshra.s32 v3, $0x18;
	v10 =	vshra.s32 v7, $0x18;
	v8 =	vshra.s32 v8, $0x18  }
0x41b: {  	v7 =	vor.u32 s15, v0;
	v13 =	vcvt.s32.f32 v13;
	v10 =	vcvt.s32.f32 v10  }
0x41c: {  	v9 =	vshra.s32 v9, $0x18;
	v11 =	vcvt.s32.f32 v8;
	v8 =	vmulhi.u32 $0x51EB851F, v7  }
0x41d: {  	v9 =	vcvt.s32.f32 v9;
	v15 =	vmul.f32 v10, v4  }
0x41e: {  	v3 =	vshll.u32 v7, $0x3;
	v8 =	vshrl.u32 v8, $0x4;
	v16 =	vmul.f32 v11, v4  }
0x41f: {  	v10 =	vmul.f32 v9, v4;
	v9 =	vand.u32 v2, v7;
	v11 =	vmul.u32 $0xFFFFFFCE, v8;
	[tilespmem:v12+s26+$0x0] =	vst.idx.msk $0xffff, v15  }
0x420: {  	s7 =	simm.s32 $0x20;
	v4 =	vmul.f32 v13, v4;
	v13 =	vsub.s32 $0x0, v7;
	v12 =	vmov s15;
	[tilespmem:v14+s26+$0x0] =	vst.idx.msk $0xffff, v16  }
.LBB2_9:
0x421: {  	p1 =	sne.s32 s7, $0x180;
	vm0 =	veq.s32 v12, v0;
	vm1 =	vne.s32 v11, v13;
	[tilespmem:v5+s26+$0x0] =	vst.idx.msk $0xffff, v10;
	s9 =	smov.u32 s7;
	s7 =	sadd.s32 $0x10, s7  }
0x422: {  	vm0 =	vmand vm0, vm1;
	[tilespmem:v6+s26+$0x0] =	vst.idx.msk $0xffff, v4  }
0x423: {  	v4 =	vsel vm0, $0xFFFFFFFF, v1;
	v6 =	vld.idx.msk [tilespmem:v3+s19+$0x0], $0xffff  }
0x424: {  	v5 =	vadd.s32 v4, v8  }
0x425: {  	v8 =	vmul.u32 $0x7FFFFCE, v5  }
0x426: {  	v4 =	vld.idx.msk [tilespmem:v9+s20+$0x0], $0xffff  }
0x427: {  	v5 =	vmul.u32 $0x640, v5;
	v7 =	vadd.s32 v7, v8  }
0x428: {  	v7 =	vshll.u32 v7, $0x5  }
0x429: {  	v8 =	vshll.u32 v6, $0x18;
	v5 =	vadd.s32 v5, v7;
	v7 =	vshll.u32 v6, $0x10  }
0x42a: {  	v10 =	vshll.u32 v6, $0x8;
	v8 =	vshra.s32 v8, $0x18;
	v9 =	vor.u32 $0x1, v5  }
0x42b: {  	v8 =	vcvt.s32.f32 v8;
	v7 =	vshra.s32 v7, $0x18;
	v11 =	vor.u32 $0x2, v5  }
0x42c: {  	v10 =	vshra.s32 v10, $0x18;
	v12 =	vor.u32 $0x3, v5;
	v7 =	vcvt.s32.f32 v7  }
0x42d: {  	v6 =	vshra.s32 v6, $0x18;
	v10 =	vcvt.s32.f32 v10;
	v8 =	vmul.f32 v8, v4  }
0x42e: {  	v13 =	vor.u32 $0x1, v3;
	v6 =	vcvt.s32.f32 v6;
	v7 =	vmul.f32 v7, v4  }
0x42f: {  	[tilespmem:v5+s26+$0x0] =	vst.idx.msk $0xffff, v8;
	v8 =	vmul.f32 v10, v4  }
0x430: {  	v6 =	vmul.f32 v6, v4;
	[tilespmem:v9+s26+$0x0] =	vst.idx.msk $0xffff, v7  }
0x431: {  	[tilespmem:v11+s26+$0x0] =	vst.idx.msk $0xffff, v8  }
0x432: {  	[tilespmem:v12+s26+$0x0] =	vst.idx.msk $0xffff, v6  }
0x433: {  	v6 =	vld.idx.msk [tilespmem:v13+s19+$0x0], $0xffff;
	_ =	sdelay $0x4  }
0x434: {  	v7 =	vor.u32 $0x4, v5;
	v8 =	vor.u32 $0x5, v5  }
0x435: {  	v9 =	vshll.u32 v6, $0x18;
	v10 =	vshll.u32 v6, $0x10;
	v11 =	vshll.u32 v6, $0x8  }
0x436: {  	v9 =	vshra.s32 v9, $0x18;
	v10 =	vshra.s32 v10, $0x18;
	v11 =	vshra.s32 v11, $0x18  }
0x437: {  	v6 =	vshra.s32 v6, $0x18;
	v9 =	vcvt.s32.f32 v9;
	v10 =	vcvt.s32.f32 v10  }
0x438: {  	v12 =	vor.u32 $0x6, v5;
	v6 =	vcvt.s32.f32 v6;
	v11 =	vcvt.s32.f32 v11  }
0x439: {  	v13 =	vor.u32 $0x7, v5;
	v9 =	vmul.f32 v9, v4;
	v10 =	vmul.f32 v10, v4  }
0x43a: {  	v14 =	vor.u32 $0x2, v3;
	v6 =	vmul.f32 v6, v4;
	v11 =	vmul.f32 v11, v4  }
0x43b: {  	[tilespmem:v7+s26+$0x0] =	vst.idx.msk $0xffff, v9  }
0x43c: {  	[tilespmem:v8+s26+$0x0] =	vst.idx.msk $0xffff, v10  }
0x43d: {  	[tilespmem:v12+s26+$0x0] =	vst.idx.msk $0xffff, v11  }
0x43e: {  	[tilespmem:v13+s26+$0x0] =	vst.idx.msk $0xffff, v6  }
0x43f: {  	v6 =	vld.idx.msk [tilespmem:v14+s19+$0x0], $0xffff;
	_ =	sdelay $0x4  }
0x440: {  	v7 =	vor.u32 $0x8, v5;
	v8 =	vor.u32 $0x9, v5  }
0x441: {  	v9 =	vshll.u32 v6, $0x18;
	v10 =	vshll.u32 v6, $0x10;
	v11 =	vshll.u32 v6, $0x8  }
0x442: {  	v9 =	vshra.s32 v9, $0x18;
	v10 =	vshra.s32 v10, $0x18;
	v11 =	vshra.s32 v11, $0x18  }
0x443: {  	v6 =	vshra.s32 v6, $0x18;
	v9 =	vcvt.s32.f32 v9;
	v10 =	vcvt.s32.f32 v10  }
0x444: {  	v12 =	vor.u32 $0xA, v5;
	v6 =	vcvt.s32.f32 v6;
	v11 =	vcvt.s32.f32 v11  }
0x445: {  	v13 =	vor.u32 $0xB, v5;
	v9 =	vmul.f32 v9, v4;
	v10 =	vmul.f32 v10, v4  }
0x446: {  	v14 =	vor.u32 $0x3, v3;
	v6 =	vmul.f32 v6, v4;
	v11 =	vmul.f32 v11, v4  }
0x447: {  	[tilespmem:v7+s26+$0x0] =	vst.idx.msk $0xffff, v9  }
0x448: {  	[tilespmem:v8+s26+$0x0] =	vst.idx.msk $0xffff, v10  }
0x449: {  	[tilespmem:v12+s26+$0x0] =	vst.idx.msk $0xffff, v11  }
0x44a: {  	[tilespmem:v13+s26+$0x0] =	vst.idx.msk $0xffff, v6  }
0x44b: {  	v6 =	vld.idx.msk [tilespmem:v14+s19+$0x0], $0xffff;
	_ =	sdelay $0x4  }
0x44c: {  	v7 =	vor.u32 $0xC, v5;
	v8 =	vor.u32 $0xD, v5  }
0x44d: {  	v9 =	vshll.u32 v6, $0x18;
	v10 =	vshll.u32 v6, $0x10;
	v11 =	vshll.u32 v6, $0x8  }
0x44e: {  	v9 =	vshra.s32 v9, $0x18;
	v10 =	vshra.s32 v10, $0x18;
	v11 =	vshra.s32 v11, $0x18  }
0x44f: {  	v6 =	vshra.s32 v6, $0x18;
	v9 =	vcvt.s32.f32 v9;
	v10 =	vcvt.s32.f32 v10  }
0x450: {  	v12 =	vor.u32 $0xE, v5;
	v6 =	vcvt.s32.f32 v6;
	v11 =	vcvt.s32.f32 v11  }
0x451: {  	v13 =	vor.u32 $0xF, v5;
	v9 =	vmul.f32 v9, v4;
	v10 =	vmul.f32 v10, v4  }
0x452: {  	v14 =	vor.u32 $0x4, v3;
	v6 =	vmul.f32 v6, v4;
	v11 =	vmul.f32 v11, v4  }
0x453: {  	[tilespmem:v7+s26+$0x0] =	vst.idx.msk $0xffff, v9  }
0x454: {  	[tilespmem:v8+s26+$0x0] =	vst.idx.msk $0xffff, v10  }
0x455: {  	[tilespmem:v12+s26+$0x0] =	vst.idx.msk $0xffff, v11  }
0x456: {  	[tilespmem:v13+s26+$0x0] =	vst.idx.msk $0xffff, v6  }
0x457: {  	v6 =	vld.idx.msk [tilespmem:v14+s19+$0x0], $0xffff;
	_ =	sdelay $0x4  }
0x458: {  	v7 =	vor.u32 $0x10, v5;
	v8 =	vor.u32 $0x11, v5  }
0x459: {  	v9 =	vshll.u32 v6, $0x18;
	v10 =	vshll.u32 v6, $0x10;
	v11 =	vshll.u32 v6, $0x8  }
0x45a: {  	v9 =	vshra.s32 v9, $0x18;
	v10 =	vshra.s32 v10, $0x18;
	v11 =	vshra.s32 v11, $0x18  }
0x45b: {  	v6 =	vshra.s32 v6, $0x18;
	v9 =	vcvt.s32.f32 v9;
	v10 =	vcvt.s32.f32 v10  }
0x45c: {  	v12 =	vor.u32 $0x12, v5;
	v6 =	vcvt.s32.f32 v6;
	v11 =	vcvt.s32.f32 v11  }
0x45d: {  	v13 =	vor.u32 $0x13, v5;
	v9 =	vmul.f32 v9, v4;
	v10 =	vmul.f32 v10, v4  }
0x45e: {  	v14 =	vor.u32 $0x5, v3;
	v6 =	vmul.f32 v6, v4;
	v11 =	vmul.f32 v11, v4  }
0x45f: {  	[tilespmem:v7+s26+$0x0] =	vst.idx.msk $0xffff, v9  }
0x460: {  	[tilespmem:v8+s26+$0x0] =	vst.idx.msk $0xffff, v10  }
0x461: {  	[tilespmem:v12+s26+$0x0] =	vst.idx.msk $0xffff, v11  }
0x462: {  	[tilespmem:v13+s26+$0x0] =	vst.idx.msk $0xffff, v6  }
0x463: {  	v6 =	vld.idx.msk [tilespmem:v14+s19+$0x0], $0xffff;
	_ =	sdelay $0x4  }
0x464: {  	v7 =	vor.u32 $0x14, v5;
	v8 =	vor.u32 $0x15, v5  }
0x465: {  	v9 =	vshll.u32 v6, $0x18;
	v10 =	vshll.u32 v6, $0x10;
	v11 =	vshll.u32 v6, $0x8  }
0x466: {  	v9 =	vshra.s32 v9, $0x18;
	v10 =	vshra.s32 v10, $0x18;
	v11 =	vshra.s32 v11, $0x18  }
0x467: {  	v6 =	vshra.s32 v6, $0x18;
	v9 =	vcvt.s32.f32 v9;
	v10 =	vcvt.s32.f32 v10  }
0x468: {  	v12 =	vor.u32 $0x16, v5;
	v6 =	vcvt.s32.f32 v6;
	v11 =	vcvt.s32.f32 v11  }
0x469: {  	v13 =	vor.u32 $0x17, v5;
	v9 =	vmul.f32 v9, v4;
	v10 =	vmul.f32 v10, v4  }
0x46a: {  	v14 =	vor.u32 $0x6, v3;
	v6 =	vmul.f32 v6, v4;
	v11 =	vmul.f32 v11, v4  }
0x46b: {  	[tilespmem:v7+s26+$0x0] =	vst.idx.msk $0xffff, v9  }
0x46c: {  	[tilespmem:v8+s26+$0x0] =	vst.idx.msk $0xffff, v10  }
0x46d: {  	[tilespmem:v12+s26+$0x0] =	vst.idx.msk $0xffff, v11  }
0x46e: {  	[tilespmem:v13+s26+$0x0] =	vst.idx.msk $0xffff, v6  }
0x46f: {  	v6 =	vld.idx.msk [tilespmem:v14+s19+$0x0], $0xffff;
	_ =	sdelay $0x4  }
0x470: {  	v7 =	vor.u32 $0x18, v5;
	v9 =	vor.u32 $0x1A, v5;
	v8 =	vor.u32 $0x19, v5  }
0x471: {  	v10 =	vshll.u32 v6, $0x18;
	v11 =	vshll.u32 v6, $0x10;
	v12 =	vshll.u32 v6, $0x8  }
0x472: {  	v10 =	vshra.s32 v10, $0x18;
	v11 =	vshra.s32 v11, $0x18;
	v12 =	vshra.s32 v12, $0x18  }
0x473: {  	v6 =	vshra.s32 v6, $0x18;
	v10 =	vcvt.s32.f32 v10;
	v11 =	vcvt.s32.f32 v11  }
0x474: {  	v13 =	vor.u32 $0x1B, v5;
	v6 =	vcvt.s32.f32 v6;
	v12 =	vcvt.s32.f32 v12  }
0x475: {  	v3 =	vor.u32 $0x7, v3;
	v10 =	vmul.f32 v10, v4;
	v11 =	vmul.f32 v11, v4  }
0x476: {  	v6 =	vmul.f32 v6, v4;
	v12 =	vmul.f32 v12, v4  }
0x477: {  	[tilespmem:v7+s26+$0x0] =	vst.idx.msk $0xffff, v10  }
0x478: {  	[tilespmem:v8+s26+$0x0] =	vst.idx.msk $0xffff, v11  }
0x479: {  	[tilespmem:v9+s26+$0x0] =	vst.idx.msk $0xffff, v12  }
0x47a: {  	[tilespmem:v13+s26+$0x0] =	vst.idx.msk $0xffff, v6  }
0x47b: {  	v3 =	vld.idx.msk [tilespmem:v3+s19+$0x0], $0xffff;
	_ =	sdelay $0x3  }
0x47c: {  	v6 =	vor.u32 $0x1F, v5  }
0x47d: {  	v14 =	vor.u32 $0x1D, v5;
	v12 =	vor.u32 $0x1C, v5;
	v5 =	vor.u32 $0x1E, v5  }
0x47e: {  	v7 =	vshll.u32 v3, $0x18;
	v8 =	vshll.u32 v3, $0x10;
	v9 =	vshll.u32 v3, $0x8  }
0x47f: {  	v10 =	vshra.s32 v7, $0x18;
	v8 =	vshra.s32 v8, $0x18;
	v9 =	vshra.s32 v9, $0x18  }
0x480: {  	v7 =	vor.u32 s9, v0;
	v10 =	vcvt.s32.f32 v10;
	v11 =	vcvt.s32.f32 v8  }
.Ltmp5:
0x481: {  	v13 =	vshra.s32 v3, $0x18;
	v8 =	vmulhi.u32 $0x51EB851F, v7;
	v9 =	vcvt.s32.f32 v9;
	(pc) =	sbr.rel @p1 .LBB2_9-.Ltmp5, $4  }
0x482: {  	v13 =	vcvt.s32.f32 v13;
	v3 =	vshll.u32 v7, $0x3;
	v15 =	vmul.f32 v10, v4  }
0x483: {  	v8 =	vshrl.u32 v8, $0x4;
	v16 =	vmul.f32 v11, v4;
	v10 =	vmul.f32 v9, v4  }
0x484: {  	v9 =	vand.u32 v2, v7;
	v4 =	vmul.f32 v13, v4;
	v11 =	vmul.u32 $0xFFFFFFCE, v8;
	[tilespmem:v12+s26+$0x0] =	vst.idx.msk $0xffff, v15  }
0x485: {  	v13 =	vsub.s32 $0x0, v7;
	v12 =	vmov s9;
	[tilespmem:v14+s26+$0x0] =	vst.idx.msk $0xffff, v16  }
0x486: {  	_ =	sdelay $0x2  }
0x487: {  	vm0 =	veq.s32 v12, v0;
	vm1 =	vne.s32 v11, v13  }
0x488: {  	[tilespmem:v5+s26+$0x0] =	vst.idx.msk $0xffff, v10;
	vm0 =	vmand vm0, vm1  }
0x489: {  	[tilespmem:v6+s26+$0x0] =	vst.idx.msk $0xffff, v4;
	v51 =	vsel vm0, $0xFFFFFFFF, v1  }
0x48a: {  	v6 =	vld.idx.msk [tilespmem:v3+s19+$0x0], $0xffff;
	v4 =	vadd.s32 v51, v8  }
0x48b: {  	v52 =	vmul.u32 $0x7FFFFCE, v4;
	_ =	sdelay $0x1  }
0x48c: {  	v5 =	vadd.s32 v7, v52  }
0x48d: {  	v53 =	vmul.u32 $0x640, v4;
	v4 =	vld.idx.msk [tilespmem:v9+s20+$0x0], $0xffff;
	v5 =	vshll.u32 v5, $0x5  }
0x48e: {  	v54 =	vshll.u32 v6, $0x18;
	v55 =	vshll.u32 v6, $0x10;
	v57 =	vshll.u32 v6, $0x8  }
0x48f: {  	v6 =	vshra.s32 v6, $0x18;
	v5 =	vadd.s32 v53, v5;
	v8 =	vshra.s32 v54, $0x18  }
0x490: {  	v7 =	vshra.s32 v55, $0x18;
	v56 =	vor.u32 $0x1, v5;
	v8 =	vcvt.s32.f32 v8  }
0x491: {  	v10 =	vshra.s32 v57, $0x18;
	v58 =	vor.u32 $0x2, v5;
	v7 =	vcvt.s32.f32 v7  }
0x492: {  	v59 =	vor.u32 $0x3, v5;
	v10 =	vcvt.s32.f32 v10;
	v8 =	vmul.f32 v8, v4  }
0x493: {  	v60 =	vor.u32 $0x1, v3;
	v6 =	vcvt.s32.f32 v6;
	v7 =	vmul.f32 v7, v4  }
0x494: {  	v61 =	vmul.f32 v10, v4;
	[tilespmem:v5+s26+$0x0] =	vst.idx.msk $0xffff, v8  }
0x495: {  	v6 =	vmul.f32 v6, v4;
	[tilespmem:v56+s26+$0x0] =	vst.idx.msk $0xffff, v7  }
0x496: {  	[tilespmem:v58+s26+$0x0] =	vst.idx.msk $0xffff, v61  }
0x497: {  	[tilespmem:v59+s26+$0x0] =	vst.idx.msk $0xffff, v6  }
0x498: {  	v6 =	vld.idx.msk [tilespmem:v60+s19+$0x0], $0xffff;
	_ =	sdelay $0x4  }
0x499: {  	v62 =	vor.u32 $0x4, v5;
	v63 =	vor.u32 $0x5, v5;
	v14 =	vshll.u32 v6, $0x18  }
0x49a: {  	v17 =	vor.u32 $0x6, v5;
	v15 =	vshll.u32 v6, $0x10;
	v9 =	vshra.s32 v14, $0x18  }
0x49b: {  	v16 =	vshll.u32 v6, $0x8;
	v10 =	vshra.s32 v15, $0x18;
	v9 =	vcvt.s32.f32 v9  }
0x49c: {  	v18 =	vor.u32 $0x7, v5;
	v11 =	vshra.s32 v16, $0x18;
	v10 =	vcvt.s32.f32 v10  }
0x49d: {  	v6 =	vshra.s32 v6, $0x18;
	v11 =	vcvt.s32.f32 v11;
	v9 =	vmul.f32 v9, v4  }
0x49e: {  	v6 =	vcvt.s32.f32 v6;
	v14 =	vor.u32 $0x2, v3;
	v10 =	vmul.f32 v10, v4  }
0x49f: {  	v11 =	vmul.f32 v11, v4;
	[tilespmem:v62+s26+$0x0] =	vst.idx.msk $0xffff, v9  }
0x4a0: {  	v6 =	vmul.f32 v6, v4;
	[tilespmem:v63+s26+$0x0] =	vst.idx.msk $0xffff, v10  }
0x4a1: {  	[tilespmem:v17+s26+$0x0] =	vst.idx.msk $0xffff, v11  }
0x4a2: {  	[tilespmem:v18+s26+$0x0] =	vst.idx.msk $0xffff, v6  }
0x4a3: {  	v6 =	vld.idx.msk [tilespmem:v14+s19+$0x0], $0xffff;
	_ =	sdelay $0x4  }
0x4a4: {  	v19 =	vor.u32 $0x8, v5;
	v20 =	vor.u32 $0x9, v5;
	v21 =	vshll.u32 v6, $0x18  }
0x4a5: {  	v24 =	vor.u32 $0xA, v5;
	v22 =	vshll.u32 v6, $0x10;
	v9 =	vshra.s32 v21, $0x18  }
0x4a6: {  	v23 =	vshll.u32 v6, $0x8;
	v10 =	vshra.s32 v22, $0x18;
	v9 =	vcvt.s32.f32 v9  }
0x4a7: {  	v25 =	vor.u32 $0xB, v5;
	v11 =	vshra.s32 v23, $0x18;
	v10 =	vcvt.s32.f32 v10  }
0x4a8: {  	v6 =	vshra.s32 v6, $0x18;
	v11 =	vcvt.s32.f32 v11;
	v9 =	vmul.f32 v9, v4  }
0x4a9: {  	v26 =	vor.u32 $0x3, v3;
	v6 =	vcvt.s32.f32 v6;
	v10 =	vmul.f32 v10, v4  }
0x4aa: {  	v11 =	vmul.f32 v11, v4;
	[tilespmem:v19+s26+$0x0] =	vst.idx.msk $0xffff, v9  }
0x4ab: {  	v6 =	vmul.f32 v6, v4;
	[tilespmem:v20+s26+$0x0] =	vst.idx.msk $0xffff, v10  }
0x4ac: {  	[tilespmem:v24+s26+$0x0] =	vst.idx.msk $0xffff, v11  }
0x4ad: {  	[tilespmem:v25+s26+$0x0] =	vst.idx.msk $0xffff, v6  }
0x4ae: {  	v6 =	vld.idx.msk [tilespmem:v26+s19+$0x0], $0xffff;
	_ =	sdelay $0x4  }
0x4af: {  	v27 =	vor.u32 $0xC, v5;
	v28 =	vor.u32 $0xD, v5;
	v29 =	vshll.u32 v6, $0x18  }
0x4b0: {  	v32 =	vor.u32 $0xE, v5;
	v30 =	vshll.u32 v6, $0x10;
	v9 =	vshra.s32 v29, $0x18  }
0x4b1: {  	v31 =	vshll.u32 v6, $0x8;
	v10 =	vshra.s32 v30, $0x18;
	v9 =	vcvt.s32.f32 v9  }
0x4b2: {  	v33 =	vor.u32 $0xF, v5;
	v11 =	vshra.s32 v31, $0x18;
	v10 =	vcvt.s32.f32 v10  }
0x4b3: {  	v6 =	vshra.s32 v6, $0x18;
	v11 =	vcvt.s32.f32 v11;
	v9 =	vmul.f32 v9, v4  }
0x4b4: {  	v34 =	vor.u32 $0x4, v3;
	v6 =	vcvt.s32.f32 v6;
	v10 =	vmul.f32 v10, v4  }
0x4b5: {  	v11 =	vmul.f32 v11, v4;
	[tilespmem:v27+s26+$0x0] =	vst.idx.msk $0xffff, v9  }
0x4b6: {  	v6 =	vmul.f32 v6, v4;
	[tilespmem:v28+s26+$0x0] =	vst.idx.msk $0xffff, v10  }
0x4b7: {  	[tilespmem:v32+s26+$0x0] =	vst.idx.msk $0xffff, v11  }
0x4b8: {  	[tilespmem:v33+s26+$0x0] =	vst.idx.msk $0xffff, v6  }
0x4b9: {  	v6 =	vld.idx.msk [tilespmem:v34+s19+$0x0], $0xffff;
	_ =	sdelay $0x4  }
0x4ba: {  	v35 =	vor.u32 $0x10, v5;
	v36 =	vor.u32 $0x11, v5;
	v37 =	vshll.u32 v6, $0x18  }
0x4bb: {  	v40 =	vor.u32 $0x12, v5;
	v38 =	vshll.u32 v6, $0x10;
	v9 =	vshra.s32 v37, $0x18  }
0x4bc: {  	v39 =	vshll.u32 v6, $0x8;
	v10 =	vshra.s32 v38, $0x18;
	v9 =	vcvt.s32.f32 v9  }
0x4bd: {  	v41 =	vor.u32 $0x13, v5;
	v11 =	vshra.s32 v39, $0x18;
	v10 =	vcvt.s32.f32 v10  }
0x4be: {  	v6 =	vshra.s32 v6, $0x18;
	v11 =	vcvt.s32.f32 v11;
	v9 =	vmul.f32 v9, v4  }
0x4bf: {  	v42 =	vor.u32 $0x5, v3;
	v6 =	vcvt.s32.f32 v6;
	v10 =	vmul.f32 v10, v4  }
0x4c0: {  	v11 =	vmul.f32 v11, v4;
	[tilespmem:v35+s26+$0x0] =	vst.idx.msk $0xffff, v9  }
0x4c1: {  	v6 =	vmul.f32 v6, v4;
	[tilespmem:v36+s26+$0x0] =	vst.idx.msk $0xffff, v10  }
0x4c2: {  	[tilespmem:v40+s26+$0x0] =	vst.idx.msk $0xffff, v11  }
0x4c3: {  	[tilespmem:v41+s26+$0x0] =	vst.idx.msk $0xffff, v6  }
0x4c4: {  	v6 =	vld.idx.msk [tilespmem:v42+s19+$0x0], $0xffff;
	_ =	sdelay $0x4  }
0x4c5: {  	v43 =	vor.u32 $0x14, v5;
	v44 =	vor.u32 $0x15, v5;
	v45 =	vshll.u32 v6, $0x18  }
0x4c6: {  	v48 =	vor.u32 $0x16, v5;
	v46 =	vshll.u32 v6, $0x10;
	v9 =	vshra.s32 v45, $0x18  }
0x4c7: {  	v47 =	vshll.u32 v6, $0x8;
	v10 =	vshra.s32 v46, $0x18;
	v9 =	vcvt.s32.f32 v9  }
0x4c8: {  	v49 =	vor.u32 $0x17, v5;
	v11 =	vshra.s32 v47, $0x18;
	v10 =	vcvt.s32.f32 v10  }
0x4c9: {  	v6 =	vshra.s32 v6, $0x18;
	v11 =	vcvt.s32.f32 v11;
	v9 =	vmul.f32 v9, v4  }
0x4ca: {  	v50 =	vor.u32 $0x6, v3;
	v6 =	vcvt.s32.f32 v6;
	v10 =	vmul.f32 v10, v4  }
0x4cb: {  	v11 =	vmul.f32 v11, v4;
	[tilespmem:v43+s26+$0x0] =	vst.idx.msk $0xffff, v9  }
0x4cc: {  	v6 =	vmul.f32 v6, v4;
	[tilespmem:v44+s26+$0x0] =	vst.idx.msk $0xffff, v10  }
0x4cd: {  	[tilespmem:v48+s26+$0x0] =	vst.idx.msk $0xffff, v11  }
0x4ce: {  	[tilespmem:v49+s26+$0x0] =	vst.idx.msk $0xffff, v6  }
0x4cf: {  	v6 =	vld.idx.msk [tilespmem:v50+s19+$0x0], $0xffff;
	_ =	sdelay $0x4  }
0x4d0: {  	v51 =	vor.u32 $0x18, v5;
	v52 =	vor.u32 $0x19, v5;
	v53 =	vshll.u32 v6, $0x18  }
0x4d1: {  	v54 =	vor.u32 $0x1A, v5;
	v55 =	vshll.u32 v6, $0x10;
	v9 =	vshra.s32 v53, $0x18  }
0x4d2: {  	v56 =	vshll.u32 v6, $0x8;
	v11 =	vshra.s32 v55, $0x18;
	v9 =	vcvt.s32.f32 v9  }
0x4d3: {  	v57 =	vor.u32 $0x1B, v5;
	v12 =	vshra.s32 v56, $0x18;
	v11 =	vcvt.s32.f32 v11  }
0x4d4: {  	v6 =	vshra.s32 v6, $0x18;
	v12 =	vcvt.s32.f32 v12;
	v9 =	vmul.f32 v9, v4  }
0x4d5: {  	v3 =	vor.u32 $0x7, v3;
	v6 =	vcvt.s32.f32 v6;
	v11 =	vmul.f32 v11, v4  }
0x4d6: {  	v12 =	vmul.f32 v12, v4;
	[tilespmem:v51+s26+$0x0] =	vst.idx.msk $0xffff, v9  }
0x4d7: {  	v6 =	vmul.f32 v6, v4;
	[tilespmem:v52+s26+$0x0] =	vst.idx.msk $0xffff, v11  }
0x4d8: {  	[tilespmem:v54+s26+$0x0] =	vst.idx.msk $0xffff, v12  }
0x4d9: {  	[tilespmem:v57+s26+$0x0] =	vst.idx.msk $0xffff, v6  }
0x4da: {  	v3 =	vld.idx.msk [tilespmem:v3+s19+$0x0], $0xffff;
	_ =	sdelay $0x4  }
0x4db: {  	v58 =	vor.u32 $0x1F, v5;
	v61 =	vor.u32 $0x1D, v5;
	v60 =	vshll.u32 v3, $0x18  }
0x4dc: {  	v59 =	vor.u32 $0x1C, v5;
	v62 =	vshll.u32 v3, $0x10;
	v8 =	vshra.s32 v60, $0x18  }
0x4dd: {  	v63 =	vshll.u32 v3, $0x8;
	v10 =	vshra.s32 v62, $0x18;
	v8 =	vcvt.s32.f32 v8  }
0x4de: {  	v5 =	vor.u32 $0x1E, v5;
	v11 =	vshra.s32 v63, $0x18;
	v10 =	vcvt.s32.f32 v10  }
0x4df: {  	v3 =	vshra.s32 v3, $0x18;
	v11 =	vcvt.s32.f32 v11;
	v8 =	vmul.f32 v8, v4  }
0x4e0: {  	v3 =	vcvt.s32.f32 v3;
	v10 =	vmul.f32 v10, v4  }
.Ltmp6:
0x4e1: {  	v11 =	vmul.f32 v11, v4;
	[tilespmem:v59+s26+$0x0] =	vst.idx.msk $0xffff, v8;
	(pc) =	sbr.rel @p0 .LBB2_12-.Ltmp6, $4  }
0x4e2: {  	v3 =	vmul.f32 v3, v4;
	[tilespmem:v61+s26+$0x0] =	vst.idx.msk $0xffff, v10  }
0x4e3: {  	[tilespmem:v5+s26+$0x0] =	vst.idx.msk $0xffff, v11  }
0x4e4: {  	s3 =	sadd.s32 $0x12C0, s8;
	[tilespmem:v58+s26+$0x0] =	vst.idx.msk $0xffff, v3  }
0x4e5: {  	[hbm4b:s3+s4] =	stream.linear.scatter [tilespmem:s26], [sflag:$0xA], $0x3200, $0x38;
	[tilespmem:$0xB540] =	vst v63  }
0x4e6: {  	s3 =	smul.u32 $0x1900, s18;
	_ =	sdelay $0x1  }
.Ltmp7:
0x4e7: {  	s3 =	sshra.s32 s3, $0x2;
	(pc) =	sbr.rel .LBB2_2-.Ltmp7, $4  }
0x4e8: {  	s3 =	sadd.s32 $0xAF0, s3  }
0x4e9: {  	[tilespmem:s19], [sflag:$0x4] =	stream.indirect.gather [hbm4b:s5+s10], $0x8, s3, s10, $0xb8;
	[tilespmem:$0xB540] =	vst v63  }
0x4ea: {  	s18 =	sadd.s32 $0x1, s18  }
0x4eb: {  	[tilespmem:s20], [sflag:$0x8] =	stream.indirect.gather [hbm4b:s2+s10], $0x1, s3, s10, $0xb8;
	[tilespmem:$0xB540] =	vst v63  }
.LBB2_13:
0x4ec: {  	_ =	sfence.sel $0x180000  }
0x4ed: {  	[bflag:$0x0] =	sbarrier.arrive $0xFFFF  }
0x4ee: {  	_ =	strace $0x9000004A  }
0x4ef: {  	s0 =	stileid.u32;
	[bflag:$0x2] =	sbarrier.arrive $0xFFFF  }
0x4f0: {  	p0 =	sne.s32 s0, $0x0;
	s0 =	rddreg [dreg:$0x3]  }
0x4f1: {  	s0 =	sadd.s32 @!p0 $0x100000, s0  }
0x4f2: {  	[sflag:s0] =	ssyncadd.tile.s32 @!p0 $0x1;
	_ =	shalt  }
.Lfunc_end2:
_tile_overlayer_lowered:
.L_overlay_start_2:
0x4f3: {  	(tag) =	ssettag $0x2  }
0x4f4: {  	s0 =	rddreg [dreg:$0x0];
	s2 =	stileid.u32  }
0x4f5: {  	s1 =	rddreg [dreg:$0x1];
	p0 =	sne.s32 s2, $0x0  }
0x4f6: {  	s3 =	rddreg [dreg:$0x2];
	[bflag:$0x3] =	sbarrier.arrive $0xFFFF;
	s2 =	simm.s32 @!p0 $0x1C0B  }
0x4f7: {  	[timem:s3], [sflag:s2] =	dma.local @!p0 [hbm:s0], s1  }
0x4f8: {  	s0 =	simm.s32 @!p0 $0xB  }
0x4f9: {  	_ =	swait.ge @!p0 [sflag:s0], s1  }
0x4fa: {  	s1 =	ssub.s32 @!p0 $0x0, s1;
	[sflag:s0] =	ssyncset.done @!p0 $0x0  }
0x4fb: {  	[sflag:s0] =	ssyncadd.s32 @!p0 s1  }
0x4fc: {  	[bflag:$0x3] =	sbarrier.arrive $0xFFFF  }
0x4fd: {  	_ =	shalt  }

</sc_bundles>
